<compile_context>
chip_gen: v7x
topology: tpu7x:2x2x1
jax: 0.10.2.dev20260603
libtpu: 0.0.44.dev20260713+nightly
codegen_flags: <defaults>
</compile_context>

<pallas_src>
import functools

import jax
import jax.numpy as jnp
from jax import lax
from jax.experimental import pallas as pl
from jax.experimental.pallas import tpu as pltpu
from jax.experimental.pallas import tpu_sc as plsc

USER_NUM = 100000
BUNDLE_NUM = 1000
ITEM_NUM = 100000
TOTAL = USER_NUM + BUNDLE_NUM + ITEM_NUM
EMBED_DIM = 128
B = 1024
NGROUPS = 5
ELEMS = 880
NW = 32
ROWS_PER_W = B // NW
CHUNK = 128
CHUNKS_PER_W = ROWS_PER_W * ELEMS // CHUNK
ACC_ROWS = 16 * ROWS_PER_W * NGROUPS
SHARED_ROWS = ACC_ROWS + 16 * 8
IROWS = 2
SCHUNK = IROWS * CHUNK
NSTREAMS = CHUNKS_PER_W // IROWS


def _sc_pool_body(table_hbm, idx_hbm, out_hbm,
                  idx_v, buf0, buf1, dst0, dst1,
                  shared, gs0, gs1, ss0, ss1):
    c = lax.axis_index("c")
    s = lax.axis_index("s")
    w = c * 16 + s

    pltpu.sync_copy(idx_hbm.at[w], idx_v)

    zv = jnp.zeros((16,), jnp.float32)

    def _zrow(i, carry):
        for v in range(8):
            buf0[i, pl.ds(v * 16, 16)] = zv
        return carry

    lax.fori_loop(0, CHUNK, _zrow, 0)
    acc0 = s * (ROWS_PER_W * NGROUPS)
    pltpu.sync_copy(buf0.at[pl.ds(0, 128)], shared.at[pl.ds(acc0, 128)])
    pltpu.sync_copy(buf0.at[pl.ds(0, 32)], shared.at[pl.ds(acc0 + 128, 32)])
    pltpu.sync_copy(buf0.at[pl.ds(0, 8)], shared.at[pl.ds(ACC_ROWS + 8 * s, 8)])

    i32 = jnp.int32
    trash16 = jnp.broadcast_to(ACC_ROWS + 8 * s, (16,)).astype(i32)
    boff = s * (ROWS_PER_W * NGROUPS)
    iota16 = lax.iota(i32, 16)
    one16 = jnp.full((16,), 1, i32)
    zero16 = jnp.full((16,), 0, i32)

    def _c16(v):
        return jnp.full((16,), v, i32)

    def compute_dst(j, dref):
        base0 = j * SCHUNK
        for v in range(SCHUNK // 16):
            base = base0 + v * 16
            r = base // ELEMS
            p = base % ELEMS
            pv = jnp.broadcast_to(p, (16,)).astype(i32) + iota16
            g = zero16
            for bnd in (1, 51, 71, 471, 871):
                g = g + jnp.where(pv >= _c16(bnd), one16, zero16)
            sent = jnp.where(g == _c16(2), _c16(USER_NUM + BUNDLE_NUM),
                             jnp.where(g == zero16, _c16(-1), _c16(TOTAL)))
            iv = idx_v[pl.ds(base, 16)]
            rowbase = jnp.broadcast_to(boff + r * NGROUPS, (16,)).astype(i32)
            dref[pl.ds(v * 16, 16)] = jnp.where(
                iv == sent, trash16, rowbase + g)

    def gissue(j, buf, sem):
        pltpu.async_copy(table_hbm.at[idx_v.at[pl.ds(j * SCHUNK, SCHUNK)]],
                         buf, sem)

    def gwait(buf, sem):
        pltpu.make_async_copy(table_hbm.at[idx_v.at[pl.ds(0, SCHUNK)]],
                              buf, sem).wait()

    def sissue(buf, dref, sem):
        pltpu.async_copy(buf, shared.at[dref], sem, add=True)

    def swait(buf, dref, sem):
        pltpu.make_async_copy(buf, shared.at[dref], sem).wait()

    bufs = (buf0, buf1)
    dsts = (dst0, dst1)
    gss = (gs0, gs1)
    sss = (ss0, ss1)
    NB = 2
    NGRP = NSTREAMS // NB

    for t in range(NB - 1):
        gissue(t, bufs[t], gss[t])

    def step(j2, carry):
        for t in range(NB):
            j = j2 * NB + t
            compute_dst(j, dsts[t])
            gwait(bufs[t], gss[t])
            sissue(bufs[t], dsts[t], sss[t])
            tn = (t + NB - 1) % NB
            jn = j + NB - 1
            if t == 0:
                @pl.when(j2 > 0)
                def _():
                    swait(bufs[tn], dsts[tn], sss[tn])
                gissue(jn, bufs[tn], gss[tn])
            else:
                @pl.when(j2 < NGRP - 1)
                def _():
                    swait(bufs[tn], dsts[tn], sss[tn])
                    gissue(jn, bufs[tn], gss[tn])
        return carry

    lax.fori_loop(0, NGRP, step, 0)
    for t in range(NB):
        swait(bufs[t], dsts[t], sss[t])

    nout = ROWS_PER_W * NGROUPS
    pltpu.sync_copy(shared.at[pl.ds(acc0, nout)],
                    out_hbm.at[pl.ds(c * ACC_ROWS + s * nout, nout)])


def _sc_pool(table, idx_flat):
    mesh = plsc.VectorSubcoreMesh(core_axis_name="c", subcore_axis_name="s")
    f = functools.partial(
        pl.kernel,
        out_type=jax.ShapeDtypeStruct((B * NGROUPS, EMBED_DIM), jnp.float32),
        mesh=mesh,
        scratch_types=[
            pltpu.VMEM((NSTREAMS * SCHUNK,), jnp.int32),
            pltpu.VMEM((SCHUNK, EMBED_DIM), jnp.float32),
            pltpu.VMEM((SCHUNK, EMBED_DIM), jnp.float32),
            pltpu.VMEM((SCHUNK,), jnp.int32),
            pltpu.VMEM((SCHUNK,), jnp.int32),
            pltpu.VMEM_SHARED((SHARED_ROWS, EMBED_DIM), jnp.float32),
        ] + [pltpu.SemaphoreType.DMA] * 4,
    )(_sc_pool_body)
    return f(table, idx_flat)


def _mlp_body(x_ref, w0, b0, w1, b1, w2, b2, w3, b3, w4, b4, o_ref):
    h = x_ref[...]
    for wr, br, last in ((w0, b0, False), (w1, b1, False), (w2, b2, False),
                         (w3, b3, False), (w4, b4, True)):
        h = jnp.dot(h, wr[...], preferred_element_type=jnp.float32) + br[...]
        if not last:
            h = jnp.maximum(h, 0.0)
    o_ref[...] = h


def _mlp(x, Ws, bs):
    bm = 256
    grid = (B // bm,)
    hid = Ws[0].shape[0]
    in_specs = [pl.BlockSpec((bm, hid), lambda i: (i, 0))]
    for wmat in Ws:
        d_in, d_out = wmat.shape
        in_specs.append(pl.BlockSpec((d_in, d_out), lambda i: (0, 0)))
        in_specs.append(pl.BlockSpec((1, d_out), lambda i: (0, 0)))
    args = [x]
    for wmat, bvec in zip(Ws, bs):
        args.append(wmat)
        args.append(bvec.reshape(1, -1))
    return pl.pallas_call(
        _mlp_body,
        grid=grid,
        in_specs=in_specs,
        out_specs=pl.BlockSpec((bm, EMBED_DIM), lambda i: (i, 0)),
        out_shape=jax.ShapeDtypeStruct((B, EMBED_DIM), jnp.float32),
    )(*args)


def kernel(user, user_items, prev_bundles, prev_bundle_items,
           prev_user_bundle_overlap_items, embedding_table,
           W0, b0, W1, b1, W2, b2, W3, b3, W4, b4):
    i32 = jnp.int32
    idx = jnp.concatenate([
        user.reshape(B, 1).astype(i32),
        user_items.reshape(B, 50).astype(i32),
        prev_bundles.reshape(B, 20).astype(i32),
        prev_bundle_items.reshape(B, 400).astype(i32),
        prev_user_bundle_overlap_items.reshape(B, 400).astype(i32),
        jnp.full((B, ELEMS - 871), TOTAL, dtype=i32),
    ], axis=1)
    idx_flat = idx.reshape(NW, NSTREAMS * SCHUNK)
    table = embedding_table.astype(jnp.float32)
    x5 = _sc_pool(table, idx_flat)
    x = x5.reshape(B, NGROUPS * EMBED_DIM)
    out = _mlp(x, [W0, W1, W2, W3, W4], [b0, b1, b2, b3, b4])
    return out

# --- scband reference (transcript-rebuilt; emitter-appended) ---
"""Pipeline reference for scband-conditional-layer-33895881900322 (READ-ONLY COPY).

The authoritative reference and input builder live on the scoring server;
editing this copy changes nothing except your own understanding.
"""

import jax, jax.numpy as jnp
import numpy as np

USER_NUM = 100000
BUNDLE_NUM = 1000
ITEM_NUM = 100000
EMBED_DIM = 128
B = 1024
NUM_LAYERS = 5


def setup_inputs(seed: int = 0) -> dict:
    key = jax.random.key(seed)
    ks = jax.random.split(key, 20)
    total = USER_NUM + BUNDLE_NUM + ITEM_NUM
    inp = {}
    inp["user"] = jax.random.randint(ks[0], (B, 1), 0, USER_NUM)
    inp["user_items"] = jax.random.randint(ks[1], (B, 1, 50), 0, total + 1)
    inp["prev_bundles"] = jax.random.randint(ks[2], (B, 20), 0, USER_NUM + BUNDLE_NUM + 1)
    inp["prev_bundle_items"] = jax.random.randint(ks[3], (B, 20, 20), 0, total + 1)
    inp["prev_user_bundle_overlap_items"] = jax.random.randint(ks[4], (B, 20, 20), 0, total + 1)
    inp["embedding_table"] = jax.random.normal(ks[5], (total + 1, EMBED_DIM), dtype=jnp.float32) * 0.02
    hid = EMBED_DIM * 5
    for i in range(NUM_LAYERS):
        in_d = hid
        out_d = hid if i < NUM_LAYERS - 1 else EMBED_DIM
        inp["W%d" % i] = jax.random.normal(ks[6 + i], (in_d, out_d), dtype=jnp.float32) * (1.0 / np.sqrt(in_d))
        inp["b%d" % i] = jnp.zeros((out_d,), dtype=jnp.float32)
    return inp


def _node_embedding_aggregation(table, node_ids, max_node_id):
    mask = (node_ids != max_node_id).astype(table.dtype)
    emb = jnp.take(table, node_ids, axis=0) * mask[..., None]
    emb = jnp.sum(emb, axis=1)
    if emb.ndim == 3:
        emb = jnp.sum(emb, axis=1)
    return emb


def _mlp(x, Ws, bs):
    for i in range(NUM_LAYERS):
        x = x @ Ws[i] + bs[i]
        if i < NUM_LAYERS - 1:
            x = jax.nn.relu(x)
    return x


def reference(user, user_items, prev_bundles, prev_bundle_items, prev_user_bundle_overlap_items, embedding_table, W0, b0, W1, b1, W2, b2, W3, b3, W4, b4):
    total = USER_NUM + BUNDLE_NUM + ITEM_NUM
    user_embedding = jnp.take(embedding_table, user, axis=0)
    user_embedding = jnp.squeeze(user_embedding, axis=1)
    user_items_embedding = _node_embedding_aggregation(embedding_table, user_items, total)
    prev_bundles_embedding = _node_embedding_aggregation(embedding_table, prev_bundles, USER_NUM + BUNDLE_NUM)
    prev_bundle_items_embedding = _node_embedding_aggregation(embedding_table, prev_bundle_items, total)
    prev_overlap_embedding = _node_embedding_aggregation(embedding_table, prev_user_bundle_overlap_items, total)
    x = jnp.concatenate([user_embedding, user_items_embedding, prev_bundles_embedding, prev_bundle_items_embedding, prev_overlap_embedding], axis=-1)
    return _mlp(x, [W0, W1, W2, W3, W4], [b0, b1, b2, b3, b4])

if __name__ == "__main__":
    import jax
    _d = setup_inputs()
    print(jax.jit(kernel)(*tuple(_d.values())))

</pallas_src>

<mosaic_0001>
#map = affine_map<(d0, d1) -> (0, 0)>
module attributes {stable_mosaic.version = 14 : i64} {
  func.func @_sc_pool_body(%arg0: i32, %arg1: i32, %arg2: memref<201001x128xf32, #tpu.memory_space<hbm>>, %arg3: memref<32x28160xi32, #tpu.memory_space<hbm>>, %arg4: memref<5120x128xf32, #tpu.memory_space<hbm>>, %arg5: memref<28160xi32, #tpu.memory_space<vmem>>, %arg6: memref<256x128xf32, #tpu.memory_space<vmem>>, %arg7: memref<256x128xf32, #tpu.memory_space<vmem>>, %arg8: memref<256xi32, #tpu.memory_space<vmem>>, %arg9: memref<256xi32, #tpu.memory_space<vmem>>, %arg10: memref<2688x128xf32, #tpu.memory_space<vmem_shared>>, %arg11: memref<!tpu.dma_semaphore, #tpu.memory_space<semaphore_mem>>, %arg12: memref<!tpu.dma_semaphore, #tpu.memory_space<semaphore_mem>>, %arg13: memref<!tpu.dma_semaphore, #tpu.memory_space<semaphore_mem>>, %arg14: memref<!tpu.dma_semaphore, #tpu.memory_space<semaphore_mem>>) attributes {dimension_semantics = [#tpu.dimension_semantics<core_parallel>, #tpu.dimension_semantics<subcore_parallel>], iteration_bounds = array<i64: 2, 16>, scalar_prefetch = 0 : i64, scratch_operands = 10 : i64, tpu.core_type = #tpu.core_type<sc_vector_subcore>, window_params = [{transform_indices = #map}, {transform_indices = #map}, {transform_indices = #map}]} {
    %mul3A = arith.constant 16 : i32
    %mul3A_0 = arith.muli %arg0, %mul3A : i32
    %add3A = arith.addi %mul3A_0, %arg1 : i32
    "tpu.region"() ({
      %run_scoped3A = tpu.sem_alloc : memref<!tpu.dma_semaphore, #tpu.memory_space<semaphore_mem>>
      %dma_start3A_46 = arith.constant 0 : i32
      %dma_start3A_47 = tpu.memref_slice %arg3[%add3A, %dma_start3A_46] : memref<32x28160xi32, #tpu.memory_space<hbm>> -> memref<1x28160xi32, #tpu.memory_space<hbm>>
      %dma_start3A_48 = tpu.memref_squeeze %dma_start3A_47 : memref<1x28160xi32, #tpu.memory_space<hbm>> -> memref<28160xi32, #tpu.memory_space<hbm>>
      %dma_start3A_49 = arith.constant 0 : i32
      %dma_start3A_50 = tpu.memref_slice %arg3[%add3A, %dma_start3A_49] : memref<32x28160xi32, #tpu.memory_space<hbm>> -> memref<1x28160xi32, #tpu.memory_space<hbm>>
      %dma_start3A_51 = tpu.memref_squeeze %dma_start3A_50 : memref<1x28160xi32, #tpu.memory_space<hbm>> -> memref<28160xi32, #tpu.memory_space<hbm>>
      tpu.enqueue_dma source(%dma_start3A_51 : memref<28160xi32, #tpu.memory_space<hbm>>) target(%arg5 : memref<28160xi32, #tpu.memory_space<vmem>>) target_semaphore(%run_scoped3A : memref<!tpu.dma_semaphore, #tpu.memory_space<semaphore_mem>>)
      %dma_wait3A_52 = arith.constant 0 : i32
      %dma_wait3A_53 = tpu.memref_slice %arg3[%add3A, %dma_wait3A_52] : memref<32x28160xi32, #tpu.memory_space<hbm>> -> memref<1x28160xi32, #tpu.memory_space<hbm>>
      %dma_wait3A_54 = tpu.memref_squeeze %dma_wait3A_53 : memref<1x28160xi32, #tpu.memory_space<hbm>> -> memref<28160xi32, #tpu.memory_space<hbm>>
      %dma_wait3A_55 = arith.constant 0 : i32
      %dma_wait3A_56 = tpu.memref_slice %arg3[%add3A, %dma_wait3A_55] : memref<32x28160xi32, #tpu.memory_space<hbm>> -> memref<1x28160xi32, #tpu.memory_space<hbm>>
      %dma_wait3A_57 = tpu.memref_squeeze %dma_wait3A_56 : memref<1x28160xi32, #tpu.memory_space<hbm>> -> memref<28160xi32, #tpu.memory_space<hbm>>
      tpu.wait_dma2 semaphore(%run_scoped3A : memref<!tpu.dma_semaphore, #tpu.memory_space<semaphore_mem>>) src(%dma_wait3A_57 : memref<28160xi32, #tpu.memory_space<hbm>>) dst(%arg5 : memref<28160xi32, #tpu.memory_space<vmem>>)
      tpu.yield
    }) : () -> ()
    %broadcast_in_dim3A = arith.constant 0.000000e+00 : f32
    %broadcast_in_dim3A_1 = vector.broadcast %broadcast_in_dim3A : f32 to vector<16xf32>
    %scan3A = arith.constant 0 : i32
    %scan3A_2 = arith.constant 0 : i32
    %scan3A_3 = arith.constant 128 : i32
    %scan3A_4 = arith.addi %scan3A_2, %scan3A_3 : i32
    %scan3A_5 = arith.constant 1 : i32
    scf.for %scan3A_46 = %scan3A_2 to %scan3A_4 step %scan3A_5  : i32 {
      %swap3A = arith.index_cast %scan3A_46 : i32 to index
      %swap3A_47 = arith.constant 0 : index
      %swap3A_48 = tpu.vector_load %arg6[%swap3A, %swap3A_47] {strides = array<i32>} : memref<256x128xf32, #tpu.memory_space<vmem>>, vector<1x16xf32>,
      %swap3A_49 = vector.shape_cast %swap3A_48 : vector<1x16xf32> to vector<16xf32>
      %swap3A_50 = vector.shape_cast %broadcast_in_dim3A_1 : vector<16xf32> to vector<1x16xf32>
      tpu.vector_store %arg6[%swap3A, %swap3A_47], %swap3A_50 {strides = array<i32>} : memref<256x128xf32, #tpu.memory_space<vmem>>, vector<1x16xf32>,
      %swap3A_51 = arith.index_cast %scan3A_46 : i32 to index
      %swap3A_52 = arith.constant 16 : index
      %swap3A_53 = tpu.vector_load %arg6[%swap3A_51, %swap3A_52] {strides = array<i32>} : memref<256x128xf32, #tpu.memory_space<vmem>>, vector<1x16xf32>,
      %swap3A_54 = vector.shape_cast %swap3A_53 : vector<1x16xf32> to vector<16xf32>
      %swap3A_55 = vector.shape_cast %broadcast_in_dim3A_1 : vector<16xf32> to vector<1x16xf32>
      tpu.vector_store %arg6[%swap3A_51, %swap3A_52], %swap3A_55 {strides = array<i32>} : memref<256x128xf32, #tpu.memory_space<vmem>>, vector<1x16xf32>,
      %swap3A_56 = arith.index_cast %scan3A_46 : i32 to index
      %swap3A_57 = arith.constant 32 : index
      %swap3A_58 = tpu.vector_load %arg6[%swap3A_56, %swap3A_57] {strides = array<i32>} : memref<256x128xf32, #tpu.memory_space<vmem>>, vector<1x16xf32>,
      %swap3A_59 = vector.shape_cast %swap3A_58 : vector<1x16xf32> to vector<16xf32>
      %swap3A_60 = vector.shape_cast %broadcast_in_dim3A_1 : vector<16xf32> to vector<1x16xf32>
      tpu.vector_store %arg6[%swap3A_56, %swap3A_57], %swap3A_60 {strides = array<i32>} : memref<256x128xf32, #tpu.memory_space<vmem>>, vector<1x16xf32>,
      %swap3A_61 = arith.index_cast %scan3A_46 : i32 to index
      %swap3A_62 = arith.constant 48 : index
      %swap3A_63 = tpu.vector_load %arg6[%swap3A_61, %swap3A_62] {strides = array<i32>} : memref<256x128xf32, #tpu.memory_space<vmem>>, vector<1x16xf32>,
      %swap3A_64 = vector.shape_cast %swap3A_63 : vector<1x16xf32> to vector<16xf32>
      %swap3A_65 = vector.shape_cast %broadcast_in_dim3A_1 : vector<16xf32> to vector<1x16xf32>
      tpu.vector_store %arg6[%swap3A_61, %swap3A_62], %swap3A_65 {strides = array<i32>} : memref<256x128xf32, #tpu.memory_space<vmem>>, vector<1x16xf32>,
      %swap3A_66 = arith.index_cast %scan3A_46 : i32 to index
      %swap3A_67 = arith.constant 64 : index
      %swap3A_68 = tpu.vector_load %arg6[%swap3A_66, %swap3A_67] {strides = array<i32>} : memref<256x128xf32, #tpu.memory_space<vmem>>, vector<1x16xf32>,
      %swap3A_69 = vector.shape_cast %swap3A_68 : vector<1x16xf32> to vector<16xf32>
      %swap3A_70 = vector.shape_cast %broadcast_in_dim3A_1 : vector<16xf32> to vector<1x16xf32>
      tpu.vector_store %arg6[%swap3A_66, %swap3A_67], %swap3A_70 {strides = array<i32>} : memref<256x128xf32, #tpu.memory_space<vmem>>, vector<1x16xf32>,
      %swap3A_71 = arith.index_cast %scan3A_46 : i32 to index
      %swap3A_72 = arith.constant 80 : index
      %swap3A_73 = tpu.vector_load %arg6[%swap3A_71, %swap3A_72] {strides = array<i32>} : memref<256x128xf32, #tpu.memory_space<vmem>>, vector<1x16xf32>,
      %swap3A_74 = vector.shape_cast %swap3A_73 : vector<1x16xf32> to vector<16xf32>
      %swap3A_75 = vector.shape_cast %broadcast_in_dim3A_1 : vector<16xf32> to vector<1x16xf32>
      tpu.vector_store %arg6[%swap3A_71, %swap3A_72], %swap3A_75 {strides = array<i32>} : memref<256x128xf32, #tpu.memory_space<vmem>>, vector<1x16xf32>,
      %swap3A_76 = arith.index_cast %scan3A_46 : i32 to index
      %swap3A_77 = arith.constant 96 : index
      %swap3A_78 = tpu.vector_load %arg6[%swap3A_76, %swap3A_77] {strides = array<i32>} : memref<256x128xf32, #tpu.memory_space<vmem>>, vector<1x16xf32>,
      %swap3A_79 = vector.shape_cast %swap3A_78 : vector<1x16xf32> to vector<16xf32>
      %swap3A_80 = vector.shape_cast %broadcast_in_dim3A_1 : vector<16xf32> to vector<1x16xf32>
      tpu.vector_store %arg6[%swap3A_76, %swap3A_77], %swap3A_80 {strides = array<i32>} : memref<256x128xf32, #tpu.memory_space<vmem>>, vector<1x16xf32>,
      %swap3A_81 = arith.index_cast %scan3A_46 : i32 to index
      %swap3A_82 = arith.constant 112 : index
      %swap3A_83 = tpu.vector_load %arg6[%swap3A_81, %swap3A_82] {strides = array<i32>} : memref<256x128xf32, #tpu.memory_space<vmem>>, vector<1x16xf32>,
      %swap3A_84 = vector.shape_cast %swap3A_83 : vector<1x16xf32> to vector<16xf32>
      %swap3A_85 = vector.shape_cast %broadcast_in_dim3A_1 : vector<16xf32> to vector<1x16xf32>
      tpu.vector_store %arg6[%swap3A_81, %swap3A_82], %swap3A_85 {strides = array<i32>} : memref<256x128xf32, #tpu.memory_space<vmem>>, vector<1x16xf32>,
    }
    %scan3A_6 = arith.constant 128 : i32
    %mul3A_7 = arith.constant 160 : i32
    %mul3A_8 = arith.muli %arg1, %mul3A_7 : i32
    "tpu.region"() ({
      %run_scoped3A = tpu.sem_alloc : memref<!tpu.dma_semaphore, #tpu.memory_space<semaphore_mem>>
      %dma_start3A_46 = arith.constant 0 : i32
      %dma_start3A_47 = arith.constant 0 : i32
      %dma_start3A_48 = tpu.memref_slice %arg6[%dma_start3A_46, %dma_start3A_47] : memref<256x128xf32, #tpu.memory_space<vmem>> -> memref<128x128xf32, #tpu.memory_space<vmem>>
      %dma_start3A_49 = arith.constant 0 : i32
      %dma_start3A_50 = tpu.memref_slice %arg10[%mul3A_8, %dma_start3A_49] : memref<2688x128xf32, #tpu.memory_space<vmem_shared>> -> memref<128x128xf32, #tpu.memory_space<vmem_shared>>
      %dma_start3A_51 = arith.constant 0 : i32
      %dma_start3A_52 = tpu.memref_slice %arg10[%mul3A_8, %dma_start3A_51] : memref<2688x128xf32, #tpu.memory_space<vmem_shared>> -> memref<128x128xf32, #tpu.memory_space<vmem_shared>>
      %dma_start3A_53 = arith.constant 0 : i32
      %dma_start3A_54 = arith.constant 0 : i32
      %dma_start3A_55 = tpu.memref_slice %arg6[%dma_start3A_53, %dma_start3A_54] : memref<256x128xf32, #tpu.memory_space<vmem>> -> memref<128x128xf32, #tpu.memory_space<vmem>>
      tpu.enqueue_dma source(%dma_start3A_55 : memref<128x128xf32, #tpu.memory_space<vmem>>) target(%dma_start3A_52 : memref<128x128xf32, #tpu.memory_space<vmem_shared>>) target_semaphore(%run_scoped3A : memref<!tpu.dma_semaphore, #tpu.memory_space<semaphore_mem>>)
      %dma_wait3A_56 = arith.constant 0 : i32
      %dma_wait3A_57 = arith.constant 0 : i32
      %dma_wait3A_58 = tpu.memref_slice %arg6[%dma_wait3A_56, %dma_wait3A_57] : memref<256x128xf32, #tpu.memory_space<vmem>> -> memref<128x128xf32, #tpu.memory_space<vmem>>
      %dma_wait3A_59 = arith.constant 0 : i32
      %dma_wait3A_60 = tpu.memref_slice %arg10[%mul3A_8, %dma_wait3A_59] : memref<2688x128xf32, #tpu.memory_space<vmem_shared>> -> memref<128x128xf32, #tpu.memory_space<vmem_shared>>
      %dma_wait3A_61 = arith.constant 0 : i32
      %dma_wait3A_62 = tpu.memref_slice %arg10[%mul3A_8, %dma_wait3A_61] : memref<2688x128xf32, #tpu.memory_space<vmem_shared>> -> memref<128x128xf32, #tpu.memory_space<vmem_shared>>
      %dma_wait3A_63 = arith.constant 0 : i32
      %dma_wait3A_64 = arith.constant 0 : i32
      %dma_wait3A_65 = tpu.memref_slice %arg6[%dma_wait3A_63, %dma_wait3A_64] : memref<256x128xf32, #tpu.memory_space<vmem>> -> memref<128x128xf32, #tpu.memory_space<vmem>>
      tpu.wait_dma2 semaphore(%run_scoped3A : memref<!tpu.dma_semaphore, #tpu.memory_space<semaphore_mem>>) src(%dma_wait3A_65 : memref<128x128xf32, #tpu.memory_space<vmem>>) dst(%dma_wait3A_62 : memref<128x128xf32, #tpu.memory_space<vmem_shared>>)
      tpu.yield
    }) : () -> ()
    %add3A_9 = arith.constant 128 : i32
    %add3A_10 = arith.addi %mul3A_8, %add3A_9 : i32
    "tpu.region"() ({
      %run_scoped3A = tpu.sem_alloc : memref<!tpu.dma_semaphore, #tpu.memory_space<semaphore_mem>>
      %dma_start3A_46 = arith.constant 0 : i32
      %dma_start3A_47 = arith.constant 0 : i32
      %dma_start3A_48 = tpu.memref_slice %arg6[%dma_start3A_46, %dma_start3A_47] : memref<256x128xf32, #tpu.memory_space<vmem>> -> memref<32x128xf32, #tpu.memory_space<vmem>>
      %dma_start3A_49 = arith.constant 0 : i32
      %dma_start3A_50 = tpu.memref_slice %arg10[%add3A_10, %dma_start3A_49] : memref<2688x128xf32, #tpu.memory_space<vmem_shared>> -> memref<32x128xf32, #tpu.memory_space<vmem_shared>>
      %dma_start3A_51 = arith.constant 0 : i32
      %dma_start3A_52 = tpu.memref_slice %arg10[%add3A_10, %dma_start3A_51] : memref<2688x128xf32, #tpu.memory_space<vmem_shared>> -> memref<32x128xf32, #tpu.memory_space<vmem_shared>>
      %dma_start3A_53 = arith.constant 0 : i32
      %dma_start3A_54 = arith.constant 0 : i32
      %dma_start3A_55 = tpu.memref_slice %arg6[%dma_start3A_53, %dma_start3A_54] : memref<256x128xf32, #tpu.memory_space<vmem>> -> memref<32x128xf32, #tpu.memory_space<vmem>>
      tpu.enqueue_dma source(%dma_start3A_55 : memref<32x128xf32, #tpu.memory_space<vmem>>) target(%dma_start3A_52 : memref<32x128xf32, #tpu.memory_space<vmem_shared>>) target_semaphore(%run_scoped3A : memref<!tpu.dma_semaphore, #tpu.memory_space<semaphore_mem>>)
      %dma_wait3A_56 = arith.constant 0 : i32
      %dma_wait3A_57 = arith.constant 0 : i32
      %dma_wait3A_58 = tpu.memref_slice %arg6[%dma_wait3A_56, %dma_wait3A_57] : memref<256x128xf32, #tpu.memory_space<vmem>> -> memref<32x128xf32, #tpu.memory_space<vmem>>
      %dma_wait3A_59 = arith.constant 0 : i32
      %dma_wait3A_60 = tpu.memref_slice %arg10[%add3A_10, %dma_wait3A_59] : memref<2688x128xf32, #tpu.memory_space<vmem_shared>> -> memref<32x128xf32, #tpu.memory_space<vmem_shared>>
      %dma_wait3A_61 = arith.constant 0 : i32
      %dma_wait3A_62 = tpu.memref_slice %arg10[%add3A_10, %dma_wait3A_61] : memref<2688x128xf32, #tpu.memory_space<vmem_shared>> -> memref<32x128xf32, #tpu.memory_space<vmem_shared>>
      %dma_wait3A_63 = arith.constant 0 : i32
      %dma_wait3A_64 = arith.constant 0 : i32
      %dma_wait3A_65 = tpu.memref_slice %arg6[%dma_wait3A_63, %dma_wait3A_64] : memref<256x128xf32, #tpu.memory_space<vmem>> -> memref<32x128xf32, #tpu.memory_space<vmem>>
      tpu.wait_dma2 semaphore(%run_scoped3A : memref<!tpu.dma_semaphore, #tpu.memory_space<semaphore_mem>>) src(%dma_wait3A_65 : memref<32x128xf32, #tpu.memory_space<vmem>>) dst(%dma_wait3A_62 : memref<32x128xf32, #tpu.memory_space<vmem_shared>>)
      tpu.yield
    }) : () -> ()
    %mul3A_11 = arith.constant 8 : i32
    %mul3A_12 = arith.muli %mul3A_11, %arg1 : i32
    %add3A_13 = arith.constant 2560 : i32
    %add3A_14 = arith.addi %add3A_13, %mul3A_12 : i32
    "tpu.region"() ({
      %run_scoped3A = tpu.sem_alloc : memref<!tpu.dma_semaphore, #tpu.memory_space<semaphore_mem>>
      %dma_start3A_46 = arith.constant 0 : i32
      %dma_start3A_47 = arith.constant 0 : i32
      %dma_start3A_48 = tpu.memref_slice %arg6[%dma_start3A_46, %dma_start3A_47] : memref<256x128xf32, #tpu.memory_space<vmem>> -> memref<8x128xf32, #tpu.memory_space<vmem>>
      %dma_start3A_49 = arith.constant 0 : i32
      %dma_start3A_50 = tpu.memref_slice %arg10[%add3A_14, %dma_start3A_49] : memref<2688x128xf32, #tpu.memory_space<vmem_shared>> -> memref<8x128xf32, #tpu.memory_space<vmem_shared>>
      %dma_start3A_51 = arith.constant 0 : i32
      %dma_start3A_52 = tpu.memref_slice %arg10[%add3A_14, %dma_start3A_51] : memref<2688x128xf32, #tpu.memory_space<vmem_shared>> -> memref<8x128xf32, #tpu.memory_space<vmem_shared>>
      %dma_start3A_53 = arith.constant 0 : i32
      %dma_start3A_54 = arith.constant 0 : i32
      %dma_start3A_55 = tpu.memref_slice %arg6[%dma_start3A_53, %dma_start3A_54] : memref<256x128xf32, #tpu.memory_space<vmem>> -> memref<8x128xf32, #tpu.memory_space<vmem>>
      tpu.enqueue_dma source(%dma_start3A_55 : memref<8x128xf32, #tpu.memory_space<vmem>>) target(%dma_start3A_52 : memref<8x128xf32, #tpu.memory_space<vmem_shared>>) target_semaphore(%run_scoped3A : memref<!tpu.dma_semaphore, #tpu.memory_space<semaphore_mem>>)
      %dma_wait3A_56 = arith.constant 0 : i32
      %dma_wait3A_57 = arith.constant 0 : i32
      %dma_wait3A_58 = tpu.memref_slice %arg6[%dma_wait3A_56, %dma_wait3A_57] : memref<256x128xf32, #tpu.memory_space<vmem>> -> memref<8x128xf32, #tpu.memory_space<vmem>>
      %dma_wait3A_59 = arith.constant 0 : i32
      %dma_wait3A_60 = tpu.memref_slice %arg10[%add3A_14, %dma_wait3A_59] : memref<2688x128xf32, #tpu.memory_space<vmem_shared>> -> memref<8x128xf32, #tpu.memory_space<vmem_shared>>
      %dma_wait3A_61 = arith.constant 0 : i32
      %dma_wait3A_62 = tpu.memref_slice %arg10[%add3A_14, %dma_wait3A_61] : memref<2688x128xf32, #tpu.memory_space<vmem_shared>> -> memref<8x128xf32, #tpu.memory_space<vmem_shared>>
      %dma_wait3A_63 = arith.constant 0 : i32
      %dma_wait3A_64 = arith.constant 0 : i32
      %dma_wait3A_65 = tpu.memref_slice %arg6[%dma_wait3A_63, %dma_wait3A_64] : memref<256x128xf32, #tpu.memory_space<vmem>> -> memref<8x128xf32, #tpu.memory_space<vmem>>
      tpu.wait_dma2 semaphore(%run_scoped3A : memref<!tpu.dma_semaphore, #tpu.memory_space<semaphore_mem>>) src(%dma_wait3A_65 : memref<8x128xf32, #tpu.memory_space<vmem>>) dst(%dma_wait3A_62 : memref<8x128xf32, #tpu.memory_space<vmem_shared>>)
      tpu.yield
    }) : () -> ()
    %mul3A_15 = arith.constant 8 : i32
    %mul3A_16 = arith.muli %mul3A_15, %arg1 : i32
    %add3A_17 = arith.constant 2560 : i32
    %add3A_18 = arith.addi %add3A_17, %mul3A_16 : i32
    %broadcast_in_dim3A_19 = vector.broadcast %add3A_18 : i32 to vector<16xi32>
    %mul3A_20 = arith.constant 160 : i32
    %mul3A_21 = arith.muli %arg1, %mul3A_20 : i32
    %iota3A = tpu.iota {dimensions = array<i32: 0>} : vector<16xi32>
    %broadcast_in_dim3A_22 = arith.constant 1 : i32
    %broadcast_in_dim3A_23 = vector.broadcast %broadcast_in_dim3A_22 : i32 to vector<16xi32>
    %broadcast_in_dim3A_24 = arith.constant 0 : i32
    %broadcast_in_dim3A_25 = vector.broadcast %broadcast_in_dim3A_24 : i32 to vector<16xi32>
    %dma_start3A = arith.constant 0 : i32
    %dma_start3A_26 = tpu.memref_slice %arg5[%dma_start3A] : memref<28160xi32, #tpu.memory_space<vmem>> -> memref<256xi32, #tpu.memory_space<vmem>>
    %dma_start3A_27 = arith.constant 0 : i32
    %dma_start3A_28 = arith.constant 0 : i32
    %dma_start3A_29 = tpu.memref_slice %arg2[%dma_start3A_27, %dma_start3A_28] : memref<201001x128xf32, #tpu.memory_space<hbm>> -> memref<201001x128xf32, #tpu.memory_space<hbm>>
    tpu.enqueue_indirect_dma source(%dma_start3A_29 : memref<201001x128xf32, #tpu.memory_space<hbm>>) target(%arg6 : memref<256x128xf32, #tpu.memory_space<vmem>>) offsets(%dma_start3A_26 : memref<256xi32, #tpu.memory_space<vmem>>) semaphore(%arg11 : memref<!tpu.dma_semaphore, #tpu.memory_space<semaphore_mem>>)
    %scan3A_30 = arith.constant 0 : i32
    %scan3A_31 = arith.constant 0 : i32
    %scan3A_32 = arith.constant 55 : i32
    %scan3A_33 = arith.addi %scan3A_31, %scan3A_32 : i32
    %scan3A_34 = arith.constant 1 : i32
    scf.for %scan3A_46 = %scan3A_31 to %scan3A_33 step %scan3A_34  : i32 {
      %mul3A_47 = arith.constant 2 : i32
      %mul3A_48 = arith.muli %scan3A_46, %mul3A_47 : i32
      %add3A_49 = arith.constant 0 : i32
      %add3A_50 = arith.addi %mul3A_48, %add3A_49 : i32
      %mul3A_51 = arith.constant 256 : i32
      %mul3A_52 = arith.muli %add3A_50, %mul3A_51 : i32
      %add3A_53 = arith.constant 0 : i32
      %add3A_54 = arith.addi %mul3A_52, %add3A_53 : i32
      %jit3A = arith.constant 880 : i32
      %div3A = arith.divsi %add3A_54, %jit3A : i32
      %sign3A = arith.constant 0 : i32
      %sign3A_55 = arith.cmpi sgt, %add3A_54, %sign3A : i32
      %sign3A_56 = arith.extui %sign3A_55 : i1 to i32
      %sign3A_57 = arith.constant 0 : i32
      %sign3A_58 = arith.cmpi slt, %add3A_54, %sign3A_57 : i32
      %sign3A_59 = arith.extui %sign3A_58 : i1 to i32
      %sign3A_60 = arith.subi %sign3A_56, %sign3A_59 : i32
      %sign3A_61 = arith.constant 0 : i32
      %sign3A_62 = arith.cmpi sgt, %jit3A, %sign3A_61 : i32
      %sign3A_63 = arith.extui %sign3A_62 : i1 to i32
      %sign3A_64 = arith.constant 0 : i32
      %sign3A_65 = arith.cmpi slt, %jit3A, %sign3A_64 : i32
      %sign3A_66 = arith.extui %sign3A_65 : i1 to i32
      %sign3A_67 = arith.subi %sign3A_63, %sign3A_66 : i32
      %ne3A = arith.cmpi ne, %sign3A_60, %sign3A_67 : i32
      %rem3A = arith.remsi %add3A_54, %jit3A : i32
      %ne3A_68 = arith.constant 0 : i32
      %ne3A_69 = arith.cmpi ne, %rem3A, %ne3A_68 : i32
      %and3A = arith.andi %ne3A, %ne3A_69 : i1
      %sub3A = arith.constant 1 : i32
      %sub3A_70 = arith.subi %div3A, %sub3A : i32
      %select_n3A = arith.select %and3A, %sub3A_70, %div3A : i32
      %jit3A_71 = arith.constant 880 : i32
      %eq3A = arith.constant 0 : i32
      %eq3A_72 = arith.cmpi eq, %jit3A_71, %eq3A : i32
      %jit3A_73 = arith.constant 1 : i32
      %select_n3A_74 = arith.select %eq3A_72, %jit3A_73, %jit3A_71 : i32
      %rem3A_75 = arith.remsi %add3A_54, %select_n3A_74 : i32
      %ne3A_76 = arith.constant 0 : i32
      %ne3A_77 = arith.cmpi ne, %rem3A_75, %ne3A_76 : i32
      %lt3A = arith.constant 0 : i32
      %lt3A_78 = arith.cmpi slt, %rem3A_75, %lt3A : i32
      %lt3A_79 = arith.constant 0 : i32
      %lt3A_80 = arith.cmpi slt, %select_n3A_74, %lt3A_79 : i32
      %ne3A_81 = arith.xori %lt3A_78, %lt3A_80 : i1
      %and3A_82 = arith.andi %ne3A_81, %ne3A_77 : i1
      %add3A_83 = arith.addi %rem3A_75, %select_n3A_74 : i32
      %select_n3A_84 = arith.select %and3A_82, %add3A_83, %rem3A_75 : i32
      %broadcast_in_dim3A_85 = vector.broadcast %select_n3A_84 : i32 to vector<16xi32>
      %add3A_86 = arith.addi %broadcast_in_dim3A_85, %iota3A : vector<16xi32>
      %broadcast_in_dim3A_87 = arith.constant 1 : i32
      %broadcast_in_dim3A_88 = vector.broadcast %broadcast_in_dim3A_87 : i32 to vector<16xi32>
      %ge3A = arith.cmpi sge, %add3A_86, %broadcast_in_dim3A_88 : vector<16xi32>
      %select_n3A_89 = arith.select %ge3A, %broadcast_in_dim3A_23, %broadcast_in_dim3A_25 : vector<16xi1>, vector<16xi32>
      %add3A_90 = arith.addi %broadcast_in_dim3A_25, %select_n3A_89 : vector<16xi32>
      %broadcast_in_dim3A_91 = arith.constant 51 : i32
      %broadcast_in_dim3A_92 = vector.broadcast %broadcast_in_dim3A_91 : i32 to vector<16xi32>
      %ge3A_93 = arith.cmpi sge, %add3A_86, %broadcast_in_dim3A_92 : vector<16xi32>
      %select_n3A_94 = arith.select %ge3A_93, %broadcast_in_dim3A_23, %broadcast_in_dim3A_25 : vector<16xi1>, vector<16xi32>
      %add3A_95 = arith.addi %add3A_90, %select_n3A_94 : vector<16xi32>
      %broadcast_in_dim3A_96 = arith.constant 71 : i32
      %broadcast_in_dim3A_97 = vector.broadcast %broadcast_in_dim3A_96 : i32 to vector<16xi32>
      %ge3A_98 = arith.cmpi sge, %add3A_86, %broadcast_in_dim3A_97 : vector<16xi32>
      %select_n3A_99 = arith.select %ge3A_98, %broadcast_in_dim3A_23, %broadcast_in_dim3A_25 : vector<16xi1>, vector<16xi32>
      %add3A_100 = arith.addi %add3A_95, %select_n3A_99 : vector<16xi32>
      %broadcast_in_dim3A_101 = arith.constant 471 : i32
      %broadcast_in_dim3A_102 = vector.broadcast %broadcast_in_dim3A_101 : i32 to vector<16xi32>
      %ge3A_103 = arith.cmpi sge, %add3A_86, %broadcast_in_dim3A_102 : vector<16xi32>
      %select_n3A_104 = arith.select %ge3A_103, %broadcast_in_dim3A_23, %broadcast_in_dim3A_25 : vector<16xi1>, vector<16xi32>
      %add3A_105 = arith.addi %add3A_100, %select_n3A_104 : vector<16xi32>
      %broadcast_in_dim3A_106 = arith.constant 871 : i32
      %broadcast_in_dim3A_107 = vector.broadcast %broadcast_in_dim3A_106 : i32 to vector<16xi32>
      %ge3A_108 = arith.cmpi sge, %add3A_86, %broadcast_in_dim3A_107 : vector<16xi32>
      %select_n3A_109 = arith.select %ge3A_108, %broadcast_in_dim3A_23, %broadcast_in_dim3A_25 : vector<16xi1>, vector<16xi32>
      %add3A_110 = arith.addi %add3A_105, %select_n3A_109 : vector<16xi32>
      %broadcast_in_dim3A_111 = arith.constant 2 : i32
      %broadcast_in_dim3A_112 = vector.broadcast %broadcast_in_dim3A_111 : i32 to vector<16xi32>
      %eq3A_113 = arith.cmpi eq, %add3A_110, %broadcast_in_dim3A_112 : vector<16xi32>
      %broadcast_in_dim3A_114 = arith.constant 101000 : i32
      %broadcast_in_dim3A_115 = vector.broadcast %broadcast_in_dim3A_114 : i32 to vector<16xi32>
      %eq3A_116 = arith.cmpi eq, %add3A_110, %broadcast_in_dim3A_25 : vector<16xi32>
      %broadcast_in_dim3A_117 = arith.constant -1 : i32
      %broadcast_in_dim3A_118 = vector.broadcast %broadcast_in_dim3A_117 : i32 to vector<16xi32>
      %broadcast_in_dim3A_119 = arith.constant 201000 : i32
      %broadcast_in_dim3A_120 = vector.broadcast %broadcast_in_dim3A_119 : i32 to vector<16xi32>
      %select_n3A_121 = arith.select %eq3A_116, %broadcast_in_dim3A_118, %broadcast_in_dim3A_120 : vector<16xi1>, vector<16xi32>
      %select_n3A_122 = arith.select %eq3A_113, %broadcast_in_dim3A_115, %select_n3A_121 : vector<16xi1>, vector<16xi32>
      %get3A = arith.index_cast %add3A_54 : i32 to index
      %get3A_123 = tpu.vector_load %arg5[%get3A] {strides = array<i32>} : memref<28160xi32, #tpu.memory_space<vmem>>, vector<16xi32>,
      %get3A_124 = vector.shape_cast %get3A_123 : vector<16xi32> to vector<16xi32>
      %mul3A_125 = arith.constant 5 : i32
      %mul3A_126 = arith.muli %select_n3A, %mul3A_125 : i32
      %add3A_127 = arith.addi %mul3A_21, %mul3A_126 : i32
      %broadcast_in_dim3A_128 = vector.broadcast %add3A_127 : i32 to vector<16xi32>
      %eq3A_129 = arith.cmpi eq, %get3A_124, %select_n3A_122 : vector<16xi32>
      %add3A_130 = arith.addi %broadcast_in_dim3A_128, %add3A_110 : vector<16xi32>
      %select_n3A_131 = arith.select %eq3A_129, %broadcast_in_dim3A_19, %add3A_130 : vector<16xi1>, vector<16xi32>
      %swap3A = arith.constant 0 : index
      %swap3A_132 = tpu.vector_load %arg8[%swap3A] {strides = array<i32>} : memref<256xi32, #tpu.memory_space<vmem>>, vector<16xi32>,
      %swap3A_133 = vector.shape_cast %swap3A_132 : vector<16xi32> to vector<16xi32>
      %swap3A_134 = vector.shape_cast %select_n3A_131 : vector<16xi32> to vector<16xi32>
      tpu.vector_store %arg8[%swap3A], %swap3A_134 {strides = array<i32>} : memref<256xi32, #tpu.memory_space<vmem>>, vector<16xi32>,
      %add3A_135 = arith.constant 16 : i32
      %add3A_136 = arith.addi %mul3A_52, %add3A_135 : i32
      %jit3A_137 = arith.constant 880 : i32
      %div3A_138 = arith.divsi %add3A_136, %jit3A_137 : i32
      %sign3A_139 = arith.constant 0 : i32
      %sign3A_140 = arith.cmpi sgt, %add3A_136, %sign3A_139 : i32
      %sign3A_141 = arith.extui %sign3A_140 : i1 to i32
      %sign3A_142 = arith.constant 0 : i32
      %sign3A_143 = arith.cmpi slt, %add3A_136, %sign3A_142 : i32
      %sign3A_144 = arith.extui %sign3A_143 : i1 to i32
      %sign3A_145 = arith.subi %sign3A_141, %sign3A_144 : i32
      %sign3A_146 = arith.constant 0 : i32
      %sign3A_147 = arith.cmpi sgt, %jit3A_137, %sign3A_146 : i32
      %sign3A_148 = arith.extui %sign3A_147 : i1 to i32
      %sign3A_149 = arith.constant 0 : i32
      %sign3A_150 = arith.cmpi slt, %jit3A_137, %sign3A_149 : i32
      %sign3A_151 = arith.extui %sign3A_150 : i1 to i32
      %sign3A_152 = arith.subi %sign3A_148, %sign3A_151 : i32
      %ne3A_153 = arith.cmpi ne, %sign3A_145, %sign3A_152 : i32
      %rem3A_154 = arith.remsi %add3A_136, %jit3A_137 : i32
      %ne3A_155 = arith.constant 0 : i32
      %ne3A_156 = arith.cmpi ne, %rem3A_154, %ne3A_155 : i32
      %and3A_157 = arith.andi %ne3A_153, %ne3A_156 : i1
      %sub3A_158 = arith.constant 1 : i32
      %sub3A_159 = arith.subi %div3A_138, %sub3A_158 : i32
      %select_n3A_160 = arith.select %and3A_157, %sub3A_159, %div3A_138 : i32
      %jit3A_161 = arith.constant 880 : i32
      %eq3A_162 = arith.constant 0 : i32
      %eq3A_163 = arith.cmpi eq, %jit3A_161, %eq3A_162 : i32
      %jit3A_164 = arith.constant 1 : i32
      %select_n3A_165 = arith.select %eq3A_163, %jit3A_164, %jit3A_161 : i32
      %rem3A_166 = arith.remsi %add3A_136, %select_n3A_165 : i32
      %ne3A_167 = arith.constant 0 : i32
      %ne3A_168 = arith.cmpi ne, %rem3A_166, %ne3A_167 : i32
      %lt3A_169 = arith.constant 0 : i32
      %lt3A_170 = arith.cmpi slt, %rem3A_166, %lt3A_169 : i32
      %lt3A_171 = arith.constant 0 : i32
      %lt3A_172 = arith.cmpi slt, %select_n3A_165, %lt3A_171 : i32
      %ne3A_173 = arith.xori %lt3A_170, %lt3A_172 : i1
      %and3A_174 = arith.andi %ne3A_173, %ne3A_168 : i1
      %add3A_175 = arith.addi %rem3A_166, %select_n3A_165 : i32
      %select_n3A_176 = arith.select %and3A_174, %add3A_175, %rem3A_166 : i32
      %broadcast_in_dim3A_177 = vector.broadcast %select_n3A_176 : i32 to vector<16xi32>
      %add3A_178 = arith.addi %broadcast_in_dim3A_177, %iota3A : vector<16xi32>
      %broadcast_in_dim3A_179 = arith.constant 1 : i32
      %broadcast_in_dim3A_180 = vector.broadcast %broadcast_in_dim3A_179 : i32 to vector<16xi32>
      %ge3A_181 = arith.cmpi sge, %add3A_178, %broadcast_in_dim3A_180 : vector<16xi32>
      %select_n3A_182 = arith.select %ge3A_181, %broadcast_in_dim3A_23, %broadcast_in_dim3A_25 : vector<16xi1>, vector<16xi32>
      %add3A_183 = arith.addi %broadcast_in_dim3A_25, %select_n3A_182 : vector<16xi32>
      %broadcast_in_dim3A_184 = arith.constant 51 : i32
      %broadcast_in_dim3A_185 = vector.broadcast %broadcast_in_dim3A_184 : i32 to vector<16xi32>
      %ge3A_186 = arith.cmpi sge, %add3A_178, %broadcast_in_dim3A_185 : vector<16xi32>
      %select_n3A_187 = arith.select %ge3A_186, %broadcast_in_dim3A_23, %broadcast_in_dim3A_25 : vector<16xi1>, vector<16xi32>
      %add3A_188 = arith.addi %add3A_183, %select_n3A_187 : vector<16xi32>
      %broadcast_in_dim3A_189 = arith.constant 71 : i32
      %broadcast_in_dim3A_190 = vector.broadcast %broadcast_in_dim3A_189 : i32 to vector<16xi32>
      %ge3A_191 = arith.cmpi sge, %add3A_178, %broadcast_in_dim3A_190 : vector<16xi32>
      %select_n3A_192 = arith.select %ge3A_191, %broadcast_in_dim3A_23, %broadcast_in_dim3A_25 : vector<16xi1>, vector<16xi32>
      %add3A_193 = arith.addi %add3A_188, %select_n3A_192 : vector<16xi32>
      %broadcast_in_dim3A_194 = arith.constant 471 : i32
      %broadcast_in_dim3A_195 = vector.broadcast %broadcast_in_dim3A_194 : i32 to vector<16xi32>
      %ge3A_196 = arith.cmpi sge, %add3A_178, %broadcast_in_dim3A_195 : vector<16xi32>
      %select_n3A_197 = arith.select %ge3A_196, %broadcast_in_dim3A_23, %broadcast_in_dim3A_25 : vector<16xi1>, vector<16xi32>
      %add3A_198 = arith.addi %add3A_193, %select_n3A_197 : vector<16xi32>
      %broadcast_in_dim3A_199 = arith.constant 871 : i32
      %broadcast_in_dim3A_200 = vector.broadcast %broadcast_in_dim3A_199 : i32 to vector<16xi32>
      %ge3A_201 = arith.cmpi sge, %add3A_178, %broadcast_in_dim3A_200 : vector<16xi32>
      %select_n3A_202 = arith.select %ge3A_201, %broadcast_in_dim3A_23, %broadcast_in_dim3A_25 : vector<16xi1>, vector<16xi32>
      %add3A_203 = arith.addi %add3A_198, %select_n3A_202 : vector<16xi32>
      %broadcast_in_dim3A_204 = arith.constant 2 : i32
      %broadcast_in_dim3A_205 = vector.broadcast %broadcast_in_dim3A_204 : i32 to vector<16xi32>
      %eq3A_206 = arith.cmpi eq, %add3A_203, %broadcast_in_dim3A_205 : vector<16xi32>
      %broadcast_in_dim3A_207 = arith.constant 101000 : i32
      %broadcast_in_dim3A_208 = vector.broadcast %broadcast_in_dim3A_207 : i32 to vector<16xi32>
      %eq3A_209 = arith.cmpi eq, %add3A_203, %broadcast_in_dim3A_25 : vector<16xi32>
      %broadcast_in_dim3A_210 = arith.constant -1 : i32
      %broadcast_in_dim3A_211 = vector.broadcast %broadcast_in_dim3A_210 : i32 to vector<16xi32>
      %broadcast_in_dim3A_212 = arith.constant 201000 : i32
      %broadcast_in_dim3A_213 = vector.broadcast %broadcast_in_dim3A_212 : i32 to vector<16xi32>
      %select_n3A_214 = arith.select %eq3A_209, %broadcast_in_dim3A_211, %broadcast_in_dim3A_213 : vector<16xi1>, vector<16xi32>
      %select_n3A_215 = arith.select %eq3A_206, %broadcast_in_dim3A_208, %select_n3A_214 : vector<16xi1>, vector<16xi32>
      %get3A_216 = arith.index_cast %add3A_136 : i32 to index
      %get3A_217 = tpu.vector_load %arg5[%get3A_216] {strides = array<i32>} : memref<28160xi32, #tpu.memory_space<vmem>>, vector<16xi32>,
      %get3A_218 = vector.shape_cast %get3A_217 : vector<16xi32> to vector<16xi32>
      %mul3A_219 = arith.constant 5 : i32
      %mul3A_220 = arith.muli %select_n3A_160, %mul3A_219 : i32
      %add3A_221 = arith.addi %mul3A_21, %mul3A_220 : i32
      %broadcast_in_dim3A_222 = vector.broadcast %add3A_221 : i32 to vector<16xi32>
      %eq3A_223 = arith.cmpi eq, %get3A_218, %select_n3A_215 : vector<16xi32>
      %add3A_224 = arith.addi %broadcast_in_dim3A_222, %add3A_203 : vector<16xi32>
      %select_n3A_225 = arith.select %eq3A_223, %broadcast_in_dim3A_19, %add3A_224 : vector<16xi1>, vector<16xi32>
      %swap3A_226 = arith.constant 16 : index
      %swap3A_227 = tpu.vector_load %arg8[%swap3A_226] {strides = array<i32>} : memref<256xi32, #tpu.memory_space<vmem>>, vector<16xi32>,
      %swap3A_228 = vector.shape_cast %swap3A_227 : vector<16xi32> to vector<16xi32>
      %swap3A_229 = vector.shape_cast %select_n3A_225 : vector<16xi32> to vector<16xi32>
      tpu.vector_store %arg8[%swap3A_226], %swap3A_229 {strides = array<i32>} : memref<256xi32, #tpu.memory_space<vmem>>, vector<16xi32>,
      %add3A_230 = arith.constant 32 : i32
      %add3A_231 = arith.addi %mul3A_52, %add3A_230 : i32
      %jit3A_232 = arith.constant 880 : i32
      %div3A_233 = arith.divsi %add3A_231, %jit3A_232 : i32
      %sign3A_234 = arith.constant 0 : i32
      %sign3A_235 = arith.cmpi sgt, %add3A_231, %sign3A_234 : i32
      %sign3A_236 = arith.extui %sign3A_235 : i1 to i32
      %sign3A_237 = arith.constant 0 : i32
      %sign3A_238 = arith.cmpi slt, %add3A_231, %sign3A_237 : i32
      %sign3A_239 = arith.extui %sign3A_238 : i1 to i32
      %sign3A_240 = arith.subi %sign3A_236, %sign3A_239 : i32
      %sign3A_241 = arith.constant 0 : i32
      %sign3A_242 = arith.cmpi sgt, %jit3A_232, %sign3A_241 : i32
      %sign3A_243 = arith.extui %sign3A_242 : i1 to i32
      %sign3A_244 = arith.constant 0 : i32
      %sign3A_245 = arith.cmpi slt, %jit3A_232, %sign3A_244 : i32
      %sign3A_246 = arith.extui %sign3A_245 : i1 to i32
      %sign3A_247 = arith.subi %sign3A_243, %sign3A_246 : i32
      %ne3A_248 = arith.cmpi ne, %sign3A_240, %sign3A_247 : i32
      %rem3A_249 = arith.remsi %add3A_231, %jit3A_232 : i32
      %ne3A_250 = arith.constant 0 : i32
      %ne3A_251 = arith.cmpi ne, %rem3A_249, %ne3A_250 : i32
      %and3A_252 = arith.andi %ne3A_248, %ne3A_251 : i1
      %sub3A_253 = arith.constant 1 : i32
      %sub3A_254 = arith.subi %div3A_233, %sub3A_253 : i32
      %select_n3A_255 = arith.select %and3A_252, %sub3A_254, %div3A_233 : i32
      %jit3A_256 = arith.constant 880 : i32
      %eq3A_257 = arith.constant 0 : i32
      %eq3A_258 = arith.cmpi eq, %jit3A_256, %eq3A_257 : i32
      %jit3A_259 = arith.constant 1 : i32
      %select_n3A_260 = arith.select %eq3A_258, %jit3A_259, %jit3A_256 : i32
      %rem3A_261 = arith.remsi %add3A_231, %select_n3A_260 : i32
      %ne3A_262 = arith.constant 0 : i32
      %ne3A_263 = arith.cmpi ne, %rem3A_261, %ne3A_262 : i32
      %lt3A_264 = arith.constant 0 : i32
      %lt3A_265 = arith.cmpi slt, %rem3A_261, %lt3A_264 : i32
      %lt3A_266 = arith.constant 0 : i32
      %lt3A_267 = arith.cmpi slt, %select_n3A_260, %lt3A_266 : i32
      %ne3A_268 = arith.xori %lt3A_265, %lt3A_267 : i1
      %and3A_269 = arith.andi %ne3A_268, %ne3A_263 : i1
      %add3A_270 = arith.addi %rem3A_261, %select_n3A_260 : i32
      %select_n3A_271 = arith.select %and3A_269, %add3A_270, %rem3A_261 : i32
      %broadcast_in_dim3A_272 = vector.broadcast %select_n3A_271 : i32 to vector<16xi32>
      %add3A_273 = arith.addi %broadcast_in_dim3A_272, %iota3A : vector<16xi32>
      %broadcast_in_dim3A_274 = arith.constant 1 : i32
      %broadcast_in_dim3A_275 = vector.broadcast %broadcast_in_dim3A_274 : i32 to vector<16xi32>
      %ge3A_276 = arith.cmpi sge, %add3A_273, %broadcast_in_dim3A_275 : vector<16xi32>
      %select_n3A_277 = arith.select %ge3A_276, %broadcast_in_dim3A_23, %broadcast_in_dim3A_25 : vector<16xi1>, vector<16xi32>
      %add3A_278 = arith.addi %broadcast_in_dim3A_25, %select_n3A_277 : vector<16xi32>
      %broadcast_in_dim3A_279 = arith.constant 51 : i32
      %broadcast_in_dim3A_280 = vector.broadcast %broadcast_in_dim3A_279 : i32 to vector<16xi32>
      %ge3A_281 = arith.cmpi sge, %add3A_273, %broadcast_in_dim3A_280 : vector<16xi32>
      %select_n3A_282 = arith.select %ge3A_281, %broadcast_in_dim3A_23, %broadcast_in_dim3A_25 : vector<16xi1>, vector<16xi32>
      %add3A_283 = arith.addi %add3A_278, %select_n3A_282 : vector<16xi32>
      %broadcast_in_dim3A_284 = arith.constant 71 : i32
      %broadcast_in_dim3A_285 = vector.broadcast %broadcast_in_dim3A_284 : i32 to vector<16xi32>
      %ge3A_286 = arith.cmpi sge, %add3A_273, %broadcast_in_dim3A_285 : vector<16xi32>
      %select_n3A_287 = arith.select %ge3A_286, %broadcast_in_dim3A_23, %broadcast_in_dim3A_25 : vector<16xi1>, vector<16xi32>
      %add3A_288 = arith.addi %add3A_283, %select_n3A_287 : vector<16xi32>
      %broadcast_in_dim3A_289 = arith.constant 471 : i32
      %broadcast_in_dim3A_290 = vector.broadcast %broadcast_in_dim3A_289 : i32 to vector<16xi32>
      %ge3A_291 = arith.cmpi sge, %add3A_273, %broadcast_in_dim3A_290 : vector<16xi32>
      %select_n3A_292 = arith.select %ge3A_291, %broadcast_in_dim3A_23, %broadcast_in_dim3A_25 : vector<16xi1>, vector<16xi32>
      %add3A_293 = arith.addi %add3A_288, %select_n3A_292 : vector<16xi32>
      %broadcast_in_dim3A_294 = arith.constant 871 : i32
      %broadcast_in_dim3A_295 = vector.broadcast %broadcast_in_dim3A_294 : i32 to vector<16xi32>
      %ge3A_296 = arith.cmpi sge, %add3A_273, %broadcast_in_dim3A_295 : vector<16xi32>
      %select_n3A_297 = arith.select %ge3A_296, %broadcast_in_dim3A_23, %broadcast_in_dim3A_25 : vector<16xi1>, vector<16xi32>
      %add3A_298 = arith.addi %add3A_293, %select_n3A_297 : vector<16xi32>
      %broadcast_in_dim3A_299 = arith.constant 2 : i32
      %broadcast_in_dim3A_300 = vector.broadcast %broadcast_in_dim3A_299 : i32 to vector<16xi32>
      %eq3A_301 = arith.cmpi eq, %add3A_298, %broadcast_in_dim3A_300 : vector<16xi32>
      %broadcast_in_dim3A_302 = arith.constant 101000 : i32
      %broadcast_in_dim3A_303 = vector.broadcast %broadcast_in_dim3A_302 : i32 to vector<16xi32>
      %eq3A_304 = arith.cmpi eq, %add3A_298, %broadcast_in_dim3A_25 : vector<16xi32>
      %broadcast_in_dim3A_305 = arith.constant -1 : i32
      %broadcast_in_dim3A_306 = vector.broadcast %broadcast_in_dim3A_305 : i32 to vector<16xi32>
      %broadcast_in_dim3A_307 = arith.constant 201000 : i32
      %broadcast_in_dim3A_308 = vector.broadcast %broadcast_in_dim3A_307 : i32 to vector<16xi32>
      %select_n3A_309 = arith.select %eq3A_304, %broadcast_in_dim3A_306, %broadcast_in_dim3A_308 : vector<16xi1>, vector<16xi32>
      %select_n3A_310 = arith.select %eq3A_301, %broadcast_in_dim3A_303, %select_n3A_309 : vector<16xi1>, vector<16xi32>
      %get3A_311 = arith.index_cast %add3A_231 : i32 to index
      %get3A_312 = tpu.vector_load %arg5[%get3A_311] {strides = array<i32>} : memref<28160xi32, #tpu.memory_space<vmem>>, vector<16xi32>,
      %get3A_313 = vector.shape_cast %get3A_312 : vector<16xi32> to vector<16xi32>
      %mul3A_314 = arith.constant 5 : i32
      %mul3A_315 = arith.muli %select_n3A_255, %mul3A_314 : i32
      %add3A_316 = arith.addi %mul3A_21, %mul3A_315 : i32
      %broadcast_in_dim3A_317 = vector.broadcast %add3A_316 : i32 to vector<16xi32>
      %eq3A_318 = arith.cmpi eq, %get3A_313, %select_n3A_310 : vector<16xi32>
      %add3A_319 = arith.addi %broadcast_in_dim3A_317, %add3A_298 : vector<16xi32>
      %select_n3A_320 = arith.select %eq3A_318, %broadcast_in_dim3A_19, %add3A_319 : vector<16xi1>, vector<16xi32>
      %swap3A_321 = arith.constant 32 : index
      %swap3A_322 = tpu.vector_load %arg8[%swap3A_321] {strides = array<i32>} : memref<256xi32, #tpu.memory_space<vmem>>, vector<16xi32>,
      %swap3A_323 = vector.shape_cast %swap3A_322 : vector<16xi32> to vector<16xi32>
      %swap3A_324 = vector.shape_cast %select_n3A_320 : vector<16xi32> to vector<16xi32>
      tpu.vector_store %arg8[%swap3A_321], %swap3A_324 {strides = array<i32>} : memref<256xi32, #tpu.memory_space<vmem>>, vector<16xi32>,
      %add3A_325 = arith.constant 48 : i32
      %add3A_326 = arith.addi %mul3A_52, %add3A_325 : i32
      %jit3A_327 = arith.constant 880 : i32
      %div3A_328 = arith.divsi %add3A_326, %jit3A_327 : i32
      %sign3A_329 = arith.constant 0 : i32
      %sign3A_330 = arith.cmpi sgt, %add3A_326, %sign3A_329 : i32
      %sign3A_331 = arith.extui %sign3A_330 : i1 to i32
      %sign3A_332 = arith.constant 0 : i32
      %sign3A_333 = arith.cmpi slt, %add3A_326, %sign3A_332 : i32
      %sign3A_334 = arith.extui %sign3A_333 : i1 to i32
      %sign3A_335 = arith.subi %sign3A_331, %sign3A_334 : i32
      %sign3A_336 = arith.constant 0 : i32
      %sign3A_337 = arith.cmpi sgt, %jit3A_327, %sign3A_336 : i32
      %sign3A_338 = arith.extui %sign3A_337 : i1 to i32
      %sign3A_339 = arith.constant 0 : i32
      %sign3A_340 = arith.cmpi slt, %jit3A_327, %sign3A_339 : i32
      %sign3A_341 = arith.extui %sign3A_340 : i1 to i32
      %sign3A_342 = arith.subi %sign3A_338, %sign3A_341 : i32
      %ne3A_343 = arith.cmpi ne, %sign3A_335, %sign3A_342 : i32
      %rem3A_344 = arith.remsi %add3A_326, %jit3A_327 : i32
      %ne3A_345 = arith.constant 0 : i32
      %ne3A_346 = arith.cmpi ne, %rem3A_344, %ne3A_345 : i32
      %and3A_347 = arith.andi %ne3A_343, %ne3A_346 : i1
      %sub3A_348 = arith.constant 1 : i32
      %sub3A_349 = arith.subi %div3A_328, %sub3A_348 : i32
      %select_n3A_350 = arith.select %and3A_347, %sub3A_349, %div3A_328 : i32
      %jit3A_351 = arith.constant 880 : i32
      %eq3A_352 = arith.constant 0 : i32
      %eq3A_353 = arith.cmpi eq, %jit3A_351, %eq3A_352 : i32
      %jit3A_354 = arith.constant 1 : i32
      %select_n3A_355 = arith.select %eq3A_353, %jit3A_354, %jit3A_351 : i32
      %rem3A_356 = arith.remsi %add3A_326, %select_n3A_355 : i32
      %ne3A_357 = arith.constant 0 : i32
      %ne3A_358 = arith.cmpi ne, %rem3A_356, %ne3A_357 : i32
      %lt3A_359 = arith.constant 0 : i32
      %lt3A_360 = arith.cmpi slt, %rem3A_356, %lt3A_359 : i32
      %lt3A_361 = arith.constant 0 : i32
      %lt3A_362 = arith.cmpi slt, %select_n3A_355, %lt3A_361 : i32
      %ne3A_363 = arith.xori %lt3A_360, %lt3A_362 : i1
      %and3A_364 = arith.andi %ne3A_363, %ne3A_358 : i1
      %add3A_365 = arith.addi %rem3A_356, %select_n3A_355 : i32
      %select_n3A_366 = arith.select %and3A_364, %add3A_365, %rem3A_356 : i32
      %broadcast_in_dim3A_367 = vector.broadcast %select_n3A_366 : i32 to vector<16xi32>
      %add3A_368 = arith.addi %broadcast_in_dim3A_367, %iota3A : vector<16xi32>
      %broadcast_in_dim3A_369 = arith.constant 1 : i32
      %broadcast_in_dim3A_370 = vector.broadcast %broadcast_in_dim3A_369 : i32 to vector<16xi32>
      %ge3A_371 = arith.cmpi sge, %add3A_368, %broadcast_in_dim3A_370 : vector<16xi32>
      %select_n3A_372 = arith.select %ge3A_371, %broadcast_in_dim3A_23, %broadcast_in_dim3A_25 : vector<16xi1>, vector<16xi32>
      %add3A_373 = arith.addi %broadcast_in_dim3A_25, %select_n3A_372 : vector<16xi32>
      %broadcast_in_dim3A_374 = arith.constant 51 : i32
      %broadcast_in_dim3A_375 = vector.broadcast %broadcast_in_dim3A_374 : i32 to vector<16xi32>
      %ge3A_376 = arith.cmpi sge, %add3A_368, %broadcast_in_dim3A_375 : vector<16xi32>
      %select_n3A_377 = arith.select %ge3A_376, %broadcast_in_dim3A_23, %broadcast_in_dim3A_25 : vector<16xi1>, vector<16xi32>
      %add3A_378 = arith.addi %add3A_373, %select_n3A_377 : vector<16xi32>
      %broadcast_in_dim3A_379 = arith.constant 71 : i32
      %broadcast_in_dim3A_380 = vector.broadcast %broadcast_in_dim3A_379 : i32 to vector<16xi32>
      %ge3A_381 = arith.cmpi sge, %add3A_368, %broadcast_in_dim3A_380 : vector<16xi32>
      %select_n3A_382 = arith.select %ge3A_381, %broadcast_in_dim3A_23, %broadcast_in_dim3A_25 : vector<16xi1>, vector<16xi32>
      %add3A_383 = arith.addi %add3A_378, %select_n3A_382 : vector<16xi32>
      %broadcast_in_dim3A_384 = arith.constant 471 : i32
      %broadcast_in_dim3A_385 = vector.broadcast %broadcast_in_dim3A_384 : i32 to vector<16xi32>
      %ge3A_386 = arith.cmpi sge, %add3A_368, %broadcast_in_dim3A_385 : vector<16xi32>
      %select_n3A_387 = arith.select %ge3A_386, %broadcast_in_dim3A_23, %broadcast_in_dim3A_25 : vector<16xi1>, vector<16xi32>
      %add3A_388 = arith.addi %add3A_383, %select_n3A_387 : vector<16xi32>
      %broadcast_in_dim3A_389 = arith.constant 871 : i32
      %broadcast_in_dim3A_390 = vector.broadcast %broadcast_in_dim3A_389 : i32 to vector<16xi32>
      %ge3A_391 = arith.cmpi sge, %add3A_368, %broadcast_in_dim3A_390 : vector<16xi32>
      %select_n3A_392 = arith.select %ge3A_391, %broadcast_in_dim3A_23, %broadcast_in_dim3A_25 : vector<16xi1>, vector<16xi32>
      %add3A_393 = arith.addi %add3A_388, %select_n3A_392 : vector<16xi32>
      %broadcast_in_dim3A_394 = arith.constant 2 : i32
      %broadcast_in_dim3A_395 = vector.broadcast %broadcast_in_dim3A_394 : i32 to vector<16xi32>
      %eq3A_396 = arith.cmpi eq, %add3A_393, %broadcast_in_dim3A_395 : vector<16xi32>
      %broadcast_in_dim3A_397 = arith.constant 101000 : i32
      %broadcast_in_dim3A_398 = vector.broadcast %broadcast_in_dim3A_397 : i32 to vector<16xi32>
      %eq3A_399 = arith.cmpi eq, %add3A_393, %broadcast_in_dim3A_25 : vector<16xi32>
      %broadcast_in_dim3A_400 = arith.constant -1 : i32
      %broadcast_in_dim3A_401 = vector.broadcast %broadcast_in_dim3A_400 : i32 to vector<16xi32>
      %broadcast_in_dim3A_402 = arith.constant 201000 : i32
      %broadcast_in_dim3A_403 = vector.broadcast %broadcast_in_dim3A_402 : i32 to vector<16xi32>
      %select_n3A_404 = arith.select %eq3A_399, %broadcast_in_dim3A_401, %broadcast_in_dim3A_403 : vector<16xi1>, vector<16xi32>
      %select_n3A_405 = arith.select %eq3A_396, %broadcast_in_dim3A_398, %select_n3A_404 : vector<16xi1>, vector<16xi32>
      %get3A_406 = arith.index_cast %add3A_326 : i32 to index
      %get3A_407 = tpu.vector_load %arg5[%get3A_406] {strides = array<i32>} : memref<28160xi32, #tpu.memory_space<vmem>>, vector<16xi32>,
      %get3A_408 = vector.shape_cast %get3A_407 : vector<16xi32> to vector<16xi32>
      %mul3A_409 = arith.constant 5 : i32
      %mul3A_410 = arith.muli %select_n3A_350, %mul3A_409 : i32
      %add3A_411 = arith.addi %mul3A_21, %mul3A_410 : i32
      %broadcast_in_dim3A_412 = vector.broadcast %add3A_411 : i32 to vector<16xi32>
      %eq3A_413 = arith.cmpi eq, %get3A_408, %select_n3A_405 : vector<16xi32>
      %add3A_414 = arith.addi %broadcast_in_dim3A_412, %add3A_393 : vector<16xi32>
      %select_n3A_415 = arith.select %eq3A_413, %broadcast_in_dim3A_19, %add3A_414 : vector<16xi1>, vector<16xi32>
      %swap3A_416 = arith.constant 48 : index
      %swap3A_417 = tpu.vector_load %arg8[%swap3A_416] {strides = array<i32>} : memref<256xi32, #tpu.memory_space<vmem>>, vector<16xi32>,
      %swap3A_418 = vector.shape_cast %swap3A_417 : vector<16xi32> to vector<16xi32>
      %swap3A_419 = vector.shape_cast %select_n3A_415 : vector<16xi32> to vector<16xi32>
      tpu.vector_store %arg8[%swap3A_416], %swap3A_419 {strides = array<i32>} : memref<256xi32, #tpu.memory_space<vmem>>, vector<16xi32>,
      %add3A_420 = arith.constant 64 : i32
      %add3A_421 = arith.addi %mul3A_52, %add3A_420 : i32
      %jit3A_422 = arith.constant 880 : i32
      %div3A_423 = arith.divsi %add3A_421, %jit3A_422 : i32
      %sign3A_424 = arith.constant 0 : i32
      %sign3A_425 = arith.cmpi sgt, %add3A_421, %sign3A_424 : i32
      %sign3A_426 = arith.extui %sign3A_425 : i1 to i32
      %sign3A_427 = arith.constant 0 : i32
      %sign3A_428 = arith.cmpi slt, %add3A_421, %sign3A_427 : i32
      %sign3A_429 = arith.extui %sign3A_428 : i1 to i32
      %sign3A_430 = arith.subi %sign3A_426, %sign3A_429 : i32
      %sign3A_431 = arith.constant 0 : i32
      %sign3A_432 = arith.cmpi sgt, %jit3A_422, %sign3A_431 : i32
      %sign3A_433 = arith.extui %sign3A_432 : i1 to i32
      %sign3A_434 = arith.constant 0 : i32
      %sign3A_435 = arith.cmpi slt, %jit3A_422, %sign3A_434 : i32
      %sign3A_436 = arith.extui %sign3A_435 : i1 to i32
      %sign3A_437 = arith.subi %sign3A_433, %sign3A_436 : i32
      %ne3A_438 = arith.cmpi ne, %sign3A_430, %sign3A_437 : i32
      %rem3A_439 = arith.remsi %add3A_421, %jit3A_422 : i32
      %ne3A_440 = arith.constant 0 : i32
      %ne3A_441 = arith.cmpi ne, %rem3A_439, %ne3A_440 : i32
      %and3A_442 = arith.andi %ne3A_438, %ne3A_441 : i1
      %sub3A_443 = arith.constant 1 : i32
      %sub3A_444 = arith.subi %div3A_423, %sub3A_443 : i32
      %select_n3A_445 = arith.select %and3A_442, %sub3A_444, %div3A_423 : i32
      %jit3A_446 = arith.constant 880 : i32
      %eq3A_447 = arith.constant 0 : i32
      %eq3A_448 = arith.cmpi eq, %jit3A_446, %eq3A_447 : i32
      %jit3A_449 = arith.constant 1 : i32
      %select_n3A_450 = arith.select %eq3A_448, %jit3A_449, %jit3A_446 : i32
      %rem3A_451 = arith.remsi %add3A_421, %select_n3A_450 : i32
      %ne3A_452 = arith.constant 0 : i32
      %ne3A_453 = arith.cmpi ne, %rem3A_451, %ne3A_452 : i32
      %lt3A_454 = arith.constant 0 : i32
      %lt3A_455 = arith.cmpi slt, %rem3A_451, %lt3A_454 : i32
      %lt3A_456 = arith.constant 0 : i32
      %lt3A_457 = arith.cmpi slt, %select_n3A_450, %lt3A_456 : i32
      %ne3A_458 = arith.xori %lt3A_455, %lt3A_457 : i1
      %and3A_459 = arith.andi %ne3A_458, %ne3A_453 : i1
      %add3A_460 = arith.addi %rem3A_451, %select_n3A_450 : i32
      %select_n3A_461 = arith.select %and3A_459, %add3A_460, %rem3A_451 : i32
      %broadcast_in_dim3A_462 = vector.broadcast %select_n3A_461 : i32 to vector<16xi32>
      %add3A_463 = arith.addi %broadcast_in_dim3A_462, %iota3A : vector<16xi32>
      %broadcast_in_dim3A_464 = arith.constant 1 : i32
      %broadcast_in_dim3A_465 = vector.broadcast %broadcast_in_dim3A_464 : i32 to vector<16xi32>
      %ge3A_466 = arith.cmpi sge, %add3A_463, %broadcast_in_dim3A_465 : vector<16xi32>
      %select_n3A_467 = arith.select %ge3A_466, %broadcast_in_dim3A_23, %broadcast_in_dim3A_25 : vector<16xi1>, vector<16xi32>
      %add3A_468 = arith.addi %broadcast_in_dim3A_25, %select_n3A_467 : vector<16xi32>
      %broadcast_in_dim3A_469 = arith.constant 51 : i32
      %broadcast_in_dim3A_470 = vector.broadcast %broadcast_in_dim3A_469 : i32 to vector<16xi32>
      %ge3A_471 = arith.cmpi sge, %add3A_463, %broadcast_in_dim3A_470 : vector<16xi32>
      %select_n3A_472 = arith.select %ge3A_471, %broadcast_in_dim3A_23, %broadcast_in_dim3A_25 : vector<16xi1>, vector<16xi32>
      %add3A_473 = arith.addi %add3A_468, %select_n3A_472 : vector<16xi32>
      %broadcast_in_dim3A_474 = arith.constant 71 : i32
      %broadcast_in_dim3A_475 = vector.broadcast %broadcast_in_dim3A_474 : i32 to vector<16xi32>
      %ge3A_476 = arith.cmpi sge, %add3A_463, %broadcast_in_dim3A_475 : vector<16xi32>
      %select_n3A_477 = arith.select %ge3A_476, %broadcast_in_dim3A_23, %broadcast_in_dim3A_25 : vector<16xi1>, vector<16xi32>
      %add3A_478 = arith.addi %add3A_473, %select_n3A_477 : vector<16xi32>
      %broadcast_in_dim3A_479 = arith.constant 471 : i32
      %broadcast_in_dim3A_480 = vector.broadcast %broadcast_in_dim3A_479 : i32 to vector<16xi32>
      %ge3A_481 = arith.cmpi sge, %add3A_463, %broadcast_in_dim3A_480 : vector<16xi32>
      %select_n3A_482 = arith.select %ge3A_481, %broadcast_in_dim3A_23, %broadcast_in_dim3A_25 : vector<16xi1>, vector<16xi32>
      %add3A_483 = arith.addi %add3A_478, %select_n3A_482 : vector<16xi32>
      %broadcast_in_dim3A_484 = arith.constant 871 : i32
      %broadcast_in_dim3A_485 = vector.broadcast %broadcast_in_dim3A_484 : i32 to vector<16xi32>
      %ge3A_486 = arith.cmpi sge, %add3A_463, %broadcast_in_dim3A_485 : vector<16xi32>
      %select_n3A_487 = arith.select %ge3A_486, %broadcast_in_dim3A_23, %broadcast_in_dim3A_25 : vector<16xi1>, vector<16xi32>
      %add3A_488 = arith.addi %add3A_483, %select_n3A_487 : vector<16xi32>
      %broadcast_in_dim3A_489 = arith.constant 2 : i32
      %broadcast_in_dim3A_490 = vector.broadcast %broadcast_in_dim3A_489 : i32 to vector<16xi32>
      %eq3A_491 = arith.cmpi eq, %add3A_488, %broadcast_in_dim3A_490 : vector<16xi32>
      %broadcast_in_dim3A_492 = arith.constant 101000 : i32
      %broadcast_in_dim3A_493 = vector.broadcast %broadcast_in_dim3A_492 : i32 to vector<16xi32>
      %eq3A_494 = arith.cmpi eq, %add3A_488, %broadcast_in_dim3A_25 : vector<16xi32>
      %broadcast_in_dim3A_495 = arith.constant -1 : i32
      %broadcast_in_dim3A_496 = vector.broadcast %broadcast_in_dim3A_495 : i32 to vector<16xi32>
      %broadcast_in_dim3A_497 = arith.constant 201000 : i32
      %broadcast_in_dim3A_498 = vector.broadcast %broadcast_in_dim3A_497 : i32 to vector<16xi32>
      %select_n3A_499 = arith.select %eq3A_494, %broadcast_in_dim3A_496, %broadcast_in_dim3A_498 : vector<16xi1>, vector<16xi32>
      %select_n3A_500 = arith.select %eq3A_491, %broadcast_in_dim3A_493, %select_n3A_499 : vector<16xi1>, vector<16xi32>
      %get3A_501 = arith.index_cast %add3A_421 : i32 to index
      %get3A_502 = tpu.vector_load %arg5[%get3A_501] {strides = array<i32>} : memref<28160xi32, #tpu.memory_space<vmem>>, vector<16xi32>,
      %get3A_503 = vector.shape_cast %get3A_502 : vector<16xi32> to vector<16xi32>
      %mul3A_504 = arith.constant 5 : i32
      %mul3A_505 = arith.muli %select_n3A_445, %mul3A_504 : i32
      %add3A_506 = arith.addi %mul3A_21, %mul3A_505 : i32
      %broadcast_in_dim3A_507 = vector.broadcast %add3A_506 : i32 to vector<16xi32>
      %eq3A_508 = arith.cmpi eq, %get3A_503, %select_n3A_500 : vector<16xi32>
      %add3A_509 = arith.addi %broadcast_in_dim3A_507, %add3A_488 : vector<16xi32>
      %select_n3A_510 = arith.select %eq3A_508, %broadcast_in_dim3A_19, %add3A_509 : vector<16xi1>, vector<16xi32>
      %swap3A_511 = arith.constant 64 : index
      %swap3A_512 = tpu.vector_load %arg8[%swap3A_511] {strides = array<i32>} : memref<256xi32, #tpu.memory_space<vmem>>, vector<16xi32>,
      %swap3A_513 = vector.shape_cast %swap3A_512 : vector<16xi32> to vector<16xi32>
      %swap3A_514 = vector.shape_cast %select_n3A_510 : vector<16xi32> to vector<16xi32>
      tpu.vector_store %arg8[%swap3A_511], %swap3A_514 {strides = array<i32>} : memref<256xi32, #tpu.memory_space<vmem>>, vector<16xi32>,
      %add3A_515 = arith.constant 80 : i32
      %add3A_516 = arith.addi %mul3A_52, %add3A_515 : i32
      %jit3A_517 = arith.constant 880 : i32
      %div3A_518 = arith.divsi %add3A_516, %jit3A_517 : i32
      %sign3A_519 = arith.constant 0 : i32
      %sign3A_520 = arith.cmpi sgt, %add3A_516, %sign3A_519 : i32
      %sign3A_521 = arith.extui %sign3A_520 : i1 to i32
      %sign3A_522 = arith.constant 0 : i32
      %sign3A_523 = arith.cmpi slt, %add3A_516, %sign3A_522 : i32
      %sign3A_524 = arith.extui %sign3A_523 : i1 to i32
      %sign3A_525 = arith.subi %sign3A_521, %sign3A_524 : i32
      %sign3A_526 = arith.constant 0 : i32
      %sign3A_527 = arith.cmpi sgt, %jit3A_517, %sign3A_526 : i32
      %sign3A_528 = arith.extui %sign3A_527 : i1 to i32
      %sign3A_529 = arith.constant 0 : i32
      %sign3A_530 = arith.cmpi slt, %jit3A_517, %sign3A_529 : i32
      %sign3A_531 = arith.extui %sign3A_530 : i1 to i32
      %sign3A_532 = arith.subi %sign3A_528, %sign3A_531 : i32
      %ne3A_533 = arith.cmpi ne, %sign3A_525, %sign3A_532 : i32
      %rem3A_534 = arith.remsi %add3A_516, %jit3A_517 : i32
      %ne3A_535 = arith.constant 0 : i32
      %ne3A_536 = arith.cmpi ne, %rem3A_534, %ne3A_535 : i32
      %and3A_537 = arith.andi %ne3A_533, %ne3A_536 : i1
      %sub3A_538 = arith.constant 1 : i32
      %sub3A_539 = arith.subi %div3A_518, %sub3A_538 : i32
      %select_n3A_540 = arith.select %and3A_537, %sub3A_539, %div3A_518 : i32
      %jit3A_541 = arith.constant 880 : i32
      %eq3A_542 = arith.constant 0 : i32
      %eq3A_543 = arith.cmpi eq, %jit3A_541, %eq3A_542 : i32
      %jit3A_544 = arith.constant 1 : i32
      %select_n3A_545 = arith.select %eq3A_543, %jit3A_544, %jit3A_541 : i32
      %rem3A_546 = arith.remsi %add3A_516, %select_n3A_545 : i32
      %ne3A_547 = arith.constant 0 : i32
      %ne3A_548 = arith.cmpi ne, %rem3A_546, %ne3A_547 : i32
      %lt3A_549 = arith.constant 0 : i32
      %lt3A_550 = arith.cmpi slt, %rem3A_546, %lt3A_549 : i32
      %lt3A_551 = arith.constant 0 : i32
      %lt3A_552 = arith.cmpi slt, %select_n3A_545, %lt3A_551 : i32
      %ne3A_553 = arith.xori %lt3A_550, %lt3A_552 : i1
      %and3A_554 = arith.andi %ne3A_553, %ne3A_548 : i1
      %add3A_555 = arith.addi %rem3A_546, %select_n3A_545 : i32
      %select_n3A_556 = arith.select %and3A_554, %add3A_555, %rem3A_546 : i32
      %broadcast_in_dim3A_557 = vector.broadcast %select_n3A_556 : i32 to vector<16xi32>
      %add3A_558 = arith.addi %broadcast_in_dim3A_557, %iota3A : vector<16xi32>
      %broadcast_in_dim3A_559 = arith.constant 1 : i32
      %broadcast_in_dim3A_560 = vector.broadcast %broadcast_in_dim3A_559 : i32 to vector<16xi32>
      %ge3A_561 = arith.cmpi sge, %add3A_558, %broadcast_in_dim3A_560 : vector<16xi32>
      %select_n3A_562 = arith.select %ge3A_561, %broadcast_in_dim3A_23, %broadcast_in_dim3A_25 : vector<16xi1>, vector<16xi32>
      %add3A_563 = arith.addi %broadcast_in_dim3A_25, %select_n3A_562 : vector<16xi32>
      %broadcast_in_dim3A_564 = arith.constant 51 : i32
      %broadcast_in_dim3A_565 = vector.broadcast %broadcast_in_dim3A_564 : i32 to vector<16xi32>
      %ge3A_566 = arith.cmpi sge, %add3A_558, %broadcast_in_dim3A_565 : vector<16xi32>
      %select_n3A_567 = arith.select %ge3A_566, %broadcast_in_dim3A_23, %broadcast_in_dim3A_25 : vector<16xi1>, vector<16xi32>
      %add3A_568 = arith.addi %add3A_563, %select_n3A_567 : vector<16xi32>
      %broadcast_in_dim3A_569 = arith.constant 71 : i32
      %broadcast_in_dim3A_570 = vector.broadcast %broadcast_in_dim3A_569 : i32 to vector<16xi32>
      %ge3A_571 = arith.cmpi sge, %add3A_558, %broadcast_in_dim3A_570 : vector<16xi32>
      %select_n3A_572 = arith.select %ge3A_571, %broadcast_in_dim3A_23, %broadcast_in_dim3A_25 : vector<16xi1>, vector<16xi32>
      %add3A_573 = arith.addi %add3A_568, %select_n3A_572 : vector<16xi32>
      %broadcast_in_dim3A_574 = arith.constant 471 : i32
      %broadcast_in_dim3A_575 = vector.broadcast %broadcast_in_dim3A_574 : i32 to vector<16xi32>
      %ge3A_576 = arith.cmpi sge, %add3A_558, %broadcast_in_dim3A_575 : vector<16xi32>
      %select_n3A_577 = arith.select %ge3A_576, %broadcast_in_dim3A_23, %broadcast_in_dim3A_25 : vector<16xi1>, vector<16xi32>
      %add3A_578 = arith.addi %add3A_573, %select_n3A_577 : vector<16xi32>
      %broadcast_in_dim3A_579 = arith.constant 871 : i32
      %broadcast_in_dim3A_580 = vector.broadcast %broadcast_in_dim3A_579 : i32 to vector<16xi32>
      %ge3A_581 = arith.cmpi sge, %add3A_558, %broadcast_in_dim3A_580 : vector<16xi32>
      %select_n3A_582 = arith.select %ge3A_581, %broadcast_in_dim3A_23, %broadcast_in_dim3A_25 : vector<16xi1>, vector<16xi32>
      %add3A_583 = arith.addi %add3A_578, %select_n3A_582 : vector<16xi32>
      %broadcast_in_dim3A_584 = arith.constant 2 : i32
      %broadcast_in_dim3A_585 = vector.broadcast %broadcast_in_dim3A_584 : i32 to vector<16xi32>
      %eq3A_586 = arith.cmpi eq, %add3A_583, %broadcast_in_dim3A_585 : vector<16xi32>
      %broadcast_in_dim3A_587 = arith.constant 101000 : i32
      %broadcast_in_dim3A_588 = vector.broadcast %broadcast_in_dim3A_587 : i32 to vector<16xi32>
      %eq3A_589 = arith.cmpi eq, %add3A_583, %broadcast_in_dim3A_25 : vector<16xi32>
      %broadcast_in_dim3A_590 = arith.constant -1 : i32
      %broadcast_in_dim3A_591 = vector.broadcast %broadcast_in_dim3A_590 : i32 to vector<16xi32>
      %broadcast_in_dim3A_592 = arith.constant 201000 : i32
      %broadcast_in_dim3A_593 = vector.broadcast %broadcast_in_dim3A_592 : i32 to vector<16xi32>
      %select_n3A_594 = arith.select %eq3A_589, %broadcast_in_dim3A_591, %broadcast_in_dim3A_593 : vector<16xi1>, vector<16xi32>
      %select_n3A_595 = arith.select %eq3A_586, %broadcast_in_dim3A_588, %select_n3A_594 : vector<16xi1>, vector<16xi32>
      %get3A_596 = arith.index_cast %add3A_516 : i32 to index
      %get3A_597 = tpu.vector_load %arg5[%get3A_596] {strides = array<i32>} : memref<28160xi32, #tpu.memory_space<vmem>>, vector<16xi32>,
      %get3A_598 = vector.shape_cast %get3A_597 : vector<16xi32> to vector<16xi32>
      %mul3A_599 = arith.constant 5 : i32
      %mul3A_600 = arith.muli %select_n3A_540, %mul3A_599 : i32
      %add3A_601 = arith.addi %mul3A_21, %mul3A_600 : i32
      %broadcast_in_dim3A_602 = vector.broadcast %add3A_601 : i32 to vector<16xi32>
      %eq3A_603 = arith.cmpi eq, %get3A_598, %select_n3A_595 : vector<16xi32>
      %add3A_604 = arith.addi %broadcast_in_dim3A_602, %add3A_583 : vector<16xi32>
      %select_n3A_605 = arith.select %eq3A_603, %broadcast_in_dim3A_19, %add3A_604 : vector<16xi1>, vector<16xi32>
      %swap3A_606 = arith.constant 80 : index
      %swap3A_607 = tpu.vector_load %arg8[%swap3A_606] {strides = array<i32>} : memref<256xi32, #tpu.memory_space<vmem>>, vector<16xi32>,
      %swap3A_608 = vector.shape_cast %swap3A_607 : vector<16xi32> to vector<16xi32>
      %swap3A_609 = vector.shape_cast %select_n3A_605 : vector<16xi32> to vector<16xi32>
      tpu.vector_store %arg8[%swap3A_606], %swap3A_609 {strides = array<i32>} : memref<256xi32, #tpu.memory_space<vmem>>, vector<16xi32>,
      %add3A_610 = arith.constant 96 : i32
      %add3A_611 = arith.addi %mul3A_52, %add3A_610 : i32
      %jit3A_612 = arith.constant 880 : i32
      %div3A_613 = arith.divsi %add3A_611, %jit3A_612 : i32
      %sign3A_614 = arith.constant 0 : i32
      %sign3A_615 = arith.cmpi sgt, %add3A_611, %sign3A_614 : i32
      %sign3A_616 = arith.extui %sign3A_615 : i1 to i32
      %sign3A_617 = arith.constant 0 : i32
      %sign3A_618 = arith.cmpi slt, %add3A_611, %sign3A_617 : i32
      %sign3A_619 = arith.extui %sign3A_618 : i1 to i32
      %sign3A_620 = arith.subi %sign3A_616, %sign3A_619 : i32
      %sign3A_621 = arith.constant 0 : i32
      %sign3A_622 = arith.cmpi sgt, %jit3A_612, %sign3A_621 : i32
      %sign3A_623 = arith.extui %sign3A_622 : i1 to i32
      %sign3A_624 = arith.constant 0 : i32
      %sign3A_625 = arith.cmpi slt, %jit3A_612, %sign3A_624 : i32
      %sign3A_626 = arith.extui %sign3A_625 : i1 to i32
      %sign3A_627 = arith.subi %sign3A_623, %sign3A_626 : i32
      %ne3A_628 = arith.cmpi ne, %sign3A_620, %sign3A_627 : i32
      %rem3A_629 = arith.remsi %add3A_611, %jit3A_612 : i32
      %ne3A_630 = arith.constant 0 : i32
      %ne3A_631 = arith.cmpi ne, %rem3A_629, %ne3A_630 : i32
      %and3A_632 = arith.andi %ne3A_628, %ne3A_631 : i1
      %sub3A_633 = arith.constant 1 : i32
      %sub3A_634 = arith.subi %div3A_613, %sub3A_633 : i32
      %select_n3A_635 = arith.select %and3A_632, %sub3A_634, %div3A_613 : i32
      %jit3A_636 = arith.constant 880 : i32
      %eq3A_637 = arith.constant 0 : i32
      %eq3A_638 = arith.cmpi eq, %jit3A_636, %eq3A_637 : i32
      %jit3A_639 = arith.constant 1 : i32
      %select_n3A_640 = arith.select %eq3A_638, %jit3A_639, %jit3A_636 : i32
      %rem3A_641 = arith.remsi %add3A_611, %select_n3A_640 : i32
      %ne3A_642 = arith.constant 0 : i32
      %ne3A_643 = arith.cmpi ne, %rem3A_641, %ne3A_642 : i32
      %lt3A_644 = arith.constant 0 : i32
      %lt3A_645 = arith.cmpi slt, %rem3A_641, %lt3A_644 : i32
      %lt3A_646 = arith.constant 0 : i32
      %lt3A_647 = arith.cmpi slt, %select_n3A_640, %lt3A_646 : i32
      %ne3A_648 = arith.xori %lt3A_645, %lt3A_647 : i1
      %and3A_649 = arith.andi %ne3A_648, %ne3A_643 : i1
      %add3A_650 = arith.addi %rem3A_641, %select_n3A_640 : i32
      %select_n3A_651 = arith.select %and3A_649, %add3A_650, %rem3A_641 : i32
      %broadcast_in_dim3A_652 = vector.broadcast %select_n3A_651 : i32 to vector<16xi32>
      %add3A_653 = arith.addi %broadcast_in_dim3A_652, %iota3A : vector<16xi32>
      %broadcast_in_dim3A_654 = arith.constant 1 : i32
      %broadcast_in_dim3A_655 = vector.broadcast %broadcast_in_dim3A_654 : i32 to vector<16xi32>
      %ge3A_656 = arith.cmpi sge, %add3A_653, %broadcast_in_dim3A_655 : vector<16xi32>
      %select_n3A_657 = arith.select %ge3A_656, %broadcast_in_dim3A_23, %broadcast_in_dim3A_25 : vector<16xi1>, vector<16xi32>
      %add3A_658 = arith.addi %broadcast_in_dim3A_25, %select_n3A_657 : vector<16xi32>
      %broadcast_in_dim3A_659 = arith.constant 51 : i32
      %broadcast_in_dim3A_660 = vector.broadcast %broadcast_in_dim3A_659 : i32 to vector<16xi32>
      %ge3A_661 = arith.cmpi sge, %add3A_653, %broadcast_in_dim3A_660 : vector<16xi32>
      %select_n3A_662 = arith.select %ge3A_661, %broadcast_in_dim3A_23, %broadcast_in_dim3A_25 : vector<16xi1>, vector<16xi32>
      %add3A_663 = arith.addi %add3A_658, %select_n3A_662 : vector<16xi32>
      %broadcast_in_dim3A_664 = arith.constant 71 : i32
      %broadcast_in_dim3A_665 = vector.broadcast %broadcast_in_dim3A_664 : i32 to vector<16xi32>
      %ge3A_666 = arith.cmpi sge, %add3A_653, %broadcast_in_dim3A_665 : vector<16xi32>
      %select_n3A_667 = arith.select %ge3A_666, %broadcast_in_dim3A_23, %broadcast_in_dim3A_25 : vector<16xi1>, vector<16xi32>
      %add3A_668 = arith.addi %add3A_663, %select_n3A_667 : vector<16xi32>
      %broadcast_in_dim3A_669 = arith.constant 471 : i32
      %broadcast_in_dim3A_670 = vector.broadcast %broadcast_in_dim3A_669 : i32 to vector<16xi32>
      %ge3A_671 = arith.cmpi sge, %add3A_653, %broadcast_in_dim3A_670 : vector<16xi32>
      %select_n3A_672 = arith.select %ge3A_671, %broadcast_in_dim3A_23, %broadcast_in_dim3A_25 : vector<16xi1>, vector<16xi32>
      %add3A_673 = arith.addi %add3A_668, %select_n3A_672 : vector<16xi32>
      %broadcast_in_dim3A_674 = arith.constant 871 : i32
      %broadcast_in_dim3A_675 = vector.broadcast %broadcast_in_dim3A_674 : i32 to vector<16xi32>
      %ge3A_676 = arith.cmpi sge, %add3A_653, %broadcast_in_dim3A_675 : vector<16xi32>
      %select_n3A_677 = arith.select %ge3A_676, %broadcast_in_dim3A_23, %broadcast_in_dim3A_25 : vector<16xi1>, vector<16xi32>
      %add3A_678 = arith.addi %add3A_673, %select_n3A_677 : vector<16xi32>
      %broadcast_in_dim3A_679 = arith.constant 2 : i32
      %broadcast_in_dim3A_680 = vector.broadcast %broadcast_in_dim3A_679 : i32 to vector<16xi32>
      %eq3A_681 = arith.cmpi eq, %add3A_678, %broadcast_in_dim3A_680 : vector<16xi32>
      %broadcast_in_dim3A_682 = arith.constant 101000 : i32
      %broadcast_in_dim3A_683 = vector.broadcast %broadcast_in_dim3A_682 : i32 to vector<16xi32>
      %eq3A_684 = arith.cmpi eq, %add3A_678, %broadcast_in_dim3A_25 : vector<16xi32>
      %broadcast_in_dim3A_685 = arith.constant -1 : i32
      %broadcast_in_dim3A_686 = vector.broadcast %broadcast_in_dim3A_685 : i32 to vector<16xi32>
      %broadcast_in_dim3A_687 = arith.constant 201000 : i32
      %broadcast_in_dim3A_688 = vector.broadcast %broadcast_in_dim3A_687 : i32 to vector<16xi32>
      %select_n3A_689 = arith.select %eq3A_684, %broadcast_in_dim3A_686, %broadcast_in_dim3A_688 : vector<16xi1>, vector<16xi32>
      %select_n3A_690 = arith.select %eq3A_681, %broadcast_in_dim3A_683, %select_n3A_689 : vector<16xi1>, vector<16xi32>
      %get3A_691 = arith.index_cast %add3A_611 : i32 to index
      %get3A_692 = tpu.vector_load %arg5[%get3A_691] {strides = array<i32>} : memref<28160xi32, #tpu.memory_space<vmem>>, vector<16xi32>,
      %get3A_693 = vector.shape_cast %get3A_692 : vector<16xi32> to vector<16xi32>
      %mul3A_694 = arith.constant 5 : i32
      %mul3A_695 = arith.muli %select_n3A_635, %mul3A_694 : i32
      %add3A_696 = arith.addi %mul3A_21, %mul3A_695 : i32
      %broadcast_in_dim3A_697 = vector.broadcast %add3A_696 : i32 to vector<16xi32>
      %eq3A_698 = arith.cmpi eq, %get3A_693, %select_n3A_690 : vector<16xi32>
      %add3A_699 = arith.addi %broadcast_in_dim3A_697, %add3A_678 : vector<16xi32>
      %select_n3A_700 = arith.select %eq3A_698, %broadcast_in_dim3A_19, %add3A_699 : vector<16xi1>, vector<16xi32>
      %swap3A_701 = arith.constant 96 : index
      %swap3A_702 = tpu.vector_load %arg8[%swap3A_701] {strides = array<i32>} : memref<256xi32, #tpu.memory_space<vmem>>, vector<16xi32>,
      %swap3A_703 = vector.shape_cast %swap3A_702 : vector<16xi32> to vector<16xi32>
      %swap3A_704 = vector.shape_cast %select_n3A_700 : vector<16xi32> to vector<16xi32>
      tpu.vector_store %arg8[%swap3A_701], %swap3A_704 {strides = array<i32>} : memref<256xi32, #tpu.memory_space<vmem>>, vector<16xi32>,
      %add3A_705 = arith.constant 112 : i32
      %add3A_706 = arith.addi %mul3A_52, %add3A_705 : i32
      %jit3A_707 = arith.constant 880 : i32
      %div3A_708 = arith.divsi %add3A_706, %jit3A_707 : i32
      %sign3A_709 = arith.constant 0 : i32
      %sign3A_710 = arith.cmpi sgt, %add3A_706, %sign3A_709 : i32
      %sign3A_711 = arith.extui %sign3A_710 : i1 to i32
      %sign3A_712 = arith.constant 0 : i32
      %sign3A_713 = arith.cmpi slt, %add3A_706, %sign3A_712 : i32
      %sign3A_714 = arith.extui %sign3A_713 : i1 to i32
      %sign3A_715 = arith.subi %sign3A_711, %sign3A_714 : i32
      %sign3A_716 = arith.constant 0 : i32
      %sign3A_717 = arith.cmpi sgt, %jit3A_707, %sign3A_716 : i32
      %sign3A_718 = arith.extui %sign3A_717 : i1 to i32
      %sign3A_719 = arith.constant 0 : i32
      %sign3A_720 = arith.cmpi slt, %jit3A_707, %sign3A_719 : i32
      %sign3A_721 = arith.extui %sign3A_720 : i1 to i32
      %sign3A_722 = arith.subi %sign3A_718, %sign3A_721 : i32
      %ne3A_723 = arith.cmpi ne, %sign3A_715, %sign3A_722 : i32
      %rem3A_724 = arith.remsi %add3A_706, %jit3A_707 : i32
      %ne3A_725 = arith.constant 0 : i32
      %ne3A_726 = arith.cmpi ne, %rem3A_724, %ne3A_725 : i32
      %and3A_727 = arith.andi %ne3A_723, %ne3A_726 : i1
      %sub3A_728 = arith.constant 1 : i32
      %sub3A_729 = arith.subi %div3A_708, %sub3A_728 : i32
      %select_n3A_730 = arith.select %and3A_727, %sub3A_729, %div3A_708 : i32
      %jit3A_731 = arith.constant 880 : i32
      %eq3A_732 = arith.constant 0 : i32
      %eq3A_733 = arith.cmpi eq, %jit3A_731, %eq3A_732 : i32
      %jit3A_734 = arith.constant 1 : i32
      %select_n3A_735 = arith.select %eq3A_733, %jit3A_734, %jit3A_731 : i32
      %rem3A_736 = arith.remsi %add3A_706, %select_n3A_735 : i32
      %ne3A_737 = arith.constant 0 : i32
      %ne3A_738 = arith.cmpi ne, %rem3A_736, %ne3A_737 : i32
      %lt3A_739 = arith.constant 0 : i32
      %lt3A_740 = arith.cmpi slt, %rem3A_736, %lt3A_739 : i32
      %lt3A_741 = arith.constant 0 : i32
      %lt3A_742 = arith.cmpi slt, %select_n3A_735, %lt3A_741 : i32
      %ne3A_743 = arith.xori %lt3A_740, %lt3A_742 : i1
      %and3A_744 = arith.andi %ne3A_743, %ne3A_738 : i1
      %add3A_745 = arith.addi %rem3A_736, %select_n3A_735 : i32
      %select_n3A_746 = arith.select %and3A_744, %add3A_745, %rem3A_736 : i32
      %broadcast_in_dim3A_747 = vector.broadcast %select_n3A_746 : i32 to vector<16xi32>
      %add3A_748 = arith.addi %broadcast_in_dim3A_747, %iota3A : vector<16xi32>
      %broadcast_in_dim3A_749 = arith.constant 1 : i32
      %broadcast_in_dim3A_750 = vector.broadcast %broadcast_in_dim3A_749 : i32 to vector<16xi32>
      %ge3A_751 = arith.cmpi sge, %add3A_748, %broadcast_in_dim3A_750 : vector<16xi32>
      %select_n3A_752 = arith.select %ge3A_751, %broadcast_in_dim3A_23, %broadcast_in_dim3A_25 : vector<16xi1>, vector<16xi32>
      %add3A_753 = arith.addi %broadcast_in_dim3A_25, %select_n3A_752 : vector<16xi32>
      %broadcast_in_dim3A_754 = arith.constant 51 : i32
      %broadcast_in_dim3A_755 = vector.broadcast %broadcast_in_dim3A_754 : i32 to vector<16xi32>
      %ge3A_756 = arith.cmpi sge, %add3A_748, %broadcast_in_dim3A_755 : vector<16xi32>
      %select_n3A_757 = arith.select %ge3A_756, %broadcast_in_dim3A_23, %broadcast_in_dim3A_25 : vector<16xi1>, vector<16xi32>
      %add3A_758 = arith.addi %add3A_753, %select_n3A_757 : vector<16xi32>
      %broadcast_in_dim3A_759 = arith.constant 71 : i32
      %broadcast_in_dim3A_760 = vector.broadcast %broadcast_in_dim3A_759 : i32 to vector<16xi32>
      %ge3A_761 = arith.cmpi sge, %add3A_748, %broadcast_in_dim3A_760 : vector<16xi32>
      %select_n3A_762 = arith.select %ge3A_761, %broadcast_in_dim3A_23, %broadcast_in_dim3A_25 : vector<16xi1>, vector<16xi32>
      %add3A_763 = arith.addi %add3A_758, %select_n3A_762 : vector<16xi32>
      %broadcast_in_dim3A_764 = arith.constant 471 : i32
      %broadcast_in_dim3A_765 = vector.broadcast %broadcast_in_dim3A_764 : i32 to vector<16xi32>
      %ge3A_766 = arith.cmpi sge, %add3A_748, %broadcast_in_dim3A_765 : vector<16xi32>
      %select_n3A_767 = arith.select %ge3A_766, %broadcast_in_dim3A_23, %broadcast_in_dim3A_25 : vector<16xi1>, vector<16xi32>
      %add3A_768 = arith.addi %add3A_763, %select_n3A_767 : vector<16xi32>
      %broadcast_in_dim3A_769 = arith.constant 871 : i32
      %broadcast_in_dim3A_770 = vector.broadcast %broadcast_in_dim3A_769 : i32 to vector<16xi32>
      %ge3A_771 = arith.cmpi sge, %add3A_748, %broadcast_in_dim3A_770 : vector<16xi32>
      %select_n3A_772 = arith.select %ge3A_771, %broadcast_in_dim3A_23, %broadcast_in_dim3A_25 : vector<16xi1>, vector<16xi32>
      %add3A_773 = arith.addi %add3A_768, %select_n3A_772 : vector<16xi32>
      %broadcast_in_dim3A_774 = arith.constant 2 : i32
      %broadcast_in_dim3A_775 = vector.broadcast %broadcast_in_dim3A_774 : i32 to vector<16xi32>
      %eq3A_776 = arith.cmpi eq, %add3A_773, %broadcast_in_dim3A_775 : vector<16xi32>
      %broadcast_in_dim3A_777 = arith.constant 101000 : i32
      %broadcast_in_dim3A_778 = vector.broadcast %broadcast_in_dim3A_777 : i32 to vector<16xi32>
      %eq3A_779 = arith.cmpi eq, %add3A_773, %broadcast_in_dim3A_25 : vector<16xi32>
      %broadcast_in_dim3A_780 = arith.constant -1 : i32
      %broadcast_in_dim3A_781 = vector.broadcast %broadcast_in_dim3A_780 : i32 to vector<16xi32>
      %broadcast_in_dim3A_782 = arith.constant 201000 : i32
      %broadcast_in_dim3A_783 = vector.broadcast %broadcast_in_dim3A_782 : i32 to vector<16xi32>
      %select_n3A_784 = arith.select %eq3A_779, %broadcast_in_dim3A_781, %broadcast_in_dim3A_783 : vector<16xi1>, vector<16xi32>
      %select_n3A_785 = arith.select %eq3A_776, %broadcast_in_dim3A_778, %select_n3A_784 : vector<16xi1>, vector<16xi32>
      %get3A_786 = arith.index_cast %add3A_706 : i32 to index
      %get3A_787 = tpu.vector_load %arg5[%get3A_786] {strides = array<i32>} : memref<28160xi32, #tpu.memory_space<vmem>>, vector<16xi32>,
      %get3A_788 = vector.shape_cast %get3A_787 : vector<16xi32> to vector<16xi32>
      %mul3A_789 = arith.constant 5 : i32
      %mul3A_790 = arith.muli %select_n3A_730, %mul3A_789 : i32
      %add3A_791 = arith.addi %mul3A_21, %mul3A_790 : i32
      %broadcast_in_dim3A_792 = vector.broadcast %add3A_791 : i32 to vector<16xi32>
      %eq3A_793 = arith.cmpi eq, %get3A_788, %select_n3A_785 : vector<16xi32>
      %add3A_794 = arith.addi %broadcast_in_dim3A_792, %add3A_773 : vector<16xi32>
      %select_n3A_795 = arith.select %eq3A_793, %broadcast_in_dim3A_19, %add3A_794 : vector<16xi1>, vector<16xi32>
      %swap3A_796 = arith.constant 112 : index
      %swap3A_797 = tpu.vector_load %arg8[%swap3A_796] {strides = array<i32>} : memref<256xi32, #tpu.memory_space<vmem>>, vector<16xi32>,
      %swap3A_798 = vector.shape_cast %swap3A_797 : vector<16xi32> to vector<16xi32>
      %swap3A_799 = vector.shape_cast %select_n3A_795 : vector<16xi32> to vector<16xi32>
      tpu.vector_store %arg8[%swap3A_796], %swap3A_799 {strides = array<i32>} : memref<256xi32, #tpu.memory_space<vmem>>, vector<16xi32>,
      %add3A_800 = arith.constant 128 : i32
      %add3A_801 = arith.addi %mul3A_52, %add3A_800 : i32
      %jit3A_802 = arith.constant 880 : i32
      %div3A_803 = arith.divsi %add3A_801, %jit3A_802 : i32
      %sign3A_804 = arith.constant 0 : i32
      %sign3A_805 = arith.cmpi sgt, %add3A_801, %sign3A_804 : i32
      %sign3A_806 = arith.extui %sign3A_805 : i1 to i32
      %sign3A_807 = arith.constant 0 : i32
      %sign3A_808 = arith.cmpi slt, %add3A_801, %sign3A_807 : i32
      %sign3A_809 = arith.extui %sign3A_808 : i1 to i32
      %sign3A_810 = arith.subi %sign3A_806, %sign3A_809 : i32
      %sign3A_811 = arith.constant 0 : i32
      %sign3A_812 = arith.cmpi sgt, %jit3A_802, %sign3A_811 : i32
      %sign3A_813 = arith.extui %sign3A_812 : i1 to i32
      %sign3A_814 = arith.constant 0 : i32
      %sign3A_815 = arith.cmpi slt, %jit3A_802, %sign3A_814 : i32
      %sign3A_816 = arith.extui %sign3A_815 : i1 to i32
      %sign3A_817 = arith.subi %sign3A_813, %sign3A_816 : i32
      %ne3A_818 = arith.cmpi ne, %sign3A_810, %sign3A_817 : i32
      %rem3A_819 = arith.remsi %add3A_801, %jit3A_802 : i32
      %ne3A_820 = arith.constant 0 : i32
      %ne3A_821 = arith.cmpi ne, %rem3A_819, %ne3A_820 : i32
      %and3A_822 = arith.andi %ne3A_818, %ne3A_821 : i1
      %sub3A_823 = arith.constant 1 : i32
      %sub3A_824 = arith.subi %div3A_803, %sub3A_823 : i32
      %select_n3A_825 = arith.select %and3A_822, %sub3A_824, %div3A_803 : i32
      %jit3A_826 = arith.constant 880 : i32
      %eq3A_827 = arith.constant 0 : i32
      %eq3A_828 = arith.cmpi eq, %jit3A_826, %eq3A_827 : i32
      %jit3A_829 = arith.constant 1 : i32
      %select_n3A_830 = arith.select %eq3A_828, %jit3A_829, %jit3A_826 : i32
      %rem3A_831 = arith.remsi %add3A_801, %select_n3A_830 : i32
      %ne3A_832 = arith.constant 0 : i32
      %ne3A_833 = arith.cmpi ne, %rem3A_831, %ne3A_832 : i32
      %lt3A_834 = arith.constant 0 : i32
      %lt3A_835 = arith.cmpi slt, %rem3A_831, %lt3A_834 : i32
      %lt3A_836 = arith.constant 0 : i32
      %lt3A_837 = arith.cmpi slt, %select_n3A_830, %lt3A_836 : i32
      %ne3A_838 = arith.xori %lt3A_835, %lt3A_837 : i1
      %and3A_839 = arith.andi %ne3A_838, %ne3A_833 : i1
      %add3A_840 = arith.addi %rem3A_831, %select_n3A_830 : i32
      %select_n3A_841 = arith.select %and3A_839, %add3A_840, %rem3A_831 : i32
      %broadcast_in_dim3A_842 = vector.broadcast %select_n3A_841 : i32 to vector<16xi32>
      %add3A_843 = arith.addi %broadcast_in_dim3A_842, %iota3A : vector<16xi32>
      %broadcast_in_dim3A_844 = arith.constant 1 : i32
      %broadcast_in_dim3A_845 = vector.broadcast %broadcast_in_dim3A_844 : i32 to vector<16xi32>
      %ge3A_846 = arith.cmpi sge, %add3A_843, %broadcast_in_dim3A_845 : vector<16xi32>
      %select_n3A_847 = arith.select %ge3A_846, %broadcast_in_dim3A_23, %broadcast_in_dim3A_25 : vector<16xi1>, vector<16xi32>
      %add3A_848 = arith.addi %broadcast_in_dim3A_25, %select_n3A_847 : vector<16xi32>
      %broadcast_in_dim3A_849 = arith.constant 51 : i32
      %broadcast_in_dim3A_850 = vector.broadcast %broadcast_in_dim3A_849 : i32 to vector<16xi32>
      %ge3A_851 = arith.cmpi sge, %add3A_843, %broadcast_in_dim3A_850 : vector<16xi32>
      %select_n3A_852 = arith.select %ge3A_851, %broadcast_in_dim3A_23, %broadcast_in_dim3A_25 : vector<16xi1>, vector<16xi32>
      %add3A_853 = arith.addi %add3A_848, %select_n3A_852 : vector<16xi32>
      %broadcast_in_dim3A_854 = arith.constant 71 : i32
      %broadcast_in_dim3A_855 = vector.broadcast %broadcast_in_dim3A_854 : i32 to vector<16xi32>
      %ge3A_856 = arith.cmpi sge, %add3A_843, %broadcast_in_dim3A_855 : vector<16xi32>
      %select_n3A_857 = arith.select %ge3A_856, %broadcast_in_dim3A_23, %broadcast_in_dim3A_25 : vector<16xi1>, vector<16xi32>
      %add3A_858 = arith.addi %add3A_853, %select_n3A_857 : vector<16xi32>
      %broadcast_in_dim3A_859 = arith.constant 471 : i32
      %broadcast_in_dim3A_860 = vector.broadcast %broadcast_in_dim3A_859 : i32 to vector<16xi32>
      %ge3A_861 = arith.cmpi sge, %add3A_843, %broadcast_in_dim3A_860 : vector<16xi32>
      %select_n3A_862 = arith.select %ge3A_861, %broadcast_in_dim3A_23, %broadcast_in_dim3A_25 : vector<16xi1>, vector<16xi32>
      %add3A_863 = arith.addi %add3A_858, %select_n3A_862 : vector<16xi32>
      %broadcast_in_dim3A_864 = arith.constant 871 : i32
      %broadcast_in_dim3A_865 = vector.broadcast %broadcast_in_dim3A_864 : i32 to vector<16xi32>
      %ge3A_866 = arith.cmpi sge, %add3A_843, %broadcast_in_dim3A_865 : vector<16xi32>
      %select_n3A_867 = arith.select %ge3A_866, %broadcast_in_dim3A_23, %broadcast_in_dim3A_25 : vector<16xi1>, vector<16xi32>
      %add3A_868 = arith.addi %add3A_863, %select_n3A_867 : vector<16xi32>
      %broadcast_in_dim3A_869 = arith.constant 2 : i32
      %broadcast_in_dim3A_870 = vector.broadcast %broadcast_in_dim3A_869 : i32 to vector<16xi32>
      %eq3A_871 = arith.cmpi eq, %add3A_868, %broadcast_in_dim3A_870 : vector<16xi32>
      %broadcast_in_dim3A_872 = arith.constant 101000 : i32
      %broadcast_in_dim3A_873 = vector.broadcast %broadcast_in_dim3A_872 : i32 to vector<16xi32>
      %eq3A_874 = arith.cmpi eq, %add3A_868, %broadcast_in_dim3A_25 : vector<16xi32>
      %broadcast_in_dim3A_875 = arith.constant -1 : i32
      %broadcast_in_dim3A_876 = vector.broadcast %broadcast_in_dim3A_875 : i32 to vector<16xi32>
      %broadcast_in_dim3A_877 = arith.constant 201000 : i32
      %broadcast_in_dim3A_878 = vector.broadcast %broadcast_in_dim3A_877 : i32 to vector<16xi32>
      %select_n3A_879 = arith.select %eq3A_874, %broadcast_in_dim3A_876, %broadcast_in_dim3A_878 : vector<16xi1>, vector<16xi32>
      %select_n3A_880 = arith.select %eq3A_871, %broadcast_in_dim3A_873, %select_n3A_879 : vector<16xi1>, vector<16xi32>
      %get3A_881 = arith.index_cast %add3A_801 : i32 to index
      %get3A_882 = tpu.vector_load %arg5[%get3A_881] {strides = array<i32>} : memref<28160xi32, #tpu.memory_space<vmem>>, vector<16xi32>,
      %get3A_883 = vector.shape_cast %get3A_882 : vector<16xi32> to vector<16xi32>
      %mul3A_884 = arith.constant 5 : i32
      %mul3A_885 = arith.muli %select_n3A_825, %mul3A_884 : i32
      %add3A_886 = arith.addi %mul3A_21, %mul3A_885 : i32
      %broadcast_in_dim3A_887 = vector.broadcast %add3A_886 : i32 to vector<16xi32>
      %eq3A_888 = arith.cmpi eq, %get3A_883, %select_n3A_880 : vector<16xi32>
      %add3A_889 = arith.addi %broadcast_in_dim3A_887, %add3A_868 : vector<16xi32>
      %select_n3A_890 = arith.select %eq3A_888, %broadcast_in_dim3A_19, %add3A_889 : vector<16xi1>, vector<16xi32>
      %swap3A_891 = arith.constant 128 : index
      %swap3A_892 = tpu.vector_load %arg8[%swap3A_891] {strides = array<i32>} : memref<256xi32, #tpu.memory_space<vmem>>, vector<16xi32>,
      %swap3A_893 = vector.shape_cast %swap3A_892 : vector<16xi32> to vector<16xi32>
      %swap3A_894 = vector.shape_cast %select_n3A_890 : vector<16xi32> to vector<16xi32>
      tpu.vector_store %arg8[%swap3A_891], %swap3A_894 {strides = array<i32>} : memref<256xi32, #tpu.memory_space<vmem>>, vector<16xi32>,
      %add3A_895 = arith.constant 144 : i32
      %add3A_896 = arith.addi %mul3A_52, %add3A_895 : i32
      %jit3A_897 = arith.constant 880 : i32
      %div3A_898 = arith.divsi %add3A_896, %jit3A_897 : i32
      %sign3A_899 = arith.constant 0 : i32
      %sign3A_900 = arith.cmpi sgt, %add3A_896, %sign3A_899 : i32
      %sign3A_901 = arith.extui %sign3A_900 : i1 to i32
      %sign3A_902 = arith.constant 0 : i32
      %sign3A_903 = arith.cmpi slt, %add3A_896, %sign3A_902 : i32
      %sign3A_904 = arith.extui %sign3A_903 : i1 to i32
      %sign3A_905 = arith.subi %sign3A_901, %sign3A_904 : i32
      %sign3A_906 = arith.constant 0 : i32
      %sign3A_907 = arith.cmpi sgt, %jit3A_897, %sign3A_906 : i32
      %sign3A_908 = arith.extui %sign3A_907 : i1 to i32
      %sign3A_909 = arith.constant 0 : i32
      %sign3A_910 = arith.cmpi slt, %jit3A_897, %sign3A_909 : i32
      %sign3A_911 = arith.extui %sign3A_910 : i1 to i32
      %sign3A_912 = arith.subi %sign3A_908, %sign3A_911 : i32
      %ne3A_913 = arith.cmpi ne, %sign3A_905, %sign3A_912 : i32
      %rem3A_914 = arith.remsi %add3A_896, %jit3A_897 : i32
      %ne3A_915 = arith.constant 0 : i32
      %ne3A_916 = arith.cmpi ne, %rem3A_914, %ne3A_915 : i32
      %and3A_917 = arith.andi %ne3A_913, %ne3A_916 : i1
      %sub3A_918 = arith.constant 1 : i32
      %sub3A_919 = arith.subi %div3A_898, %sub3A_918 : i32
      %select_n3A_920 = arith.select %and3A_917, %sub3A_919, %div3A_898 : i32
      %jit3A_921 = arith.constant 880 : i32
      %eq3A_922 = arith.constant 0 : i32
      %eq3A_923 = arith.cmpi eq, %jit3A_921, %eq3A_922 : i32
      %jit3A_924 = arith.constant 1 : i32
      %select_n3A_925 = arith.select %eq3A_923, %jit3A_924, %jit3A_921 : i32
      %rem3A_926 = arith.remsi %add3A_896, %select_n3A_925 : i32
      %ne3A_927 = arith.constant 0 : i32
      %ne3A_928 = arith.cmpi ne, %rem3A_926, %ne3A_927 : i32
      %lt3A_929 = arith.constant 0 : i32
      %lt3A_930 = arith.cmpi slt, %rem3A_926, %lt3A_929 : i32
      %lt3A_931 = arith.constant 0 : i32
      %lt3A_932 = arith.cmpi slt, %select_n3A_925, %lt3A_931 : i32
      %ne3A_933 = arith.xori %lt3A_930, %lt3A_932 : i1
      %and3A_934 = arith.andi %ne3A_933, %ne3A_928 : i1
      %add3A_935 = arith.addi %rem3A_926, %select_n3A_925 : i32
      %select_n3A_936 = arith.select %and3A_934, %add3A_935, %rem3A_926 : i32
      %broadcast_in_dim3A_937 = vector.broadcast %select_n3A_936 : i32 to vector<16xi32>
      %add3A_938 = arith.addi %broadcast_in_dim3A_937, %iota3A : vector<16xi32>
      %broadcast_in_dim3A_939 = arith.constant 1 : i32
      %broadcast_in_dim3A_940 = vector.broadcast %broadcast_in_dim3A_939 : i32 to vector<16xi32>
      %ge3A_941 = arith.cmpi sge, %add3A_938, %broadcast_in_dim3A_940 : vector<16xi32>
      %select_n3A_942 = arith.select %ge3A_941, %broadcast_in_dim3A_23, %broadcast_in_dim3A_25 : vector<16xi1>, vector<16xi32>
      %add3A_943 = arith.addi %broadcast_in_dim3A_25, %select_n3A_942 : vector<16xi32>
      %broadcast_in_dim3A_944 = arith.constant 51 : i32
      %broadcast_in_dim3A_945 = vector.broadcast %broadcast_in_dim3A_944 : i32 to vector<16xi32>
      %ge3A_946 = arith.cmpi sge, %add3A_938, %broadcast_in_dim3A_945 : vector<16xi32>
      %select_n3A_947 = arith.select %ge3A_946, %broadcast_in_dim3A_23, %broadcast_in_dim3A_25 : vector<16xi1>, vector<16xi32>
      %add3A_948 = arith.addi %add3A_943, %select_n3A_947 : vector<16xi32>
      %broadcast_in_dim3A_949 = arith.constant 71 : i32
      %broadcast_in_dim3A_950 = vector.broadcast %broadcast_in_dim3A_949 : i32 to vector<16xi32>
      %ge3A_951 = arith.cmpi sge, %add3A_938, %broadcast_in_dim3A_950 : vector<16xi32>
      %select_n3A_952 = arith.select %ge3A_951, %broadcast_in_dim3A_23, %broadcast_in_dim3A_25 : vector<16xi1>, vector<16xi32>
      %add3A_953 = arith.addi %add3A_948, %select_n3A_952 : vector<16xi32>
      %broadcast_in_dim3A_954 = arith.constant 471 : i32
      %broadcast_in_dim3A_955 = vector.broadcast %broadcast_in_dim3A_954 : i32 to vector<16xi32>
      %ge3A_956 = arith.cmpi sge, %add3A_938, %broadcast_in_dim3A_955 : vector<16xi32>
      %select_n3A_957 = arith.select %ge3A_956, %broadcast_in_dim3A_23, %broadcast_in_dim3A_25 : vector<16xi1>, vector<16xi32>
      %add3A_958 = arith.addi %add3A_953, %select_n3A_957 : vector<16xi32>
      %broadcast_in_dim3A_959 = arith.constant 871 : i32
      %broadcast_in_dim3A_960 = vector.broadcast %broadcast_in_dim3A_959 : i32 to vector<16xi32>
      %ge3A_961 = arith.cmpi sge, %add3A_938, %broadcast_in_dim3A_960 : vector<16xi32>
      %select_n3A_962 = arith.select %ge3A_961, %broadcast_in_dim3A_23, %broadcast_in_dim3A_25 : vector<16xi1>, vector<16xi32>
      %add3A_963 = arith.addi %add3A_958, %select_n3A_962 : vector<16xi32>
      %broadcast_in_dim3A_964 = arith.constant 2 : i32
      %broadcast_in_dim3A_965 = vector.broadcast %broadcast_in_dim3A_964 : i32 to vector<16xi32>
      %eq3A_966 = arith.cmpi eq, %add3A_963, %broadcast_in_dim3A_965 : vector<16xi32>
      %broadcast_in_dim3A_967 = arith.constant 101000 : i32
      %broadcast_in_dim3A_968 = vector.broadcast %broadcast_in_dim3A_967 : i32 to vector<16xi32>
      %eq3A_969 = arith.cmpi eq, %add3A_963, %broadcast_in_dim3A_25 : vector<16xi32>
      %broadcast_in_dim3A_970 = arith.constant -1 : i32
      %broadcast_in_dim3A_971 = vector.broadcast %broadcast_in_dim3A_970 : i32 to vector<16xi32>
      %broadcast_in_dim3A_972 = arith.constant 201000 : i32
      %broadcast_in_dim3A_973 = vector.broadcast %broadcast_in_dim3A_972 : i32 to vector<16xi32>
      %select_n3A_974 = arith.select %eq3A_969, %broadcast_in_dim3A_971, %broadcast_in_dim3A_973 : vector<16xi1>, vector<16xi32>
      %select_n3A_975 = arith.select %eq3A_966, %broadcast_in_dim3A_968, %select_n3A_974 : vector<16xi1>, vector<16xi32>
      %get3A_976 = arith.index_cast %add3A_896 : i32 to index
      %get3A_977 = tpu.vector_load %arg5[%get3A_976] {strides = array<i32>} : memref<28160xi32, #tpu.memory_space<vmem>>, vector<16xi32>,
      %get3A_978 = vector.shape_cast %get3A_977 : vector<16xi32> to vector<16xi32>
      %mul3A_979 = arith.constant 5 : i32
      %mul3A_980 = arith.muli %select_n3A_920, %mul3A_979 : i32
      %add3A_981 = arith.addi %mul3A_21, %mul3A_980 : i32
      %broadcast_in_dim3A_982 = vector.broadcast %add3A_981 : i32 to vector<16xi32>
      %eq3A_983 = arith.cmpi eq, %get3A_978, %select_n3A_975 : vector<16xi32>
      %add3A_984 = arith.addi %broadcast_in_dim3A_982, %add3A_963 : vector<16xi32>
      %select_n3A_985 = arith.select %eq3A_983, %broadcast_in_dim3A_19, %add3A_984 : vector<16xi1>, vector<16xi32>
      %swap3A_986 = arith.constant 144 : index
      %swap3A_987 = tpu.vector_load %arg8[%swap3A_986] {strides = array<i32>} : memref<256xi32, #tpu.memory_space<vmem>>, vector<16xi32>,
      %swap3A_988 = vector.shape_cast %swap3A_987 : vector<16xi32> to vector<16xi32>
      %swap3A_989 = vector.shape_cast %select_n3A_985 : vector<16xi32> to vector<16xi32>
      tpu.vector_store %arg8[%swap3A_986], %swap3A_989 {strides = array<i32>} : memref<256xi32, #tpu.memory_space<vmem>>, vector<16xi32>,
      %add3A_990 = arith.constant 160 : i32
      %add3A_991 = arith.addi %mul3A_52, %add3A_990 : i32
      %jit3A_992 = arith.constant 880 : i32
      %div3A_993 = arith.divsi %add3A_991, %jit3A_992 : i32
      %sign3A_994 = arith.constant 0 : i32
      %sign3A_995 = arith.cmpi sgt, %add3A_991, %sign3A_994 : i32
      %sign3A_996 = arith.extui %sign3A_995 : i1 to i32
      %sign3A_997 = arith.constant 0 : i32
      %sign3A_998 = arith.cmpi slt, %add3A_991, %sign3A_997 : i32
      %sign3A_999 = arith.extui %sign3A_998 : i1 to i32
      %sign3A_1000 = arith.subi %sign3A_996, %sign3A_999 : i32
      %sign3A_1001 = arith.constant 0 : i32
      %sign3A_1002 = arith.cmpi sgt, %jit3A_992, %sign3A_1001 : i32
      %sign3A_1003 = arith.extui %sign3A_1002 : i1 to i32
      %sign3A_1004 = arith.constant 0 : i32
      %sign3A_1005 = arith.cmpi slt, %jit3A_992, %sign3A_1004 : i32
      %sign3A_1006 = arith.extui %sign3A_1005 : i1 to i32
      %sign3A_1007 = arith.subi %sign3A_1003, %sign3A_1006 : i32
      %ne3A_1008 = arith.cmpi ne, %sign3A_1000, %sign3A_1007 : i32
      %rem3A_1009 = arith.remsi %add3A_991, %jit3A_992 : i32
      %ne3A_1010 = arith.constant 0 : i32
      %ne3A_1011 = arith.cmpi ne, %rem3A_1009, %ne3A_1010 : i32
      %and3A_1012 = arith.andi %ne3A_1008, %ne3A_1011 : i1
      %sub3A_1013 = arith.constant 1 : i32
      %sub3A_1014 = arith.subi %div3A_993, %sub3A_1013 : i32
      %select_n3A_1015 = arith.select %and3A_1012, %sub3A_1014, %div3A_993 : i32
      %jit3A_1016 = arith.constant 880 : i32
      %eq3A_1017 = arith.constant 0 : i32
      %eq3A_1018 = arith.cmpi eq, %jit3A_1016, %eq3A_1017 : i32
      %jit3A_1019 = arith.constant 1 : i32
      %select_n3A_1020 = arith.select %eq3A_1018, %jit3A_1019, %jit3A_1016 : i32
      %rem3A_1021 = arith.remsi %add3A_991, %select_n3A_1020 : i32
      %ne3A_1022 = arith.constant 0 : i32
      %ne3A_1023 = arith.cmpi ne, %rem3A_1021, %ne3A_1022 : i32
      %lt3A_1024 = arith.constant 0 : i32
      %lt3A_1025 = arith.cmpi slt, %rem3A_1021, %lt3A_1024 : i32
      %lt3A_1026 = arith.constant 0 : i32
      %lt3A_1027 = arith.cmpi slt, %select_n3A_1020, %lt3A_1026 : i32
      %ne3A_1028 = arith.xori %lt3A_1025, %lt3A_1027 : i1
      %and3A_1029 = arith.andi %ne3A_1028, %ne3A_1023 : i1
      %add3A_1030 = arith.addi %rem3A_1021, %select_n3A_1020 : i32
      %select_n3A_1031 = arith.select %and3A_1029, %add3A_1030, %rem3A_1021 : i32
      %broadcast_in_dim3A_1032 = vector.broadcast %select_n3A_1031 : i32 to vector<16xi32>
      %add3A_1033 = arith.addi %broadcast_in_dim3A_1032, %iota3A : vector<16xi32>
      %broadcast_in_dim3A_1034 = arith.constant 1 : i32
      %broadcast_in_dim3A_1035 = vector.broadcast %broadcast_in_dim3A_1034 : i32 to vector<16xi32>
      %ge3A_1036 = arith.cmpi sge, %add3A_1033, %broadcast_in_dim3A_1035 : vector<16xi32>
      %select_n3A_1037 = arith.select %ge3A_1036, %broadcast_in_dim3A_23, %broadcast_in_dim3A_25 : vector<16xi1>, vector<16xi32>
      %add3A_1038 = arith.addi %broadcast_in_dim3A_25, %select_n3A_1037 : vector<16xi32>
      %broadcast_in_dim3A_1039 = arith.constant 51 : i32
      %broadcast_in_dim3A_1040 = vector.broadcast %broadcast_in_dim3A_1039 : i32 to vector<16xi32>
      %ge3A_1041 = arith.cmpi sge, %add3A_1033, %broadcast_in_dim3A_1040 : vector<16xi32>
      %select_n3A_1042 = arith.select %ge3A_1041, %broadcast_in_dim3A_23, %broadcast_in_dim3A_25 : vector<16xi1>, vector<16xi32>
      %add3A_1043 = arith.addi %add3A_1038, %select_n3A_1042 : vector<16xi32>
      %broadcast_in_dim3A_1044 = arith.constant 71 : i32
      %broadcast_in_dim3A_1045 = vector.broadcast %broadcast_in_dim3A_1044 : i32 to vector<16xi32>
      %ge3A_1046 = arith.cmpi sge, %add3A_1033, %broadcast_in_dim3A_1045 : vector<16xi32>
      %select_n3A_1047 = arith.select %ge3A_1046, %broadcast_in_dim3A_23, %broadcast_in_dim3A_25 : vector<16xi1>, vector<16xi32>
      %add3A_1048 = arith.addi %add3A_1043, %select_n3A_1047 : vector<16xi32>
      %broadcast_in_dim3A_1049 = arith.constant 471 : i32
      %broadcast_in_dim3A_1050 = vector.broadcast %broadcast_in_dim3A_1049 : i32 to vector<16xi32>
      %ge3A_1051 = arith.cmpi sge, %add3A_1033, %broadcast_in_dim3A_1050 : vector<16xi32>
      %select_n3A_1052 = arith.select %ge3A_1051, %broadcast_in_dim3A_23, %broadcast_in_dim3A_25 : vector<16xi1>, vector<16xi32>
      %add3A_1053 = arith.addi %add3A_1048, %select_n3A_1052 : vector<16xi32>
      %broadcast_in_dim3A_1054 = arith.constant 871 : i32
      %broadcast_in_dim3A_1055 = vector.broadcast %broadcast_in_dim3A_1054 : i32 to vector<16xi32>
      %ge3A_1056 = arith.cmpi sge, %add3A_1033, %broadcast_in_dim3A_1055 : vector<16xi32>
      %select_n3A_1057 = arith.select %ge3A_1056, %broadcast_in_dim3A_23, %broadcast_in_dim3A_25 : vector<16xi1>, vector<16xi32>
      %add3A_1058 = arith.addi %add3A_1053, %select_n3A_1057 : vector<16xi32>
      %broadcast_in_dim3A_1059 = arith.constant 2 : i32
      %broadcast_in_dim3A_1060 = vector.broadcast %broadcast_in_dim3A_1059 : i32 to vector<16xi32>
      %eq3A_1061 = arith.cmpi eq, %add3A_1058, %broadcast_in_dim3A_1060 : vector<16xi32>
      %broadcast_in_dim3A_1062 = arith.constant 101000 : i32
      %broadcast_in_dim3A_1063 = vector.broadcast %broadcast_in_dim3A_1062 : i32 to vector<16xi32>
      %eq3A_1064 = arith.cmpi eq, %add3A_1058, %broadcast_in_dim3A_25 : vector<16xi32>
      %broadcast_in_dim3A_1065 = arith.constant -1 : i32
      %broadcast_in_dim3A_1066 = vector.broadcast %broadcast_in_dim3A_1065 : i32 to vector<16xi32>
      %broadcast_in_dim3A_1067 = arith.constant 201000 : i32
      %broadcast_in_dim3A_1068 = vector.broadcast %broadcast_in_dim3A_1067 : i32 to vector<16xi32>
      %select_n3A_1069 = arith.select %eq3A_1064, %broadcast_in_dim3A_1066, %broadcast_in_dim3A_1068 : vector<16xi1>, vector<16xi32>
      %select_n3A_1070 = arith.select %eq3A_1061, %broadcast_in_dim3A_1063, %select_n3A_1069 : vector<16xi1>, vector<16xi32>
      %get3A_1071 = arith.index_cast %add3A_991 : i32 to index
      %get3A_1072 = tpu.vector_load %arg5[%get3A_1071] {strides = array<i32>} : memref<28160xi32, #tpu.memory_space<vmem>>, vector<16xi32>,
      %get3A_1073 = vector.shape_cast %get3A_1072 : vector<16xi32> to vector<16xi32>
      %mul3A_1074 = arith.constant 5 : i32
      %mul3A_1075 = arith.muli %select_n3A_1015, %mul3A_1074 : i32
      %add3A_1076 = arith.addi %mul3A_21, %mul3A_1075 : i32
      %broadcast_in_dim3A_1077 = vector.broadcast %add3A_1076 : i32 to vector<16xi32>
      %eq3A_1078 = arith.cmpi eq, %get3A_1073, %select_n3A_1070 : vector<16xi32>
      %add3A_1079 = arith.addi %broadcast_in_dim3A_1077, %add3A_1058 : vector<16xi32>
      %select_n3A_1080 = arith.select %eq3A_1078, %broadcast_in_dim3A_19, %add3A_1079 : vector<16xi1>, vector<16xi32>
      %swap3A_1081 = arith.constant 160 : index
      %swap3A_1082 = tpu.vector_load %arg8[%swap3A_1081] {strides = array<i32>} : memref<256xi32, #tpu.memory_space<vmem>>, vector<16xi32>,
      %swap3A_1083 = vector.shape_cast %swap3A_1082 : vector<16xi32> to vector<16xi32>
      %swap3A_1084 = vector.shape_cast %select_n3A_1080 : vector<16xi32> to vector<16xi32>
      tpu.vector_store %arg8[%swap3A_1081], %swap3A_1084 {strides = array<i32>} : memref<256xi32, #tpu.memory_space<vmem>>, vector<16xi32>,
      %add3A_1085 = arith.constant 176 : i32
      %add3A_1086 = arith.addi %mul3A_52, %add3A_1085 : i32
      %jit3A_1087 = arith.constant 880 : i32
      %div3A_1088 = arith.divsi %add3A_1086, %jit3A_1087 : i32
      %sign3A_1089 = arith.constant 0 : i32
      %sign3A_1090 = arith.cmpi sgt, %add3A_1086, %sign3A_1089 : i32
      %sign3A_1091 = arith.extui %sign3A_1090 : i1 to i32
      %sign3A_1092 = arith.constant 0 : i32
      %sign3A_1093 = arith.cmpi slt, %add3A_1086, %sign3A_1092 : i32
      %sign3A_1094 = arith.extui %sign3A_1093 : i1 to i32
      %sign3A_1095 = arith.subi %sign3A_1091, %sign3A_1094 : i32
      %sign3A_1096 = arith.constant 0 : i32
      %sign3A_1097 = arith.cmpi sgt, %jit3A_1087, %sign3A_1096 : i32
      %sign3A_1098 = arith.extui %sign3A_1097 : i1 to i32
      %sign3A_1099 = arith.constant 0 : i32
      %sign3A_1100 = arith.cmpi slt, %jit3A_1087, %sign3A_1099 : i32
      %sign3A_1101 = arith.extui %sign3A_1100 : i1 to i32
      %sign3A_1102 = arith.subi %sign3A_1098, %sign3A_1101 : i32
      %ne3A_1103 = arith.cmpi ne, %sign3A_1095, %sign3A_1102 : i32
      %rem3A_1104 = arith.remsi %add3A_1086, %jit3A_1087 : i32
      %ne3A_1105 = arith.constant 0 : i32
      %ne3A_1106 = arith.cmpi ne, %rem3A_1104, %ne3A_1105 : i32
      %and3A_1107 = arith.andi %ne3A_1103, %ne3A_1106 : i1
      %sub3A_1108 = arith.constant 1 : i32
      %sub3A_1109 = arith.subi %div3A_1088, %sub3A_1108 : i32
      %select_n3A_1110 = arith.select %and3A_1107, %sub3A_1109, %div3A_1088 : i32
      %jit3A_1111 = arith.constant 880 : i32
      %eq3A_1112 = arith.constant 0 : i32
      %eq3A_1113 = arith.cmpi eq, %jit3A_1111, %eq3A_1112 : i32
      %jit3A_1114 = arith.constant 1 : i32
      %select_n3A_1115 = arith.select %eq3A_1113, %jit3A_1114, %jit3A_1111 : i32
      %rem3A_1116 = arith.remsi %add3A_1086, %select_n3A_1115 : i32
      %ne3A_1117 = arith.constant 0 : i32
      %ne3A_1118 = arith.cmpi ne, %rem3A_1116, %ne3A_1117 : i32
      %lt3A_1119 = arith.constant 0 : i32
      %lt3A_1120 = arith.cmpi slt, %rem3A_1116, %lt3A_1119 : i32
      %lt3A_1121 = arith.constant 0 : i32
      %lt3A_1122 = arith.cmpi slt, %select_n3A_1115, %lt3A_1121 : i32
      %ne3A_1123 = arith.xori %lt3A_1120, %lt3A_1122 : i1
      %and3A_1124 = arith.andi %ne3A_1123, %ne3A_1118 : i1
      %add3A_1125 = arith.addi %rem3A_1116, %select_n3A_1115 : i32
      %select_n3A_1126 = arith.select %and3A_1124, %add3A_1125, %rem3A_1116 : i32
      %broadcast_in_dim3A_1127 = vector.broadcast %select_n3A_1126 : i32 to vector<16xi32>
      %add3A_1128 = arith.addi %broadcast_in_dim3A_1127, %iota3A : vector<16xi32>
      %broadcast_in_dim3A_1129 = arith.constant 1 : i32
      %broadcast_in_dim3A_1130 = vector.broadcast %broadcast_in_dim3A_1129 : i32 to vector<16xi32>
      %ge3A_1131 = arith.cmpi sge, %add3A_1128, %broadcast_in_dim3A_1130 : vector<16xi32>
      %select_n3A_1132 = arith.select %ge3A_1131, %broadcast_in_dim3A_23, %broadcast_in_dim3A_25 : vector<16xi1>, vector<16xi32>
      %add3A_1133 = arith.addi %broadcast_in_dim3A_25, %select_n3A_1132 : vector<16xi32>
      %broadcast_in_dim3A_1134 = arith.constant 51 : i32
      %broadcast_in_dim3A_1135 = vector.broadcast %broadcast_in_dim3A_1134 : i32 to vector<16xi32>
      %ge3A_1136 = arith.cmpi sge, %add3A_1128, %broadcast_in_dim3A_1135 : vector<16xi32>
      %select_n3A_1137 = arith.select %ge3A_1136, %broadcast_in_dim3A_23, %broadcast_in_dim3A_25 : vector<16xi1>, vector<16xi32>
      %add3A_1138 = arith.addi %add3A_1133, %select_n3A_1137 : vector<16xi32>
      %broadcast_in_dim3A_1139 = arith.constant 71 : i32
      %broadcast_in_dim3A_1140 = vector.broadcast %broadcast_in_dim3A_1139 : i32 to vector<16xi32>
      %ge3A_1141 = arith.cmpi sge, %add3A_1128, %broadcast_in_dim3A_1140 : vector<16xi32>
      %select_n3A_1142 = arith.select %ge3A_1141, %broadcast_in_dim3A_23, %broadcast_in_dim3A_25 : vector<16xi1>, vector<16xi32>
      %add3A_1143 = arith.addi %add3A_1138, %select_n3A_1142 : vector<16xi32>
      %broadcast_in_dim3A_1144 = arith.constant 471 : i32
      %broadcast_in_dim3A_1145 = vector.broadcast %broadcast_in_dim3A_1144 : i32 to vector<16xi32>
      %ge3A_1146 = arith.cmpi sge, %add3A_1128, %broadcast_in_dim3A_1145 : vector<16xi32>
      %select_n3A_1147 = arith.select %ge3A_1146, %broadcast_in_dim3A_23, %broadcast_in_dim3A_25 : vector<16xi1>, vector<16xi32>
      %add3A_1148 = arith.addi %add3A_1143, %select_n3A_1147 : vector<16xi32>
      %broadcast_in_dim3A_1149 = arith.constant 871 : i32
      %broadcast_in_dim3A_1150 = vector.broadcast %broadcast_in_dim3A_1149 : i32 to vector<16xi32>
      %ge3A_1151 = arith.cmpi sge, %add3A_1128, %broadcast_in_dim3A_1150 : vector<16xi32>
      %select_n3A_1152 = arith.select %ge3A_1151, %broadcast_in_dim3A_23, %broadcast_in_dim3A_25 : vector<16xi1>, vector<16xi32>
      %add3A_1153 = arith.addi %add3A_1148, %select_n3A_1152 : vector<16xi32>
      %broadcast_in_dim3A_1154 = arith.constant 2 : i32
      %broadcast_in_dim3A_1155 = vector.broadcast %broadcast_in_dim3A_1154 : i32 to vector<16xi32>
      %eq3A_1156 = arith.cmpi eq, %add3A_1153, %broadcast_in_dim3A_1155 : vector<16xi32>
      %broadcast_in_dim3A_1157 = arith.constant 101000 : i32
      %broadcast_in_dim3A_1158 = vector.broadcast %broadcast_in_dim3A_1157 : i32 to vector<16xi32>
      %eq3A_1159 = arith.cmpi eq, %add3A_1153, %broadcast_in_dim3A_25 : vector<16xi32>
      %broadcast_in_dim3A_1160 = arith.constant -1 : i32
      %broadcast_in_dim3A_1161 = vector.broadcast %broadcast_in_dim3A_1160 : i32 to vector<16xi32>
      %broadcast_in_dim3A_1162 = arith.constant 201000 : i32
      %broadcast_in_dim3A_1163 = vector.broadcast %broadcast_in_dim3A_1162 : i32 to vector<16xi32>
      %select_n3A_1164 = arith.select %eq3A_1159, %broadcast_in_dim3A_1161, %broadcast_in_dim3A_1163 : vector<16xi1>, vector<16xi32>
      %select_n3A_1165 = arith.select %eq3A_1156, %broadcast_in_dim3A_1158, %select_n3A_1164 : vector<16xi1>, vector<16xi32>
      %get3A_1166 = arith.index_cast %add3A_1086 : i32 to index
      %get3A_1167 = tpu.vector_load %arg5[%get3A_1166] {strides = array<i32>} : memref<28160xi32, #tpu.memory_space<vmem>>, vector<16xi32>,
      %get3A_1168 = vector.shape_cast %get3A_1167 : vector<16xi32> to vector<16xi32>
      %mul3A_1169 = arith.constant 5 : i32
      %mul3A_1170 = arith.muli %select_n3A_1110, %mul3A_1169 : i32
      %add3A_1171 = arith.addi %mul3A_21, %mul3A_1170 : i32
      %broadcast_in_dim3A_1172 = vector.broadcast %add3A_1171 : i32 to vector<16xi32>
      %eq3A_1173 = arith.cmpi eq, %get3A_1168, %select_n3A_1165 : vector<16xi32>
      %add3A_1174 = arith.addi %broadcast_in_dim3A_1172, %add3A_1153 : vector<16xi32>
      %select_n3A_1175 = arith.select %eq3A_1173, %broadcast_in_dim3A_19, %add3A_1174 : vector<16xi1>, vector<16xi32>
      %swap3A_1176 = arith.constant 176 : index
      %swap3A_1177 = tpu.vector_load %arg8[%swap3A_1176] {strides = array<i32>} : memref<256xi32, #tpu.memory_space<vmem>>, vector<16xi32>,
      %swap3A_1178 = vector.shape_cast %swap3A_1177 : vector<16xi32> to vector<16xi32>
      %swap3A_1179 = vector.shape_cast %select_n3A_1175 : vector<16xi32> to vector<16xi32>
      tpu.vector_store %arg8[%swap3A_1176], %swap3A_1179 {strides = array<i32>} : memref<256xi32, #tpu.memory_space<vmem>>, vector<16xi32>,
      %add3A_1180 = arith.constant 192 : i32
      %add3A_1181 = arith.addi %mul3A_52, %add3A_1180 : i32
      %jit3A_1182 = arith.constant 880 : i32
      %div3A_1183 = arith.divsi %add3A_1181, %jit3A_1182 : i32
      %sign3A_1184 = arith.constant 0 : i32
      %sign3A_1185 = arith.cmpi sgt, %add3A_1181, %sign3A_1184 : i32
      %sign3A_1186 = arith.extui %sign3A_1185 : i1 to i32
      %sign3A_1187 = arith.constant 0 : i32
      %sign3A_1188 = arith.cmpi slt, %add3A_1181, %sign3A_1187 : i32
      %sign3A_1189 = arith.extui %sign3A_1188 : i1 to i32
      %sign3A_1190 = arith.subi %sign3A_1186, %sign3A_1189 : i32
      %sign3A_1191 = arith.constant 0 : i32
      %sign3A_1192 = arith.cmpi sgt, %jit3A_1182, %sign3A_1191 : i32
      %sign3A_1193 = arith.extui %sign3A_1192 : i1 to i32
      %sign3A_1194 = arith.constant 0 : i32
      %sign3A_1195 = arith.cmpi slt, %jit3A_1182, %sign3A_1194 : i32
      %sign3A_1196 = arith.extui %sign3A_1195 : i1 to i32
      %sign3A_1197 = arith.subi %sign3A_1193, %sign3A_1196 : i32
      %ne3A_1198 = arith.cmpi ne, %sign3A_1190, %sign3A_1197 : i32
      %rem3A_1199 = arith.remsi %add3A_1181, %jit3A_1182 : i32
      %ne3A_1200 = arith.constant 0 : i32
      %ne3A_1201 = arith.cmpi ne, %rem3A_1199, %ne3A_1200 : i32
      %and3A_1202 = arith.andi %ne3A_1198, %ne3A_1201 : i1
      %sub3A_1203 = arith.constant 1 : i32
      %sub3A_1204 = arith.subi %div3A_1183, %sub3A_1203 : i32
      %select_n3A_1205 = arith.select %and3A_1202, %sub3A_1204, %div3A_1183 : i32
      %jit3A_1206 = arith.constant 880 : i32
      %eq3A_1207 = arith.constant 0 : i32
      %eq3A_1208 = arith.cmpi eq, %jit3A_1206, %eq3A_1207 : i32
      %jit3A_1209 = arith.constant 1 : i32
      %select_n3A_1210 = arith.select %eq3A_1208, %jit3A_1209, %jit3A_1206 : i32
      %rem3A_1211 = arith.remsi %add3A_1181, %select_n3A_1210 : i32
      %ne3A_1212 = arith.constant 0 : i32
      %ne3A_1213 = arith.cmpi ne, %rem3A_1211, %ne3A_1212 : i32
      %lt3A_1214 = arith.constant 0 : i32
      %lt3A_1215 = arith.cmpi slt, %rem3A_1211, %lt3A_1214 : i32
      %lt3A_1216 = arith.constant 0 : i32
      %lt3A_1217 = arith.cmpi slt, %select_n3A_1210, %lt3A_1216 : i32
      %ne3A_1218 = arith.xori %lt3A_1215, %lt3A_1217 : i1
      %and3A_1219 = arith.andi %ne3A_1218, %ne3A_1213 : i1
      %add3A_1220 = arith.addi %rem3A_1211, %select_n3A_1210 : i32
      %select_n3A_1221 = arith.select %and3A_1219, %add3A_1220, %rem3A_1211 : i32
      %broadcast_in_dim3A_1222 = vector.broadcast %select_n3A_1221 : i32 to vector<16xi32>
      %add3A_1223 = arith.addi %broadcast_in_dim3A_1222, %iota3A : vector<16xi32>
      %broadcast_in_dim3A_1224 = arith.constant 1 : i32
      %broadcast_in_dim3A_1225 = vector.broadcast %broadcast_in_dim3A_1224 : i32 to vector<16xi32>
      %ge3A_1226 = arith.cmpi sge, %add3A_1223, %broadcast_in_dim3A_1225 : vector<16xi32>
      %select_n3A_1227 = arith.select %ge3A_1226, %broadcast_in_dim3A_23, %broadcast_in_dim3A_25 : vector<16xi1>, vector<16xi32>
      %add3A_1228 = arith.addi %broadcast_in_dim3A_25, %select_n3A_1227 : vector<16xi32>
      %broadcast_in_dim3A_1229 = arith.constant 51 : i32
      %broadcast_in_dim3A_1230 = vector.broadcast %broadcast_in_dim3A_1229 : i32 to vector<16xi32>
      %ge3A_1231 = arith.cmpi sge, %add3A_1223, %broadcast_in_dim3A_1230 : vector<16xi32>
      %select_n3A_1232 = arith.select %ge3A_1231, %broadcast_in_dim3A_23, %broadcast_in_dim3A_25 : vector<16xi1>, vector<16xi32>
      %add3A_1233 = arith.addi %add3A_1228, %select_n3A_1232 : vector<16xi32>
      %broadcast_in_dim3A_1234 = arith.constant 71 : i32
      %broadcast_in_dim3A_1235 = vector.broadcast %broadcast_in_dim3A_1234 : i32 to vector<16xi32>
      %ge3A_1236 = arith.cmpi sge, %add3A_1223, %broadcast_in_dim3A_1235 : vector<16xi32>
      %select_n3A_1237 = arith.select %ge3A_1236, %broadcast_in_dim3A_23, %broadcast_in_dim3A_25 : vector<16xi1>, vector<16xi32>
      %add3A_1238 = arith.addi %add3A_1233, %select_n3A_1237 : vector<16xi32>
      %broadcast_in_dim3A_1239 = arith.constant 471 : i32
      %broadcast_in_dim3A_1240 = vector.broadcast %broadcast_in_dim3A_1239 : i32 to vector<16xi32>
      %ge3A_1241 = arith.cmpi sge, %add3A_1223, %broadcast_in_dim3A_1240 : vector<16xi32>
      %select_n3A_1242 = arith.select %ge3A_1241, %broadcast_in_dim3A_23, %broadcast_in_dim3A_25 : vector<16xi1>, vector<16xi32>
      %add3A_1243 = arith.addi %add3A_1238, %select_n3A_1242 : vector<16xi32>
      %broadcast_in_dim3A_1244 = arith.constant 871 : i32
      %broadcast_in_dim3A_1245 = vector.broadcast %broadcast_in_dim3A_1244 : i32 to vector<16xi32>
      %ge3A_1246 = arith.cmpi sge, %add3A_1223, %broadcast_in_dim3A_1245 : vector<16xi32>
      %select_n3A_1247 = arith.select %ge3A_1246, %broadcast_in_dim3A_23, %broadcast_in_dim3A_25 : vector<16xi1>, vector<16xi32>
      %add3A_1248 = arith.addi %add3A_1243, %select_n3A_1247 : vector<16xi32>
      %broadcast_in_dim3A_1249 = arith.constant 2 : i32
      %broadcast_in_dim3A_1250 = vector.broadcast %broadcast_in_dim3A_1249 : i32 to vector<16xi32>
      %eq3A_1251 = arith.cmpi eq, %add3A_1248, %broadcast_in_dim3A_1250 : vector<16xi32>
      %broadcast_in_dim3A_1252 = arith.constant 101000 : i32
      %broadcast_in_dim3A_1253 = vector.broadcast %broadcast_in_dim3A_1252 : i32 to vector<16xi32>
      %eq3A_1254 = arith.cmpi eq, %add3A_1248, %broadcast_in_dim3A_25 : vector<16xi32>
      %broadcast_in_dim3A_1255 = arith.constant -1 : i32
      %broadcast_in_dim3A_1256 = vector.broadcast %broadcast_in_dim3A_1255 : i32 to vector<16xi32>
      %broadcast_in_dim3A_1257 = arith.constant 201000 : i32
      %broadcast_in_dim3A_1258 = vector.broadcast %broadcast_in_dim3A_1257 : i32 to vector<16xi32>
      %select_n3A_1259 = arith.select %eq3A_1254, %broadcast_in_dim3A_1256, %broadcast_in_dim3A_1258 : vector<16xi1>, vector<16xi32>
      %select_n3A_1260 = arith.select %eq3A_1251, %broadcast_in_dim3A_1253, %select_n3A_1259 : vector<16xi1>, vector<16xi32>
      %get3A_1261 = arith.index_cast %add3A_1181 : i32 to index
      %get3A_1262 = tpu.vector_load %arg5[%get3A_1261] {strides = array<i32>} : memref<28160xi32, #tpu.memory_space<vmem>>, vector<16xi32>,
      %get3A_1263 = vector.shape_cast %get3A_1262 : vector<16xi32> to vector<16xi32>
      %mul3A_1264 = arith.constant 5 : i32
      %mul3A_1265 = arith.muli %select_n3A_1205, %mul3A_1264 : i32
      %add3A_1266 = arith.addi %mul3A_21, %mul3A_1265 : i32
      %broadcast_in_dim3A_1267 = vector.broadcast %add3A_1266 : i32 to vector<16xi32>
      %eq3A_1268 = arith.cmpi eq, %get3A_1263, %select_n3A_1260 : vector<16xi32>
      %add3A_1269 = arith.addi %broadcast_in_dim3A_1267, %add3A_1248 : vector<16xi32>
      %select_n3A_1270 = arith.select %eq3A_1268, %broadcast_in_dim3A_19, %add3A_1269 : vector<16xi1>, vector<16xi32>
      %swap3A_1271 = arith.constant 192 : index
      %swap3A_1272 = tpu.vector_load %arg8[%swap3A_1271] {strides = array<i32>} : memref<256xi32, #tpu.memory_space<vmem>>, vector<16xi32>,
      %swap3A_1273 = vector.shape_cast %swap3A_1272 : vector<16xi32> to vector<16xi32>
      %swap3A_1274 = vector.shape_cast %select_n3A_1270 : vector<16xi32> to vector<16xi32>
      tpu.vector_store %arg8[%swap3A_1271], %swap3A_1274 {strides = array<i32>} : memref<256xi32, #tpu.memory_space<vmem>>, vector<16xi32>,
      %add3A_1275 = arith.constant 208 : i32
      %add3A_1276 = arith.addi %mul3A_52, %add3A_1275 : i32
      %jit3A_1277 = arith.constant 880 : i32
      %div3A_1278 = arith.divsi %add3A_1276, %jit3A_1277 : i32
      %sign3A_1279 = arith.constant 0 : i32
      %sign3A_1280 = arith.cmpi sgt, %add3A_1276, %sign3A_1279 : i32
      %sign3A_1281 = arith.extui %sign3A_1280 : i1 to i32
      %sign3A_1282 = arith.constant 0 : i32
      %sign3A_1283 = arith.cmpi slt, %add3A_1276, %sign3A_1282 : i32
      %sign3A_1284 = arith.extui %sign3A_1283 : i1 to i32
      %sign3A_1285 = arith.subi %sign3A_1281, %sign3A_1284 : i32
      %sign3A_1286 = arith.constant 0 : i32
      %sign3A_1287 = arith.cmpi sgt, %jit3A_1277, %sign3A_1286 : i32
      %sign3A_1288 = arith.extui %sign3A_1287 : i1 to i32
      %sign3A_1289 = arith.constant 0 : i32
      %sign3A_1290 = arith.cmpi slt, %jit3A_1277, %sign3A_1289 : i32
      %sign3A_1291 = arith.extui %sign3A_1290 : i1 to i32
      %sign3A_1292 = arith.subi %sign3A_1288, %sign3A_1291 : i32
      %ne3A_1293 = arith.cmpi ne, %sign3A_1285, %sign3A_1292 : i32
      %rem3A_1294 = arith.remsi %add3A_1276, %jit3A_1277 : i32
      %ne3A_1295 = arith.constant 0 : i32
      %ne3A_1296 = arith.cmpi ne, %rem3A_1294, %ne3A_1295 : i32
      %and3A_1297 = arith.andi %ne3A_1293, %ne3A_1296 : i1
      %sub3A_1298 = arith.constant 1 : i32
      %sub3A_1299 = arith.subi %div3A_1278, %sub3A_1298 : i32
      %select_n3A_1300 = arith.select %and3A_1297, %sub3A_1299, %div3A_1278 : i32
      %jit3A_1301 = arith.constant 880 : i32
      %eq3A_1302 = arith.constant 0 : i32
      %eq3A_1303 = arith.cmpi eq, %jit3A_1301, %eq3A_1302 : i32
      %jit3A_1304 = arith.constant 1 : i32
      %select_n3A_1305 = arith.select %eq3A_1303, %jit3A_1304, %jit3A_1301 : i32
      %rem3A_1306 = arith.remsi %add3A_1276, %select_n3A_1305 : i32
      %ne3A_1307 = arith.constant 0 : i32
      %ne3A_1308 = arith.cmpi ne, %rem3A_1306, %ne3A_1307 : i32
      %lt3A_1309 = arith.constant 0 : i32
      %lt3A_1310 = arith.cmpi slt, %rem3A_1306, %lt3A_1309 : i32
      %lt3A_1311 = arith.constant 0 : i32
      %lt3A_1312 = arith.cmpi slt, %select_n3A_1305, %lt3A_1311 : i32
      %ne3A_1313 = arith.xori %lt3A_1310, %lt3A_1312 : i1
      %and3A_1314 = arith.andi %ne3A_1313, %ne3A_1308 : i1
      %add3A_1315 = arith.addi %rem3A_1306, %select_n3A_1305 : i32
      %select_n3A_1316 = arith.select %and3A_1314, %add3A_1315, %rem3A_1306 : i32
      %broadcast_in_dim3A_1317 = vector.broadcast %select_n3A_1316 : i32 to vector<16xi32>
      %add3A_1318 = arith.addi %broadcast_in_dim3A_1317, %iota3A : vector<16xi32>
      %broadcast_in_dim3A_1319 = arith.constant 1 : i32
      %broadcast_in_dim3A_1320 = vector.broadcast %broadcast_in_dim3A_1319 : i32 to vector<16xi32>
      %ge3A_1321 = arith.cmpi sge, %add3A_1318, %broadcast_in_dim3A_1320 : vector<16xi32>
      %select_n3A_1322 = arith.select %ge3A_1321, %broadcast_in_dim3A_23, %broadcast_in_dim3A_25 : vector<16xi1>, vector<16xi32>
      %add3A_1323 = arith.addi %broadcast_in_dim3A_25, %select_n3A_1322 : vector<16xi32>
      %broadcast_in_dim3A_1324 = arith.constant 51 : i32
      %broadcast_in_dim3A_1325 = vector.broadcast %broadcast_in_dim3A_1324 : i32 to vector<16xi32>
      %ge3A_1326 = arith.cmpi sge, %add3A_1318, %broadcast_in_dim3A_1325 : vector<16xi32>
      %select_n3A_1327 = arith.select %ge3A_1326, %broadcast_in_dim3A_23, %broadcast_in_dim3A_25 : vector<16xi1>, vector<16xi32>
      %add3A_1328 = arith.addi %add3A_1323, %select_n3A_1327 : vector<16xi32>
      %broadcast_in_dim3A_1329 = arith.constant 71 : i32
      %broadcast_in_dim3A_1330 = vector.broadcast %broadcast_in_dim3A_1329 : i32 to vector<16xi32>
      %ge3A_1331 = arith.cmpi sge, %add3A_1318, %broadcast_in_dim3A_1330 : vector<16xi32>
      %select_n3A_1332 = arith.select %ge3A_1331, %broadcast_in_dim3A_23, %broadcast_in_dim3A_25 : vector<16xi1>, vector<16xi32>
      %add3A_1333 = arith.addi %add3A_1328, %select_n3A_1332 : vector<16xi32>
      %broadcast_in_dim3A_1334 = arith.constant 471 : i32
      %broadcast_in_dim3A_1335 = vector.broadcast %broadcast_in_dim3A_1334 : i32 to vector<16xi32>
      %ge3A_1336 = arith.cmpi sge, %add3A_1318, %broadcast_in_dim3A_1335 : vector<16xi32>
      %select_n3A_1337 = arith.select %ge3A_1336, %broadcast_in_dim3A_23, %broadcast_in_dim3A_25 : vector<16xi1>, vector<16xi32>
      %add3A_1338 = arith.addi %add3A_1333, %select_n3A_1337 : vector<16xi32>
      %broadcast_in_dim3A_1339 = arith.constant 871 : i32
      %broadcast_in_dim3A_1340 = vector.broadcast %broadcast_in_dim3A_1339 : i32 to vector<16xi32>
      %ge3A_1341 = arith.cmpi sge, %add3A_1318, %broadcast_in_dim3A_1340 : vector<16xi32>
      %select_n3A_1342 = arith.select %ge3A_1341, %broadcast_in_dim3A_23, %broadcast_in_dim3A_25 : vector<16xi1>, vector<16xi32>
      %add3A_1343 = arith.addi %add3A_1338, %select_n3A_1342 : vector<16xi32>
      %broadcast_in_dim3A_1344 = arith.constant 2 : i32
      %broadcast_in_dim3A_1345 = vector.broadcast %broadcast_in_dim3A_1344 : i32 to vector<16xi32>
      %eq3A_1346 = arith.cmpi eq, %add3A_1343, %broadcast_in_dim3A_1345 : vector<16xi32>
      %broadcast_in_dim3A_1347 = arith.constant 101000 : i32
      %broadcast_in_dim3A_1348 = vector.broadcast %broadcast_in_dim3A_1347 : i32 to vector<16xi32>
      %eq3A_1349 = arith.cmpi eq, %add3A_1343, %broadcast_in_dim3A_25 : vector<16xi32>
      %broadcast_in_dim3A_1350 = arith.constant -1 : i32
      %broadcast_in_dim3A_1351 = vector.broadcast %broadcast_in_dim3A_1350 : i32 to vector<16xi32>
      %broadcast_in_dim3A_1352 = arith.constant 201000 : i32
      %broadcast_in_dim3A_1353 = vector.broadcast %broadcast_in_dim3A_1352 : i32 to vector<16xi32>
      %select_n3A_1354 = arith.select %eq3A_1349, %broadcast_in_dim3A_1351, %broadcast_in_dim3A_1353 : vector<16xi1>, vector<16xi32>
      %select_n3A_1355 = arith.select %eq3A_1346, %broadcast_in_dim3A_1348, %select_n3A_1354 : vector<16xi1>, vector<16xi32>
      %get3A_1356 = arith.index_cast %add3A_1276 : i32 to index
      %get3A_1357 = tpu.vector_load %arg5[%get3A_1356] {strides = array<i32>} : memref<28160xi32, #tpu.memory_space<vmem>>, vector<16xi32>,
      %get3A_1358 = vector.shape_cast %get3A_1357 : vector<16xi32> to vector<16xi32>
      %mul3A_1359 = arith.constant 5 : i32
      %mul3A_1360 = arith.muli %select_n3A_1300, %mul3A_1359 : i32
      %add3A_1361 = arith.addi %mul3A_21, %mul3A_1360 : i32
      %broadcast_in_dim3A_1362 = vector.broadcast %add3A_1361 : i32 to vector<16xi32>
      %eq3A_1363 = arith.cmpi eq, %get3A_1358, %select_n3A_1355 : vector<16xi32>
      %add3A_1364 = arith.addi %broadcast_in_dim3A_1362, %add3A_1343 : vector<16xi32>
      %select_n3A_1365 = arith.select %eq3A_1363, %broadcast_in_dim3A_19, %add3A_1364 : vector<16xi1>, vector<16xi32>
      %swap3A_1366 = arith.constant 208 : index
      %swap3A_1367 = tpu.vector_load %arg8[%swap3A_1366] {strides = array<i32>} : memref<256xi32, #tpu.memory_space<vmem>>, vector<16xi32>,
      %swap3A_1368 = vector.shape_cast %swap3A_1367 : vector<16xi32> to vector<16xi32>
      %swap3A_1369 = vector.shape_cast %select_n3A_1365 : vector<16xi32> to vector<16xi32>
      tpu.vector_store %arg8[%swap3A_1366], %swap3A_1369 {strides = array<i32>} : memref<256xi32, #tpu.memory_space<vmem>>, vector<16xi32>,
      %add3A_1370 = arith.constant 224 : i32
      %add3A_1371 = arith.addi %mul3A_52, %add3A_1370 : i32
      %jit3A_1372 = arith.constant 880 : i32
      %div3A_1373 = arith.divsi %add3A_1371, %jit3A_1372 : i32
      %sign3A_1374 = arith.constant 0 : i32
      %sign3A_1375 = arith.cmpi sgt, %add3A_1371, %sign3A_1374 : i32
      %sign3A_1376 = arith.extui %sign3A_1375 : i1 to i32
      %sign3A_1377 = arith.constant 0 : i32
      %sign3A_1378 = arith.cmpi slt, %add3A_1371, %sign3A_1377 : i32
      %sign3A_1379 = arith.extui %sign3A_1378 : i1 to i32
      %sign3A_1380 = arith.subi %sign3A_1376, %sign3A_1379 : i32
      %sign3A_1381 = arith.constant 0 : i32
      %sign3A_1382 = arith.cmpi sgt, %jit3A_1372, %sign3A_1381 : i32
      %sign3A_1383 = arith.extui %sign3A_1382 : i1 to i32
      %sign3A_1384 = arith.constant 0 : i32
      %sign3A_1385 = arith.cmpi slt, %jit3A_1372, %sign3A_1384 : i32
      %sign3A_1386 = arith.extui %sign3A_1385 : i1 to i32
      %sign3A_1387 = arith.subi %sign3A_1383, %sign3A_1386 : i32
      %ne3A_1388 = arith.cmpi ne, %sign3A_1380, %sign3A_1387 : i32
      %rem3A_1389 = arith.remsi %add3A_1371, %jit3A_1372 : i32
      %ne3A_1390 = arith.constant 0 : i32
      %ne3A_1391 = arith.cmpi ne, %rem3A_1389, %ne3A_1390 : i32
      %and3A_1392 = arith.andi %ne3A_1388, %ne3A_1391 : i1
      %sub3A_1393 = arith.constant 1 : i32
      %sub3A_1394 = arith.subi %div3A_1373, %sub3A_1393 : i32
      %select_n3A_1395 = arith.select %and3A_1392, %sub3A_1394, %div3A_1373 : i32
      %jit3A_1396 = arith.constant 880 : i32
      %eq3A_1397 = arith.constant 0 : i32
      %eq3A_1398 = arith.cmpi eq, %jit3A_1396, %eq3A_1397 : i32
      %jit3A_1399 = arith.constant 1 : i32
      %select_n3A_1400 = arith.select %eq3A_1398, %jit3A_1399, %jit3A_1396 : i32
      %rem3A_1401 = arith.remsi %add3A_1371, %select_n3A_1400 : i32
      %ne3A_1402 = arith.constant 0 : i32
      %ne3A_1403 = arith.cmpi ne, %rem3A_1401, %ne3A_1402 : i32
      %lt3A_1404 = arith.constant 0 : i32
      %lt3A_1405 = arith.cmpi slt, %rem3A_1401, %lt3A_1404 : i32
      %lt3A_1406 = arith.constant 0 : i32
      %lt3A_1407 = arith.cmpi slt, %select_n3A_1400, %lt3A_1406 : i32
      %ne3A_1408 = arith.xori %lt3A_1405, %lt3A_1407 : i1
      %and3A_1409 = arith.andi %ne3A_1408, %ne3A_1403 : i1
      %add3A_1410 = arith.addi %rem3A_1401, %select_n3A_1400 : i32
      %select_n3A_1411 = arith.select %and3A_1409, %add3A_1410, %rem3A_1401 : i32
      %broadcast_in_dim3A_1412 = vector.broadcast %select_n3A_1411 : i32 to vector<16xi32>
      %add3A_1413 = arith.addi %broadcast_in_dim3A_1412, %iota3A : vector<16xi32>
      %broadcast_in_dim3A_1414 = arith.constant 1 : i32
      %broadcast_in_dim3A_1415 = vector.broadcast %broadcast_in_dim3A_1414 : i32 to vector<16xi32>
      %ge3A_1416 = arith.cmpi sge, %add3A_1413, %broadcast_in_dim3A_1415 : vector<16xi32>
      %select_n3A_1417 = arith.select %ge3A_1416, %broadcast_in_dim3A_23, %broadcast_in_dim3A_25 : vector<16xi1>, vector<16xi32>
      %add3A_1418 = arith.addi %broadcast_in_dim3A_25, %select_n3A_1417 : vector<16xi32>
      %broadcast_in_dim3A_1419 = arith.constant 51 : i32
      %broadcast_in_dim3A_1420 = vector.broadcast %broadcast_in_dim3A_1419 : i32 to vector<16xi32>
      %ge3A_1421 = arith.cmpi sge, %add3A_1413, %broadcast_in_dim3A_1420 : vector<16xi32>
      %select_n3A_1422 = arith.select %ge3A_1421, %broadcast_in_dim3A_23, %broadcast_in_dim3A_25 : vector<16xi1>, vector<16xi32>
      %add3A_1423 = arith.addi %add3A_1418, %select_n3A_1422 : vector<16xi32>
      %broadcast_in_dim3A_1424 = arith.constant 71 : i32
      %broadcast_in_dim3A_1425 = vector.broadcast %broadcast_in_dim3A_1424 : i32 to vector<16xi32>
      %ge3A_1426 = arith.cmpi sge, %add3A_1413, %broadcast_in_dim3A_1425 : vector<16xi32>
      %select_n3A_1427 = arith.select %ge3A_1426, %broadcast_in_dim3A_23, %broadcast_in_dim3A_25 : vector<16xi1>, vector<16xi32>
      %add3A_1428 = arith.addi %add3A_1423, %select_n3A_1427 : vector<16xi32>
      %broadcast_in_dim3A_1429 = arith.constant 471 : i32
      %broadcast_in_dim3A_1430 = vector.broadcast %broadcast_in_dim3A_1429 : i32 to vector<16xi32>
      %ge3A_1431 = arith.cmpi sge, %add3A_1413, %broadcast_in_dim3A_1430 : vector<16xi32>
      %select_n3A_1432 = arith.select %ge3A_1431, %broadcast_in_dim3A_23, %broadcast_in_dim3A_25 : vector<16xi1>, vector<16xi32>
      %add3A_1433 = arith.addi %add3A_1428, %select_n3A_1432 : vector<16xi32>
      %broadcast_in_dim3A_1434 = arith.constant 871 : i32
      %broadcast_in_dim3A_1435 = vector.broadcast %broadcast_in_dim3A_1434 : i32 to vector<16xi32>
      %ge3A_1436 = arith.cmpi sge, %add3A_1413, %broadcast_in_dim3A_1435 : vector<16xi32>
      %select_n3A_1437 = arith.select %ge3A_1436, %broadcast_in_dim3A_23, %broadcast_in_dim3A_25 : vector<16xi1>, vector<16xi32>
      %add3A_1438 = arith.addi %add3A_1433, %select_n3A_1437 : vector<16xi32>
      %broadcast_in_dim3A_1439 = arith.constant 2 : i32
      %broadcast_in_dim3A_1440 = vector.broadcast %broadcast_in_dim3A_1439 : i32 to vector<16xi32>
      %eq3A_1441 = arith.cmpi eq, %add3A_1438, %broadcast_in_dim3A_1440 : vector<16xi32>
      %broadcast_in_dim3A_1442 = arith.constant 101000 : i32
      %broadcast_in_dim3A_1443 = vector.broadcast %broadcast_in_dim3A_1442 : i32 to vector<16xi32>
      %eq3A_1444 = arith.cmpi eq, %add3A_1438, %broadcast_in_dim3A_25 : vector<16xi32>
      %broadcast_in_dim3A_1445 = arith.constant -1 : i32
      %broadcast_in_dim3A_1446 = vector.broadcast %broadcast_in_dim3A_1445 : i32 to vector<16xi32>
      %broadcast_in_dim3A_1447 = arith.constant 201000 : i32
      %broadcast_in_dim3A_1448 = vector.broadcast %broadcast_in_dim3A_1447 : i32 to vector<16xi32>
      %select_n3A_1449 = arith.select %eq3A_1444, %broadcast_in_dim3A_1446, %broadcast_in_dim3A_1448 : vector<16xi1>, vector<16xi32>
      %select_n3A_1450 = arith.select %eq3A_1441, %broadcast_in_dim3A_1443, %select_n3A_1449 : vector<16xi1>, vector<16xi32>
      %get3A_1451 = arith.index_cast %add3A_1371 : i32 to index
      %get3A_1452 = tpu.vector_load %arg5[%get3A_1451] {strides = array<i32>} : memref<28160xi32, #tpu.memory_space<vmem>>, vector<16xi32>,
      %get3A_1453 = vector.shape_cast %get3A_1452 : vector<16xi32> to vector<16xi32>
      %mul3A_1454 = arith.constant 5 : i32
      %mul3A_1455 = arith.muli %select_n3A_1395, %mul3A_1454 : i32
      %add3A_1456 = arith.addi %mul3A_21, %mul3A_1455 : i32
      %broadcast_in_dim3A_1457 = vector.broadcast %add3A_1456 : i32 to vector<16xi32>
      %eq3A_1458 = arith.cmpi eq, %get3A_1453, %select_n3A_1450 : vector<16xi32>
      %add3A_1459 = arith.addi %broadcast_in_dim3A_1457, %add3A_1438 : vector<16xi32>
      %select_n3A_1460 = arith.select %eq3A_1458, %broadcast_in_dim3A_19, %add3A_1459 : vector<16xi1>, vector<16xi32>
      %swap3A_1461 = arith.constant 224 : index
      %swap3A_1462 = tpu.vector_load %arg8[%swap3A_1461] {strides = array<i32>} : memref<256xi32, #tpu.memory_space<vmem>>, vector<16xi32>,
      %swap3A_1463 = vector.shape_cast %swap3A_1462 : vector<16xi32> to vector<16xi32>
      %swap3A_1464 = vector.shape_cast %select_n3A_1460 : vector<16xi32> to vector<16xi32>
      tpu.vector_store %arg8[%swap3A_1461], %swap3A_1464 {strides = array<i32>} : memref<256xi32, #tpu.memory_space<vmem>>, vector<16xi32>,
      %add3A_1465 = arith.constant 240 : i32
      %add3A_1466 = arith.addi %mul3A_52, %add3A_1465 : i32
      %jit3A_1467 = arith.constant 880 : i32
      %div3A_1468 = arith.divsi %add3A_1466, %jit3A_1467 : i32
      %sign3A_1469 = arith.constant 0 : i32
      %sign3A_1470 = arith.cmpi sgt, %add3A_1466, %sign3A_1469 : i32
      %sign3A_1471 = arith.extui %sign3A_1470 : i1 to i32
      %sign3A_1472 = arith.constant 0 : i32
      %sign3A_1473 = arith.cmpi slt, %add3A_1466, %sign3A_1472 : i32
      %sign3A_1474 = arith.extui %sign3A_1473 : i1 to i32
      %sign3A_1475 = arith.subi %sign3A_1471, %sign3A_1474 : i32
      %sign3A_1476 = arith.constant 0 : i32
      %sign3A_1477 = arith.cmpi sgt, %jit3A_1467, %sign3A_1476 : i32
      %sign3A_1478 = arith.extui %sign3A_1477 : i1 to i32
      %sign3A_1479 = arith.constant 0 : i32
      %sign3A_1480 = arith.cmpi slt, %jit3A_1467, %sign3A_1479 : i32
      %sign3A_1481 = arith.extui %sign3A_1480 : i1 to i32
      %sign3A_1482 = arith.subi %sign3A_1478, %sign3A_1481 : i32
      %ne3A_1483 = arith.cmpi ne, %sign3A_1475, %sign3A_1482 : i32
      %rem3A_1484 = arith.remsi %add3A_1466, %jit3A_1467 : i32
      %ne3A_1485 = arith.constant 0 : i32
      %ne3A_1486 = arith.cmpi ne, %rem3A_1484, %ne3A_1485 : i32
      %and3A_1487 = arith.andi %ne3A_1483, %ne3A_1486 : i1
      %sub3A_1488 = arith.constant 1 : i32
      %sub3A_1489 = arith.subi %div3A_1468, %sub3A_1488 : i32
      %select_n3A_1490 = arith.select %and3A_1487, %sub3A_1489, %div3A_1468 : i32
      %jit3A_1491 = arith.constant 880 : i32
      %eq3A_1492 = arith.constant 0 : i32
      %eq3A_1493 = arith.cmpi eq, %jit3A_1491, %eq3A_1492 : i32
      %jit3A_1494 = arith.constant 1 : i32
      %select_n3A_1495 = arith.select %eq3A_1493, %jit3A_1494, %jit3A_1491 : i32
      %rem3A_1496 = arith.remsi %add3A_1466, %select_n3A_1495 : i32
      %ne3A_1497 = arith.constant 0 : i32
      %ne3A_1498 = arith.cmpi ne, %rem3A_1496, %ne3A_1497 : i32
      %lt3A_1499 = arith.constant 0 : i32
      %lt3A_1500 = arith.cmpi slt, %rem3A_1496, %lt3A_1499 : i32
      %lt3A_1501 = arith.constant 0 : i32
      %lt3A_1502 = arith.cmpi slt, %select_n3A_1495, %lt3A_1501 : i32
      %ne3A_1503 = arith.xori %lt3A_1500, %lt3A_1502 : i1
      %and3A_1504 = arith.andi %ne3A_1503, %ne3A_1498 : i1
      %add3A_1505 = arith.addi %rem3A_1496, %select_n3A_1495 : i32
      %select_n3A_1506 = arith.select %and3A_1504, %add3A_1505, %rem3A_1496 : i32
      %broadcast_in_dim3A_1507 = vector.broadcast %select_n3A_1506 : i32 to vector<16xi32>
      %add3A_1508 = arith.addi %broadcast_in_dim3A_1507, %iota3A : vector<16xi32>
      %broadcast_in_dim3A_1509 = arith.constant 1 : i32
      %broadcast_in_dim3A_1510 = vector.broadcast %broadcast_in_dim3A_1509 : i32 to vector<16xi32>
      %ge3A_1511 = arith.cmpi sge, %add3A_1508, %broadcast_in_dim3A_1510 : vector<16xi32>
      %select_n3A_1512 = arith.select %ge3A_1511, %broadcast_in_dim3A_23, %broadcast_in_dim3A_25 : vector<16xi1>, vector<16xi32>
      %add3A_1513 = arith.addi %broadcast_in_dim3A_25, %select_n3A_1512 : vector<16xi32>
      %broadcast_in_dim3A_1514 = arith.constant 51 : i32
      %broadcast_in_dim3A_1515 = vector.broadcast %broadcast_in_dim3A_1514 : i32 to vector<16xi32>
      %ge3A_1516 = arith.cmpi sge, %add3A_1508, %broadcast_in_dim3A_1515 : vector<16xi32>
      %select_n3A_1517 = arith.select %ge3A_1516, %broadcast_in_dim3A_23, %broadcast_in_dim3A_25 : vector<16xi1>, vector<16xi32>
      %add3A_1518 = arith.addi %add3A_1513, %select_n3A_1517 : vector<16xi32>
      %broadcast_in_dim3A_1519 = arith.constant 71 : i32
      %broadcast_in_dim3A_1520 = vector.broadcast %broadcast_in_dim3A_1519 : i32 to vector<16xi32>
      %ge3A_1521 = arith.cmpi sge, %add3A_1508, %broadcast_in_dim3A_1520 : vector<16xi32>
      %select_n3A_1522 = arith.select %ge3A_1521, %broadcast_in_dim3A_23, %broadcast_in_dim3A_25 : vector<16xi1>, vector<16xi32>
      %add3A_1523 = arith.addi %add3A_1518, %select_n3A_1522 : vector<16xi32>
      %broadcast_in_dim3A_1524 = arith.constant 471 : i32
      %broadcast_in_dim3A_1525 = vector.broadcast %broadcast_in_dim3A_1524 : i32 to vector<16xi32>
      %ge3A_1526 = arith.cmpi sge, %add3A_1508, %broadcast_in_dim3A_1525 : vector<16xi32>
      %select_n3A_1527 = arith.select %ge3A_1526, %broadcast_in_dim3A_23, %broadcast_in_dim3A_25 : vector<16xi1>, vector<16xi32>
      %add3A_1528 = arith.addi %add3A_1523, %select_n3A_1527 : vector<16xi32>
      %broadcast_in_dim3A_1529 = arith.constant 871 : i32
      %broadcast_in_dim3A_1530 = vector.broadcast %broadcast_in_dim3A_1529 : i32 to vector<16xi32>
      %ge3A_1531 = arith.cmpi sge, %add3A_1508, %broadcast_in_dim3A_1530 : vector<16xi32>
      %select_n3A_1532 = arith.select %ge3A_1531, %broadcast_in_dim3A_23, %broadcast_in_dim3A_25 : vector<16xi1>, vector<16xi32>
      %add3A_1533 = arith.addi %add3A_1528, %select_n3A_1532 : vector<16xi32>
      %broadcast_in_dim3A_1534 = arith.constant 2 : i32
      %broadcast_in_dim3A_1535 = vector.broadcast %broadcast_in_dim3A_1534 : i32 to vector<16xi32>
      %eq3A_1536 = arith.cmpi eq, %add3A_1533, %broadcast_in_dim3A_1535 : vector<16xi32>
      %broadcast_in_dim3A_1537 = arith.constant 101000 : i32
      %broadcast_in_dim3A_1538 = vector.broadcast %broadcast_in_dim3A_1537 : i32 to vector<16xi32>
      %eq3A_1539 = arith.cmpi eq, %add3A_1533, %broadcast_in_dim3A_25 : vector<16xi32>
      %broadcast_in_dim3A_1540 = arith.constant -1 : i32
      %broadcast_in_dim3A_1541 = vector.broadcast %broadcast_in_dim3A_1540 : i32 to vector<16xi32>
      %broadcast_in_dim3A_1542 = arith.constant 201000 : i32
      %broadcast_in_dim3A_1543 = vector.broadcast %broadcast_in_dim3A_1542 : i32 to vector<16xi32>
      %select_n3A_1544 = arith.select %eq3A_1539, %broadcast_in_dim3A_1541, %broadcast_in_dim3A_1543 : vector<16xi1>, vector<16xi32>
      %select_n3A_1545 = arith.select %eq3A_1536, %broadcast_in_dim3A_1538, %select_n3A_1544 : vector<16xi1>, vector<16xi32>
      %get3A_1546 = arith.index_cast %add3A_1466 : i32 to index
      %get3A_1547 = tpu.vector_load %arg5[%get3A_1546] {strides = array<i32>} : memref<28160xi32, #tpu.memory_space<vmem>>, vector<16xi32>,
      %get3A_1548 = vector.shape_cast %get3A_1547 : vector<16xi32> to vector<16xi32>
      %mul3A_1549 = arith.constant 5 : i32
      %mul3A_1550 = arith.muli %select_n3A_1490, %mul3A_1549 : i32
      %add3A_1551 = arith.addi %mul3A_21, %mul3A_1550 : i32
      %broadcast_in_dim3A_1552 = vector.broadcast %add3A_1551 : i32 to vector<16xi32>
      %eq3A_1553 = arith.cmpi eq, %get3A_1548, %select_n3A_1545 : vector<16xi32>
      %add3A_1554 = arith.addi %broadcast_in_dim3A_1552, %add3A_1533 : vector<16xi32>
      %select_n3A_1555 = arith.select %eq3A_1553, %broadcast_in_dim3A_19, %add3A_1554 : vector<16xi1>, vector<16xi32>
      %swap3A_1556 = arith.constant 240 : index
      %swap3A_1557 = tpu.vector_load %arg8[%swap3A_1556] {strides = array<i32>} : memref<256xi32, #tpu.memory_space<vmem>>, vector<16xi32>,
      %swap3A_1558 = vector.shape_cast %swap3A_1557 : vector<16xi32> to vector<16xi32>
      %swap3A_1559 = vector.shape_cast %select_n3A_1555 : vector<16xi32> to vector<16xi32>
      tpu.vector_store %arg8[%swap3A_1556], %swap3A_1559 {strides = array<i32>} : memref<256xi32, #tpu.memory_space<vmem>>, vector<16xi32>,
      %dma_wait3A_1560 = arith.constant 0 : i32
      %dma_wait3A_1561 = tpu.memref_slice %arg5[%dma_wait3A_1560] : memref<28160xi32, #tpu.memory_space<vmem>> -> memref<256xi32, #tpu.memory_space<vmem>>
      %dma_wait3A_1562 = arith.constant 0 : i32
      %dma_wait3A_1563 = arith.constant 0 : i32
      %dma_wait3A_1564 = tpu.memref_slice %arg2[%dma_wait3A_1562, %dma_wait3A_1563] : memref<201001x128xf32, #tpu.memory_space<hbm>> -> memref<201001x128xf32, #tpu.memory_space<hbm>>
      tpu.wait_indirect_dma semaphore(%arg11 : memref<!tpu.dma_semaphore, #tpu.memory_space<semaphore_mem>>) src(%dma_wait3A_1564 : memref<201001x128xf32, #tpu.memory_space<hbm>>) dst(%arg6 : memref<256x128xf32, #tpu.memory_space<vmem>>)
      %dma_start3A_1565 = arith.constant 0 : i32
      %dma_start3A_1566 = arith.constant 0 : i32
      %dma_start3A_1567 = tpu.memref_slice %arg10[%dma_start3A_1565, %dma_start3A_1566] : memref<2688x128xf32, #tpu.memory_space<vmem_shared>> -> memref<2688x128xf32, #tpu.memory_space<vmem_shared>>
      tpu.enqueue_indirect_dma source(%arg6 : memref<256x128xf32, #tpu.memory_space<vmem>>) target(%dma_start3A_1567 : memref<2688x128xf32, #tpu.memory_space<vmem_shared>>) offsets(%arg8 : memref<256xi32, #tpu.memory_space<vmem>>) semaphore(%arg13 : memref<!tpu.dma_semaphore, #tpu.memory_space<semaphore_mem>>) {add = true}
      %add3A_1568 = arith.constant 2 : i32
      %add3A_1569 = arith.addi %add3A_50, %add3A_1568 : i32
      %sub3A_1570 = arith.constant 1 : i32
      %sub3A_1571 = arith.subi %add3A_1569, %sub3A_1570 : i32
      %gt3A = arith.constant 0 : i32
      %gt3A_1572 = arith.cmpi sgt, %scan3A_46, %gt3A : i32
      %convert_element_type3A = arith.extui %gt3A_1572 : i1 to i32
      %cond3A = arith.constant 0 : i32
      %cond3A_1573 = arith.cmpi ne, %convert_element_type3A, %cond3A : i32
      scf.if %cond3A_1573 {
        %dma_wait3A_3123 = arith.constant 0 : i32
        %dma_wait3A_3124 = arith.constant 0 : i32
        %dma_wait3A_3125 = tpu.memref_slice %arg10[%dma_wait3A_3123, %dma_wait3A_3124] : memref<2688x128xf32, #tpu.memory_space<vmem_shared>> -> memref<2688x128xf32, #tpu.memory_space<vmem_shared>>
        tpu.wait_indirect_dma semaphore(%arg14 : memref<!tpu.dma_semaphore, #tpu.memory_space<semaphore_mem>>) src(%arg7 : memref<256x128xf32, #tpu.memory_space<vmem>>) dst(%dma_wait3A_3125 : memref<2688x128xf32, #tpu.memory_space<vmem_shared>>)
      } else {
      }
      %mul3A_1574 = arith.constant 256 : i32
      %mul3A_1575 = arith.muli %sub3A_1571, %mul3A_1574 : i32
      %dma_start3A_1576 = tpu.memref_slice %arg5[%mul3A_1575] : memref<28160xi32, #tpu.memory_space<vmem>> -> memref<256xi32, #tpu.memory_space<vmem>>
      %dma_start3A_1577 = arith.constant 0 : i32
      %dma_start3A_1578 = arith.constant 0 : i32
      %dma_start3A_1579 = tpu.memref_slice %arg2[%dma_start3A_1577, %dma_start3A_1578] : memref<201001x128xf32, #tpu.memory_space<hbm>> -> memref<201001x128xf32, #tpu.memory_space<hbm>>
      tpu.enqueue_indirect_dma source(%dma_start3A_1579 : memref<201001x128xf32, #tpu.memory_space<hbm>>) target(%arg7 : memref<256x128xf32, #tpu.memory_space<vmem>>) offsets(%dma_start3A_1576 : memref<256xi32, #tpu.memory_space<vmem>>) semaphore(%arg12 : memref<!tpu.dma_semaphore, #tpu.memory_space<semaphore_mem>>)
      %mul3A_1580 = arith.constant 2 : i32
      %mul3A_1581 = arith.muli %scan3A_46, %mul3A_1580 : i32
      %add3A_1582 = arith.constant 1 : i32
      %add3A_1583 = arith.addi %mul3A_1581, %add3A_1582 : i32
      %mul3A_1584 = arith.constant 256 : i32
      %mul3A_1585 = arith.muli %add3A_1583, %mul3A_1584 : i32
      %add3A_1586 = arith.constant 0 : i32
      %add3A_1587 = arith.addi %mul3A_1585, %add3A_1586 : i32
      %jit3A_1588 = arith.constant 880 : i32
      %div3A_1589 = arith.divsi %add3A_1587, %jit3A_1588 : i32
      %sign3A_1590 = arith.constant 0 : i32
      %sign3A_1591 = arith.cmpi sgt, %add3A_1587, %sign3A_1590 : i32
      %sign3A_1592 = arith.extui %sign3A_1591 : i1 to i32
      %sign3A_1593 = arith.constant 0 : i32
      %sign3A_1594 = arith.cmpi slt, %add3A_1587, %sign3A_1593 : i32
      %sign3A_1595 = arith.extui %sign3A_1594 : i1 to i32
      %sign3A_1596 = arith.subi %sign3A_1592, %sign3A_1595 : i32
      %sign3A_1597 = arith.constant 0 : i32
      %sign3A_1598 = arith.cmpi sgt, %jit3A_1588, %sign3A_1597 : i32
      %sign3A_1599 = arith.extui %sign3A_1598 : i1 to i32
      %sign3A_1600 = arith.constant 0 : i32
      %sign3A_1601 = arith.cmpi slt, %jit3A_1588, %sign3A_1600 : i32
      %sign3A_1602 = arith.extui %sign3A_1601 : i1 to i32
      %sign3A_1603 = arith.subi %sign3A_1599, %sign3A_1602 : i32
      %ne3A_1604 = arith.cmpi ne, %sign3A_1596, %sign3A_1603 : i32
      %rem3A_1605 = arith.remsi %add3A_1587, %jit3A_1588 : i32
      %ne3A_1606 = arith.constant 0 : i32
      %ne3A_1607 = arith.cmpi ne, %rem3A_1605, %ne3A_1606 : i32
      %and3A_1608 = arith.andi %ne3A_1604, %ne3A_1607 : i1
      %sub3A_1609 = arith.constant 1 : i32
      %sub3A_1610 = arith.subi %div3A_1589, %sub3A_1609 : i32
      %select_n3A_1611 = arith.select %and3A_1608, %sub3A_1610, %div3A_1589 : i32
      %jit3A_1612 = arith.constant 880 : i32
      %eq3A_1613 = arith.constant 0 : i32
      %eq3A_1614 = arith.cmpi eq, %jit3A_1612, %eq3A_1613 : i32
      %jit3A_1615 = arith.constant 1 : i32
      %select_n3A_1616 = arith.select %eq3A_1614, %jit3A_1615, %jit3A_1612 : i32
      %rem3A_1617 = arith.remsi %add3A_1587, %select_n3A_1616 : i32
      %ne3A_1618 = arith.constant 0 : i32
      %ne3A_1619 = arith.cmpi ne, %rem3A_1617, %ne3A_1618 : i32
      %lt3A_1620 = arith.constant 0 : i32
      %lt3A_1621 = arith.cmpi slt, %rem3A_1617, %lt3A_1620 : i32
      %lt3A_1622 = arith.constant 0 : i32
      %lt3A_1623 = arith.cmpi slt, %select_n3A_1616, %lt3A_1622 : i32
      %ne3A_1624 = arith.xori %lt3A_1621, %lt3A_1623 : i1
      %and3A_1625 = arith.andi %ne3A_1624, %ne3A_1619 : i1
      %add3A_1626 = arith.addi %rem3A_1617, %select_n3A_1616 : i32
      %select_n3A_1627 = arith.select %and3A_1625, %add3A_1626, %rem3A_1617 : i32
      %broadcast_in_dim3A_1628 = vector.broadcast %select_n3A_1627 : i32 to vector<16xi32>
      %add3A_1629 = arith.addi %broadcast_in_dim3A_1628, %iota3A : vector<16xi32>
      %broadcast_in_dim3A_1630 = arith.constant 1 : i32
      %broadcast_in_dim3A_1631 = vector.broadcast %broadcast_in_dim3A_1630 : i32 to vector<16xi32>
      %ge3A_1632 = arith.cmpi sge, %add3A_1629, %broadcast_in_dim3A_1631 : vector<16xi32>
      %select_n3A_1633 = arith.select %ge3A_1632, %broadcast_in_dim3A_23, %broadcast_in_dim3A_25 : vector<16xi1>, vector<16xi32>
      %add3A_1634 = arith.addi %broadcast_in_dim3A_25, %select_n3A_1633 : vector<16xi32>
      %broadcast_in_dim3A_1635 = arith.constant 51 : i32
      %broadcast_in_dim3A_1636 = vector.broadcast %broadcast_in_dim3A_1635 : i32 to vector<16xi32>
      %ge3A_1637 = arith.cmpi sge, %add3A_1629, %broadcast_in_dim3A_1636 : vector<16xi32>
      %select_n3A_1638 = arith.select %ge3A_1637, %broadcast_in_dim3A_23, %broadcast_in_dim3A_25 : vector<16xi1>, vector<16xi32>
      %add3A_1639 = arith.addi %add3A_1634, %select_n3A_1638 : vector<16xi32>
      %broadcast_in_dim3A_1640 = arith.constant 71 : i32
      %broadcast_in_dim3A_1641 = vector.broadcast %broadcast_in_dim3A_1640 : i32 to vector<16xi32>
      %ge3A_1642 = arith.cmpi sge, %add3A_1629, %broadcast_in_dim3A_1641 : vector<16xi32>
      %select_n3A_1643 = arith.select %ge3A_1642, %broadcast_in_dim3A_23, %broadcast_in_dim3A_25 : vector<16xi1>, vector<16xi32>
      %add3A_1644 = arith.addi %add3A_1639, %select_n3A_1643 : vector<16xi32>
      %broadcast_in_dim3A_1645 = arith.constant 471 : i32
      %broadcast_in_dim3A_1646 = vector.broadcast %broadcast_in_dim3A_1645 : i32 to vector<16xi32>
      %ge3A_1647 = arith.cmpi sge, %add3A_1629, %broadcast_in_dim3A_1646 : vector<16xi32>
      %select_n3A_1648 = arith.select %ge3A_1647, %broadcast_in_dim3A_23, %broadcast_in_dim3A_25 : vector<16xi1>, vector<16xi32>
      %add3A_1649 = arith.addi %add3A_1644, %select_n3A_1648 : vector<16xi32>
      %broadcast_in_dim3A_1650 = arith.constant 871 : i32
      %broadcast_in_dim3A_1651 = vector.broadcast %broadcast_in_dim3A_1650 : i32 to vector<16xi32>
      %ge3A_1652 = arith.cmpi sge, %add3A_1629, %broadcast_in_dim3A_1651 : vector<16xi32>
      %select_n3A_1653 = arith.select %ge3A_1652, %broadcast_in_dim3A_23, %broadcast_in_dim3A_25 : vector<16xi1>, vector<16xi32>
      %add3A_1654 = arith.addi %add3A_1649, %select_n3A_1653 : vector<16xi32>
      %broadcast_in_dim3A_1655 = arith.constant 2 : i32
      %broadcast_in_dim3A_1656 = vector.broadcast %broadcast_in_dim3A_1655 : i32 to vector<16xi32>
      %eq3A_1657 = arith.cmpi eq, %add3A_1654, %broadcast_in_dim3A_1656 : vector<16xi32>
      %broadcast_in_dim3A_1658 = arith.constant 101000 : i32
      %broadcast_in_dim3A_1659 = vector.broadcast %broadcast_in_dim3A_1658 : i32 to vector<16xi32>
      %eq3A_1660 = arith.cmpi eq, %add3A_1654, %broadcast_in_dim3A_25 : vector<16xi32>
      %broadcast_in_dim3A_1661 = arith.constant -1 : i32
      %broadcast_in_dim3A_1662 = vector.broadcast %broadcast_in_dim3A_1661 : i32 to vector<16xi32>
      %broadcast_in_dim3A_1663 = arith.constant 201000 : i32
      %broadcast_in_dim3A_1664 = vector.broadcast %broadcast_in_dim3A_1663 : i32 to vector<16xi32>
      %select_n3A_1665 = arith.select %eq3A_1660, %broadcast_in_dim3A_1662, %broadcast_in_dim3A_1664 : vector<16xi1>, vector<16xi32>
      %select_n3A_1666 = arith.select %eq3A_1657, %broadcast_in_dim3A_1659, %select_n3A_1665 : vector<16xi1>, vector<16xi32>
      %get3A_1667 = arith.index_cast %add3A_1587 : i32 to index
      %get3A_1668 = tpu.vector_load %arg5[%get3A_1667] {strides = array<i32>} : memref<28160xi32, #tpu.memory_space<vmem>>, vector<16xi32>,
      %get3A_1669 = vector.shape_cast %get3A_1668 : vector<16xi32> to vector<16xi32>
      %mul3A_1670 = arith.constant 5 : i32
      %mul3A_1671 = arith.muli %select_n3A_1611, %mul3A_1670 : i32
      %add3A_1672 = arith.addi %mul3A_21, %mul3A_1671 : i32
      %broadcast_in_dim3A_1673 = vector.broadcast %add3A_1672 : i32 to vector<16xi32>
      %eq3A_1674 = arith.cmpi eq, %get3A_1669, %select_n3A_1666 : vector<16xi32>
      %add3A_1675 = arith.addi %broadcast_in_dim3A_1673, %add3A_1654 : vector<16xi32>
      %select_n3A_1676 = arith.select %eq3A_1674, %broadcast_in_dim3A_19, %add3A_1675 : vector<16xi1>, vector<16xi32>
      %swap3A_1677 = arith.constant 0 : index
      %swap3A_1678 = tpu.vector_load %arg9[%swap3A_1677] {strides = array<i32>} : memref<256xi32, #tpu.memory_space<vmem>>, vector<16xi32>,
      %swap3A_1679 = vector.shape_cast %swap3A_1678 : vector<16xi32> to vector<16xi32>
      %swap3A_1680 = vector.shape_cast %select_n3A_1676 : vector<16xi32> to vector<16xi32>
      tpu.vector_store %arg9[%swap3A_1677], %swap3A_1680 {strides = array<i32>} : memref<256xi32, #tpu.memory_space<vmem>>, vector<16xi32>,
      %add3A_1681 = arith.constant 16 : i32
      %add3A_1682 = arith.addi %mul3A_1585, %add3A_1681 : i32
      %jit3A_1683 = arith.constant 880 : i32
      %div3A_1684 = arith.divsi %add3A_1682, %jit3A_1683 : i32
      %sign3A_1685 = arith.constant 0 : i32
      %sign3A_1686 = arith.cmpi sgt, %add3A_1682, %sign3A_1685 : i32
      %sign3A_1687 = arith.extui %sign3A_1686 : i1 to i32
      %sign3A_1688 = arith.constant 0 : i32
      %sign3A_1689 = arith.cmpi slt, %add3A_1682, %sign3A_1688 : i32
      %sign3A_1690 = arith.extui %sign3A_1689 : i1 to i32
      %sign3A_1691 = arith.subi %sign3A_1687, %sign3A_1690 : i32
      %sign3A_1692 = arith.constant 0 : i32
      %sign3A_1693 = arith.cmpi sgt, %jit3A_1683, %sign3A_1692 : i32
      %sign3A_1694 = arith.extui %sign3A_1693 : i1 to i32
      %sign3A_1695 = arith.constant 0 : i32
      %sign3A_1696 = arith.cmpi slt, %jit3A_1683, %sign3A_1695 : i32
      %sign3A_1697 = arith.extui %sign3A_1696 : i1 to i32
      %sign3A_1698 = arith.subi %sign3A_1694, %sign3A_1697 : i32
      %ne3A_1699 = arith.cmpi ne, %sign3A_1691, %sign3A_1698 : i32
      %rem3A_1700 = arith.remsi %add3A_1682, %jit3A_1683 : i32
      %ne3A_1701 = arith.constant 0 : i32
      %ne3A_1702 = arith.cmpi ne, %rem3A_1700, %ne3A_1701 : i32
      %and3A_1703 = arith.andi %ne3A_1699, %ne3A_1702 : i1
      %sub3A_1704 = arith.constant 1 : i32
      %sub3A_1705 = arith.subi %div3A_1684, %sub3A_1704 : i32
      %select_n3A_1706 = arith.select %and3A_1703, %sub3A_1705, %div3A_1684 : i32
      %jit3A_1707 = arith.constant 880 : i32
      %eq3A_1708 = arith.constant 0 : i32
      %eq3A_1709 = arith.cmpi eq, %jit3A_1707, %eq3A_1708 : i32
      %jit3A_1710 = arith.constant 1 : i32
      %select_n3A_1711 = arith.select %eq3A_1709, %jit3A_1710, %jit3A_1707 : i32
      %rem3A_1712 = arith.remsi %add3A_1682, %select_n3A_1711 : i32
      %ne3A_1713 = arith.constant 0 : i32
      %ne3A_1714 = arith.cmpi ne, %rem3A_1712, %ne3A_1713 : i32
      %lt3A_1715 = arith.constant 0 : i32
      %lt3A_1716 = arith.cmpi slt, %rem3A_1712, %lt3A_1715 : i32
      %lt3A_1717 = arith.constant 0 : i32
      %lt3A_1718 = arith.cmpi slt, %select_n3A_1711, %lt3A_1717 : i32
      %ne3A_1719 = arith.xori %lt3A_1716, %lt3A_1718 : i1
      %and3A_1720 = arith.andi %ne3A_1719, %ne3A_1714 : i1
      %add3A_1721 = arith.addi %rem3A_1712, %select_n3A_1711 : i32
      %select_n3A_1722 = arith.select %and3A_1720, %add3A_1721, %rem3A_1712 : i32
      %broadcast_in_dim3A_1723 = vector.broadcast %select_n3A_1722 : i32 to vector<16xi32>
      %add3A_1724 = arith.addi %broadcast_in_dim3A_1723, %iota3A : vector<16xi32>
      %broadcast_in_dim3A_1725 = arith.constant 1 : i32
      %broadcast_in_dim3A_1726 = vector.broadcast %broadcast_in_dim3A_1725 : i32 to vector<16xi32>
      %ge3A_1727 = arith.cmpi sge, %add3A_1724, %broadcast_in_dim3A_1726 : vector<16xi32>
      %select_n3A_1728 = arith.select %ge3A_1727, %broadcast_in_dim3A_23, %broadcast_in_dim3A_25 : vector<16xi1>, vector<16xi32>
      %add3A_1729 = arith.addi %broadcast_in_dim3A_25, %select_n3A_1728 : vector<16xi32>
      %broadcast_in_dim3A_1730 = arith.constant 51 : i32
      %broadcast_in_dim3A_1731 = vector.broadcast %broadcast_in_dim3A_1730 : i32 to vector<16xi32>
      %ge3A_1732 = arith.cmpi sge, %add3A_1724, %broadcast_in_dim3A_1731 : vector<16xi32>
      %select_n3A_1733 = arith.select %ge3A_1732, %broadcast_in_dim3A_23, %broadcast_in_dim3A_25 : vector<16xi1>, vector<16xi32>
      %add3A_1734 = arith.addi %add3A_1729, %select_n3A_1733 : vector<16xi32>
      %broadcast_in_dim3A_1735 = arith.constant 71 : i32
      %broadcast_in_dim3A_1736 = vector.broadcast %broadcast_in_dim3A_1735 : i32 to vector<16xi32>
      %ge3A_1737 = arith.cmpi sge, %add3A_1724, %broadcast_in_dim3A_1736 : vector<16xi32>
      %select_n3A_1738 = arith.select %ge3A_1737, %broadcast_in_dim3A_23, %broadcast_in_dim3A_25 : vector<16xi1>, vector<16xi32>
      %add3A_1739 = arith.addi %add3A_1734, %select_n3A_1738 : vector<16xi32>
      %broadcast_in_dim3A_1740 = arith.constant 471 : i32
      %broadcast_in_dim3A_1741 = vector.broadcast %broadcast_in_dim3A_1740 : i32 to vector<16xi32>
      %ge3A_1742 = arith.cmpi sge, %add3A_1724, %broadcast_in_dim3A_1741 : vector<16xi32>
      %select_n3A_1743 = arith.select %ge3A_1742, %broadcast_in_dim3A_23, %broadcast_in_dim3A_25 : vector<16xi1>, vector<16xi32>
      %add3A_1744 = arith.addi %add3A_1739, %select_n3A_1743 : vector<16xi32>
      %broadcast_in_dim3A_1745 = arith.constant 871 : i32
      %broadcast_in_dim3A_1746 = vector.broadcast %broadcast_in_dim3A_1745 : i32 to vector<16xi32>
      %ge3A_1747 = arith.cmpi sge, %add3A_1724, %broadcast_in_dim3A_1746 : vector<16xi32>
      %select_n3A_1748 = arith.select %ge3A_1747, %broadcast_in_dim3A_23, %broadcast_in_dim3A_25 : vector<16xi1>, vector<16xi32>
      %add3A_1749 = arith.addi %add3A_1744, %select_n3A_1748 : vector<16xi32>
      %broadcast_in_dim3A_1750 = arith.constant 2 : i32
      %broadcast_in_dim3A_1751 = vector.broadcast %broadcast_in_dim3A_1750 : i32 to vector<16xi32>
      %eq3A_1752 = arith.cmpi eq, %add3A_1749, %broadcast_in_dim3A_1751 : vector<16xi32>
      %broadcast_in_dim3A_1753 = arith.constant 101000 : i32
      %broadcast_in_dim3A_1754 = vector.broadcast %broadcast_in_dim3A_1753 : i32 to vector<16xi32>
      %eq3A_1755 = arith.cmpi eq, %add3A_1749, %broadcast_in_dim3A_25 : vector<16xi32>
      %broadcast_in_dim3A_1756 = arith.constant -1 : i32
      %broadcast_in_dim3A_1757 = vector.broadcast %broadcast_in_dim3A_1756 : i32 to vector<16xi32>
      %broadcast_in_dim3A_1758 = arith.constant 201000 : i32
      %broadcast_in_dim3A_1759 = vector.broadcast %broadcast_in_dim3A_1758 : i32 to vector<16xi32>
      %select_n3A_1760 = arith.select %eq3A_1755, %broadcast_in_dim3A_1757, %broadcast_in_dim3A_1759 : vector<16xi1>, vector<16xi32>
      %select_n3A_1761 = arith.select %eq3A_1752, %broadcast_in_dim3A_1754, %select_n3A_1760 : vector<16xi1>, vector<16xi32>
      %get3A_1762 = arith.index_cast %add3A_1682 : i32 to index
      %get3A_1763 = tpu.vector_load %arg5[%get3A_1762] {strides = array<i32>} : memref<28160xi32, #tpu.memory_space<vmem>>, vector<16xi32>,
      %get3A_1764 = vector.shape_cast %get3A_1763 : vector<16xi32> to vector<16xi32>
      %mul3A_1765 = arith.constant 5 : i32
      %mul3A_1766 = arith.muli %select_n3A_1706, %mul3A_1765 : i32
      %add3A_1767 = arith.addi %mul3A_21, %mul3A_1766 : i32
      %broadcast_in_dim3A_1768 = vector.broadcast %add3A_1767 : i32 to vector<16xi32>
      %eq3A_1769 = arith.cmpi eq, %get3A_1764, %select_n3A_1761 : vector<16xi32>
      %add3A_1770 = arith.addi %broadcast_in_dim3A_1768, %add3A_1749 : vector<16xi32>
      %select_n3A_1771 = arith.select %eq3A_1769, %broadcast_in_dim3A_19, %add3A_1770 : vector<16xi1>, vector<16xi32>
      %swap3A_1772 = arith.constant 16 : index
      %swap3A_1773 = tpu.vector_load %arg9[%swap3A_1772] {strides = array<i32>} : memref<256xi32, #tpu.memory_space<vmem>>, vector<16xi32>,
      %swap3A_1774 = vector.shape_cast %swap3A_1773 : vector<16xi32> to vector<16xi32>
      %swap3A_1775 = vector.shape_cast %select_n3A_1771 : vector<16xi32> to vector<16xi32>
      tpu.vector_store %arg9[%swap3A_1772], %swap3A_1775 {strides = array<i32>} : memref<256xi32, #tpu.memory_space<vmem>>, vector<16xi32>,
      %add3A_1776 = arith.constant 32 : i32
      %add3A_1777 = arith.addi %mul3A_1585, %add3A_1776 : i32
      %jit3A_1778 = arith.constant 880 : i32
      %div3A_1779 = arith.divsi %add3A_1777, %jit3A_1778 : i32
      %sign3A_1780 = arith.constant 0 : i32
      %sign3A_1781 = arith.cmpi sgt, %add3A_1777, %sign3A_1780 : i32
      %sign3A_1782 = arith.extui %sign3A_1781 : i1 to i32
      %sign3A_1783 = arith.constant 0 : i32
      %sign3A_1784 = arith.cmpi slt, %add3A_1777, %sign3A_1783 : i32
      %sign3A_1785 = arith.extui %sign3A_1784 : i1 to i32
      %sign3A_1786 = arith.subi %sign3A_1782, %sign3A_1785 : i32
      %sign3A_1787 = arith.constant 0 : i32
      %sign3A_1788 = arith.cmpi sgt, %jit3A_1778, %sign3A_1787 : i32
      %sign3A_1789 = arith.extui %sign3A_1788 : i1 to i32
      %sign3A_1790 = arith.constant 0 : i32
      %sign3A_1791 = arith.cmpi slt, %jit3A_1778, %sign3A_1790 : i32
      %sign3A_1792 = arith.extui %sign3A_1791 : i1 to i32
      %sign3A_1793 = arith.subi %sign3A_1789, %sign3A_1792 : i32
      %ne3A_1794 = arith.cmpi ne, %sign3A_1786, %sign3A_1793 : i32
      %rem3A_1795 = arith.remsi %add3A_1777, %jit3A_1778 : i32
      %ne3A_1796 = arith.constant 0 : i32
      %ne3A_1797 = arith.cmpi ne, %rem3A_1795, %ne3A_1796 : i32
      %and3A_1798 = arith.andi %ne3A_1794, %ne3A_1797 : i1
      %sub3A_1799 = arith.constant 1 : i32
      %sub3A_1800 = arith.subi %div3A_1779, %sub3A_1799 : i32
      %select_n3A_1801 = arith.select %and3A_1798, %sub3A_1800, %div3A_1779 : i32
      %jit3A_1802 = arith.constant 880 : i32
      %eq3A_1803 = arith.constant 0 : i32
      %eq3A_1804 = arith.cmpi eq, %jit3A_1802, %eq3A_1803 : i32
      %jit3A_1805 = arith.constant 1 : i32
      %select_n3A_1806 = arith.select %eq3A_1804, %jit3A_1805, %jit3A_1802 : i32
      %rem3A_1807 = arith.remsi %add3A_1777, %select_n3A_1806 : i32
      %ne3A_1808 = arith.constant 0 : i32
      %ne3A_1809 = arith.cmpi ne, %rem3A_1807, %ne3A_1808 : i32
      %lt3A_1810 = arith.constant 0 : i32
      %lt3A_1811 = arith.cmpi slt, %rem3A_1807, %lt3A_1810 : i32
      %lt3A_1812 = arith.constant 0 : i32
      %lt3A_1813 = arith.cmpi slt, %select_n3A_1806, %lt3A_1812 : i32
      %ne3A_1814 = arith.xori %lt3A_1811, %lt3A_1813 : i1
      %and3A_1815 = arith.andi %ne3A_1814, %ne3A_1809 : i1
      %add3A_1816 = arith.addi %rem3A_1807, %select_n3A_1806 : i32
      %select_n3A_1817 = arith.select %and3A_1815, %add3A_1816, %rem3A_1807 : i32
      %broadcast_in_dim3A_1818 = vector.broadcast %select_n3A_1817 : i32 to vector<16xi32>
      %add3A_1819 = arith.addi %broadcast_in_dim3A_1818, %iota3A : vector<16xi32>
      %broadcast_in_dim3A_1820 = arith.constant 1 : i32
      %broadcast_in_dim3A_1821 = vector.broadcast %broadcast_in_dim3A_1820 : i32 to vector<16xi32>
      %ge3A_1822 = arith.cmpi sge, %add3A_1819, %broadcast_in_dim3A_1821 : vector<16xi32>
      %select_n3A_1823 = arith.select %ge3A_1822, %broadcast_in_dim3A_23, %broadcast_in_dim3A_25 : vector<16xi1>, vector<16xi32>
      %add3A_1824 = arith.addi %broadcast_in_dim3A_25, %select_n3A_1823 : vector<16xi32>
      %broadcast_in_dim3A_1825 = arith.constant 51 : i32
      %broadcast_in_dim3A_1826 = vector.broadcast %broadcast_in_dim3A_1825 : i32 to vector<16xi32>
      %ge3A_1827 = arith.cmpi sge, %add3A_1819, %broadcast_in_dim3A_1826 : vector<16xi32>
      %select_n3A_1828 = arith.select %ge3A_1827, %broadcast_in_dim3A_23, %broadcast_in_dim3A_25 : vector<16xi1>, vector<16xi32>
      %add3A_1829 = arith.addi %add3A_1824, %select_n3A_1828 : vector<16xi32>
      %broadcast_in_dim3A_1830 = arith.constant 71 : i32
      %broadcast_in_dim3A_1831 = vector.broadcast %broadcast_in_dim3A_1830 : i32 to vector<16xi32>
      %ge3A_1832 = arith.cmpi sge, %add3A_1819, %broadcast_in_dim3A_1831 : vector<16xi32>
      %select_n3A_1833 = arith.select %ge3A_1832, %broadcast_in_dim3A_23, %broadcast_in_dim3A_25 : vector<16xi1>, vector<16xi32>
      %add3A_1834 = arith.addi %add3A_1829, %select_n3A_1833 : vector<16xi32>
      %broadcast_in_dim3A_1835 = arith.constant 471 : i32
      %broadcast_in_dim3A_1836 = vector.broadcast %broadcast_in_dim3A_1835 : i32 to vector<16xi32>
      %ge3A_1837 = arith.cmpi sge, %add3A_1819, %broadcast_in_dim3A_1836 : vector<16xi32>
      %select_n3A_1838 = arith.select %ge3A_1837, %broadcast_in_dim3A_23, %broadcast_in_dim3A_25 : vector<16xi1>, vector<16xi32>
      %add3A_1839 = arith.addi %add3A_1834, %select_n3A_1838 : vector<16xi32>
      %broadcast_in_dim3A_1840 = arith.constant 871 : i32
      %broadcast_in_dim3A_1841 = vector.broadcast %broadcast_in_dim3A_1840 : i32 to vector<16xi32>
      %ge3A_1842 = arith.cmpi sge, %add3A_1819, %broadcast_in_dim3A_1841 : vector<16xi32>
      %select_n3A_1843 = arith.select %ge3A_1842, %broadcast_in_dim3A_23, %broadcast_in_dim3A_25 : vector<16xi1>, vector<16xi32>
      %add3A_1844 = arith.addi %add3A_1839, %select_n3A_1843 : vector<16xi32>
      %broadcast_in_dim3A_1845 = arith.constant 2 : i32
      %broadcast_in_dim3A_1846 = vector.broadcast %broadcast_in_dim3A_1845 : i32 to vector<16xi32>
      %eq3A_1847 = arith.cmpi eq, %add3A_1844, %broadcast_in_dim3A_1846 : vector<16xi32>
      %broadcast_in_dim3A_1848 = arith.constant 101000 : i32
      %broadcast_in_dim3A_1849 = vector.broadcast %broadcast_in_dim3A_1848 : i32 to vector<16xi32>
      %eq3A_1850 = arith.cmpi eq, %add3A_1844, %broadcast_in_dim3A_25 : vector<16xi32>
      %broadcast_in_dim3A_1851 = arith.constant -1 : i32
      %broadcast_in_dim3A_1852 = vector.broadcast %broadcast_in_dim3A_1851 : i32 to vector<16xi32>
      %broadcast_in_dim3A_1853 = arith.constant 201000 : i32
      %broadcast_in_dim3A_1854 = vector.broadcast %broadcast_in_dim3A_1853 : i32 to vector<16xi32>
      %select_n3A_1855 = arith.select %eq3A_1850, %broadcast_in_dim3A_1852, %broadcast_in_dim3A_1854 : vector<16xi1>, vector<16xi32>
      %select_n3A_1856 = arith.select %eq3A_1847, %broadcast_in_dim3A_1849, %select_n3A_1855 : vector<16xi1>, vector<16xi32>
      %get3A_1857 = arith.index_cast %add3A_1777 : i32 to index
      %get3A_1858 = tpu.vector_load %arg5[%get3A_1857] {strides = array<i32>} : memref<28160xi32, #tpu.memory_space<vmem>>, vector<16xi32>,
      %get3A_1859 = vector.shape_cast %get3A_1858 : vector<16xi32> to vector<16xi32>
      %mul3A_1860 = arith.constant 5 : i32
      %mul3A_1861 = arith.muli %select_n3A_1801, %mul3A_1860 : i32
      %add3A_1862 = arith.addi %mul3A_21, %mul3A_1861 : i32
      %broadcast_in_dim3A_1863 = vector.broadcast %add3A_1862 : i32 to vector<16xi32>
      %eq3A_1864 = arith.cmpi eq, %get3A_1859, %select_n3A_1856 : vector<16xi32>
      %add3A_1865 = arith.addi %broadcast_in_dim3A_1863, %add3A_1844 : vector<16xi32>
      %select_n3A_1866 = arith.select %eq3A_1864, %broadcast_in_dim3A_19, %add3A_1865 : vector<16xi1>, vector<16xi32>
      %swap3A_1867 = arith.constant 32 : index
      %swap3A_1868 = tpu.vector_load %arg9[%swap3A_1867] {strides = array<i32>} : memref<256xi32, #tpu.memory_space<vmem>>, vector<16xi32>,
      %swap3A_1869 = vector.shape_cast %swap3A_1868 : vector<16xi32> to vector<16xi32>
      %swap3A_1870 = vector.shape_cast %select_n3A_1866 : vector<16xi32> to vector<16xi32>
      tpu.vector_store %arg9[%swap3A_1867], %swap3A_1870 {strides = array<i32>} : memref<256xi32, #tpu.memory_space<vmem>>, vector<16xi32>,
      %add3A_1871 = arith.constant 48 : i32
      %add3A_1872 = arith.addi %mul3A_1585, %add3A_1871 : i32
      %jit3A_1873 = arith.constant 880 : i32
      %div3A_1874 = arith.divsi %add3A_1872, %jit3A_1873 : i32
      %sign3A_1875 = arith.constant 0 : i32
      %sign3A_1876 = arith.cmpi sgt, %add3A_1872, %sign3A_1875 : i32
      %sign3A_1877 = arith.extui %sign3A_1876 : i1 to i32
      %sign3A_1878 = arith.constant 0 : i32
      %sign3A_1879 = arith.cmpi slt, %add3A_1872, %sign3A_1878 : i32
      %sign3A_1880 = arith.extui %sign3A_1879 : i1 to i32
      %sign3A_1881 = arith.subi %sign3A_1877, %sign3A_1880 : i32
      %sign3A_1882 = arith.constant 0 : i32
      %sign3A_1883 = arith.cmpi sgt, %jit3A_1873, %sign3A_1882 : i32
      %sign3A_1884 = arith.extui %sign3A_1883 : i1 to i32
      %sign3A_1885 = arith.constant 0 : i32
      %sign3A_1886 = arith.cmpi slt, %jit3A_1873, %sign3A_1885 : i32
      %sign3A_1887 = arith.extui %sign3A_1886 : i1 to i32
      %sign3A_1888 = arith.subi %sign3A_1884, %sign3A_1887 : i32
      %ne3A_1889 = arith.cmpi ne, %sign3A_1881, %sign3A_1888 : i32
      %rem3A_1890 = arith.remsi %add3A_1872, %jit3A_1873 : i32
      %ne3A_1891 = arith.constant 0 : i32
      %ne3A_1892 = arith.cmpi ne, %rem3A_1890, %ne3A_1891 : i32
      %and3A_1893 = arith.andi %ne3A_1889, %ne3A_1892 : i1
      %sub3A_1894 = arith.constant 1 : i32
      %sub3A_1895 = arith.subi %div3A_1874, %sub3A_1894 : i32
      %select_n3A_1896 = arith.select %and3A_1893, %sub3A_1895, %div3A_1874 : i32
      %jit3A_1897 = arith.constant 880 : i32
      %eq3A_1898 = arith.constant 0 : i32
      %eq3A_1899 = arith.cmpi eq, %jit3A_1897, %eq3A_1898 : i32
      %jit3A_1900 = arith.constant 1 : i32
      %select_n3A_1901 = arith.select %eq3A_1899, %jit3A_1900, %jit3A_1897 : i32
      %rem3A_1902 = arith.remsi %add3A_1872, %select_n3A_1901 : i32
      %ne3A_1903 = arith.constant 0 : i32
      %ne3A_1904 = arith.cmpi ne, %rem3A_1902, %ne3A_1903 : i32
      %lt3A_1905 = arith.constant 0 : i32
      %lt3A_1906 = arith.cmpi slt, %rem3A_1902, %lt3A_1905 : i32
      %lt3A_1907 = arith.constant 0 : i32
      %lt3A_1908 = arith.cmpi slt, %select_n3A_1901, %lt3A_1907 : i32
      %ne3A_1909 = arith.xori %lt3A_1906, %lt3A_1908 : i1
      %and3A_1910 = arith.andi %ne3A_1909, %ne3A_1904 : i1
      %add3A_1911 = arith.addi %rem3A_1902, %select_n3A_1901 : i32
      %select_n3A_1912 = arith.select %and3A_1910, %add3A_1911, %rem3A_1902 : i32
      %broadcast_in_dim3A_1913 = vector.broadcast %select_n3A_1912 : i32 to vector<16xi32>
      %add3A_1914 = arith.addi %broadcast_in_dim3A_1913, %iota3A : vector<16xi32>
      %broadcast_in_dim3A_1915 = arith.constant 1 : i32
      %broadcast_in_dim3A_1916 = vector.broadcast %broadcast_in_dim3A_1915 : i32 to vector<16xi32>
      %ge3A_1917 = arith.cmpi sge, %add3A_1914, %broadcast_in_dim3A_1916 : vector<16xi32>
      %select_n3A_1918 = arith.select %ge3A_1917, %broadcast_in_dim3A_23, %broadcast_in_dim3A_25 : vector<16xi1>, vector<16xi32>
      %add3A_1919 = arith.addi %broadcast_in_dim3A_25, %select_n3A_1918 : vector<16xi32>
      %broadcast_in_dim3A_1920 = arith.constant 51 : i32
      %broadcast_in_dim3A_1921 = vector.broadcast %broadcast_in_dim3A_1920 : i32 to vector<16xi32>
      %ge3A_1922 = arith.cmpi sge, %add3A_1914, %broadcast_in_dim3A_1921 : vector<16xi32>
      %select_n3A_1923 = arith.select %ge3A_1922, %broadcast_in_dim3A_23, %broadcast_in_dim3A_25 : vector<16xi1>, vector<16xi32>
      %add3A_1924 = arith.addi %add3A_1919, %select_n3A_1923 : vector<16xi32>
      %broadcast_in_dim3A_1925 = arith.constant 71 : i32
      %broadcast_in_dim3A_1926 = vector.broadcast %broadcast_in_dim3A_1925 : i32 to vector<16xi32>
      %ge3A_1927 = arith.cmpi sge, %add3A_1914, %broadcast_in_dim3A_1926 : vector<16xi32>
      %select_n3A_1928 = arith.select %ge3A_1927, %broadcast_in_dim3A_23, %broadcast_in_dim3A_25 : vector<16xi1>, vector<16xi32>
      %add3A_1929 = arith.addi %add3A_1924, %select_n3A_1928 : vector<16xi32>
      %broadcast_in_dim3A_1930 = arith.constant 471 : i32
      %broadcast_in_dim3A_1931 = vector.broadcast %broadcast_in_dim3A_1930 : i32 to vector<16xi32>
      %ge3A_1932 = arith.cmpi sge, %add3A_1914, %broadcast_in_dim3A_1931 : vector<16xi32>
      %select_n3A_1933 = arith.select %ge3A_1932, %broadcast_in_dim3A_23, %broadcast_in_dim3A_25 : vector<16xi1>, vector<16xi32>
      %add3A_1934 = arith.addi %add3A_1929, %select_n3A_1933 : vector<16xi32>
      %broadcast_in_dim3A_1935 = arith.constant 871 : i32
      %broadcast_in_dim3A_1936 = vector.broadcast %broadcast_in_dim3A_1935 : i32 to vector<16xi32>
      %ge3A_1937 = arith.cmpi sge, %add3A_1914, %broadcast_in_dim3A_1936 : vector<16xi32>
      %select_n3A_1938 = arith.select %ge3A_1937, %broadcast_in_dim3A_23, %broadcast_in_dim3A_25 : vector<16xi1>, vector<16xi32>
      %add3A_1939 = arith.addi %add3A_1934, %select_n3A_1938 : vector<16xi32>
      %broadcast_in_dim3A_1940 = arith.constant 2 : i32
      %broadcast_in_dim3A_1941 = vector.broadcast %broadcast_in_dim3A_1940 : i32 to vector<16xi32>
      %eq3A_1942 = arith.cmpi eq, %add3A_1939, %broadcast_in_dim3A_1941 : vector<16xi32>
      %broadcast_in_dim3A_1943 = arith.constant 101000 : i32
      %broadcast_in_dim3A_1944 = vector.broadcast %broadcast_in_dim3A_1943 : i32 to vector<16xi32>
      %eq3A_1945 = arith.cmpi eq, %add3A_1939, %broadcast_in_dim3A_25 : vector<16xi32>
      %broadcast_in_dim3A_1946 = arith.constant -1 : i32
      %broadcast_in_dim3A_1947 = vector.broadcast %broadcast_in_dim3A_1946 : i32 to vector<16xi32>
      %broadcast_in_dim3A_1948 = arith.constant 201000 : i32
      %broadcast_in_dim3A_1949 = vector.broadcast %broadcast_in_dim3A_1948 : i32 to vector<16xi32>
      %select_n3A_1950 = arith.select %eq3A_1945, %broadcast_in_dim3A_1947, %broadcast_in_dim3A_1949 : vector<16xi1>, vector<16xi32>
      %select_n3A_1951 = arith.select %eq3A_1942, %broadcast_in_dim3A_1944, %select_n3A_1950 : vector<16xi1>, vector<16xi32>
      %get3A_1952 = arith.index_cast %add3A_1872 : i32 to index
      %get3A_1953 = tpu.vector_load %arg5[%get3A_1952] {strides = array<i32>} : memref<28160xi32, #tpu.memory_space<vmem>>, vector<16xi32>,
      %get3A_1954 = vector.shape_cast %get3A_1953 : vector<16xi32> to vector<16xi32>
      %mul3A_1955 = arith.constant 5 : i32
      %mul3A_1956 = arith.muli %select_n3A_1896, %mul3A_1955 : i32
      %add3A_1957 = arith.addi %mul3A_21, %mul3A_1956 : i32
      %broadcast_in_dim3A_1958 = vector.broadcast %add3A_1957 : i32 to vector<16xi32>
      %eq3A_1959 = arith.cmpi eq, %get3A_1954, %select_n3A_1951 : vector<16xi32>
      %add3A_1960 = arith.addi %broadcast_in_dim3A_1958, %add3A_1939 : vector<16xi32>
      %select_n3A_1961 = arith.select %eq3A_1959, %broadcast_in_dim3A_19, %add3A_1960 : vector<16xi1>, vector<16xi32>
      %swap3A_1962 = arith.constant 48 : index
      %swap3A_1963 = tpu.vector_load %arg9[%swap3A_1962] {strides = array<i32>} : memref<256xi32, #tpu.memory_space<vmem>>, vector<16xi32>,
      %swap3A_1964 = vector.shape_cast %swap3A_1963 : vector<16xi32> to vector<16xi32>
      %swap3A_1965 = vector.shape_cast %select_n3A_1961 : vector<16xi32> to vector<16xi32>
      tpu.vector_store %arg9[%swap3A_1962], %swap3A_1965 {strides = array<i32>} : memref<256xi32, #tpu.memory_space<vmem>>, vector<16xi32>,
      %add3A_1966 = arith.constant 64 : i32
      %add3A_1967 = arith.addi %mul3A_1585, %add3A_1966 : i32
      %jit3A_1968 = arith.constant 880 : i32
      %div3A_1969 = arith.divsi %add3A_1967, %jit3A_1968 : i32
      %sign3A_1970 = arith.constant 0 : i32
      %sign3A_1971 = arith.cmpi sgt, %add3A_1967, %sign3A_1970 : i32
      %sign3A_1972 = arith.extui %sign3A_1971 : i1 to i32
      %sign3A_1973 = arith.constant 0 : i32
      %sign3A_1974 = arith.cmpi slt, %add3A_1967, %sign3A_1973 : i32
      %sign3A_1975 = arith.extui %sign3A_1974 : i1 to i32
      %sign3A_1976 = arith.subi %sign3A_1972, %sign3A_1975 : i32
      %sign3A_1977 = arith.constant 0 : i32
      %sign3A_1978 = arith.cmpi sgt, %jit3A_1968, %sign3A_1977 : i32
      %sign3A_1979 = arith.extui %sign3A_1978 : i1 to i32
      %sign3A_1980 = arith.constant 0 : i32
      %sign3A_1981 = arith.cmpi slt, %jit3A_1968, %sign3A_1980 : i32
      %sign3A_1982 = arith.extui %sign3A_1981 : i1 to i32
      %sign3A_1983 = arith.subi %sign3A_1979, %sign3A_1982 : i32
      %ne3A_1984 = arith.cmpi ne, %sign3A_1976, %sign3A_1983 : i32
      %rem3A_1985 = arith.remsi %add3A_1967, %jit3A_1968 : i32
      %ne3A_1986 = arith.constant 0 : i32
      %ne3A_1987 = arith.cmpi ne, %rem3A_1985, %ne3A_1986 : i32
      %and3A_1988 = arith.andi %ne3A_1984, %ne3A_1987 : i1
      %sub3A_1989 = arith.constant 1 : i32
      %sub3A_1990 = arith.subi %div3A_1969, %sub3A_1989 : i32
      %select_n3A_1991 = arith.select %and3A_1988, %sub3A_1990, %div3A_1969 : i32
      %jit3A_1992 = arith.constant 880 : i32
      %eq3A_1993 = arith.constant 0 : i32
      %eq3A_1994 = arith.cmpi eq, %jit3A_1992, %eq3A_1993 : i32
      %jit3A_1995 = arith.constant 1 : i32
      %select_n3A_1996 = arith.select %eq3A_1994, %jit3A_1995, %jit3A_1992 : i32
      %rem3A_1997 = arith.remsi %add3A_1967, %select_n3A_1996 : i32
      %ne3A_1998 = arith.constant 0 : i32
      %ne3A_1999 = arith.cmpi ne, %rem3A_1997, %ne3A_1998 : i32
      %lt3A_2000 = arith.constant 0 : i32
      %lt3A_2001 = arith.cmpi slt, %rem3A_1997, %lt3A_2000 : i32
      %lt3A_2002 = arith.constant 0 : i32
      %lt3A_2003 = arith.cmpi slt, %select_n3A_1996, %lt3A_2002 : i32
      %ne3A_2004 = arith.xori %lt3A_2001, %lt3A_2003 : i1
      %and3A_2005 = arith.andi %ne3A_2004, %ne3A_1999 : i1
      %add3A_2006 = arith.addi %rem3A_1997, %select_n3A_1996 : i32
      %select_n3A_2007 = arith.select %and3A_2005, %add3A_2006, %rem3A_1997 : i32
      %broadcast_in_dim3A_2008 = vector.broadcast %select_n3A_2007 : i32 to vector<16xi32>
      %add3A_2009 = arith.addi %broadcast_in_dim3A_2008, %iota3A : vector<16xi32>
      %broadcast_in_dim3A_2010 = arith.constant 1 : i32
      %broadcast_in_dim3A_2011 = vector.broadcast %broadcast_in_dim3A_2010 : i32 to vector<16xi32>
      %ge3A_2012 = arith.cmpi sge, %add3A_2009, %broadcast_in_dim3A_2011 : vector<16xi32>
      %select_n3A_2013 = arith.select %ge3A_2012, %broadcast_in_dim3A_23, %broadcast_in_dim3A_25 : vector<16xi1>, vector<16xi32>
      %add3A_2014 = arith.addi %broadcast_in_dim3A_25, %select_n3A_2013 : vector<16xi32>
      %broadcast_in_dim3A_2015 = arith.constant 51 : i32
      %broadcast_in_dim3A_2016 = vector.broadcast %broadcast_in_dim3A_2015 : i32 to vector<16xi32>
      %ge3A_2017 = arith.cmpi sge, %add3A_2009, %broadcast_in_dim3A_2016 : vector<16xi32>
      %select_n3A_2018 = arith.select %ge3A_2017, %broadcast_in_dim3A_23, %broadcast_in_dim3A_25 : vector<16xi1>, vector<16xi32>
      %add3A_2019 = arith.addi %add3A_2014, %select_n3A_2018 : vector<16xi32>
      %broadcast_in_dim3A_2020 = arith.constant 71 : i32
      %broadcast_in_dim3A_2021 = vector.broadcast %broadcast_in_dim3A_2020 : i32 to vector<16xi32>
      %ge3A_2022 = arith.cmpi sge, %add3A_2009, %broadcast_in_dim3A_2021 : vector<16xi32>
      %select_n3A_2023 = arith.select %ge3A_2022, %broadcast_in_dim3A_23, %broadcast_in_dim3A_25 : vector<16xi1>, vector<16xi32>
      %add3A_2024 = arith.addi %add3A_2019, %select_n3A_2023 : vector<16xi32>
      %broadcast_in_dim3A_2025 = arith.constant 471 : i32
      %broadcast_in_dim3A_2026 = vector.broadcast %broadcast_in_dim3A_2025 : i32 to vector<16xi32>
      %ge3A_2027 = arith.cmpi sge, %add3A_2009, %broadcast_in_dim3A_2026 : vector<16xi32>
      %select_n3A_2028 = arith.select %ge3A_2027, %broadcast_in_dim3A_23, %broadcast_in_dim3A_25 : vector<16xi1>, vector<16xi32>
      %add3A_2029 = arith.addi %add3A_2024, %select_n3A_2028 : vector<16xi32>
      %broadcast_in_dim3A_2030 = arith.constant 871 : i32
      %broadcast_in_dim3A_2031 = vector.broadcast %broadcast_in_dim3A_2030 : i32 to vector<16xi32>
      %ge3A_2032 = arith.cmpi sge, %add3A_2009, %broadcast_in_dim3A_2031 : vector<16xi32>
      %select_n3A_2033 = arith.select %ge3A_2032, %broadcast_in_dim3A_23, %broadcast_in_dim3A_25 : vector<16xi1>, vector<16xi32>
      %add3A_2034 = arith.addi %add3A_2029, %select_n3A_2033 : vector<16xi32>
      %broadcast_in_dim3A_2035 = arith.constant 2 : i32
      %broadcast_in_dim3A_2036 = vector.broadcast %broadcast_in_dim3A_2035 : i32 to vector<16xi32>
      %eq3A_2037 = arith.cmpi eq, %add3A_2034, %broadcast_in_dim3A_2036 : vector<16xi32>
      %broadcast_in_dim3A_2038 = arith.constant 101000 : i32
      %broadcast_in_dim3A_2039 = vector.broadcast %broadcast_in_dim3A_2038 : i32 to vector<16xi32>
      %eq3A_2040 = arith.cmpi eq, %add3A_2034, %broadcast_in_dim3A_25 : vector<16xi32>
      %broadcast_in_dim3A_2041 = arith.constant -1 : i32
      %broadcast_in_dim3A_2042 = vector.broadcast %broadcast_in_dim3A_2041 : i32 to vector<16xi32>
      %broadcast_in_dim3A_2043 = arith.constant 201000 : i32
      %broadcast_in_dim3A_2044 = vector.broadcast %broadcast_in_dim3A_2043 : i32 to vector<16xi32>
      %select_n3A_2045 = arith.select %eq3A_2040, %broadcast_in_dim3A_2042, %broadcast_in_dim3A_2044 : vector<16xi1>, vector<16xi32>
      %select_n3A_2046 = arith.select %eq3A_2037, %broadcast_in_dim3A_2039, %select_n3A_2045 : vector<16xi1>, vector<16xi32>
      %get3A_2047 = arith.index_cast %add3A_1967 : i32 to index
      %get3A_2048 = tpu.vector_load %arg5[%get3A_2047] {strides = array<i32>} : memref<28160xi32, #tpu.memory_space<vmem>>, vector<16xi32>,
      %get3A_2049 = vector.shape_cast %get3A_2048 : vector<16xi32> to vector<16xi32>
      %mul3A_2050 = arith.constant 5 : i32
      %mul3A_2051 = arith.muli %select_n3A_1991, %mul3A_2050 : i32
      %add3A_2052 = arith.addi %mul3A_21, %mul3A_2051 : i32
      %broadcast_in_dim3A_2053 = vector.broadcast %add3A_2052 : i32 to vector<16xi32>
      %eq3A_2054 = arith.cmpi eq, %get3A_2049, %select_n3A_2046 : vector<16xi32>
      %add3A_2055 = arith.addi %broadcast_in_dim3A_2053, %add3A_2034 : vector<16xi32>
      %select_n3A_2056 = arith.select %eq3A_2054, %broadcast_in_dim3A_19, %add3A_2055 : vector<16xi1>, vector<16xi32>
      %swap3A_2057 = arith.constant 64 : index
      %swap3A_2058 = tpu.vector_load %arg9[%swap3A_2057] {strides = array<i32>} : memref<256xi32, #tpu.memory_space<vmem>>, vector<16xi32>,
      %swap3A_2059 = vector.shape_cast %swap3A_2058 : vector<16xi32> to vector<16xi32>
      %swap3A_2060 = vector.shape_cast %select_n3A_2056 : vector<16xi32> to vector<16xi32>
      tpu.vector_store %arg9[%swap3A_2057], %swap3A_2060 {strides = array<i32>} : memref<256xi32, #tpu.memory_space<vmem>>, vector<16xi32>,
      %add3A_2061 = arith.constant 80 : i32
      %add3A_2062 = arith.addi %mul3A_1585, %add3A_2061 : i32
      %jit3A_2063 = arith.constant 880 : i32
      %div3A_2064 = arith.divsi %add3A_2062, %jit3A_2063 : i32
      %sign3A_2065 = arith.constant 0 : i32
      %sign3A_2066 = arith.cmpi sgt, %add3A_2062, %sign3A_2065 : i32
      %sign3A_2067 = arith.extui %sign3A_2066 : i1 to i32
      %sign3A_2068 = arith.constant 0 : i32
      %sign3A_2069 = arith.cmpi slt, %add3A_2062, %sign3A_2068 : i32
      %sign3A_2070 = arith.extui %sign3A_2069 : i1 to i32
      %sign3A_2071 = arith.subi %sign3A_2067, %sign3A_2070 : i32
      %sign3A_2072 = arith.constant 0 : i32
      %sign3A_2073 = arith.cmpi sgt, %jit3A_2063, %sign3A_2072 : i32
      %sign3A_2074 = arith.extui %sign3A_2073 : i1 to i32
      %sign3A_2075 = arith.constant 0 : i32
      %sign3A_2076 = arith.cmpi slt, %jit3A_2063, %sign3A_2075 : i32
      %sign3A_2077 = arith.extui %sign3A_2076 : i1 to i32
      %sign3A_2078 = arith.subi %sign3A_2074, %sign3A_2077 : i32
      %ne3A_2079 = arith.cmpi ne, %sign3A_2071, %sign3A_2078 : i32
      %rem3A_2080 = arith.remsi %add3A_2062, %jit3A_2063 : i32
      %ne3A_2081 = arith.constant 0 : i32
      %ne3A_2082 = arith.cmpi ne, %rem3A_2080, %ne3A_2081 : i32
      %and3A_2083 = arith.andi %ne3A_2079, %ne3A_2082 : i1
      %sub3A_2084 = arith.constant 1 : i32
      %sub3A_2085 = arith.subi %div3A_2064, %sub3A_2084 : i32
      %select_n3A_2086 = arith.select %and3A_2083, %sub3A_2085, %div3A_2064 : i32
      %jit3A_2087 = arith.constant 880 : i32
      %eq3A_2088 = arith.constant 0 : i32
      %eq3A_2089 = arith.cmpi eq, %jit3A_2087, %eq3A_2088 : i32
      %jit3A_2090 = arith.constant 1 : i32
      %select_n3A_2091 = arith.select %eq3A_2089, %jit3A_2090, %jit3A_2087 : i32
      %rem3A_2092 = arith.remsi %add3A_2062, %select_n3A_2091 : i32
      %ne3A_2093 = arith.constant 0 : i32
      %ne3A_2094 = arith.cmpi ne, %rem3A_2092, %ne3A_2093 : i32
      %lt3A_2095 = arith.constant 0 : i32
      %lt3A_2096 = arith.cmpi slt, %rem3A_2092, %lt3A_2095 : i32
      %lt3A_2097 = arith.constant 0 : i32
      %lt3A_2098 = arith.cmpi slt, %select_n3A_2091, %lt3A_2097 : i32
      %ne3A_2099 = arith.xori %lt3A_2096, %lt3A_2098 : i1
      %and3A_2100 = arith.andi %ne3A_2099, %ne3A_2094 : i1
      %add3A_2101 = arith.addi %rem3A_2092, %select_n3A_2091 : i32
      %select_n3A_2102 = arith.select %and3A_2100, %add3A_2101, %rem3A_2092 : i32
      %broadcast_in_dim3A_2103 = vector.broadcast %select_n3A_2102 : i32 to vector<16xi32>
      %add3A_2104 = arith.addi %broadcast_in_dim3A_2103, %iota3A : vector<16xi32>
      %broadcast_in_dim3A_2105 = arith.constant 1 : i32
      %broadcast_in_dim3A_2106 = vector.broadcast %broadcast_in_dim3A_2105 : i32 to vector<16xi32>
      %ge3A_2107 = arith.cmpi sge, %add3A_2104, %broadcast_in_dim3A_2106 : vector<16xi32>
      %select_n3A_2108 = arith.select %ge3A_2107, %broadcast_in_dim3A_23, %broadcast_in_dim3A_25 : vector<16xi1>, vector<16xi32>
      %add3A_2109 = arith.addi %broadcast_in_dim3A_25, %select_n3A_2108 : vector<16xi32>
      %broadcast_in_dim3A_2110 = arith.constant 51 : i32
      %broadcast_in_dim3A_2111 = vector.broadcast %broadcast_in_dim3A_2110 : i32 to vector<16xi32>
      %ge3A_2112 = arith.cmpi sge, %add3A_2104, %broadcast_in_dim3A_2111 : vector<16xi32>
      %select_n3A_2113 = arith.select %ge3A_2112, %broadcast_in_dim3A_23, %broadcast_in_dim3A_25 : vector<16xi1>, vector<16xi32>
      %add3A_2114 = arith.addi %add3A_2109, %select_n3A_2113 : vector<16xi32>
      %broadcast_in_dim3A_2115 = arith.constant 71 : i32
      %broadcast_in_dim3A_2116 = vector.broadcast %broadcast_in_dim3A_2115 : i32 to vector<16xi32>
      %ge3A_2117 = arith.cmpi sge, %add3A_2104, %broadcast_in_dim3A_2116 : vector<16xi32>
      %select_n3A_2118 = arith.select %ge3A_2117, %broadcast_in_dim3A_23, %broadcast_in_dim3A_25 : vector<16xi1>, vector<16xi32>
      %add3A_2119 = arith.addi %add3A_2114, %select_n3A_2118 : vector<16xi32>
      %broadcast_in_dim3A_2120 = arith.constant 471 : i32
      %broadcast_in_dim3A_2121 = vector.broadcast %broadcast_in_dim3A_2120 : i32 to vector<16xi32>
      %ge3A_2122 = arith.cmpi sge, %add3A_2104, %broadcast_in_dim3A_2121 : vector<16xi32>
      %select_n3A_2123 = arith.select %ge3A_2122, %broadcast_in_dim3A_23, %broadcast_in_dim3A_25 : vector<16xi1>, vector<16xi32>
      %add3A_2124 = arith.addi %add3A_2119, %select_n3A_2123 : vector<16xi32>
      %broadcast_in_dim3A_2125 = arith.constant 871 : i32
      %broadcast_in_dim3A_2126 = vector.broadcast %broadcast_in_dim3A_2125 : i32 to vector<16xi32>
      %ge3A_2127 = arith.cmpi sge, %add3A_2104, %broadcast_in_dim3A_2126 : vector<16xi32>
      %select_n3A_2128 = arith.select %ge3A_2127, %broadcast_in_dim3A_23, %broadcast_in_dim3A_25 : vector<16xi1>, vector<16xi32>
      %add3A_2129 = arith.addi %add3A_2124, %select_n3A_2128 : vector<16xi32>
      %broadcast_in_dim3A_2130 = arith.constant 2 : i32
      %broadcast_in_dim3A_2131 = vector.broadcast %broadcast_in_dim3A_2130 : i32 to vector<16xi32>
      %eq3A_2132 = arith.cmpi eq, %add3A_2129, %broadcast_in_dim3A_2131 : vector<16xi32>
      %broadcast_in_dim3A_2133 = arith.constant 101000 : i32
      %broadcast_in_dim3A_2134 = vector.broadcast %broadcast_in_dim3A_2133 : i32 to vector<16xi32>
      %eq3A_2135 = arith.cmpi eq, %add3A_2129, %broadcast_in_dim3A_25 : vector<16xi32>
      %broadcast_in_dim3A_2136 = arith.constant -1 : i32
      %broadcast_in_dim3A_2137 = vector.broadcast %broadcast_in_dim3A_2136 : i32 to vector<16xi32>
      %broadcast_in_dim3A_2138 = arith.constant 201000 : i32
      %broadcast_in_dim3A_2139 = vector.broadcast %broadcast_in_dim3A_2138 : i32 to vector<16xi32>
      %select_n3A_2140 = arith.select %eq3A_2135, %broadcast_in_dim3A_2137, %broadcast_in_dim3A_2139 : vector<16xi1>, vector<16xi32>
      %select_n3A_2141 = arith.select %eq3A_2132, %broadcast_in_dim3A_2134, %select_n3A_2140 : vector<16xi1>, vector<16xi32>
      %get3A_2142 = arith.index_cast %add3A_2062 : i32 to index
      %get3A_2143 = tpu.vector_load %arg5[%get3A_2142] {strides = array<i32>} : memref<28160xi32, #tpu.memory_space<vmem>>, vector<16xi32>,
      %get3A_2144 = vector.shape_cast %get3A_2143 : vector<16xi32> to vector<16xi32>
      %mul3A_2145 = arith.constant 5 : i32
      %mul3A_2146 = arith.muli %select_n3A_2086, %mul3A_2145 : i32
      %add3A_2147 = arith.addi %mul3A_21, %mul3A_2146 : i32
      %broadcast_in_dim3A_2148 = vector.broadcast %add3A_2147 : i32 to vector<16xi32>
      %eq3A_2149 = arith.cmpi eq, %get3A_2144, %select_n3A_2141 : vector<16xi32>
      %add3A_2150 = arith.addi %broadcast_in_dim3A_2148, %add3A_2129 : vector<16xi32>
      %select_n3A_2151 = arith.select %eq3A_2149, %broadcast_in_dim3A_19, %add3A_2150 : vector<16xi1>, vector<16xi32>
      %swap3A_2152 = arith.constant 80 : index
      %swap3A_2153 = tpu.vector_load %arg9[%swap3A_2152] {strides = array<i32>} : memref<256xi32, #tpu.memory_space<vmem>>, vector<16xi32>,
      %swap3A_2154 = vector.shape_cast %swap3A_2153 : vector<16xi32> to vector<16xi32>
      %swap3A_2155 = vector.shape_cast %select_n3A_2151 : vector<16xi32> to vector<16xi32>
      tpu.vector_store %arg9[%swap3A_2152], %swap3A_2155 {strides = array<i32>} : memref<256xi32, #tpu.memory_space<vmem>>, vector<16xi32>,
      %add3A_2156 = arith.constant 96 : i32
      %add3A_2157 = arith.addi %mul3A_1585, %add3A_2156 : i32
      %jit3A_2158 = arith.constant 880 : i32
      %div3A_2159 = arith.divsi %add3A_2157, %jit3A_2158 : i32
      %sign3A_2160 = arith.constant 0 : i32
      %sign3A_2161 = arith.cmpi sgt, %add3A_2157, %sign3A_2160 : i32
      %sign3A_2162 = arith.extui %sign3A_2161 : i1 to i32
      %sign3A_2163 = arith.constant 0 : i32
      %sign3A_2164 = arith.cmpi slt, %add3A_2157, %sign3A_2163 : i32
      %sign3A_2165 = arith.extui %sign3A_2164 : i1 to i32
      %sign3A_2166 = arith.subi %sign3A_2162, %sign3A_2165 : i32
      %sign3A_2167 = arith.constant 0 : i32
      %sign3A_2168 = arith.cmpi sgt, %jit3A_2158, %sign3A_2167 : i32
      %sign3A_2169 = arith.extui %sign3A_2168 : i1 to i32
      %sign3A_2170 = arith.constant 0 : i32
      %sign3A_2171 = arith.cmpi slt, %jit3A_2158, %sign3A_2170 : i32
      %sign3A_2172 = arith.extui %sign3A_2171 : i1 to i32
      %sign3A_2173 = arith.subi %sign3A_2169, %sign3A_2172 : i32
      %ne3A_2174 = arith.cmpi ne, %sign3A_2166, %sign3A_2173 : i32
      %rem3A_2175 = arith.remsi %add3A_2157, %jit3A_2158 : i32
      %ne3A_2176 = arith.constant 0 : i32
      %ne3A_2177 = arith.cmpi ne, %rem3A_2175, %ne3A_2176 : i32
      %and3A_2178 = arith.andi %ne3A_2174, %ne3A_2177 : i1
      %sub3A_2179 = arith.constant 1 : i32
      %sub3A_2180 = arith.subi %div3A_2159, %sub3A_2179 : i32
      %select_n3A_2181 = arith.select %and3A_2178, %sub3A_2180, %div3A_2159 : i32
      %jit3A_2182 = arith.constant 880 : i32
      %eq3A_2183 = arith.constant 0 : i32
      %eq3A_2184 = arith.cmpi eq, %jit3A_2182, %eq3A_2183 : i32
      %jit3A_2185 = arith.constant 1 : i32
      %select_n3A_2186 = arith.select %eq3A_2184, %jit3A_2185, %jit3A_2182 : i32
      %rem3A_2187 = arith.remsi %add3A_2157, %select_n3A_2186 : i32
      %ne3A_2188 = arith.constant 0 : i32
      %ne3A_2189 = arith.cmpi ne, %rem3A_2187, %ne3A_2188 : i32
      %lt3A_2190 = arith.constant 0 : i32
      %lt3A_2191 = arith.cmpi slt, %rem3A_2187, %lt3A_2190 : i32
      %lt3A_2192 = arith.constant 0 : i32
      %lt3A_2193 = arith.cmpi slt, %select_n3A_2186, %lt3A_2192 : i32
      %ne3A_2194 = arith.xori %lt3A_2191, %lt3A_2193 : i1
      %and3A_2195 = arith.andi %ne3A_2194, %ne3A_2189 : i1
      %add3A_2196 = arith.addi %rem3A_2187, %select_n3A_2186 : i32
      %select_n3A_2197 = arith.select %and3A_2195, %add3A_2196, %rem3A_2187 : i32
      %broadcast_in_dim3A_2198 = vector.broadcast %select_n3A_2197 : i32 to vector<16xi32>
      %add3A_2199 = arith.addi %broadcast_in_dim3A_2198, %iota3A : vector<16xi32>
      %broadcast_in_dim3A_2200 = arith.constant 1 : i32
      %broadcast_in_dim3A_2201 = vector.broadcast %broadcast_in_dim3A_2200 : i32 to vector<16xi32>
      %ge3A_2202 = arith.cmpi sge, %add3A_2199, %broadcast_in_dim3A_2201 : vector<16xi32>
      %select_n3A_2203 = arith.select %ge3A_2202, %broadcast_in_dim3A_23, %broadcast_in_dim3A_25 : vector<16xi1>, vector<16xi32>
      %add3A_2204 = arith.addi %broadcast_in_dim3A_25, %select_n3A_2203 : vector<16xi32>
      %broadcast_in_dim3A_2205 = arith.constant 51 : i32
      %broadcast_in_dim3A_2206 = vector.broadcast %broadcast_in_dim3A_2205 : i32 to vector<16xi32>
      %ge3A_2207 = arith.cmpi sge, %add3A_2199, %broadcast_in_dim3A_2206 : vector<16xi32>
      %select_n3A_2208 = arith.select %ge3A_2207, %broadcast_in_dim3A_23, %broadcast_in_dim3A_25 : vector<16xi1>, vector<16xi32>
      %add3A_2209 = arith.addi %add3A_2204, %select_n3A_2208 : vector<16xi32>
      %broadcast_in_dim3A_2210 = arith.constant 71 : i32
      %broadcast_in_dim3A_2211 = vector.broadcast %broadcast_in_dim3A_2210 : i32 to vector<16xi32>
      %ge3A_2212 = arith.cmpi sge, %add3A_2199, %broadcast_in_dim3A_2211 : vector<16xi32>
      %select_n3A_2213 = arith.select %ge3A_2212, %broadcast_in_dim3A_23, %broadcast_in_dim3A_25 : vector<16xi1>, vector<16xi32>
      %add3A_2214 = arith.addi %add3A_2209, %select_n3A_2213 : vector<16xi32>
      %broadcast_in_dim3A_2215 = arith.constant 471 : i32
      %broadcast_in_dim3A_2216 = vector.broadcast %broadcast_in_dim3A_2215 : i32 to vector<16xi32>
      %ge3A_2217 = arith.cmpi sge, %add3A_2199, %broadcast_in_dim3A_2216 : vector<16xi32>
      %select_n3A_2218 = arith.select %ge3A_2217, %broadcast_in_dim3A_23, %broadcast_in_dim3A_25 : vector<16xi1>, vector<16xi32>
      %add3A_2219 = arith.addi %add3A_2214, %select_n3A_2218 : vector<16xi32>
      %broadcast_in_dim3A_2220 = arith.constant 871 : i32
      %broadcast_in_dim3A_2221 = vector.broadcast %broadcast_in_dim3A_2220 : i32 to vector<16xi32>
      %ge3A_2222 = arith.cmpi sge, %add3A_2199, %broadcast_in_dim3A_2221 : vector<16xi32>
      %select_n3A_2223 = arith.select %ge3A_2222, %broadcast_in_dim3A_23, %broadcast_in_dim3A_25 : vector<16xi1>, vector<16xi32>
      %add3A_2224 = arith.addi %add3A_2219, %select_n3A_2223 : vector<16xi32>
      %broadcast_in_dim3A_2225 = arith.constant 2 : i32
      %broadcast_in_dim3A_2226 = vector.broadcast %broadcast_in_dim3A_2225 : i32 to vector<16xi32>
      %eq3A_2227 = arith.cmpi eq, %add3A_2224, %broadcast_in_dim3A_2226 : vector<16xi32>
      %broadcast_in_dim3A_2228 = arith.constant 101000 : i32
      %broadcast_in_dim3A_2229 = vector.broadcast %broadcast_in_dim3A_2228 : i32 to vector<16xi32>
      %eq3A_2230 = arith.cmpi eq, %add3A_2224, %broadcast_in_dim3A_25 : vector<16xi32>
      %broadcast_in_dim3A_2231 = arith.constant -1 : i32
      %broadcast_in_dim3A_2232 = vector.broadcast %broadcast_in_dim3A_2231 : i32 to vector<16xi32>
      %broadcast_in_dim3A_2233 = arith.constant 201000 : i32
      %broadcast_in_dim3A_2234 = vector.broadcast %broadcast_in_dim3A_2233 : i32 to vector<16xi32>
      %select_n3A_2235 = arith.select %eq3A_2230, %broadcast_in_dim3A_2232, %broadcast_in_dim3A_2234 : vector<16xi1>, vector<16xi32>
      %select_n3A_2236 = arith.select %eq3A_2227, %broadcast_in_dim3A_2229, %select_n3A_2235 : vector<16xi1>, vector<16xi32>
      %get3A_2237 = arith.index_cast %add3A_2157 : i32 to index
      %get3A_2238 = tpu.vector_load %arg5[%get3A_2237] {strides = array<i32>} : memref<28160xi32, #tpu.memory_space<vmem>>, vector<16xi32>,
      %get3A_2239 = vector.shape_cast %get3A_2238 : vector<16xi32> to vector<16xi32>
      %mul3A_2240 = arith.constant 5 : i32
      %mul3A_2241 = arith.muli %select_n3A_2181, %mul3A_2240 : i32
      %add3A_2242 = arith.addi %mul3A_21, %mul3A_2241 : i32
      %broadcast_in_dim3A_2243 = vector.broadcast %add3A_2242 : i32 to vector<16xi32>
      %eq3A_2244 = arith.cmpi eq, %get3A_2239, %select_n3A_2236 : vector<16xi32>
      %add3A_2245 = arith.addi %broadcast_in_dim3A_2243, %add3A_2224 : vector<16xi32>
      %select_n3A_2246 = arith.select %eq3A_2244, %broadcast_in_dim3A_19, %add3A_2245 : vector<16xi1>, vector<16xi32>
      %swap3A_2247 = arith.constant 96 : index
      %swap3A_2248 = tpu.vector_load %arg9[%swap3A_2247] {strides = array<i32>} : memref<256xi32, #tpu.memory_space<vmem>>, vector<16xi32>,
      %swap3A_2249 = vector.shape_cast %swap3A_2248 : vector<16xi32> to vector<16xi32>
      %swap3A_2250 = vector.shape_cast %select_n3A_2246 : vector<16xi32> to vector<16xi32>
      tpu.vector_store %arg9[%swap3A_2247], %swap3A_2250 {strides = array<i32>} : memref<256xi32, #tpu.memory_space<vmem>>, vector<16xi32>,
      %add3A_2251 = arith.constant 112 : i32
      %add3A_2252 = arith.addi %mul3A_1585, %add3A_2251 : i32
      %jit3A_2253 = arith.constant 880 : i32
      %div3A_2254 = arith.divsi %add3A_2252, %jit3A_2253 : i32
      %sign3A_2255 = arith.constant 0 : i32
      %sign3A_2256 = arith.cmpi sgt, %add3A_2252, %sign3A_2255 : i32
      %sign3A_2257 = arith.extui %sign3A_2256 : i1 to i32
      %sign3A_2258 = arith.constant 0 : i32
      %sign3A_2259 = arith.cmpi slt, %add3A_2252, %sign3A_2258 : i32
      %sign3A_2260 = arith.extui %sign3A_2259 : i1 to i32
      %sign3A_2261 = arith.subi %sign3A_2257, %sign3A_2260 : i32
      %sign3A_2262 = arith.constant 0 : i32
      %sign3A_2263 = arith.cmpi sgt, %jit3A_2253, %sign3A_2262 : i32
      %sign3A_2264 = arith.extui %sign3A_2263 : i1 to i32
      %sign3A_2265 = arith.constant 0 : i32
      %sign3A_2266 = arith.cmpi slt, %jit3A_2253, %sign3A_2265 : i32
      %sign3A_2267 = arith.extui %sign3A_2266 : i1 to i32
      %sign3A_2268 = arith.subi %sign3A_2264, %sign3A_2267 : i32
      %ne3A_2269 = arith.cmpi ne, %sign3A_2261, %sign3A_2268 : i32
      %rem3A_2270 = arith.remsi %add3A_2252, %jit3A_2253 : i32
      %ne3A_2271 = arith.constant 0 : i32
      %ne3A_2272 = arith.cmpi ne, %rem3A_2270, %ne3A_2271 : i32
      %and3A_2273 = arith.andi %ne3A_2269, %ne3A_2272 : i1
      %sub3A_2274 = arith.constant 1 : i32
      %sub3A_2275 = arith.subi %div3A_2254, %sub3A_2274 : i32
      %select_n3A_2276 = arith.select %and3A_2273, %sub3A_2275, %div3A_2254 : i32
      %jit3A_2277 = arith.constant 880 : i32
      %eq3A_2278 = arith.constant 0 : i32
      %eq3A_2279 = arith.cmpi eq, %jit3A_2277, %eq3A_2278 : i32
      %jit3A_2280 = arith.constant 1 : i32
      %select_n3A_2281 = arith.select %eq3A_2279, %jit3A_2280, %jit3A_2277 : i32
      %rem3A_2282 = arith.remsi %add3A_2252, %select_n3A_2281 : i32
      %ne3A_2283 = arith.constant 0 : i32
      %ne3A_2284 = arith.cmpi ne, %rem3A_2282, %ne3A_2283 : i32
      %lt3A_2285 = arith.constant 0 : i32
      %lt3A_2286 = arith.cmpi slt, %rem3A_2282, %lt3A_2285 : i32
      %lt3A_2287 = arith.constant 0 : i32
      %lt3A_2288 = arith.cmpi slt, %select_n3A_2281, %lt3A_2287 : i32
      %ne3A_2289 = arith.xori %lt3A_2286, %lt3A_2288 : i1
      %and3A_2290 = arith.andi %ne3A_2289, %ne3A_2284 : i1
      %add3A_2291 = arith.addi %rem3A_2282, %select_n3A_2281 : i32
      %select_n3A_2292 = arith.select %and3A_2290, %add3A_2291, %rem3A_2282 : i32
      %broadcast_in_dim3A_2293 = vector.broadcast %select_n3A_2292 : i32 to vector<16xi32>
      %add3A_2294 = arith.addi %broadcast_in_dim3A_2293, %iota3A : vector<16xi32>
      %broadcast_in_dim3A_2295 = arith.constant 1 : i32
      %broadcast_in_dim3A_2296 = vector.broadcast %broadcast_in_dim3A_2295 : i32 to vector<16xi32>
      %ge3A_2297 = arith.cmpi sge, %add3A_2294, %broadcast_in_dim3A_2296 : vector<16xi32>
      %select_n3A_2298 = arith.select %ge3A_2297, %broadcast_in_dim3A_23, %broadcast_in_dim3A_25 : vector<16xi1>, vector<16xi32>
      %add3A_2299 = arith.addi %broadcast_in_dim3A_25, %select_n3A_2298 : vector<16xi32>
      %broadcast_in_dim3A_2300 = arith.constant 51 : i32
      %broadcast_in_dim3A_2301 = vector.broadcast %broadcast_in_dim3A_2300 : i32 to vector<16xi32>
      %ge3A_2302 = arith.cmpi sge, %add3A_2294, %broadcast_in_dim3A_2301 : vector<16xi32>
      %select_n3A_2303 = arith.select %ge3A_2302, %broadcast_in_dim3A_23, %broadcast_in_dim3A_25 : vector<16xi1>, vector<16xi32>
      %add3A_2304 = arith.addi %add3A_2299, %select_n3A_2303 : vector<16xi32>
      %broadcast_in_dim3A_2305 = arith.constant 71 : i32
      %broadcast_in_dim3A_2306 = vector.broadcast %broadcast_in_dim3A_2305 : i32 to vector<16xi32>
      %ge3A_2307 = arith.cmpi sge, %add3A_2294, %broadcast_in_dim3A_2306 : vector<16xi32>
      %select_n3A_2308 = arith.select %ge3A_2307, %broadcast_in_dim3A_23, %broadcast_in_dim3A_25 : vector<16xi1>, vector<16xi32>
      %add3A_2309 = arith.addi %add3A_2304, %select_n3A_2308 : vector<16xi32>
      %broadcast_in_dim3A_2310 = arith.constant 471 : i32
      %broadcast_in_dim3A_2311 = vector.broadcast %broadcast_in_dim3A_2310 : i32 to vector<16xi32>
      %ge3A_2312 = arith.cmpi sge, %add3A_2294, %broadcast_in_dim3A_2311 : vector<16xi32>
      %select_n3A_2313 = arith.select %ge3A_2312, %broadcast_in_dim3A_23, %broadcast_in_dim3A_25 : vector<16xi1>, vector<16xi32>
      %add3A_2314 = arith.addi %add3A_2309, %select_n3A_2313 : vector<16xi32>
      %broadcast_in_dim3A_2315 = arith.constant 871 : i32
      %broadcast_in_dim3A_2316 = vector.broadcast %broadcast_in_dim3A_2315 : i32 to vector<16xi32>
      %ge3A_2317 = arith.cmpi sge, %add3A_2294, %broadcast_in_dim3A_2316 : vector<16xi32>
      %select_n3A_2318 = arith.select %ge3A_2317, %broadcast_in_dim3A_23, %broadcast_in_dim3A_25 : vector<16xi1>, vector<16xi32>
      %add3A_2319 = arith.addi %add3A_2314, %select_n3A_2318 : vector<16xi32>
      %broadcast_in_dim3A_2320 = arith.constant 2 : i32
      %broadcast_in_dim3A_2321 = vector.broadcast %broadcast_in_dim3A_2320 : i32 to vector<16xi32>
      %eq3A_2322 = arith.cmpi eq, %add3A_2319, %broadcast_in_dim3A_2321 : vector<16xi32>
      %broadcast_in_dim3A_2323 = arith.constant 101000 : i32
      %broadcast_in_dim3A_2324 = vector.broadcast %broadcast_in_dim3A_2323 : i32 to vector<16xi32>
      %eq3A_2325 = arith.cmpi eq, %add3A_2319, %broadcast_in_dim3A_25 : vector<16xi32>
      %broadcast_in_dim3A_2326 = arith.constant -1 : i32
      %broadcast_in_dim3A_2327 = vector.broadcast %broadcast_in_dim3A_2326 : i32 to vector<16xi32>
      %broadcast_in_dim3A_2328 = arith.constant 201000 : i32
      %broadcast_in_dim3A_2329 = vector.broadcast %broadcast_in_dim3A_2328 : i32 to vector<16xi32>
      %select_n3A_2330 = arith.select %eq3A_2325, %broadcast_in_dim3A_2327, %broadcast_in_dim3A_2329 : vector<16xi1>, vector<16xi32>
      %select_n3A_2331 = arith.select %eq3A_2322, %broadcast_in_dim3A_2324, %select_n3A_2330 : vector<16xi1>, vector<16xi32>
      %get3A_2332 = arith.index_cast %add3A_2252 : i32 to index
      %get3A_2333 = tpu.vector_load %arg5[%get3A_2332] {strides = array<i32>} : memref<28160xi32, #tpu.memory_space<vmem>>, vector<16xi32>,
      %get3A_2334 = vector.shape_cast %get3A_2333 : vector<16xi32> to vector<16xi32>
      %mul3A_2335 = arith.constant 5 : i32
      %mul3A_2336 = arith.muli %select_n3A_2276, %mul3A_2335 : i32
      %add3A_2337 = arith.addi %mul3A_21, %mul3A_2336 : i32
      %broadcast_in_dim3A_2338 = vector.broadcast %add3A_2337 : i32 to vector<16xi32>
      %eq3A_2339 = arith.cmpi eq, %get3A_2334, %select_n3A_2331 : vector<16xi32>
      %add3A_2340 = arith.addi %broadcast_in_dim3A_2338, %add3A_2319 : vector<16xi32>
      %select_n3A_2341 = arith.select %eq3A_2339, %broadcast_in_dim3A_19, %add3A_2340 : vector<16xi1>, vector<16xi32>
      %swap3A_2342 = arith.constant 112 : index
      %swap3A_2343 = tpu.vector_load %arg9[%swap3A_2342] {strides = array<i32>} : memref<256xi32, #tpu.memory_space<vmem>>, vector<16xi32>,
      %swap3A_2344 = vector.shape_cast %swap3A_2343 : vector<16xi32> to vector<16xi32>
      %swap3A_2345 = vector.shape_cast %select_n3A_2341 : vector<16xi32> to vector<16xi32>
      tpu.vector_store %arg9[%swap3A_2342], %swap3A_2345 {strides = array<i32>} : memref<256xi32, #tpu.memory_space<vmem>>, vector<16xi32>,
      %add3A_2346 = arith.constant 128 : i32
      %add3A_2347 = arith.addi %mul3A_1585, %add3A_2346 : i32
      %jit3A_2348 = arith.constant 880 : i32
      %div3A_2349 = arith.divsi %add3A_2347, %jit3A_2348 : i32
      %sign3A_2350 = arith.constant 0 : i32
      %sign3A_2351 = arith.cmpi sgt, %add3A_2347, %sign3A_2350 : i32
      %sign3A_2352 = arith.extui %sign3A_2351 : i1 to i32
      %sign3A_2353 = arith.constant 0 : i32
      %sign3A_2354 = arith.cmpi slt, %add3A_2347, %sign3A_2353 : i32
      %sign3A_2355 = arith.extui %sign3A_2354 : i1 to i32
      %sign3A_2356 = arith.subi %sign3A_2352, %sign3A_2355 : i32
      %sign3A_2357 = arith.constant 0 : i32
      %sign3A_2358 = arith.cmpi sgt, %jit3A_2348, %sign3A_2357 : i32
      %sign3A_2359 = arith.extui %sign3A_2358 : i1 to i32
      %sign3A_2360 = arith.constant 0 : i32
      %sign3A_2361 = arith.cmpi slt, %jit3A_2348, %sign3A_2360 : i32
      %sign3A_2362 = arith.extui %sign3A_2361 : i1 to i32
      %sign3A_2363 = arith.subi %sign3A_2359, %sign3A_2362 : i32
      %ne3A_2364 = arith.cmpi ne, %sign3A_2356, %sign3A_2363 : i32
      %rem3A_2365 = arith.remsi %add3A_2347, %jit3A_2348 : i32
      %ne3A_2366 = arith.constant 0 : i32
      %ne3A_2367 = arith.cmpi ne, %rem3A_2365, %ne3A_2366 : i32
      %and3A_2368 = arith.andi %ne3A_2364, %ne3A_2367 : i1
      %sub3A_2369 = arith.constant 1 : i32
      %sub3A_2370 = arith.subi %div3A_2349, %sub3A_2369 : i32
      %select_n3A_2371 = arith.select %and3A_2368, %sub3A_2370, %div3A_2349 : i32
      %jit3A_2372 = arith.constant 880 : i32
      %eq3A_2373 = arith.constant 0 : i32
      %eq3A_2374 = arith.cmpi eq, %jit3A_2372, %eq3A_2373 : i32
      %jit3A_2375 = arith.constant 1 : i32
      %select_n3A_2376 = arith.select %eq3A_2374, %jit3A_2375, %jit3A_2372 : i32
      %rem3A_2377 = arith.remsi %add3A_2347, %select_n3A_2376 : i32
      %ne3A_2378 = arith.constant 0 : i32
      %ne3A_2379 = arith.cmpi ne, %rem3A_2377, %ne3A_2378 : i32
      %lt3A_2380 = arith.constant 0 : i32
      %lt3A_2381 = arith.cmpi slt, %rem3A_2377, %lt3A_2380 : i32
      %lt3A_2382 = arith.constant 0 : i32
      %lt3A_2383 = arith.cmpi slt, %select_n3A_2376, %lt3A_2382 : i32
      %ne3A_2384 = arith.xori %lt3A_2381, %lt3A_2383 : i1
      %and3A_2385 = arith.andi %ne3A_2384, %ne3A_2379 : i1
      %add3A_2386 = arith.addi %rem3A_2377, %select_n3A_2376 : i32
      %select_n3A_2387 = arith.select %and3A_2385, %add3A_2386, %rem3A_2377 : i32
      %broadcast_in_dim3A_2388 = vector.broadcast %select_n3A_2387 : i32 to vector<16xi32>
      %add3A_2389 = arith.addi %broadcast_in_dim3A_2388, %iota3A : vector<16xi32>
      %broadcast_in_dim3A_2390 = arith.constant 1 : i32
      %broadcast_in_dim3A_2391 = vector.broadcast %broadcast_in_dim3A_2390 : i32 to vector<16xi32>
      %ge3A_2392 = arith.cmpi sge, %add3A_2389, %broadcast_in_dim3A_2391 : vector<16xi32>
      %select_n3A_2393 = arith.select %ge3A_2392, %broadcast_in_dim3A_23, %broadcast_in_dim3A_25 : vector<16xi1>, vector<16xi32>
      %add3A_2394 = arith.addi %broadcast_in_dim3A_25, %select_n3A_2393 : vector<16xi32>
      %broadcast_in_dim3A_2395 = arith.constant 51 : i32
      %broadcast_in_dim3A_2396 = vector.broadcast %broadcast_in_dim3A_2395 : i32 to vector<16xi32>
      %ge3A_2397 = arith.cmpi sge, %add3A_2389, %broadcast_in_dim3A_2396 : vector<16xi32>
      %select_n3A_2398 = arith.select %ge3A_2397, %broadcast_in_dim3A_23, %broadcast_in_dim3A_25 : vector<16xi1>, vector<16xi32>
      %add3A_2399 = arith.addi %add3A_2394, %select_n3A_2398 : vector<16xi32>
      %broadcast_in_dim3A_2400 = arith.constant 71 : i32
      %broadcast_in_dim3A_2401 = vector.broadcast %broadcast_in_dim3A_2400 : i32 to vector<16xi32>
      %ge3A_2402 = arith.cmpi sge, %add3A_2389, %broadcast_in_dim3A_2401 : vector<16xi32>
      %select_n3A_2403 = arith.select %ge3A_2402, %broadcast_in_dim3A_23, %broadcast_in_dim3A_25 : vector<16xi1>, vector<16xi32>
      %add3A_2404 = arith.addi %add3A_2399, %select_n3A_2403 : vector<16xi32>
      %broadcast_in_dim3A_2405 = arith.constant 471 : i32
      %broadcast_in_dim3A_2406 = vector.broadcast %broadcast_in_dim3A_2405 : i32 to vector<16xi32>
      %ge3A_2407 = arith.cmpi sge, %add3A_2389, %broadcast_in_dim3A_2406 : vector<16xi32>
      %select_n3A_2408 = arith.select %ge3A_2407, %broadcast_in_dim3A_23, %broadcast_in_dim3A_25 : vector<16xi1>, vector<16xi32>
      %add3A_2409 = arith.addi %add3A_2404, %select_n3A_2408 : vector<16xi32>
      %broadcast_in_dim3A_2410 = arith.constant 871 : i32
      %broadcast_in_dim3A_2411 = vector.broadcast %broadcast_in_dim3A_2410 : i32 to vector<16xi32>
      %ge3A_2412 = arith.cmpi sge, %add3A_2389, %broadcast_in_dim3A_2411 : vector<16xi32>
      %select_n3A_2413 = arith.select %ge3A_2412, %broadcast_in_dim3A_23, %broadcast_in_dim3A_25 : vector<16xi1>, vector<16xi32>
      %add3A_2414 = arith.addi %add3A_2409, %select_n3A_2413 : vector<16xi32>
      %broadcast_in_dim3A_2415 = arith.constant 2 : i32
      %broadcast_in_dim3A_2416 = vector.broadcast %broadcast_in_dim3A_2415 : i32 to vector<16xi32>
      %eq3A_2417 = arith.cmpi eq, %add3A_2414, %broadcast_in_dim3A_2416 : vector<16xi32>
      %broadcast_in_dim3A_2418 = arith.constant 101000 : i32
      %broadcast_in_dim3A_2419 = vector.broadcast %broadcast_in_dim3A_2418 : i32 to vector<16xi32>
      %eq3A_2420 = arith.cmpi eq, %add3A_2414, %broadcast_in_dim3A_25 : vector<16xi32>
      %broadcast_in_dim3A_2421 = arith.constant -1 : i32
      %broadcast_in_dim3A_2422 = vector.broadcast %broadcast_in_dim3A_2421 : i32 to vector<16xi32>
      %broadcast_in_dim3A_2423 = arith.constant 201000 : i32
      %broadcast_in_dim3A_2424 = vector.broadcast %broadcast_in_dim3A_2423 : i32 to vector<16xi32>
      %select_n3A_2425 = arith.select %eq3A_2420, %broadcast_in_dim3A_2422, %broadcast_in_dim3A_2424 : vector<16xi1>, vector<16xi32>
      %select_n3A_2426 = arith.select %eq3A_2417, %broadcast_in_dim3A_2419, %select_n3A_2425 : vector<16xi1>, vector<16xi32>
      %get3A_2427 = arith.index_cast %add3A_2347 : i32 to index
      %get3A_2428 = tpu.vector_load %arg5[%get3A_2427] {strides = array<i32>} : memref<28160xi32, #tpu.memory_space<vmem>>, vector<16xi32>,
      %get3A_2429 = vector.shape_cast %get3A_2428 : vector<16xi32> to vector<16xi32>
      %mul3A_2430 = arith.constant 5 : i32
      %mul3A_2431 = arith.muli %select_n3A_2371, %mul3A_2430 : i32
      %add3A_2432 = arith.addi %mul3A_21, %mul3A_2431 : i32
      %broadcast_in_dim3A_2433 = vector.broadcast %add3A_2432 : i32 to vector<16xi32>
      %eq3A_2434 = arith.cmpi eq, %get3A_2429, %select_n3A_2426 : vector<16xi32>
      %add3A_2435 = arith.addi %broadcast_in_dim3A_2433, %add3A_2414 : vector<16xi32>
      %select_n3A_2436 = arith.select %eq3A_2434, %broadcast_in_dim3A_19, %add3A_2435 : vector<16xi1>, vector<16xi32>
      %swap3A_2437 = arith.constant 128 : index
      %swap3A_2438 = tpu.vector_load %arg9[%swap3A_2437] {strides = array<i32>} : memref<256xi32, #tpu.memory_space<vmem>>, vector<16xi32>,
      %swap3A_2439 = vector.shape_cast %swap3A_2438 : vector<16xi32> to vector<16xi32>
      %swap3A_2440 = vector.shape_cast %select_n3A_2436 : vector<16xi32> to vector<16xi32>
      tpu.vector_store %arg9[%swap3A_2437], %swap3A_2440 {strides = array<i32>} : memref<256xi32, #tpu.memory_space<vmem>>, vector<16xi32>,
      %add3A_2441 = arith.constant 144 : i32
      %add3A_2442 = arith.addi %mul3A_1585, %add3A_2441 : i32
      %jit3A_2443 = arith.constant 880 : i32
      %div3A_2444 = arith.divsi %add3A_2442, %jit3A_2443 : i32
      %sign3A_2445 = arith.constant 0 : i32
      %sign3A_2446 = arith.cmpi sgt, %add3A_2442, %sign3A_2445 : i32
      %sign3A_2447 = arith.extui %sign3A_2446 : i1 to i32
      %sign3A_2448 = arith.constant 0 : i32
      %sign3A_2449 = arith.cmpi slt, %add3A_2442, %sign3A_2448 : i32
      %sign3A_2450 = arith.extui %sign3A_2449 : i1 to i32
      %sign3A_2451 = arith.subi %sign3A_2447, %sign3A_2450 : i32
      %sign3A_2452 = arith.constant 0 : i32
      %sign3A_2453 = arith.cmpi sgt, %jit3A_2443, %sign3A_2452 : i32
      %sign3A_2454 = arith.extui %sign3A_2453 : i1 to i32
      %sign3A_2455 = arith.constant 0 : i32
      %sign3A_2456 = arith.cmpi slt, %jit3A_2443, %sign3A_2455 : i32
      %sign3A_2457 = arith.extui %sign3A_2456 : i1 to i32
      %sign3A_2458 = arith.subi %sign3A_2454, %sign3A_2457 : i32
      %ne3A_2459 = arith.cmpi ne, %sign3A_2451, %sign3A_2458 : i32
      %rem3A_2460 = arith.remsi %add3A_2442, %jit3A_2443 : i32
      %ne3A_2461 = arith.constant 0 : i32
      %ne3A_2462 = arith.cmpi ne, %rem3A_2460, %ne3A_2461 : i32
      %and3A_2463 = arith.andi %ne3A_2459, %ne3A_2462 : i1
      %sub3A_2464 = arith.constant 1 : i32
      %sub3A_2465 = arith.subi %div3A_2444, %sub3A_2464 : i32
      %select_n3A_2466 = arith.select %and3A_2463, %sub3A_2465, %div3A_2444 : i32
      %jit3A_2467 = arith.constant 880 : i32
      %eq3A_2468 = arith.constant 0 : i32
      %eq3A_2469 = arith.cmpi eq, %jit3A_2467, %eq3A_2468 : i32
      %jit3A_2470 = arith.constant 1 : i32
      %select_n3A_2471 = arith.select %eq3A_2469, %jit3A_2470, %jit3A_2467 : i32
      %rem3A_2472 = arith.remsi %add3A_2442, %select_n3A_2471 : i32
      %ne3A_2473 = arith.constant 0 : i32
      %ne3A_2474 = arith.cmpi ne, %rem3A_2472, %ne3A_2473 : i32
      %lt3A_2475 = arith.constant 0 : i32
      %lt3A_2476 = arith.cmpi slt, %rem3A_2472, %lt3A_2475 : i32
      %lt3A_2477 = arith.constant 0 : i32
      %lt3A_2478 = arith.cmpi slt, %select_n3A_2471, %lt3A_2477 : i32
      %ne3A_2479 = arith.xori %lt3A_2476, %lt3A_2478 : i1
      %and3A_2480 = arith.andi %ne3A_2479, %ne3A_2474 : i1
      %add3A_2481 = arith.addi %rem3A_2472, %select_n3A_2471 : i32
      %select_n3A_2482 = arith.select %and3A_2480, %add3A_2481, %rem3A_2472 : i32
      %broadcast_in_dim3A_2483 = vector.broadcast %select_n3A_2482 : i32 to vector<16xi32>
      %add3A_2484 = arith.addi %broadcast_in_dim3A_2483, %iota3A : vector<16xi32>
      %broadcast_in_dim3A_2485 = arith.constant 1 : i32
      %broadcast_in_dim3A_2486 = vector.broadcast %broadcast_in_dim3A_2485 : i32 to vector<16xi32>
      %ge3A_2487 = arith.cmpi sge, %add3A_2484, %broadcast_in_dim3A_2486 : vector<16xi32>
      %select_n3A_2488 = arith.select %ge3A_2487, %broadcast_in_dim3A_23, %broadcast_in_dim3A_25 : vector<16xi1>, vector<16xi32>
      %add3A_2489 = arith.addi %broadcast_in_dim3A_25, %select_n3A_2488 : vector<16xi32>
      %broadcast_in_dim3A_2490 = arith.constant 51 : i32
      %broadcast_in_dim3A_2491 = vector.broadcast %broadcast_in_dim3A_2490 : i32 to vector<16xi32>
      %ge3A_2492 = arith.cmpi sge, %add3A_2484, %broadcast_in_dim3A_2491 : vector<16xi32>
      %select_n3A_2493 = arith.select %ge3A_2492, %broadcast_in_dim3A_23, %broadcast_in_dim3A_25 : vector<16xi1>, vector<16xi32>
      %add3A_2494 = arith.addi %add3A_2489, %select_n3A_2493 : vector<16xi32>
      %broadcast_in_dim3A_2495 = arith.constant 71 : i32
      %broadcast_in_dim3A_2496 = vector.broadcast %broadcast_in_dim3A_2495 : i32 to vector<16xi32>
      %ge3A_2497 = arith.cmpi sge, %add3A_2484, %broadcast_in_dim3A_2496 : vector<16xi32>
      %select_n3A_2498 = arith.select %ge3A_2497, %broadcast_in_dim3A_23, %broadcast_in_dim3A_25 : vector<16xi1>, vector<16xi32>
      %add3A_2499 = arith.addi %add3A_2494, %select_n3A_2498 : vector<16xi32>
      %broadcast_in_dim3A_2500 = arith.constant 471 : i32
      %broadcast_in_dim3A_2501 = vector.broadcast %broadcast_in_dim3A_2500 : i32 to vector<16xi32>
      %ge3A_2502 = arith.cmpi sge, %add3A_2484, %broadcast_in_dim3A_2501 : vector<16xi32>
      %select_n3A_2503 = arith.select %ge3A_2502, %broadcast_in_dim3A_23, %broadcast_in_dim3A_25 : vector<16xi1>, vector<16xi32>
      %add3A_2504 = arith.addi %add3A_2499, %select_n3A_2503 : vector<16xi32>
      %broadcast_in_dim3A_2505 = arith.constant 871 : i32
      %broadcast_in_dim3A_2506 = vector.broadcast %broadcast_in_dim3A_2505 : i32 to vector<16xi32>
      %ge3A_2507 = arith.cmpi sge, %add3A_2484, %broadcast_in_dim3A_2506 : vector<16xi32>
      %select_n3A_2508 = arith.select %ge3A_2507, %broadcast_in_dim3A_23, %broadcast_in_dim3A_25 : vector<16xi1>, vector<16xi32>
      %add3A_2509 = arith.addi %add3A_2504, %select_n3A_2508 : vector<16xi32>
      %broadcast_in_dim3A_2510 = arith.constant 2 : i32
      %broadcast_in_dim3A_2511 = vector.broadcast %broadcast_in_dim3A_2510 : i32 to vector<16xi32>
      %eq3A_2512 = arith.cmpi eq, %add3A_2509, %broadcast_in_dim3A_2511 : vector<16xi32>
      %broadcast_in_dim3A_2513 = arith.constant 101000 : i32
      %broadcast_in_dim3A_2514 = vector.broadcast %broadcast_in_dim3A_2513 : i32 to vector<16xi32>
      %eq3A_2515 = arith.cmpi eq, %add3A_2509, %broadcast_in_dim3A_25 : vector<16xi32>
      %broadcast_in_dim3A_2516 = arith.constant -1 : i32
      %broadcast_in_dim3A_2517 = vector.broadcast %broadcast_in_dim3A_2516 : i32 to vector<16xi32>
      %broadcast_in_dim3A_2518 = arith.constant 201000 : i32
      %broadcast_in_dim3A_2519 = vector.broadcast %broadcast_in_dim3A_2518 : i32 to vector<16xi32>
      %select_n3A_2520 = arith.select %eq3A_2515, %broadcast_in_dim3A_2517, %broadcast_in_dim3A_2519 : vector<16xi1>, vector<16xi32>
      %select_n3A_2521 = arith.select %eq3A_2512, %broadcast_in_dim3A_2514, %select_n3A_2520 : vector<16xi1>, vector<16xi32>
      %get3A_2522 = arith.index_cast %add3A_2442 : i32 to index
      %get3A_2523 = tpu.vector_load %arg5[%get3A_2522] {strides = array<i32>} : memref<28160xi32, #tpu.memory_space<vmem>>, vector<16xi32>,
      %get3A_2524 = vector.shape_cast %get3A_2523 : vector<16xi32> to vector<16xi32>
      %mul3A_2525 = arith.constant 5 : i32
      %mul3A_2526 = arith.muli %select_n3A_2466, %mul3A_2525 : i32
      %add3A_2527 = arith.addi %mul3A_21, %mul3A_2526 : i32
      %broadcast_in_dim3A_2528 = vector.broadcast %add3A_2527 : i32 to vector<16xi32>
      %eq3A_2529 = arith.cmpi eq, %get3A_2524, %select_n3A_2521 : vector<16xi32>
      %add3A_2530 = arith.addi %broadcast_in_dim3A_2528, %add3A_2509 : vector<16xi32>
      %select_n3A_2531 = arith.select %eq3A_2529, %broadcast_in_dim3A_19, %add3A_2530 : vector<16xi1>, vector<16xi32>
      %swap3A_2532 = arith.constant 144 : index
      %swap3A_2533 = tpu.vector_load %arg9[%swap3A_2532] {strides = array<i32>} : memref<256xi32, #tpu.memory_space<vmem>>, vector<16xi32>,
      %swap3A_2534 = vector.shape_cast %swap3A_2533 : vector<16xi32> to vector<16xi32>
      %swap3A_2535 = vector.shape_cast %select_n3A_2531 : vector<16xi32> to vector<16xi32>
      tpu.vector_store %arg9[%swap3A_2532], %swap3A_2535 {strides = array<i32>} : memref<256xi32, #tpu.memory_space<vmem>>, vector<16xi32>,
      %add3A_2536 = arith.constant 160 : i32
      %add3A_2537 = arith.addi %mul3A_1585, %add3A_2536 : i32
      %jit3A_2538 = arith.constant 880 : i32
      %div3A_2539 = arith.divsi %add3A_2537, %jit3A_2538 : i32
      %sign3A_2540 = arith.constant 0 : i32
      %sign3A_2541 = arith.cmpi sgt, %add3A_2537, %sign3A_2540 : i32
      %sign3A_2542 = arith.extui %sign3A_2541 : i1 to i32
      %sign3A_2543 = arith.constant 0 : i32
      %sign3A_2544 = arith.cmpi slt, %add3A_2537, %sign3A_2543 : i32
      %sign3A_2545 = arith.extui %sign3A_2544 : i1 to i32
      %sign3A_2546 = arith.subi %sign3A_2542, %sign3A_2545 : i32
      %sign3A_2547 = arith.constant 0 : i32
      %sign3A_2548 = arith.cmpi sgt, %jit3A_2538, %sign3A_2547 : i32
      %sign3A_2549 = arith.extui %sign3A_2548 : i1 to i32
      %sign3A_2550 = arith.constant 0 : i32
      %sign3A_2551 = arith.cmpi slt, %jit3A_2538, %sign3A_2550 : i32
      %sign3A_2552 = arith.extui %sign3A_2551 : i1 to i32
      %sign3A_2553 = arith.subi %sign3A_2549, %sign3A_2552 : i32
      %ne3A_2554 = arith.cmpi ne, %sign3A_2546, %sign3A_2553 : i32
      %rem3A_2555 = arith.remsi %add3A_2537, %jit3A_2538 : i32
      %ne3A_2556 = arith.constant 0 : i32
      %ne3A_2557 = arith.cmpi ne, %rem3A_2555, %ne3A_2556 : i32
      %and3A_2558 = arith.andi %ne3A_2554, %ne3A_2557 : i1
      %sub3A_2559 = arith.constant 1 : i32
      %sub3A_2560 = arith.subi %div3A_2539, %sub3A_2559 : i32
      %select_n3A_2561 = arith.select %and3A_2558, %sub3A_2560, %div3A_2539 : i32
      %jit3A_2562 = arith.constant 880 : i32
      %eq3A_2563 = arith.constant 0 : i32
      %eq3A_2564 = arith.cmpi eq, %jit3A_2562, %eq3A_2563 : i32
      %jit3A_2565 = arith.constant 1 : i32
      %select_n3A_2566 = arith.select %eq3A_2564, %jit3A_2565, %jit3A_2562 : i32
      %rem3A_2567 = arith.remsi %add3A_2537, %select_n3A_2566 : i32
      %ne3A_2568 = arith.constant 0 : i32
      %ne3A_2569 = arith.cmpi ne, %rem3A_2567, %ne3A_2568 : i32
      %lt3A_2570 = arith.constant 0 : i32
      %lt3A_2571 = arith.cmpi slt, %rem3A_2567, %lt3A_2570 : i32
      %lt3A_2572 = arith.constant 0 : i32
      %lt3A_2573 = arith.cmpi slt, %select_n3A_2566, %lt3A_2572 : i32
      %ne3A_2574 = arith.xori %lt3A_2571, %lt3A_2573 : i1
      %and3A_2575 = arith.andi %ne3A_2574, %ne3A_2569 : i1
      %add3A_2576 = arith.addi %rem3A_2567, %select_n3A_2566 : i32
      %select_n3A_2577 = arith.select %and3A_2575, %add3A_2576, %rem3A_2567 : i32
      %broadcast_in_dim3A_2578 = vector.broadcast %select_n3A_2577 : i32 to vector<16xi32>
      %add3A_2579 = arith.addi %broadcast_in_dim3A_2578, %iota3A : vector<16xi32>
      %broadcast_in_dim3A_2580 = arith.constant 1 : i32
      %broadcast_in_dim3A_2581 = vector.broadcast %broadcast_in_dim3A_2580 : i32 to vector<16xi32>
      %ge3A_2582 = arith.cmpi sge, %add3A_2579, %broadcast_in_dim3A_2581 : vector<16xi32>
      %select_n3A_2583 = arith.select %ge3A_2582, %broadcast_in_dim3A_23, %broadcast_in_dim3A_25 : vector<16xi1>, vector<16xi32>
      %add3A_2584 = arith.addi %broadcast_in_dim3A_25, %select_n3A_2583 : vector<16xi32>
      %broadcast_in_dim3A_2585 = arith.constant 51 : i32
      %broadcast_in_dim3A_2586 = vector.broadcast %broadcast_in_dim3A_2585 : i32 to vector<16xi32>
      %ge3A_2587 = arith.cmpi sge, %add3A_2579, %broadcast_in_dim3A_2586 : vector<16xi32>
      %select_n3A_2588 = arith.select %ge3A_2587, %broadcast_in_dim3A_23, %broadcast_in_dim3A_25 : vector<16xi1>, vector<16xi32>
      %add3A_2589 = arith.addi %add3A_2584, %select_n3A_2588 : vector<16xi32>
      %broadcast_in_dim3A_2590 = arith.constant 71 : i32
      %broadcast_in_dim3A_2591 = vector.broadcast %broadcast_in_dim3A_2590 : i32 to vector<16xi32>
      %ge3A_2592 = arith.cmpi sge, %add3A_2579, %broadcast_in_dim3A_2591 : vector<16xi32>
      %select_n3A_2593 = arith.select %ge3A_2592, %broadcast_in_dim3A_23, %broadcast_in_dim3A_25 : vector<16xi1>, vector<16xi32>
      %add3A_2594 = arith.addi %add3A_2589, %select_n3A_2593 : vector<16xi32>
      %broadcast_in_dim3A_2595 = arith.constant 471 : i32
      %broadcast_in_dim3A_2596 = vector.broadcast %broadcast_in_dim3A_2595 : i32 to vector<16xi32>
      %ge3A_2597 = arith.cmpi sge, %add3A_2579, %broadcast_in_dim3A_2596 : vector<16xi32>
      %select_n3A_2598 = arith.select %ge3A_2597, %broadcast_in_dim3A_23, %broadcast_in_dim3A_25 : vector<16xi1>, vector<16xi32>
      %add3A_2599 = arith.addi %add3A_2594, %select_n3A_2598 : vector<16xi32>
      %broadcast_in_dim3A_2600 = arith.constant 871 : i32
      %broadcast_in_dim3A_2601 = vector.broadcast %broadcast_in_dim3A_2600 : i32 to vector<16xi32>
      %ge3A_2602 = arith.cmpi sge, %add3A_2579, %broadcast_in_dim3A_2601 : vector<16xi32>
      %select_n3A_2603 = arith.select %ge3A_2602, %broadcast_in_dim3A_23, %broadcast_in_dim3A_25 : vector<16xi1>, vector<16xi32>
      %add3A_2604 = arith.addi %add3A_2599, %select_n3A_2603 : vector<16xi32>
      %broadcast_in_dim3A_2605 = arith.constant 2 : i32
      %broadcast_in_dim3A_2606 = vector.broadcast %broadcast_in_dim3A_2605 : i32 to vector<16xi32>
      %eq3A_2607 = arith.cmpi eq, %add3A_2604, %broadcast_in_dim3A_2606 : vector<16xi32>
      %broadcast_in_dim3A_2608 = arith.constant 101000 : i32
      %broadcast_in_dim3A_2609 = vector.broadcast %broadcast_in_dim3A_2608 : i32 to vector<16xi32>
      %eq3A_2610 = arith.cmpi eq, %add3A_2604, %broadcast_in_dim3A_25 : vector<16xi32>
      %broadcast_in_dim3A_2611 = arith.constant -1 : i32
      %broadcast_in_dim3A_2612 = vector.broadcast %broadcast_in_dim3A_2611 : i32 to vector<16xi32>
      %broadcast_in_dim3A_2613 = arith.constant 201000 : i32
      %broadcast_in_dim3A_2614 = vector.broadcast %broadcast_in_dim3A_2613 : i32 to vector<16xi32>
      %select_n3A_2615 = arith.select %eq3A_2610, %broadcast_in_dim3A_2612, %broadcast_in_dim3A_2614 : vector<16xi1>, vector<16xi32>
      %select_n3A_2616 = arith.select %eq3A_2607, %broadcast_in_dim3A_2609, %select_n3A_2615 : vector<16xi1>, vector<16xi32>
      %get3A_2617 = arith.index_cast %add3A_2537 : i32 to index
      %get3A_2618 = tpu.vector_load %arg5[%get3A_2617] {strides = array<i32>} : memref<28160xi32, #tpu.memory_space<vmem>>, vector<16xi32>,
      %get3A_2619 = vector.shape_cast %get3A_2618 : vector<16xi32> to vector<16xi32>
      %mul3A_2620 = arith.constant 5 : i32
      %mul3A_2621 = arith.muli %select_n3A_2561, %mul3A_2620 : i32
      %add3A_2622 = arith.addi %mul3A_21, %mul3A_2621 : i32
      %broadcast_in_dim3A_2623 = vector.broadcast %add3A_2622 : i32 to vector<16xi32>
      %eq3A_2624 = arith.cmpi eq, %get3A_2619, %select_n3A_2616 : vector<16xi32>
      %add3A_2625 = arith.addi %broadcast_in_dim3A_2623, %add3A_2604 : vector<16xi32>
      %select_n3A_2626 = arith.select %eq3A_2624, %broadcast_in_dim3A_19, %add3A_2625 : vector<16xi1>, vector<16xi32>
      %swap3A_2627 = arith.constant 160 : index
      %swap3A_2628 = tpu.vector_load %arg9[%swap3A_2627] {strides = array<i32>} : memref<256xi32, #tpu.memory_space<vmem>>, vector<16xi32>,
      %swap3A_2629 = vector.shape_cast %swap3A_2628 : vector<16xi32> to vector<16xi32>
      %swap3A_2630 = vector.shape_cast %select_n3A_2626 : vector<16xi32> to vector<16xi32>
      tpu.vector_store %arg9[%swap3A_2627], %swap3A_2630 {strides = array<i32>} : memref<256xi32, #tpu.memory_space<vmem>>, vector<16xi32>,
      %add3A_2631 = arith.constant 176 : i32
      %add3A_2632 = arith.addi %mul3A_1585, %add3A_2631 : i32
      %jit3A_2633 = arith.constant 880 : i32
      %div3A_2634 = arith.divsi %add3A_2632, %jit3A_2633 : i32
      %sign3A_2635 = arith.constant 0 : i32
      %sign3A_2636 = arith.cmpi sgt, %add3A_2632, %sign3A_2635 : i32
      %sign3A_2637 = arith.extui %sign3A_2636 : i1 to i32
      %sign3A_2638 = arith.constant 0 : i32
      %sign3A_2639 = arith.cmpi slt, %add3A_2632, %sign3A_2638 : i32
      %sign3A_2640 = arith.extui %sign3A_2639 : i1 to i32
      %sign3A_2641 = arith.subi %sign3A_2637, %sign3A_2640 : i32
      %sign3A_2642 = arith.constant 0 : i32
      %sign3A_2643 = arith.cmpi sgt, %jit3A_2633, %sign3A_2642 : i32
      %sign3A_2644 = arith.extui %sign3A_2643 : i1 to i32
      %sign3A_2645 = arith.constant 0 : i32
      %sign3A_2646 = arith.cmpi slt, %jit3A_2633, %sign3A_2645 : i32
      %sign3A_2647 = arith.extui %sign3A_2646 : i1 to i32
      %sign3A_2648 = arith.subi %sign3A_2644, %sign3A_2647 : i32
      %ne3A_2649 = arith.cmpi ne, %sign3A_2641, %sign3A_2648 : i32
      %rem3A_2650 = arith.remsi %add3A_2632, %jit3A_2633 : i32
      %ne3A_2651 = arith.constant 0 : i32
      %ne3A_2652 = arith.cmpi ne, %rem3A_2650, %ne3A_2651 : i32
      %and3A_2653 = arith.andi %ne3A_2649, %ne3A_2652 : i1
      %sub3A_2654 = arith.constant 1 : i32
      %sub3A_2655 = arith.subi %div3A_2634, %sub3A_2654 : i32
      %select_n3A_2656 = arith.select %and3A_2653, %sub3A_2655, %div3A_2634 : i32
      %jit3A_2657 = arith.constant 880 : i32
      %eq3A_2658 = arith.constant 0 : i32
      %eq3A_2659 = arith.cmpi eq, %jit3A_2657, %eq3A_2658 : i32
      %jit3A_2660 = arith.constant 1 : i32
      %select_n3A_2661 = arith.select %eq3A_2659, %jit3A_2660, %jit3A_2657 : i32
      %rem3A_2662 = arith.remsi %add3A_2632, %select_n3A_2661 : i32
      %ne3A_2663 = arith.constant 0 : i32
      %ne3A_2664 = arith.cmpi ne, %rem3A_2662, %ne3A_2663 : i32
      %lt3A_2665 = arith.constant 0 : i32
      %lt3A_2666 = arith.cmpi slt, %rem3A_2662, %lt3A_2665 : i32
      %lt3A_2667 = arith.constant 0 : i32
      %lt3A_2668 = arith.cmpi slt, %select_n3A_2661, %lt3A_2667 : i32
      %ne3A_2669 = arith.xori %lt3A_2666, %lt3A_2668 : i1
      %and3A_2670 = arith.andi %ne3A_2669, %ne3A_2664 : i1
      %add3A_2671 = arith.addi %rem3A_2662, %select_n3A_2661 : i32
      %select_n3A_2672 = arith.select %and3A_2670, %add3A_2671, %rem3A_2662 : i32
      %broadcast_in_dim3A_2673 = vector.broadcast %select_n3A_2672 : i32 to vector<16xi32>
      %add3A_2674 = arith.addi %broadcast_in_dim3A_2673, %iota3A : vector<16xi32>
      %broadcast_in_dim3A_2675 = arith.constant 1 : i32
      %broadcast_in_dim3A_2676 = vector.broadcast %broadcast_in_dim3A_2675 : i32 to vector<16xi32>
      %ge3A_2677 = arith.cmpi sge, %add3A_2674, %broadcast_in_dim3A_2676 : vector<16xi32>
      %select_n3A_2678 = arith.select %ge3A_2677, %broadcast_in_dim3A_23, %broadcast_in_dim3A_25 : vector<16xi1>, vector<16xi32>
      %add3A_2679 = arith.addi %broadcast_in_dim3A_25, %select_n3A_2678 : vector<16xi32>
      %broadcast_in_dim3A_2680 = arith.constant 51 : i32
      %broadcast_in_dim3A_2681 = vector.broadcast %broadcast_in_dim3A_2680 : i32 to vector<16xi32>
      %ge3A_2682 = arith.cmpi sge, %add3A_2674, %broadcast_in_dim3A_2681 : vector<16xi32>
      %select_n3A_2683 = arith.select %ge3A_2682, %broadcast_in_dim3A_23, %broadcast_in_dim3A_25 : vector<16xi1>, vector<16xi32>
      %add3A_2684 = arith.addi %add3A_2679, %select_n3A_2683 : vector<16xi32>
      %broadcast_in_dim3A_2685 = arith.constant 71 : i32
      %broadcast_in_dim3A_2686 = vector.broadcast %broadcast_in_dim3A_2685 : i32 to vector<16xi32>
      %ge3A_2687 = arith.cmpi sge, %add3A_2674, %broadcast_in_dim3A_2686 : vector<16xi32>
      %select_n3A_2688 = arith.select %ge3A_2687, %broadcast_in_dim3A_23, %broadcast_in_dim3A_25 : vector<16xi1>, vector<16xi32>
      %add3A_2689 = arith.addi %add3A_2684, %select_n3A_2688 : vector<16xi32>
      %broadcast_in_dim3A_2690 = arith.constant 471 : i32
      %broadcast_in_dim3A_2691 = vector.broadcast %broadcast_in_dim3A_2690 : i32 to vector<16xi32>
      %ge3A_2692 = arith.cmpi sge, %add3A_2674, %broadcast_in_dim3A_2691 : vector<16xi32>
      %select_n3A_2693 = arith.select %ge3A_2692, %broadcast_in_dim3A_23, %broadcast_in_dim3A_25 : vector<16xi1>, vector<16xi32>
      %add3A_2694 = arith.addi %add3A_2689, %select_n3A_2693 : vector<16xi32>
      %broadcast_in_dim3A_2695 = arith.constant 871 : i32
      %broadcast_in_dim3A_2696 = vector.broadcast %broadcast_in_dim3A_2695 : i32 to vector<16xi32>
      %ge3A_2697 = arith.cmpi sge, %add3A_2674, %broadcast_in_dim3A_2696 : vector<16xi32>
      %select_n3A_2698 = arith.select %ge3A_2697, %broadcast_in_dim3A_23, %broadcast_in_dim3A_25 : vector<16xi1>, vector<16xi32>
      %add3A_2699 = arith.addi %add3A_2694, %select_n3A_2698 : vector<16xi32>
      %broadcast_in_dim3A_2700 = arith.constant 2 : i32
      %broadcast_in_dim3A_2701 = vector.broadcast %broadcast_in_dim3A_2700 : i32 to vector<16xi32>
      %eq3A_2702 = arith.cmpi eq, %add3A_2699, %broadcast_in_dim3A_2701 : vector<16xi32>
      %broadcast_in_dim3A_2703 = arith.constant 101000 : i32
      %broadcast_in_dim3A_2704 = vector.broadcast %broadcast_in_dim3A_2703 : i32 to vector<16xi32>
      %eq3A_2705 = arith.cmpi eq, %add3A_2699, %broadcast_in_dim3A_25 : vector<16xi32>
      %broadcast_in_dim3A_2706 = arith.constant -1 : i32
      %broadcast_in_dim3A_2707 = vector.broadcast %broadcast_in_dim3A_2706 : i32 to vector<16xi32>
      %broadcast_in_dim3A_2708 = arith.constant 201000 : i32
      %broadcast_in_dim3A_2709 = vector.broadcast %broadcast_in_dim3A_2708 : i32 to vector<16xi32>
      %select_n3A_2710 = arith.select %eq3A_2705, %broadcast_in_dim3A_2707, %broadcast_in_dim3A_2709 : vector<16xi1>, vector<16xi32>
      %select_n3A_2711 = arith.select %eq3A_2702, %broadcast_in_dim3A_2704, %select_n3A_2710 : vector<16xi1>, vector<16xi32>
      %get3A_2712 = arith.index_cast %add3A_2632 : i32 to index
      %get3A_2713 = tpu.vector_load %arg5[%get3A_2712] {strides = array<i32>} : memref<28160xi32, #tpu.memory_space<vmem>>, vector<16xi32>,
      %get3A_2714 = vector.shape_cast %get3A_2713 : vector<16xi32> to vector<16xi32>
      %mul3A_2715 = arith.constant 5 : i32
      %mul3A_2716 = arith.muli %select_n3A_2656, %mul3A_2715 : i32
      %add3A_2717 = arith.addi %mul3A_21, %mul3A_2716 : i32
      %broadcast_in_dim3A_2718 = vector.broadcast %add3A_2717 : i32 to vector<16xi32>
      %eq3A_2719 = arith.cmpi eq, %get3A_2714, %select_n3A_2711 : vector<16xi32>
      %add3A_2720 = arith.addi %broadcast_in_dim3A_2718, %add3A_2699 : vector<16xi32>
      %select_n3A_2721 = arith.select %eq3A_2719, %broadcast_in_dim3A_19, %add3A_2720 : vector<16xi1>, vector<16xi32>
      %swap3A_2722 = arith.constant 176 : index
      %swap3A_2723 = tpu.vector_load %arg9[%swap3A_2722] {strides = array<i32>} : memref<256xi32, #tpu.memory_space<vmem>>, vector<16xi32>,
      %swap3A_2724 = vector.shape_cast %swap3A_2723 : vector<16xi32> to vector<16xi32>
      %swap3A_2725 = vector.shape_cast %select_n3A_2721 : vector<16xi32> to vector<16xi32>
      tpu.vector_store %arg9[%swap3A_2722], %swap3A_2725 {strides = array<i32>} : memref<256xi32, #tpu.memory_space<vmem>>, vector<16xi32>,
      %add3A_2726 = arith.constant 192 : i32
      %add3A_2727 = arith.addi %mul3A_1585, %add3A_2726 : i32
      %jit3A_2728 = arith.constant 880 : i32
      %div3A_2729 = arith.divsi %add3A_2727, %jit3A_2728 : i32
      %sign3A_2730 = arith.constant 0 : i32
      %sign3A_2731 = arith.cmpi sgt, %add3A_2727, %sign3A_2730 : i32
      %sign3A_2732 = arith.extui %sign3A_2731 : i1 to i32
      %sign3A_2733 = arith.constant 0 : i32
      %sign3A_2734 = arith.cmpi slt, %add3A_2727, %sign3A_2733 : i32
      %sign3A_2735 = arith.extui %sign3A_2734 : i1 to i32
      %sign3A_2736 = arith.subi %sign3A_2732, %sign3A_2735 : i32
      %sign3A_2737 = arith.constant 0 : i32
      %sign3A_2738 = arith.cmpi sgt, %jit3A_2728, %sign3A_2737 : i32
      %sign3A_2739 = arith.extui %sign3A_2738 : i1 to i32
      %sign3A_2740 = arith.constant 0 : i32
      %sign3A_2741 = arith.cmpi slt, %jit3A_2728, %sign3A_2740 : i32
      %sign3A_2742 = arith.extui %sign3A_2741 : i1 to i32
      %sign3A_2743 = arith.subi %sign3A_2739, %sign3A_2742 : i32
      %ne3A_2744 = arith.cmpi ne, %sign3A_2736, %sign3A_2743 : i32
      %rem3A_2745 = arith.remsi %add3A_2727, %jit3A_2728 : i32
      %ne3A_2746 = arith.constant 0 : i32
      %ne3A_2747 = arith.cmpi ne, %rem3A_2745, %ne3A_2746 : i32
      %and3A_2748 = arith.andi %ne3A_2744, %ne3A_2747 : i1
      %sub3A_2749 = arith.constant 1 : i32
      %sub3A_2750 = arith.subi %div3A_2729, %sub3A_2749 : i32
      %select_n3A_2751 = arith.select %and3A_2748, %sub3A_2750, %div3A_2729 : i32
      %jit3A_2752 = arith.constant 880 : i32
      %eq3A_2753 = arith.constant 0 : i32
      %eq3A_2754 = arith.cmpi eq, %jit3A_2752, %eq3A_2753 : i32
      %jit3A_2755 = arith.constant 1 : i32
      %select_n3A_2756 = arith.select %eq3A_2754, %jit3A_2755, %jit3A_2752 : i32
      %rem3A_2757 = arith.remsi %add3A_2727, %select_n3A_2756 : i32
      %ne3A_2758 = arith.constant 0 : i32
      %ne3A_2759 = arith.cmpi ne, %rem3A_2757, %ne3A_2758 : i32
      %lt3A_2760 = arith.constant 0 : i32
      %lt3A_2761 = arith.cmpi slt, %rem3A_2757, %lt3A_2760 : i32
      %lt3A_2762 = arith.constant 0 : i32
      %lt3A_2763 = arith.cmpi slt, %select_n3A_2756, %lt3A_2762 : i32
      %ne3A_2764 = arith.xori %lt3A_2761, %lt3A_2763 : i1
      %and3A_2765 = arith.andi %ne3A_2764, %ne3A_2759 : i1
      %add3A_2766 = arith.addi %rem3A_2757, %select_n3A_2756 : i32
      %select_n3A_2767 = arith.select %and3A_2765, %add3A_2766, %rem3A_2757 : i32
      %broadcast_in_dim3A_2768 = vector.broadcast %select_n3A_2767 : i32 to vector<16xi32>
      %add3A_2769 = arith.addi %broadcast_in_dim3A_2768, %iota3A : vector<16xi32>
      %broadcast_in_dim3A_2770 = arith.constant 1 : i32
      %broadcast_in_dim3A_2771 = vector.broadcast %broadcast_in_dim3A_2770 : i32 to vector<16xi32>
      %ge3A_2772 = arith.cmpi sge, %add3A_2769, %broadcast_in_dim3A_2771 : vector<16xi32>
      %select_n3A_2773 = arith.select %ge3A_2772, %broadcast_in_dim3A_23, %broadcast_in_dim3A_25 : vector<16xi1>, vector<16xi32>
      %add3A_2774 = arith.addi %broadcast_in_dim3A_25, %select_n3A_2773 : vector<16xi32>
      %broadcast_in_dim3A_2775 = arith.constant 51 : i32
      %broadcast_in_dim3A_2776 = vector.broadcast %broadcast_in_dim3A_2775 : i32 to vector<16xi32>
      %ge3A_2777 = arith.cmpi sge, %add3A_2769, %broadcast_in_dim3A_2776 : vector<16xi32>
      %select_n3A_2778 = arith.select %ge3A_2777, %broadcast_in_dim3A_23, %broadcast_in_dim3A_25 : vector<16xi1>, vector<16xi32>
      %add3A_2779 = arith.addi %add3A_2774, %select_n3A_2778 : vector<16xi32>
      %broadcast_in_dim3A_2780 = arith.constant 71 : i32
      %broadcast_in_dim3A_2781 = vector.broadcast %broadcast_in_dim3A_2780 : i32 to vector<16xi32>
      %ge3A_2782 = arith.cmpi sge, %add3A_2769, %broadcast_in_dim3A_2781 : vector<16xi32>
      %select_n3A_2783 = arith.select %ge3A_2782, %broadcast_in_dim3A_23, %broadcast_in_dim3A_25 : vector<16xi1>, vector<16xi32>
      %add3A_2784 = arith.addi %add3A_2779, %select_n3A_2783 : vector<16xi32>
      %broadcast_in_dim3A_2785 = arith.constant 471 : i32
      %broadcast_in_dim3A_2786 = vector.broadcast %broadcast_in_dim3A_2785 : i32 to vector<16xi32>
      %ge3A_2787 = arith.cmpi sge, %add3A_2769, %broadcast_in_dim3A_2786 : vector<16xi32>
      %select_n3A_2788 = arith.select %ge3A_2787, %broadcast_in_dim3A_23, %broadcast_in_dim3A_25 : vector<16xi1>, vector<16xi32>
      %add3A_2789 = arith.addi %add3A_2784, %select_n3A_2788 : vector<16xi32>
      %broadcast_in_dim3A_2790 = arith.constant 871 : i32
      %broadcast_in_dim3A_2791 = vector.broadcast %broadcast_in_dim3A_2790 : i32 to vector<16xi32>
      %ge3A_2792 = arith.cmpi sge, %add3A_2769, %broadcast_in_dim3A_2791 : vector<16xi32>
      %select_n3A_2793 = arith.select %ge3A_2792, %broadcast_in_dim3A_23, %broadcast_in_dim3A_25 : vector<16xi1>, vector<16xi32>
      %add3A_2794 = arith.addi %add3A_2789, %select_n3A_2793 : vector<16xi32>
      %broadcast_in_dim3A_2795 = arith.constant 2 : i32
      %broadcast_in_dim3A_2796 = vector.broadcast %broadcast_in_dim3A_2795 : i32 to vector<16xi32>
      %eq3A_2797 = arith.cmpi eq, %add3A_2794, %broadcast_in_dim3A_2796 : vector<16xi32>
      %broadcast_in_dim3A_2798 = arith.constant 101000 : i32
      %broadcast_in_dim3A_2799 = vector.broadcast %broadcast_in_dim3A_2798 : i32 to vector<16xi32>
      %eq3A_2800 = arith.cmpi eq, %add3A_2794, %broadcast_in_dim3A_25 : vector<16xi32>
      %broadcast_in_dim3A_2801 = arith.constant -1 : i32
      %broadcast_in_dim3A_2802 = vector.broadcast %broadcast_in_dim3A_2801 : i32 to vector<16xi32>
      %broadcast_in_dim3A_2803 = arith.constant 201000 : i32
      %broadcast_in_dim3A_2804 = vector.broadcast %broadcast_in_dim3A_2803 : i32 to vector<16xi32>
      %select_n3A_2805 = arith.select %eq3A_2800, %broadcast_in_dim3A_2802, %broadcast_in_dim3A_2804 : vector<16xi1>, vector<16xi32>
      %select_n3A_2806 = arith.select %eq3A_2797, %broadcast_in_dim3A_2799, %select_n3A_2805 : vector<16xi1>, vector<16xi32>
      %get3A_2807 = arith.index_cast %add3A_2727 : i32 to index
      %get3A_2808 = tpu.vector_load %arg5[%get3A_2807] {strides = array<i32>} : memref<28160xi32, #tpu.memory_space<vmem>>, vector<16xi32>,
      %get3A_2809 = vector.shape_cast %get3A_2808 : vector<16xi32> to vector<16xi32>
      %mul3A_2810 = arith.constant 5 : i32
      %mul3A_2811 = arith.muli %select_n3A_2751, %mul3A_2810 : i32
      %add3A_2812 = arith.addi %mul3A_21, %mul3A_2811 : i32
      %broadcast_in_dim3A_2813 = vector.broadcast %add3A_2812 : i32 to vector<16xi32>
      %eq3A_2814 = arith.cmpi eq, %get3A_2809, %select_n3A_2806 : vector<16xi32>
      %add3A_2815 = arith.addi %broadcast_in_dim3A_2813, %add3A_2794 : vector<16xi32>
      %select_n3A_2816 = arith.select %eq3A_2814, %broadcast_in_dim3A_19, %add3A_2815 : vector<16xi1>, vector<16xi32>
      %swap3A_2817 = arith.constant 192 : index
      %swap3A_2818 = tpu.vector_load %arg9[%swap3A_2817] {strides = array<i32>} : memref<256xi32, #tpu.memory_space<vmem>>, vector<16xi32>,
      %swap3A_2819 = vector.shape_cast %swap3A_2818 : vector<16xi32> to vector<16xi32>
      %swap3A_2820 = vector.shape_cast %select_n3A_2816 : vector<16xi32> to vector<16xi32>
      tpu.vector_store %arg9[%swap3A_2817], %swap3A_2820 {strides = array<i32>} : memref<256xi32, #tpu.memory_space<vmem>>, vector<16xi32>,
      %add3A_2821 = arith.constant 208 : i32
      %add3A_2822 = arith.addi %mul3A_1585, %add3A_2821 : i32
      %jit3A_2823 = arith.constant 880 : i32
      %div3A_2824 = arith.divsi %add3A_2822, %jit3A_2823 : i32
      %sign3A_2825 = arith.constant 0 : i32
      %sign3A_2826 = arith.cmpi sgt, %add3A_2822, %sign3A_2825 : i32
      %sign3A_2827 = arith.extui %sign3A_2826 : i1 to i32
      %sign3A_2828 = arith.constant 0 : i32
      %sign3A_2829 = arith.cmpi slt, %add3A_2822, %sign3A_2828 : i32
      %sign3A_2830 = arith.extui %sign3A_2829 : i1 to i32
      %sign3A_2831 = arith.subi %sign3A_2827, %sign3A_2830 : i32
      %sign3A_2832 = arith.constant 0 : i32
      %sign3A_2833 = arith.cmpi sgt, %jit3A_2823, %sign3A_2832 : i32
      %sign3A_2834 = arith.extui %sign3A_2833 : i1 to i32
      %sign3A_2835 = arith.constant 0 : i32
      %sign3A_2836 = arith.cmpi slt, %jit3A_2823, %sign3A_2835 : i32
      %sign3A_2837 = arith.extui %sign3A_2836 : i1 to i32
      %sign3A_2838 = arith.subi %sign3A_2834, %sign3A_2837 : i32
      %ne3A_2839 = arith.cmpi ne, %sign3A_2831, %sign3A_2838 : i32
      %rem3A_2840 = arith.remsi %add3A_2822, %jit3A_2823 : i32
      %ne3A_2841 = arith.constant 0 : i32
      %ne3A_2842 = arith.cmpi ne, %rem3A_2840, %ne3A_2841 : i32
      %and3A_2843 = arith.andi %ne3A_2839, %ne3A_2842 : i1
      %sub3A_2844 = arith.constant 1 : i32
      %sub3A_2845 = arith.subi %div3A_2824, %sub3A_2844 : i32
      %select_n3A_2846 = arith.select %and3A_2843, %sub3A_2845, %div3A_2824 : i32
      %jit3A_2847 = arith.constant 880 : i32
      %eq3A_2848 = arith.constant 0 : i32
      %eq3A_2849 = arith.cmpi eq, %jit3A_2847, %eq3A_2848 : i32
      %jit3A_2850 = arith.constant 1 : i32
      %select_n3A_2851 = arith.select %eq3A_2849, %jit3A_2850, %jit3A_2847 : i32
      %rem3A_2852 = arith.remsi %add3A_2822, %select_n3A_2851 : i32
      %ne3A_2853 = arith.constant 0 : i32
      %ne3A_2854 = arith.cmpi ne, %rem3A_2852, %ne3A_2853 : i32
      %lt3A_2855 = arith.constant 0 : i32
      %lt3A_2856 = arith.cmpi slt, %rem3A_2852, %lt3A_2855 : i32
      %lt3A_2857 = arith.constant 0 : i32
      %lt3A_2858 = arith.cmpi slt, %select_n3A_2851, %lt3A_2857 : i32
      %ne3A_2859 = arith.xori %lt3A_2856, %lt3A_2858 : i1
      %and3A_2860 = arith.andi %ne3A_2859, %ne3A_2854 : i1
      %add3A_2861 = arith.addi %rem3A_2852, %select_n3A_2851 : i32
      %select_n3A_2862 = arith.select %and3A_2860, %add3A_2861, %rem3A_2852 : i32
      %broadcast_in_dim3A_2863 = vector.broadcast %select_n3A_2862 : i32 to vector<16xi32>
      %add3A_2864 = arith.addi %broadcast_in_dim3A_2863, %iota3A : vector<16xi32>
      %broadcast_in_dim3A_2865 = arith.constant 1 : i32
      %broadcast_in_dim3A_2866 = vector.broadcast %broadcast_in_dim3A_2865 : i32 to vector<16xi32>
      %ge3A_2867 = arith.cmpi sge, %add3A_2864, %broadcast_in_dim3A_2866 : vector<16xi32>
      %select_n3A_2868 = arith.select %ge3A_2867, %broadcast_in_dim3A_23, %broadcast_in_dim3A_25 : vector<16xi1>, vector<16xi32>
      %add3A_2869 = arith.addi %broadcast_in_dim3A_25, %select_n3A_2868 : vector<16xi32>
      %broadcast_in_dim3A_2870 = arith.constant 51 : i32
      %broadcast_in_dim3A_2871 = vector.broadcast %broadcast_in_dim3A_2870 : i32 to vector<16xi32>
      %ge3A_2872 = arith.cmpi sge, %add3A_2864, %broadcast_in_dim3A_2871 : vector<16xi32>
      %select_n3A_2873 = arith.select %ge3A_2872, %broadcast_in_dim3A_23, %broadcast_in_dim3A_25 : vector<16xi1>, vector<16xi32>
      %add3A_2874 = arith.addi %add3A_2869, %select_n3A_2873 : vector<16xi32>
      %broadcast_in_dim3A_2875 = arith.constant 71 : i32
      %broadcast_in_dim3A_2876 = vector.broadcast %broadcast_in_dim3A_2875 : i32 to vector<16xi32>
      %ge3A_2877 = arith.cmpi sge, %add3A_2864, %broadcast_in_dim3A_2876 : vector<16xi32>
      %select_n3A_2878 = arith.select %ge3A_2877, %broadcast_in_dim3A_23, %broadcast_in_dim3A_25 : vector<16xi1>, vector<16xi32>
      %add3A_2879 = arith.addi %add3A_2874, %select_n3A_2878 : vector<16xi32>
      %broadcast_in_dim3A_2880 = arith.constant 471 : i32
      %broadcast_in_dim3A_2881 = vector.broadcast %broadcast_in_dim3A_2880 : i32 to vector<16xi32>
      %ge3A_2882 = arith.cmpi sge, %add3A_2864, %broadcast_in_dim3A_2881 : vector<16xi32>
      %select_n3A_2883 = arith.select %ge3A_2882, %broadcast_in_dim3A_23, %broadcast_in_dim3A_25 : vector<16xi1>, vector<16xi32>
      %add3A_2884 = arith.addi %add3A_2879, %select_n3A_2883 : vector<16xi32>
      %broadcast_in_dim3A_2885 = arith.constant 871 : i32
      %broadcast_in_dim3A_2886 = vector.broadcast %broadcast_in_dim3A_2885 : i32 to vector<16xi32>
      %ge3A_2887 = arith.cmpi sge, %add3A_2864, %broadcast_in_dim3A_2886 : vector<16xi32>
      %select_n3A_2888 = arith.select %ge3A_2887, %broadcast_in_dim3A_23, %broadcast_in_dim3A_25 : vector<16xi1>, vector<16xi32>
      %add3A_2889 = arith.addi %add3A_2884, %select_n3A_2888 : vector<16xi32>
      %broadcast_in_dim3A_2890 = arith.constant 2 : i32
      %broadcast_in_dim3A_2891 = vector.broadcast %broadcast_in_dim3A_2890 : i32 to vector<16xi32>
      %eq3A_2892 = arith.cmpi eq, %add3A_2889, %broadcast_in_dim3A_2891 : vector<16xi32>
      %broadcast_in_dim3A_2893 = arith.constant 101000 : i32
      %broadcast_in_dim3A_2894 = vector.broadcast %broadcast_in_dim3A_2893 : i32 to vector<16xi32>
      %eq3A_2895 = arith.cmpi eq, %add3A_2889, %broadcast_in_dim3A_25 : vector<16xi32>
      %broadcast_in_dim3A_2896 = arith.constant -1 : i32
      %broadcast_in_dim3A_2897 = vector.broadcast %broadcast_in_dim3A_2896 : i32 to vector<16xi32>
      %broadcast_in_dim3A_2898 = arith.constant 201000 : i32
      %broadcast_in_dim3A_2899 = vector.broadcast %broadcast_in_dim3A_2898 : i32 to vector<16xi32>
      %select_n3A_2900 = arith.select %eq3A_2895, %broadcast_in_dim3A_2897, %broadcast_in_dim3A_2899 : vector<16xi1>, vector<16xi32>
      %select_n3A_2901 = arith.select %eq3A_2892, %broadcast_in_dim3A_2894, %select_n3A_2900 : vector<16xi1>, vector<16xi32>
      %get3A_2902 = arith.index_cast %add3A_2822 : i32 to index
      %get3A_2903 = tpu.vector_load %arg5[%get3A_2902] {strides = array<i32>} : memref<28160xi32, #tpu.memory_space<vmem>>, vector<16xi32>,
      %get3A_2904 = vector.shape_cast %get3A_2903 : vector<16xi32> to vector<16xi32>
      %mul3A_2905 = arith.constant 5 : i32
      %mul3A_2906 = arith.muli %select_n3A_2846, %mul3A_2905 : i32
      %add3A_2907 = arith.addi %mul3A_21, %mul3A_2906 : i32
      %broadcast_in_dim3A_2908 = vector.broadcast %add3A_2907 : i32 to vector<16xi32>
      %eq3A_2909 = arith.cmpi eq, %get3A_2904, %select_n3A_2901 : vector<16xi32>
      %add3A_2910 = arith.addi %broadcast_in_dim3A_2908, %add3A_2889 : vector<16xi32>
      %select_n3A_2911 = arith.select %eq3A_2909, %broadcast_in_dim3A_19, %add3A_2910 : vector<16xi1>, vector<16xi32>
      %swap3A_2912 = arith.constant 208 : index
      %swap3A_2913 = tpu.vector_load %arg9[%swap3A_2912] {strides = array<i32>} : memref<256xi32, #tpu.memory_space<vmem>>, vector<16xi32>,
      %swap3A_2914 = vector.shape_cast %swap3A_2913 : vector<16xi32> to vector<16xi32>
      %swap3A_2915 = vector.shape_cast %select_n3A_2911 : vector<16xi32> to vector<16xi32>
      tpu.vector_store %arg9[%swap3A_2912], %swap3A_2915 {strides = array<i32>} : memref<256xi32, #tpu.memory_space<vmem>>, vector<16xi32>,
      %add3A_2916 = arith.constant 224 : i32
      %add3A_2917 = arith.addi %mul3A_1585, %add3A_2916 : i32
      %jit3A_2918 = arith.constant 880 : i32
      %div3A_2919 = arith.divsi %add3A_2917, %jit3A_2918 : i32
      %sign3A_2920 = arith.constant 0 : i32
      %sign3A_2921 = arith.cmpi sgt, %add3A_2917, %sign3A_2920 : i32
      %sign3A_2922 = arith.extui %sign3A_2921 : i1 to i32
      %sign3A_2923 = arith.constant 0 : i32
      %sign3A_2924 = arith.cmpi slt, %add3A_2917, %sign3A_2923 : i32
      %sign3A_2925 = arith.extui %sign3A_2924 : i1 to i32
      %sign3A_2926 = arith.subi %sign3A_2922, %sign3A_2925 : i32
      %sign3A_2927 = arith.constant 0 : i32
      %sign3A_2928 = arith.cmpi sgt, %jit3A_2918, %sign3A_2927 : i32
      %sign3A_2929 = arith.extui %sign3A_2928 : i1 to i32
      %sign3A_2930 = arith.constant 0 : i32
      %sign3A_2931 = arith.cmpi slt, %jit3A_2918, %sign3A_2930 : i32
      %sign3A_2932 = arith.extui %sign3A_2931 : i1 to i32
      %sign3A_2933 = arith.subi %sign3A_2929, %sign3A_2932 : i32
      %ne3A_2934 = arith.cmpi ne, %sign3A_2926, %sign3A_2933 : i32
      %rem3A_2935 = arith.remsi %add3A_2917, %jit3A_2918 : i32
      %ne3A_2936 = arith.constant 0 : i32
      %ne3A_2937 = arith.cmpi ne, %rem3A_2935, %ne3A_2936 : i32
      %and3A_2938 = arith.andi %ne3A_2934, %ne3A_2937 : i1
      %sub3A_2939 = arith.constant 1 : i32
      %sub3A_2940 = arith.subi %div3A_2919, %sub3A_2939 : i32
      %select_n3A_2941 = arith.select %and3A_2938, %sub3A_2940, %div3A_2919 : i32
      %jit3A_2942 = arith.constant 880 : i32
      %eq3A_2943 = arith.constant 0 : i32
      %eq3A_2944 = arith.cmpi eq, %jit3A_2942, %eq3A_2943 : i32
      %jit3A_2945 = arith.constant 1 : i32
      %select_n3A_2946 = arith.select %eq3A_2944, %jit3A_2945, %jit3A_2942 : i32
      %rem3A_2947 = arith.remsi %add3A_2917, %select_n3A_2946 : i32
      %ne3A_2948 = arith.constant 0 : i32
      %ne3A_2949 = arith.cmpi ne, %rem3A_2947, %ne3A_2948 : i32
      %lt3A_2950 = arith.constant 0 : i32
      %lt3A_2951 = arith.cmpi slt, %rem3A_2947, %lt3A_2950 : i32
      %lt3A_2952 = arith.constant 0 : i32
      %lt3A_2953 = arith.cmpi slt, %select_n3A_2946, %lt3A_2952 : i32
      %ne3A_2954 = arith.xori %lt3A_2951, %lt3A_2953 : i1
      %and3A_2955 = arith.andi %ne3A_2954, %ne3A_2949 : i1
      %add3A_2956 = arith.addi %rem3A_2947, %select_n3A_2946 : i32
      %select_n3A_2957 = arith.select %and3A_2955, %add3A_2956, %rem3A_2947 : i32
      %broadcast_in_dim3A_2958 = vector.broadcast %select_n3A_2957 : i32 to vector<16xi32>
      %add3A_2959 = arith.addi %broadcast_in_dim3A_2958, %iota3A : vector<16xi32>
      %broadcast_in_dim3A_2960 = arith.constant 1 : i32
      %broadcast_in_dim3A_2961 = vector.broadcast %broadcast_in_dim3A_2960 : i32 to vector<16xi32>
      %ge3A_2962 = arith.cmpi sge, %add3A_2959, %broadcast_in_dim3A_2961 : vector<16xi32>
      %select_n3A_2963 = arith.select %ge3A_2962, %broadcast_in_dim3A_23, %broadcast_in_dim3A_25 : vector<16xi1>, vector<16xi32>
      %add3A_2964 = arith.addi %broadcast_in_dim3A_25, %select_n3A_2963 : vector<16xi32>
      %broadcast_in_dim3A_2965 = arith.constant 51 : i32
      %broadcast_in_dim3A_2966 = vector.broadcast %broadcast_in_dim3A_2965 : i32 to vector<16xi32>
      %ge3A_2967 = arith.cmpi sge, %add3A_2959, %broadcast_in_dim3A_2966 : vector<16xi32>
      %select_n3A_2968 = arith.select %ge3A_2967, %broadcast_in_dim3A_23, %broadcast_in_dim3A_25 : vector<16xi1>, vector<16xi32>
      %add3A_2969 = arith.addi %add3A_2964, %select_n3A_2968 : vector<16xi32>
      %broadcast_in_dim3A_2970 = arith.constant 71 : i32
      %broadcast_in_dim3A_2971 = vector.broadcast %broadcast_in_dim3A_2970 : i32 to vector<16xi32>
      %ge3A_2972 = arith.cmpi sge, %add3A_2959, %broadcast_in_dim3A_2971 : vector<16xi32>
      %select_n3A_2973 = arith.select %ge3A_2972, %broadcast_in_dim3A_23, %broadcast_in_dim3A_25 : vector<16xi1>, vector<16xi32>
      %add3A_2974 = arith.addi %add3A_2969, %select_n3A_2973 : vector<16xi32>
      %broadcast_in_dim3A_2975 = arith.constant 471 : i32
      %broadcast_in_dim3A_2976 = vector.broadcast %broadcast_in_dim3A_2975 : i32 to vector<16xi32>
      %ge3A_2977 = arith.cmpi sge, %add3A_2959, %broadcast_in_dim3A_2976 : vector<16xi32>
      %select_n3A_2978 = arith.select %ge3A_2977, %broadcast_in_dim3A_23, %broadcast_in_dim3A_25 : vector<16xi1>, vector<16xi32>
      %add3A_2979 = arith.addi %add3A_2974, %select_n3A_2978 : vector<16xi32>
      %broadcast_in_dim3A_2980 = arith.constant 871 : i32
      %broadcast_in_dim3A_2981 = vector.broadcast %broadcast_in_dim3A_2980 : i32 to vector<16xi32>
      %ge3A_2982 = arith.cmpi sge, %add3A_2959, %broadcast_in_dim3A_2981 : vector<16xi32>
      %select_n3A_2983 = arith.select %ge3A_2982, %broadcast_in_dim3A_23, %broadcast_in_dim3A_25 : vector<16xi1>, vector<16xi32>
      %add3A_2984 = arith.addi %add3A_2979, %select_n3A_2983 : vector<16xi32>
      %broadcast_in_dim3A_2985 = arith.constant 2 : i32
      %broadcast_in_dim3A_2986 = vector.broadcast %broadcast_in_dim3A_2985 : i32 to vector<16xi32>
      %eq3A_2987 = arith.cmpi eq, %add3A_2984, %broadcast_in_dim3A_2986 : vector<16xi32>
      %broadcast_in_dim3A_2988 = arith.constant 101000 : i32
      %broadcast_in_dim3A_2989 = vector.broadcast %broadcast_in_dim3A_2988 : i32 to vector<16xi32>
      %eq3A_2990 = arith.cmpi eq, %add3A_2984, %broadcast_in_dim3A_25 : vector<16xi32>
      %broadcast_in_dim3A_2991 = arith.constant -1 : i32
      %broadcast_in_dim3A_2992 = vector.broadcast %broadcast_in_dim3A_2991 : i32 to vector<16xi32>
      %broadcast_in_dim3A_2993 = arith.constant 201000 : i32
      %broadcast_in_dim3A_2994 = vector.broadcast %broadcast_in_dim3A_2993 : i32 to vector<16xi32>
      %select_n3A_2995 = arith.select %eq3A_2990, %broadcast_in_dim3A_2992, %broadcast_in_dim3A_2994 : vector<16xi1>, vector<16xi32>
      %select_n3A_2996 = arith.select %eq3A_2987, %broadcast_in_dim3A_2989, %select_n3A_2995 : vector<16xi1>, vector<16xi32>
      %get3A_2997 = arith.index_cast %add3A_2917 : i32 to index
      %get3A_2998 = tpu.vector_load %arg5[%get3A_2997] {strides = array<i32>} : memref<28160xi32, #tpu.memory_space<vmem>>, vector<16xi32>,
      %get3A_2999 = vector.shape_cast %get3A_2998 : vector<16xi32> to vector<16xi32>
      %mul3A_3000 = arith.constant 5 : i32
      %mul3A_3001 = arith.muli %select_n3A_2941, %mul3A_3000 : i32
      %add3A_3002 = arith.addi %mul3A_21, %mul3A_3001 : i32
      %broadcast_in_dim3A_3003 = vector.broadcast %add3A_3002 : i32 to vector<16xi32>
      %eq3A_3004 = arith.cmpi eq, %get3A_2999, %select_n3A_2996 : vector<16xi32>
      %add3A_3005 = arith.addi %broadcast_in_dim3A_3003, %add3A_2984 : vector<16xi32>
      %select_n3A_3006 = arith.select %eq3A_3004, %broadcast_in_dim3A_19, %add3A_3005 : vector<16xi1>, vector<16xi32>
      %swap3A_3007 = arith.constant 224 : index
      %swap3A_3008 = tpu.vector_load %arg9[%swap3A_3007] {strides = array<i32>} : memref<256xi32, #tpu.memory_space<vmem>>, vector<16xi32>,
      %swap3A_3009 = vector.shape_cast %swap3A_3008 : vector<16xi32> to vector<16xi32>
      %swap3A_3010 = vector.shape_cast %select_n3A_3006 : vector<16xi32> to vector<16xi32>
      tpu.vector_store %arg9[%swap3A_3007], %swap3A_3010 {strides = array<i32>} : memref<256xi32, #tpu.memory_space<vmem>>, vector<16xi32>,
      %add3A_3011 = arith.constant 240 : i32
      %add3A_3012 = arith.addi %mul3A_1585, %add3A_3011 : i32
      %jit3A_3013 = arith.constant 880 : i32
      %div3A_3014 = arith.divsi %add3A_3012, %jit3A_3013 : i32
      %sign3A_3015 = arith.constant 0 : i32
      %sign3A_3016 = arith.cmpi sgt, %add3A_3012, %sign3A_3015 : i32
      %sign3A_3017 = arith.extui %sign3A_3016 : i1 to i32
      %sign3A_3018 = arith.constant 0 : i32
      %sign3A_3019 = arith.cmpi slt, %add3A_3012, %sign3A_3018 : i32
      %sign3A_3020 = arith.extui %sign3A_3019 : i1 to i32
      %sign3A_3021 = arith.subi %sign3A_3017, %sign3A_3020 : i32
      %sign3A_3022 = arith.constant 0 : i32
      %sign3A_3023 = arith.cmpi sgt, %jit3A_3013, %sign3A_3022 : i32
      %sign3A_3024 = arith.extui %sign3A_3023 : i1 to i32
      %sign3A_3025 = arith.constant 0 : i32
      %sign3A_3026 = arith.cmpi slt, %jit3A_3013, %sign3A_3025 : i32
      %sign3A_3027 = arith.extui %sign3A_3026 : i1 to i32
      %sign3A_3028 = arith.subi %sign3A_3024, %sign3A_3027 : i32
      %ne3A_3029 = arith.cmpi ne, %sign3A_3021, %sign3A_3028 : i32
      %rem3A_3030 = arith.remsi %add3A_3012, %jit3A_3013 : i32
      %ne3A_3031 = arith.constant 0 : i32
      %ne3A_3032 = arith.cmpi ne, %rem3A_3030, %ne3A_3031 : i32
      %and3A_3033 = arith.andi %ne3A_3029, %ne3A_3032 : i1
      %sub3A_3034 = arith.constant 1 : i32
      %sub3A_3035 = arith.subi %div3A_3014, %sub3A_3034 : i32
      %select_n3A_3036 = arith.select %and3A_3033, %sub3A_3035, %div3A_3014 : i32
      %jit3A_3037 = arith.constant 880 : i32
      %eq3A_3038 = arith.constant 0 : i32
      %eq3A_3039 = arith.cmpi eq, %jit3A_3037, %eq3A_3038 : i32
      %jit3A_3040 = arith.constant 1 : i32
      %select_n3A_3041 = arith.select %eq3A_3039, %jit3A_3040, %jit3A_3037 : i32
      %rem3A_3042 = arith.remsi %add3A_3012, %select_n3A_3041 : i32
      %ne3A_3043 = arith.constant 0 : i32
      %ne3A_3044 = arith.cmpi ne, %rem3A_3042, %ne3A_3043 : i32
      %lt3A_3045 = arith.constant 0 : i32
      %lt3A_3046 = arith.cmpi slt, %rem3A_3042, %lt3A_3045 : i32
      %lt3A_3047 = arith.constant 0 : i32
      %lt3A_3048 = arith.cmpi slt, %select_n3A_3041, %lt3A_3047 : i32
      %ne3A_3049 = arith.xori %lt3A_3046, %lt3A_3048 : i1
      %and3A_3050 = arith.andi %ne3A_3049, %ne3A_3044 : i1
      %add3A_3051 = arith.addi %rem3A_3042, %select_n3A_3041 : i32
      %select_n3A_3052 = arith.select %and3A_3050, %add3A_3051, %rem3A_3042 : i32
      %broadcast_in_dim3A_3053 = vector.broadcast %select_n3A_3052 : i32 to vector<16xi32>
      %add3A_3054 = arith.addi %broadcast_in_dim3A_3053, %iota3A : vector<16xi32>
      %broadcast_in_dim3A_3055 = arith.constant 1 : i32
      %broadcast_in_dim3A_3056 = vector.broadcast %broadcast_in_dim3A_3055 : i32 to vector<16xi32>
      %ge3A_3057 = arith.cmpi sge, %add3A_3054, %broadcast_in_dim3A_3056 : vector<16xi32>
      %select_n3A_3058 = arith.select %ge3A_3057, %broadcast_in_dim3A_23, %broadcast_in_dim3A_25 : vector<16xi1>, vector<16xi32>
      %add3A_3059 = arith.addi %broadcast_in_dim3A_25, %select_n3A_3058 : vector<16xi32>
      %broadcast_in_dim3A_3060 = arith.constant 51 : i32
      %broadcast_in_dim3A_3061 = vector.broadcast %broadcast_in_dim3A_3060 : i32 to vector<16xi32>
      %ge3A_3062 = arith.cmpi sge, %add3A_3054, %broadcast_in_dim3A_3061 : vector<16xi32>
      %select_n3A_3063 = arith.select %ge3A_3062, %broadcast_in_dim3A_23, %broadcast_in_dim3A_25 : vector<16xi1>, vector<16xi32>
      %add3A_3064 = arith.addi %add3A_3059, %select_n3A_3063 : vector<16xi32>
      %broadcast_in_dim3A_3065 = arith.constant 71 : i32
      %broadcast_in_dim3A_3066 = vector.broadcast %broadcast_in_dim3A_3065 : i32 to vector<16xi32>
      %ge3A_3067 = arith.cmpi sge, %add3A_3054, %broadcast_in_dim3A_3066 : vector<16xi32>
      %select_n3A_3068 = arith.select %ge3A_3067, %broadcast_in_dim3A_23, %broadcast_in_dim3A_25 : vector<16xi1>, vector<16xi32>
      %add3A_3069 = arith.addi %add3A_3064, %select_n3A_3068 : vector<16xi32>
      %broadcast_in_dim3A_3070 = arith.constant 471 : i32
      %broadcast_in_dim3A_3071 = vector.broadcast %broadcast_in_dim3A_3070 : i32 to vector<16xi32>
      %ge3A_3072 = arith.cmpi sge, %add3A_3054, %broadcast_in_dim3A_3071 : vector<16xi32>
      %select_n3A_3073 = arith.select %ge3A_3072, %broadcast_in_dim3A_23, %broadcast_in_dim3A_25 : vector<16xi1>, vector<16xi32>
      %add3A_3074 = arith.addi %add3A_3069, %select_n3A_3073 : vector<16xi32>
      %broadcast_in_dim3A_3075 = arith.constant 871 : i32
      %broadcast_in_dim3A_3076 = vector.broadcast %broadcast_in_dim3A_3075 : i32 to vector<16xi32>
      %ge3A_3077 = arith.cmpi sge, %add3A_3054, %broadcast_in_dim3A_3076 : vector<16xi32>
      %select_n3A_3078 = arith.select %ge3A_3077, %broadcast_in_dim3A_23, %broadcast_in_dim3A_25 : vector<16xi1>, vector<16xi32>
      %add3A_3079 = arith.addi %add3A_3074, %select_n3A_3078 : vector<16xi32>
      %broadcast_in_dim3A_3080 = arith.constant 2 : i32
      %broadcast_in_dim3A_3081 = vector.broadcast %broadcast_in_dim3A_3080 : i32 to vector<16xi32>
      %eq3A_3082 = arith.cmpi eq, %add3A_3079, %broadcast_in_dim3A_3081 : vector<16xi32>
      %broadcast_in_dim3A_3083 = arith.constant 101000 : i32
      %broadcast_in_dim3A_3084 = vector.broadcast %broadcast_in_dim3A_3083 : i32 to vector<16xi32>
      %eq3A_3085 = arith.cmpi eq, %add3A_3079, %broadcast_in_dim3A_25 : vector<16xi32>
      %broadcast_in_dim3A_3086 = arith.constant -1 : i32
      %broadcast_in_dim3A_3087 = vector.broadcast %broadcast_in_dim3A_3086 : i32 to vector<16xi32>
      %broadcast_in_dim3A_3088 = arith.constant 201000 : i32
      %broadcast_in_dim3A_3089 = vector.broadcast %broadcast_in_dim3A_3088 : i32 to vector<16xi32>
      %select_n3A_3090 = arith.select %eq3A_3085, %broadcast_in_dim3A_3087, %broadcast_in_dim3A_3089 : vector<16xi1>, vector<16xi32>
      %select_n3A_3091 = arith.select %eq3A_3082, %broadcast_in_dim3A_3084, %select_n3A_3090 : vector<16xi1>, vector<16xi32>
      %get3A_3092 = arith.index_cast %add3A_3012 : i32 to index
      %get3A_3093 = tpu.vector_load %arg5[%get3A_3092] {strides = array<i32>} : memref<28160xi32, #tpu.memory_space<vmem>>, vector<16xi32>,
      %get3A_3094 = vector.shape_cast %get3A_3093 : vector<16xi32> to vector<16xi32>
      %mul3A_3095 = arith.constant 5 : i32
      %mul3A_3096 = arith.muli %select_n3A_3036, %mul3A_3095 : i32
      %add3A_3097 = arith.addi %mul3A_21, %mul3A_3096 : i32
      %broadcast_in_dim3A_3098 = vector.broadcast %add3A_3097 : i32 to vector<16xi32>
      %eq3A_3099 = arith.cmpi eq, %get3A_3094, %select_n3A_3091 : vector<16xi32>
      %add3A_3100 = arith.addi %broadcast_in_dim3A_3098, %add3A_3079 : vector<16xi32>
      %select_n3A_3101 = arith.select %eq3A_3099, %broadcast_in_dim3A_19, %add3A_3100 : vector<16xi1>, vector<16xi32>
      %swap3A_3102 = arith.constant 240 : index
      %swap3A_3103 = tpu.vector_load %arg9[%swap3A_3102] {strides = array<i32>} : memref<256xi32, #tpu.memory_space<vmem>>, vector<16xi32>,
      %swap3A_3104 = vector.shape_cast %swap3A_3103 : vector<16xi32> to vector<16xi32>
      %swap3A_3105 = vector.shape_cast %select_n3A_3101 : vector<16xi32> to vector<16xi32>
      tpu.vector_store %arg9[%swap3A_3102], %swap3A_3105 {strides = array<i32>} : memref<256xi32, #tpu.memory_space<vmem>>, vector<16xi32>,
      %dma_wait3A_3106 = arith.constant 0 : i32
      %dma_wait3A_3107 = tpu.memref_slice %arg5[%dma_wait3A_3106] : memref<28160xi32, #tpu.memory_space<vmem>> -> memref<256xi32, #tpu.memory_space<vmem>>
      %dma_wait3A_3108 = arith.constant 0 : i32
      %dma_wait3A_3109 = arith.constant 0 : i32
      %dma_wait3A_3110 = tpu.memref_slice %arg2[%dma_wait3A_3108, %dma_wait3A_3109] : memref<201001x128xf32, #tpu.memory_space<hbm>> -> memref<201001x128xf32, #tpu.memory_space<hbm>>
      tpu.wait_indirect_dma semaphore(%arg12 : memref<!tpu.dma_semaphore, #tpu.memory_space<semaphore_mem>>) src(%dma_wait3A_3110 : memref<201001x128xf32, #tpu.memory_space<hbm>>) dst(%arg7 : memref<256x128xf32, #tpu.memory_space<vmem>>)
      %dma_start3A_3111 = arith.constant 0 : i32
      %dma_start3A_3112 = arith.constant 0 : i32
      %dma_start3A_3113 = tpu.memref_slice %arg10[%dma_start3A_3111, %dma_start3A_3112] : memref<2688x128xf32, #tpu.memory_space<vmem_shared>> -> memref<2688x128xf32, #tpu.memory_space<vmem_shared>>
      tpu.enqueue_indirect_dma source(%arg7 : memref<256x128xf32, #tpu.memory_space<vmem>>) target(%dma_start3A_3113 : memref<2688x128xf32, #tpu.memory_space<vmem_shared>>) offsets(%arg9 : memref<256xi32, #tpu.memory_space<vmem>>) semaphore(%arg14 : memref<!tpu.dma_semaphore, #tpu.memory_space<semaphore_mem>>) {add = true}
      %add3A_3114 = arith.constant 2 : i32
      %add3A_3115 = arith.addi %add3A_1583, %add3A_3114 : i32
      %sub3A_3116 = arith.constant 1 : i32
      %sub3A_3117 = arith.subi %add3A_3115, %sub3A_3116 : i32
      %lt3A_3118 = arith.constant 54 : i32
      %lt3A_3119 = arith.cmpi slt, %scan3A_46, %lt3A_3118 : i32
      %convert_element_type3A_3120 = arith.extui %lt3A_3119 : i1 to i32
      %cond3A_3121 = arith.constant 0 : i32
      %cond3A_3122 = arith.cmpi ne, %convert_element_type3A_3120, %cond3A_3121 : i32
      scf.if %cond3A_3122 {
        %dma_wait3A_3123 = arith.constant 0 : i32
        %dma_wait3A_3124 = arith.constant 0 : i32
        %dma_wait3A_3125 = tpu.memref_slice %arg10[%dma_wait3A_3123, %dma_wait3A_3124] : memref<2688x128xf32, #tpu.memory_space<vmem_shared>> -> memref<2688x128xf32, #tpu.memory_space<vmem_shared>>
        tpu.wait_indirect_dma semaphore(%arg13 : memref<!tpu.dma_semaphore, #tpu.memory_space<semaphore_mem>>) src(%arg6 : memref<256x128xf32, #tpu.memory_space<vmem>>) dst(%dma_wait3A_3125 : memref<2688x128xf32, #tpu.memory_space<vmem_shared>>)
        %mul3A_3126 = arith.constant 256 : i32
        %mul3A_3127 = arith.muli %sub3A_3117, %mul3A_3126 : i32
        %dma_start3A_3128 = tpu.memref_slice %arg5[%mul3A_3127] : memref<28160xi32, #tpu.memory_space<vmem>> -> memref<256xi32, #tpu.memory_space<vmem>>
        %dma_start3A_3129 = arith.constant 0 : i32
        %dma_start3A_3130 = arith.constant 0 : i32
        %dma_start3A_3131 = tpu.memref_slice %arg2[%dma_start3A_3129, %dma_start3A_3130] : memref<201001x128xf32, #tpu.memory_space<hbm>> -> memref<201001x128xf32, #tpu.memory_space<hbm>>
        tpu.enqueue_indirect_dma source(%dma_start3A_3131 : memref<201001x128xf32, #tpu.memory_space<hbm>>) target(%arg6 : memref<256x128xf32, #tpu.memory_space<vmem>>) offsets(%dma_start3A_3128 : memref<256xi32, #tpu.memory_space<vmem>>) semaphore(%arg11 : memref<!tpu.dma_semaphore, #tpu.memory_space<semaphore_mem>>)
      } else {
      }
    }
    %scan3A_35 = arith.constant 55 : i32
    %dma_wait3A = arith.constant 0 : i32
    %dma_wait3A_36 = arith.constant 0 : i32
    %dma_wait3A_37 = tpu.memref_slice %arg10[%dma_wait3A, %dma_wait3A_36] : memref<2688x128xf32, #tpu.memory_space<vmem_shared>> -> memref<2688x128xf32, #tpu.memory_space<vmem_shared>>
    tpu.wait_indirect_dma semaphore(%arg13 : memref<!tpu.dma_semaphore, #tpu.memory_space<semaphore_mem>>) src(%arg6 : memref<256x128xf32, #tpu.memory_space<vmem>>) dst(%dma_wait3A_37 : memref<2688x128xf32, #tpu.memory_space<vmem_shared>>)
    %dma_wait3A_38 = arith.constant 0 : i32
    %dma_wait3A_39 = arith.constant 0 : i32
    %dma_wait3A_40 = tpu.memref_slice %arg10[%dma_wait3A_38, %dma_wait3A_39] : memref<2688x128xf32, #tpu.memory_space<vmem_shared>> -> memref<2688x128xf32, #tpu.memory_space<vmem_shared>>
    tpu.wait_indirect_dma semaphore(%arg14 : memref<!tpu.dma_semaphore, #tpu.memory_space<semaphore_mem>>) src(%arg7 : memref<256x128xf32, #tpu.memory_space<vmem>>) dst(%dma_wait3A_40 : memref<2688x128xf32, #tpu.memory_space<vmem_shared>>)
    %mul3A_41 = arith.constant 2560 : i32
    %mul3A_42 = arith.muli %arg0, %mul3A_41 : i32
    %mul3A_43 = arith.constant 160 : i32
    %mul3A_44 = arith.muli %arg1, %mul3A_43 : i32
    %add3A_45 = arith.addi %mul3A_42, %mul3A_44 : i32
    "tpu.region"() ({
      %run_scoped3A = tpu.sem_alloc : memref<!tpu.dma_semaphore, #tpu.memory_space<semaphore_mem>>
      %dma_start3A_46 = arith.constant 0 : i32
      %dma_start3A_47 = tpu.memref_slice %arg4[%add3A_45, %dma_start3A_46] : memref<5120x128xf32, #tpu.memory_space<hbm>> -> memref<160x128xf32, #tpu.memory_space<hbm>>
      %dma_start3A_48 = arith.constant 0 : i32
      %dma_start3A_49 = tpu.memref_slice %arg10[%mul3A_8, %dma_start3A_48] : memref<2688x128xf32, #tpu.memory_space<vmem_shared>> -> memref<160x128xf32, #tpu.memory_space<vmem_shared>>
      tpu.enqueue_dma source(%dma_start3A_49 : memref<160x128xf32, #tpu.memory_space<vmem_shared>>) target(%dma_start3A_47 : memref<160x128xf32, #tpu.memory_space<hbm>>) target_semaphore(%run_scoped3A : memref<!tpu.dma_semaphore, #tpu.memory_space<semaphore_mem>>)
      %dma_wait3A_50 = arith.constant 0 : i32
      %dma_wait3A_51 = tpu.memref_slice %arg4[%add3A_45, %dma_wait3A_50] : memref<5120x128xf32, #tpu.memory_space<hbm>> -> memref<160x128xf32, #tpu.memory_space<hbm>>
      %dma_wait3A_52 = arith.constant 0 : i32
      %dma_wait3A_53 = tpu.memref_slice %arg10[%mul3A_8, %dma_wait3A_52] : memref<2688x128xf32, #tpu.memory_space<vmem_shared>> -> memref<160x128xf32, #tpu.memory_space<vmem_shared>>
      tpu.wait_dma2 semaphore(%run_scoped3A : memref<!tpu.dma_semaphore, #tpu.memory_space<semaphore_mem>>) src(%dma_wait3A_53 : memref<160x128xf32, #tpu.memory_space<vmem_shared>>) dst(%dma_wait3A_51 : memref<160x128xf32, #tpu.memory_space<hbm>>)
      tpu.yield
    }) : () -> ()
    return
  }
}

</mosaic_0001>

<sc_bundles>
// kernel: kernel.3.cloned.1.call-start
scs
__scs_entry_jumppad:
0x0: {  	(pc) =	sbr.rel $0x88, $3  }
0x1: {  	(tag) =	ssettag $0x0;
	lr =	simm.s32 $0x1  }
0x2: {  	[smem:$0x3F91] =	sst lr;
	_ =	strace $0xD0000000  }
0x3: {  	_ = 	snop  }
0x4: {  	_ = 	snop  }
0x5: {  	_ = 	snop  }
0x6: {  	_ = 	snop  }
0x7: {  	_ = 	snop  }
__scs_overlays_trampoline_lowered:
0x8: {  	[smem:$0x3FA0] =	sst s0  }
0x9: {  	[smem:$0x3FA1] =	sst s1  }
0xa: {  	[smem:$0x3FA2] =	sst s2  }
0xb: {  	[smem:$0x3FA3] =	sst s3  }
0xc: {  	[smem:$0x3FA4] =	sst s4  }
0xd: {  	[smem:$0x3FA5] =	sst s5  }
0xe: {  	[smem:$0x3FA6] =	sst s6  }
0xf: {  	[smem:$0x3FA7] =	sst s7  }
0x10: {  	[smem:$0x3FA8] =	sst s8  }
0x11: {  	[smem:$0x3FA9] =	sst s9;
	s0 =	simm.s32 @!p0 $0x0  }
0x12: {  	s1 =	sld [smem:$0x3F8F];
	s0 =	simm.s32 @p0 $0x1  }
0x13: {  	[smem:$0x3FAA] =	sst s0;
	s0 =	simm.s32 @!p1 $0x0  }
0x14: {  	s2 =	sld [smem:$0x3F8E];
	s0 =	simm.s32 @p1 $0x1  }
0x15: {  	[smem:$0x3FAB] =	sst s0;
	s0 =	simm.s32 @!p2 $0x0  }
0x16: {  	s3 =	sld [smem:$0x3FDB];
	s0 =	simm.s32 @p2 $0x1  }
0x17: {  	s4 =	simm.s32 $0x1BF5;
	[smem:$0x3FAD] =	sst s0  }
0x18: {  	s0 =	sld [smem:$0x3F90];
	_ =	swait.ge [sflag:s4], $0x0  }
0x19: {  	s7 =	sld [smem:$0x3F91]  }
0x1a: {  	s8 =	sadd.s32 $0xFFFFE003, lr  }
0x1b: {  	s9 =	sadd.s32 $0xFFFFFEF7, lr;
	s5 =	simm.s32 $0xFFFFFFFF;
	p2 =	slt.u32 s8, $0xFFFFF086  }
0x1c: {  	p1 =	slt.u32 s9, $0xF7A;
	s5 =	simm.s32 @!p2 $0x0  }
0x1d: {  	s5 =	simm.s32 @p1 $0x1;
	p0 =	seq.s32 s7, s2  }
0x1e: {  	s7 =	smul.u32 @!p0 $0xF7A, s2;
	p2 =	seq.s32 @!p0 s5, $0x0  }
0x1f: {  	s9 =	smul.u32 $0xF7A, s1;
	s8 =	simm.s32 @!p0 $0x1BF5;
	p2 =	por !p2, p0  }
0x20: {  	[sflag:s8] =	ssyncset.s32 @!p0 $0xFFFFF086;
	s6 =	sadd.s32 @!p0 s3, s7;
	s7 =	simm.s32 @!p0 $0x108  }
0x21: {  	s3 =	sadd.s32 s3, s9;
	s6 =	sadd.s32 @!p0 $0x88, s6;
	s7 =	simm.s32 @p2 $0x1082  }
0x22: {  	[simem:s7], [sflag:s8] =	dma.local @!p0 [hbm:s6], $0xF7A  }
0x23: {  	s9 =	sor.u32 $0xD0000000, s2;
	s6 =	simm.s32 $0x108;
	_ =	swait.ge @!p0 [sflag:s8], $0x0  }
0x24: {  	s3 =	sadd.s32 $0x88, s3;
	s6 =	simm.s32 @!p1 $0x1082;
	[sflag:s4] =	ssyncset.s32 $0xFFFFF086  }
0x25: {  	[simem:s6], [sflag:s4] =	dma.local [hbm:s3], $0xF7A  }
0x26: {  	[smem:$0x3F91] =	sst s1;
	(tag) =	ssettag s2;
	_ =	strace s9  }
0x27: {  	s1 =	sld [smem:$0x3FA1]  }
0x28: {  	s2 =	sld [smem:$0x3FA2]  }
0x29: {  	s4 =	sld [smem:$0x3FA4]  }
0x2a: {  	p0 =	seq.s32 s5, $0x0;
	s5 =	sld [smem:$0x3FA5]  }
0x2b: {  	s6 =	sld [smem:$0x3FA6]  }
0x2c: {  	s7 =	sld [smem:$0x3FA7]  }
0x2d: {  	s3 =	simm.s32 $0x108;
	s8 =	sld [smem:$0x3FA8]  }
0x2e: {  	s3 =	simm.s32 @!p0 $0x1082;
	s9 =	sld [smem:$0x3FA9]  }
0x2f: {  	lr =	sadd.s32 s0, s3;
	s0 =	sld [smem:$0x3FA0]  }
0x30: {  	s3 =	sld [smem:$0x3FA3]  }
0x31: {  	[smem:$0x3FAC] =	sst s10  }
0x32: {  	s10 =	sld [smem:$0x3FAA];
	_ =	sdelay $0x3  }
0x33: {  	p0 =	seq.s32 s10, $0x1;
	s10 =	sld [smem:$0x3FAC];
	_ =	sdelay $0x3  }
0x34: {  	[smem:$0x3FAC] =	sst s10  }
0x35: {  	s10 =	sld [smem:$0x3FAB];
	_ =	sdelay $0x3  }
0x36: {  	p1 =	seq.s32 s10, $0x1;
	s10 =	sld [smem:$0x3FAC];
	_ =	sdelay $0x3  }
0x37: {  	[smem:$0x3FAC] =	sst s10  }
0x38: {  	s10 =	sld [smem:$0x3FAD]  }
0x39: {  	_ = 	snop;
	(pc) =	sbr.ind lr, $3  }
0x3a: {  	_ = 	snop  }
0x3b: {  	_ = 	snop  }
0x3c: {  	p2 =	seq.s32 s10, $0x1;
	s10 =	sld [smem:$0x3FAC]  }
0x3d: {  	_ =	shalt  }
0x3e: {  	_ =	shalt  }
0x3f: {  	_ =	shalt  }
0x40: {  	_ =	shalt  }
0x41: {  	_ =	shalt  }
0x42: {  	_ =	shalt  }
0x43: {  	_ =	shalt  }
0x44: {  	_ =	shalt  }
0x45: {  	_ =	shalt  }
0x46: {  	_ =	shalt  }
0x47: {  	_ =	shalt  }
0x48: {  	_ =	shalt  }
0x49: {  	_ =	shalt  }
0x4a: {  	_ =	shalt  }
0x4b: {  	_ =	shalt  }
0x4c: {  	_ =	shalt  }
0x4d: {  	_ =	shalt  }
0x4e: {  	_ =	shalt  }
0x4f: {  	_ =	shalt  }
0x50: {  	_ =	shalt  }
0x51: {  	_ =	shalt  }
0x52: {  	_ =	shalt  }
0x53: {  	_ =	shalt  }
0x54: {  	_ =	shalt  }
0x55: {  	_ =	shalt  }
0x56: {  	_ =	shalt  }
0x57: {  	_ =	shalt  }
0x58: {  	_ =	shalt  }
0x59: {  	_ =	shalt  }
0x5a: {  	_ =	shalt  }
0x5b: {  	_ =	shalt  }
0x5c: {  	_ =	shalt  }
0x5d: {  	_ =	shalt  }
0x5e: {  	_ =	shalt  }
0x5f: {  	_ =	shalt  }
0x60: {  	_ =	shalt  }
0x61: {  	_ =	shalt  }
0x62: {  	_ =	shalt  }
0x63: {  	_ =	shalt  }
0x64: {  	_ =	shalt  }
0x65: {  	_ =	shalt  }
0x66: {  	_ =	shalt  }
0x67: {  	_ =	shalt  }
0x68: {  	_ =	shalt  }
0x69: {  	_ =	shalt  }
0x6a: {  	_ =	shalt  }
0x6b: {  	_ =	shalt  }
0x6c: {  	_ =	shalt  }
0x6d: {  	_ =	shalt  }
0x6e: {  	_ =	shalt  }
0x6f: {  	_ =	shalt  }
0x70: {  	_ =	shalt  }
0x71: {  	_ =	shalt  }
0x72: {  	_ =	shalt  }
0x73: {  	_ =	shalt  }
0x74: {  	_ =	shalt  }
0x75: {  	_ =	shalt  }
0x76: {  	_ =	shalt  }
0x77: {  	_ =	shalt  }
0x78: {  	_ =	shalt  }
0x79: {  	_ =	shalt  }
0x7a: {  	_ =	shalt  }
0x7b: {  	_ =	shalt  }
0x7c: {  	_ =	shalt  }
0x7d: {  	_ =	shalt  }
0x7e: {  	_ =	shalt  }
0x7f: {  	_ =	shalt  }
0x80: {  	_ =	shalt  }
0x81: {  	_ =	shalt  }
0x82: {  	_ =	shalt  }
0x83: {  	_ =	shalt  }
0x84: {  	_ =	shalt  }
0x85: {  	_ =	shalt  }
0x86: {  	_ =	shalt  }
0x87: {  	_ =	shalt  }
.Lfunc_end0:
.L_simem_size_0:
called_computation_lowered:
.L_overlay_start_0:
0x88: {  	s2 =	sld [smem:$0x3FD9]  }
0x89: {  	s3 =	sld [smem:$0x3FFE];
	_ =	sdelay $0x1  }
0x8a: {  	s1 =	srdreg.scid  }
0x8b: {  	s0 =	sand.u32 $0x1, s1  }
0x8c: {  	s17 =	sshll.u32 s0, $0xA;
	s2 =	sadd.s32 s3, s2  }
0x8d: {  	s2 =	sadd.s32 s2, s17  }
0x8e: {  	[smem:$0x3FB8] =	sst s2  }
0x8f: {  	_ = 	snop  }
0x90: {  	s2 =	sld [smem:$0x3FC4];
	(tm) =	ssettm $0x1  }
0x91: {  	s18 =	sld [smem:$0x3FFB];
	_ =	sdelay $0x3  }
0x92: {  	_ =	strace s18  }
0x93: {  	s3 =	sld [smem:$0x3FFC];
	_ =	sdelay $0x3  }
0x94: {  	_ =	strace s3  }
0x95: {  	s3 =	sld [smem:$0x3FFD];
	_ =	sdelay $0x3  }
0x96: {  	_ =	strace s3  }
0x97: {  	_ =	strace $0x8FFFFFFF  }
0x98: {  	s19 =	sld [smem:$0x3FDB];
	_ =	sdelay $0x1  }
0x99: {  	s4 =	simm.s32 $_scs_section_size  }
0x9a: {  	s5 =	simm.s32 $_size__tile_overlayer_lowered;
	s6 =	simm.s32 $_tile_overlayer_lowered  }
0x9b: {  	s22 =	simm.s32 $0x1BFF;
	s21 =	sshll.u32 s6, $0x1;
	s3 =	sadd.s32 s4, s19  }
0x9c: {  	s7 =	simm.s32 $0x0;
	s20 =	sshll.u32 s5, $0x1;
	s5 =	sadd.s32 s21, s3  }
0x9d: {  	[timem:s7], [sflag:s22] =	dma.local [hbm:s5], s20  }
0x9e: {  	_ =	swait.ge [sflag:s22], s20  }
0x9f: {  	s4 =	ssub.s32 $0x0, s20;
	[sflag:s22] =	ssyncset.done $0x0  }
0xa0: {  	[sflag:s22] =	ssyncadd.s32 s4;
	_ =	sdelay $0x1  }
0xa1: {  	s23 =	simm.s32 $0x1B8B  }
0xa2: {  	_ =	swait.ge [sflag:s23], $0x1  }
0xa3: {  	[sflag:s23] =	ssyncset.done $0x0  }
0xa4: {  	s25 =	simm.s32 $0x1B8E;
	s24 =	sld [smem:$0x3FFE];
	[sflag:s23] =	ssyncadd.s32 $0xFFFFFFFF  }
0xa5: {  	s26 =	simm.s32 $execute0_lowered;
	[smem:$0x3FD2] =	sst s25  }
0xa6: {  	s5 =	sshll.u32 s26, $0x1;
	_ =	strace $0x80000046;
	[dreg:$0x1] =	wrdreg $0xFFFFFFFF  }
0xa7: {  	s28 =	simm.s32 $_size_execute0_lowered;
	s3 =	sadd.s32 s3, s5;
	[dreg:$0x0] =	wrdreg $0x0  }
0xa8: {  	s5 =	sshll.u32 s28, $0x1;
	[dreg:$0x2] =	wrdreg s3  }
0xa9: {  	[dreg:$0x3] =	wrdreg s5  }
0xaa: {  	[dreg:$0x4] =	wrdreg $0xC0  }
0xab: {  	_ =	task [dreg:s7], $0x5FFFF  }
0xac: {  	[dreg:$0x1] =	wrdreg $0xFFFFFFFF  }
0xad: {  	[dreg:$0x0] =	wrdreg $0x60  }
0xae: {  	[dreg:$0x2] =	wrdreg s2  }
0xaf: {  	[dreg:$0x3] =	wrdreg s24  }
0xb0: {  	[dreg:$0x4] =	wrdreg $0x170000  }
0xb1: {  	[dreg:$0x5] =	wrdreg $0x9  }
0xb2: {  	_ =	task.clear_ibuf [dreg:s7], $0x6FFFF;
	_ =	strace $0x90000046  }
0xb3: {  	s29 =	simm.s32 $0x9;
	_ =	strace $0x80000048  }
0xb4: {  	_ =	swait.ge [sflag:s29], $0x1  }
0xb5: {  	[sflag:s29] =	ssyncadd.s32 $0xFFFFFFFF  }
0xb6: {  	_ =	strace $0x90000048  }
0xb7: {  	_ =	sfence  }
0xb8: {  	s30 =	sld [smem:$0x0];
	_ =	sdelay $0x2  }
0xb9: {  	s31 =	sshll.u32 s1, $0xD;
	s1 =	sshrl.u32 s1, $0x2  }
0xba: {  	s3 =	sand.u32 $0x4000, s31;
	s1 =	sadd.s32 s1, s30  }
0xbb: {  	s0 =	sor.u32 s3, s0;
	s1 =	sshll.u32 s1, $0x11  }
0xbc: {  	s0 =	sor.u32 s1, s0  }
0xbd: {  	s0 =	sadd.s32 $0x8F2B, s0  }
0xbe: {  	[sflag:s0] =	ssyncadd.remote.s32 $0x1  }
0xbf: {  	_ =	sfence.sel $0xFFFF  }
0xc0: {  	[dreg:$0x0] =	wrdreg $0xFFFFFFFF;
	(pc) =	sbr.abs _section_cstart, $3  }
0xc1: {  	[dreg:$0x1] =	wrdreg $0xFFFFFFFF  }
0xc2: {  	_ =	task.clear_ibuf [dreg:s7], $0x2FFFF;
	_ =	strace $0x9FFFFFFF  }
0xc3: {  	(tm) =	ssettm $0x7FFFFFFF  }
tec
execute0_lowered:
.L_overlay_start_1:
0x0: {  	(tag) =	ssettag $0x1  }
0x1: {  	s2 =	rddreg [dreg:$0x0]  }
0x2: {  	s7 =	rddreg [dreg:$0x1]  }
0x3: {  	s0 =	srdreg.scid;
	s3 =	rddreg [dreg:$0x2]  }
0x4: {  	s5 =	simm.s32 $0x0;
	s13 =	simm.s32 $0x400;
	s14 =	simm.s32 $0x5  }
0x5: {  	s15 =	simm.s32 $0x6E00;
	s16 =	simm.s32 $0x1;
	s17 =	simm.s32 $0x100  }
0x6: {  	s18 =	simm.s32 $0x16E00;
	s20 =	simm.s32 $0x2;
	s21 =	simm.s32 $0x16F00  }
0x7: {  	s22 =	simm.s32 $0x3;
	s6 =	sand.u32 $0x1, s0;
	s0 =	stileid.u32  }
0x8: {  	s23 =	simm.s32 $0x4;
	s24 =	simm.s32 $0x0;
	s4 =	smul.u32 $0xA0, s0  }
0x9: {  	[smem:$0x7FF] =	sst s5;
	s1 =	sshll.u32 s6, $0x4;
	s10 =	smul.u32 $0xA00, s6  }
0xa: {  	s9 =	sshll.u32 s0, $0x7;
	s28 =	smul.u32 $0x14000, s0;
	s6 =	ssub.s32 $0x2, s6  }
0xb: {  	s29 =	sshll.u32 s0, $0x3;
	s1 =	sor.u32 s0, s1;
	s9 =	sand.u32 $0x380, s9  }
0xc: {  	s30 =	sshrl.u32 s6, $0x1;
	s19 =	sor.u32 $0xA00, s29;
	s1 =	sshrl.u32 s1, $0x3  }
0xd: {  	s26 =	sadd.s32 s4, s10;
	s10 =	sshrl.u32 s28, $0x2;
	s12 =	ssub.s32 s6, s30  }
0xe: {  	s31 =	sshll.u32 s19, $0x7;
	v0 =	vmov s19;
	s19 =	simm.s32 $0xEE00;
	s8 =	smul.u32 $0x37000, s1  }
.Ltmp0:
0xf: {  	s1 =	rddreg [dreg:$0x3];
	_ =	strace $0x80000047;
	(pc) =	sbr.rel .LBB2_1-.Ltmp0, $4  }
0x10: {  	s6 =	sadd.s32 s10, s3;
	s8 =	sor.u32 s9, s8;
	s9 =	sshll.u32 s26, $0x4  }
0x11: {  	s8 =	sshrl.u32 s8, $0x3;
	s11 =	sadd.s32 s9, s7;
	s9 =	sadd.s32 s31, s3  }
0x12: {  	v1 =	vimm.f32 $0.0e+00;
	s8 =	sadd.s32 s8, s7;
	s10 =	sadd.s32 $0x1D200, s11;
	s11 =	smax.u32 s12, $0x1  }
0x13: {  	v2 =	vlaneseq.u32;
	v3 =	vimm.s32 $0x0;
	v4 =	vimm.s32 $0x31128;
	s12 =	simm.s32 $0x80;
	s7 =	sadd.s32 $0x1A00, s8;
	s8 =	sadd.s32 $0x4000, s6  }
.LBB2_6:
0x14: {  	_ =	swait.ge [sflag:s23], $0x8000;
	s25 =	sshll.u32 s0, $0x6;
	s24 =	sadd.s32 $0x1, s24  }
0x15: {  	s26 =	sshrl.u32 s6, $0x3;
	[sflag:s23] =	ssyncset.done $0x0;
	p0 =	sne.s32 s24, s11  }
.Ltmp1:
0x16: {  	s25 =	sor.u32 $0x1C05, s25;
	[sflag:s23] =	ssyncadd.s32 $0xFFFF8000;
	(pc) =	sbr.rel @!p0 .LBB2_7-.Ltmp1, $4  }
0x17: {  	[hbm:s10], [sflag:s25] =	dma.local [spmem:s26], $0xA00  }
0x18: {  	_ =	swait.ge [sflag:s14], $0xA00  }
0x19: {  	[sflag:s14] =	ssyncset.done $0x0  }
0x1a: {  	[sflag:s14] =	ssyncadd.s32 $0xFFFFF600  }
.LBB2_1:
0x1b: {  	[tilespmem:s5], [sflag:$0x5] =	stream.strided.gather [hbm4b:s7+s12], $0x6E00, s13, s12, $0x38;
	[tilespmem:$0x1C400] =	vst v63  }
0x1c: {  	_ =	swait.ge [sflag:s14], $0x6E00  }
0x1d: {  	[sflag:s14] =	ssyncset.done $0x0  }
0x1e: {  	s25 =	simm.s32 $0x0;
	s26 =	simm.s32 $0x200;
	[sflag:s14] =	ssyncadd.s32 $0xFFFF9200  }
.LBB2_2:
0x1f: {  	p0 =	sne.s32 s26, $0xFE00;
	[tilespmem:s25+$0x6E70] =	vst v1  }
0x20: {  	[tilespmem:s25+$0x6E00] =	vst v1  }
0x21: {  	[tilespmem:s25+$0x6E10] =	vst v1  }
.Ltmp2:
0x22: {  	[tilespmem:s25+$0x6E20] =	vst v1;
	(pc) =	sbr.rel @p0 .LBB2_2-.Ltmp2, $4  }
0x23: {  	[tilespmem:s25+$0x6E30] =	vst v1  }
0x24: {  	[tilespmem:s25+$0x6E40] =	vst v1  }
0x25: {  	[tilespmem:s25+$0x6E50] =	vst v1  }
0x26: {  	[tilespmem:s25+$0x6E60] =	vst v1;
	s25 =	sshra.s32 s26, $0x2;
	s26 =	sadd.s32 $0x200, s26  }
0x27: {  	[tilespmem:s25+$0x6E70] =	vst v1  }
0x28: {  	[tilespmem:s25+$0x6E00] =	vst v1  }
0x29: {  	[tilespmem:s25+$0x6E10] =	vst v1  }
0x2a: {  	[tilespmem:s25+$0x6E20] =	vst v1  }
0x2b: {  	[tilespmem:s25+$0x6E30] =	vst v1  }
0x2c: {  	[tilespmem:s25+$0x6E40] =	vst v1  }
0x2d: {  	[tilespmem:s25+$0x6E50] =	vst v1  }
0x2e: {  	[tilespmem:s25+$0x6E60] =	vst v1  }
0x2f: {  	[spmem:s6] =	stream.linear.scatter [tilespmem:s15], [sflag:$0x5], $0x4000, $0x38;
	[tilespmem:$0x1C400] =	vst v63  }
0x30: {  	_ =	swait.ge [sflag:s14], $0x4000  }
0x31: {  	[sflag:s14] =	ssyncset.done $0x0  }
0x32: {  	[sflag:s14] =	ssyncadd.s32 $0xFFFFC000  }
0x33: {  	[spmem:s8] =	stream.linear.scatter [tilespmem:s15], [sflag:$0x5], $0x1000, $0x38;
	[tilespmem:$0x1C400] =	vst v63  }
0x34: {  	_ =	swait.ge [sflag:s14], $0x1000  }
0x35: {  	[sflag:s14] =	ssyncset.done $0x0  }
0x36: {  	[sflag:s14] =	ssyncadd.s32 $0xFFFFF000  }
0x37: {  	[spmem:s9] =	stream.linear.scatter [tilespmem:s15], [sflag:$0x5], $0x400, $0x38;
	[tilespmem:$0x1C400] =	vst v63  }
0x38: {  	_ =	swait.ge [sflag:s14], $0x400  }
0x39: {  	[sflag:s14] =	ssyncset.done $0x0  }
0x3a: {  	s25 =	simm.s32 $0x100;
	s26 =	simm.s32 $0x0;
	[sflag:s14] =	ssyncadd.s32 $0xFFFFFC00  }
0x3b: {  	[tilespmem:s15], [sflag:$0x1] =	stream.indirect.gather [hbm4b:s2+s25], $0x80, s26, s25, $0xb8;
	[tilespmem:$0x1C400] =	vst v63  }
.LBB2_4:
0x3c: {  	s28 =	sand.u32 $0xFFF0, s26  }
0x3d: {  	s28 =	sshrl.u32 s28, $0x4  }
0x3e: {  	s28 =	smul.u32 $0x129F, s28;
	_ =	sdelay $0x1  }
0x3f: {  	s28 =	sshrl.u32 s28, $0x12  }
0x40: {  	s29 =	smul.u32 $0x370, s28;
	_ =	sdelay $0x1  }
0x41: {  	s29 =	ssub.s32 s26, s29  }
0x42: {  	s29 =	sand.u32 $0xFFFF, s29  }
0x43: {  	v5 =	vmov s29;
	v6 =	vor.u32 s29, v2;
	s29 =	sor.u32 $0x10, s26  }
0x44: {  	vm0 =	vne.s32 v5, v2;
	vm1 =	vgt.u32 v6, $0x32;
	s30 =	sand.u32 $0xFFF0, s29  }
0x45: {  	vm14 =	vgt.u32 v6, $0x46;
	v5 =	vsel vm0, $0x1, v3;
	v7 =	vsel vm1, $0x1, v3;
	s30 =	sshrl.u32 s30, $0x4  }
0x46: {  	vm15 =	vgt.u32 v6, $0x1D6;
	v5 =	vadd.s32 v5, v7;
	v7 =	vsel vm14, $0x1, v3;
	s30 =	smul.u32 $0x129F, s30  }
0x47: {  	vm4 =	vgt.u32 v6, $0x366;
	v5 =	vadd.s32 v7, v5;
	v7 =	vsel vm15, $0x1, v3  }
0x48: {  	s28 =	smul.u32 $0x5, s28;
	v6 =	vsel vm4, $0x1, v3;
	v5 =	vadd.s32 v7, v5;
	v7 =	vld [tilespmem:s25+$0xFFFFFF00];
	s30 =	sshrl.u32 s30, $0x12  }
0x49: {  	v5 =	vadd.s32 v6, v5;
	s31 =	smul.u32 $0x370, s30  }
0x4a: {  	vm5 =	veq.s32 v5, $0x0  }
0x4b: {  	s28 =	sadd.s32 s28, s4;
	vm6 =	veq.s32 v5, $0x2;
	v6 =	vsel vm5, $0xFFFFFFFF, v4;
	s29 =	ssub.s32 s29, s31  }
0x4c: {  	v5 =	vadd.s32 s28, v5;
	v6 =	vsel vm6, $0x18A88, v6;
	s29 =	sand.u32 $0xFFFF, s29  }
0x4d: {  	s28 =	sor.u32 $0x20, s26;
	vm7 =	veq.s32 v7, v6;
	v6 =	vmov s29;
	v7 =	vor.u32 s29, v2  }
0x4e: {  	s31 =	sand.u32 $0xFFF0, s28;
	v5 =	vsel vm7, v0, v5;
	vm8 =	vne.s32 v6, v2;
	vm9 =	vgt.u32 v7, $0x32  }
0x4f: {  	s29 =	sshrl.u32 s31, $0x4;
	vm10 =	vgt.u32 v7, $0x46;
	v6 =	vsel vm8, $0x1, v3;
	v8 =	vsel vm9, $0x1, v3  }
0x50: {  	vm11 =	vgt.u32 v7, $0x1D6;
	s29 =	smul.u32 $0x129F, s29;
	v57 =	vsel vm10, $0x1, v3;
	v6 =	vadd.s32 v6, v8  }
0x51: {  	vm12 =	vgt.u32 v7, $0x366;
	[tilespmem:$0x16E00] =	vst v5;
	v5 =	vadd.s32 v57, v6;
	v6 =	vsel vm11, $0x1, v3  }
0x52: {  	s30 =	smul.u32 $0x5, s30;
	v7 =	vld [tilespmem:s25+$0xFFFFFF10];
	s29 =	sshrl.u32 s29, $0x12;
	v5 =	vadd.s32 v6, v5;
	v6 =	vsel vm12, $0x1, v3  }
0x53: {  	s31 =	smul.u32 $0x370, s29;
	v5 =	vadd.s32 v6, v5  }
0x54: {  	vm13 =	veq.s32 v5, $0x0  }
0x55: {  	s30 =	sadd.s32 s30, s4;
	s28 =	ssub.s32 s28, s31;
	vm14 =	veq.s32 v5, $0x2;
	v6 =	vsel vm13, $0xFFFFFFFF, v4  }
0x56: {  	s28 =	sand.u32 $0xFFFF, s28;
	v5 =	vadd.s32 s30, v5;
	v6 =	vsel vm14, $0x18A88, v6  }
0x57: {  	vm15 =	veq.s32 v7, v6;
	v6 =	vmov s28;
	v7 =	vor.u32 s28, v2;
	s28 =	sor.u32 $0x30, s26  }
0x58: {  	v5 =	vsel vm15, v0, v5;
	vm4 =	vne.s32 v6, v2;
	vm5 =	vgt.u32 v7, $0x32;
	s31 =	sand.u32 $0xFFF0, s28  }
0x59: {  	vm6 =	vgt.u32 v7, $0x46;
	v6 =	vsel vm4, $0x1, v3;
	v58 =	vsel vm5, $0x1, v3;
	s30 =	sshrl.u32 s31, $0x4  }
0x5a: {  	vm7 =	vgt.u32 v7, $0x1D6;
	v59 =	vsel vm6, $0x1, v3;
	v6 =	vadd.s32 v6, v58;
	s30 =	smul.u32 $0x129F, s30  }
0x5b: {  	vm8 =	vgt.u32 v7, $0x366;
	[tilespmem:$0x16E10] =	vst v5;
	v5 =	vadd.s32 v59, v6;
	v6 =	vsel vm7, $0x1, v3  }
0x5c: {  	s29 =	smul.u32 $0x5, s29;
	v7 =	vld [tilespmem:s25+$0xFFFFFF20];
	v5 =	vadd.s32 v6, v5;
	v6 =	vsel vm8, $0x1, v3;
	s30 =	sshrl.u32 s30, $0x12  }
0x5d: {  	v5 =	vadd.s32 v6, v5;
	s31 =	smul.u32 $0x370, s30  }
0x5e: {  	vm9 =	veq.s32 v5, $0x0  }
0x5f: {  	s29 =	sadd.s32 s29, s4;
	vm10 =	veq.s32 v5, $0x2;
	v6 =	vsel vm9, $0xFFFFFFFF, v4;
	s28 =	ssub.s32 s28, s31  }
0x60: {  	v5 =	vadd.s32 s29, v5;
	v6 =	vsel vm10, $0x18A88, v6;
	s28 =	sand.u32 $0xFFFF, s28  }
0x61: {  	vm11 =	veq.s32 v7, v6;
	v6 =	vmov s28;
	v7 =	vor.u32 s28, v2;
	s28 =	sor.u32 $0x40, s26  }
0x62: {  	v5 =	vsel vm11, v0, v5;
	vm12 =	vne.s32 v6, v2;
	vm13 =	vgt.u32 v7, $0x32;
	s31 =	sand.u32 $0xFFF0, s28  }
0x63: {  	vm14 =	vgt.u32 v7, $0x46;
	v6 =	vsel vm12, $0x1, v3;
	v60 =	vsel vm13, $0x1, v3;
	s29 =	sshrl.u32 s31, $0x4  }
0x64: {  	vm15 =	vgt.u32 v7, $0x1D6;
	v61 =	vsel vm14, $0x1, v3;
	v6 =	vadd.s32 v6, v60;
	s29 =	smul.u32 $0x129F, s29  }
0x65: {  	vm4 =	vgt.u32 v7, $0x366;
	[tilespmem:$0x16E20] =	vst v5;
	v5 =	vadd.s32 v61, v6;
	v6 =	vsel vm15, $0x1, v3  }
0x66: {  	s30 =	smul.u32 $0x5, s30;
	v7 =	vld [tilespmem:s25+$0xFFFFFF30];
	v5 =	vadd.s32 v6, v5;
	v6 =	vsel vm4, $0x1, v3;
	s29 =	sshrl.u32 s29, $0x12  }
0x67: {  	v5 =	vadd.s32 v6, v5;
	s31 =	smul.u32 $0x370, s29  }
0x68: {  	vm5 =	veq.s32 v5, $0x0  }
0x69: {  	s30 =	sadd.s32 s30, s4;
	vm6 =	veq.s32 v5, $0x2;
	v6 =	vsel vm5, $0xFFFFFFFF, v4;
	s28 =	ssub.s32 s28, s31  }
0x6a: {  	v5 =	vadd.s32 s30, v5;
	v6 =	vsel vm6, $0x18A88, v6;
	s28 =	sand.u32 $0xFFFF, s28  }
0x6b: {  	vm7 =	veq.s32 v7, v6;
	v6 =	vmov s28;
	v7 =	vor.u32 s28, v2;
	s28 =	sor.u32 $0x50, s26  }
0x6c: {  	v5 =	vsel vm7, v0, v5;
	vm8 =	vne.s32 v6, v2;
	vm9 =	vgt.u32 v7, $0x32;
	s31 =	sand.u32 $0xFFF0, s28  }
0x6d: {  	vm10 =	vgt.u32 v7, $0x46;
	v6 =	vsel vm8, $0x1, v3;
	v62 =	vsel vm9, $0x1, v3;
	s30 =	sshrl.u32 s31, $0x4  }
0x6e: {  	vm11 =	vgt.u32 v7, $0x1D6;
	v63 =	vsel vm10, $0x1, v3;
	v6 =	vadd.s32 v6, v62;
	s30 =	smul.u32 $0x129F, s30  }
0x6f: {  	vm12 =	vgt.u32 v7, $0x366;
	[tilespmem:$0x16E30] =	vst v5;
	v5 =	vadd.s32 v63, v6;
	v6 =	vsel vm11, $0x1, v3  }
0x70: {  	s29 =	smul.u32 $0x5, s29;
	v7 =	vld [tilespmem:s25+$0xFFFFFF40];
	v5 =	vadd.s32 v6, v5;
	v6 =	vsel vm12, $0x1, v3;
	s30 =	sshrl.u32 s30, $0x12  }
0x71: {  	v5 =	vadd.s32 v6, v5;
	s31 =	smul.u32 $0x370, s30  }
0x72: {  	vm13 =	veq.s32 v5, $0x0  }
0x73: {  	s29 =	sadd.s32 s29, s4;
	vm14 =	veq.s32 v5, $0x2;
	v6 =	vsel vm13, $0xFFFFFFFF, v4;
	s28 =	ssub.s32 s28, s31  }
0x74: {  	v5 =	vadd.s32 s29, v5;
	v6 =	vsel vm14, $0x18A88, v6;
	s28 =	sand.u32 $0xFFFF, s28  }
0x75: {  	vm15 =	veq.s32 v7, v6;
	v6 =	vmov s28;
	v7 =	vor.u32 s28, v2;
	s28 =	sor.u32 $0x60, s26  }
0x76: {  	v5 =	vsel vm15, v0, v5;
	vm4 =	vne.s32 v6, v2;
	vm5 =	vgt.u32 v7, $0x32;
	s31 =	sand.u32 $0xFFF0, s28  }
0x77: {  	vm6 =	vgt.u32 v7, $0x46;
	v6 =	vsel vm4, $0x1, v3;
	v12 =	vsel vm5, $0x1, v3;
	s29 =	sshrl.u32 s31, $0x4  }
0x78: {  	vm7 =	vgt.u32 v7, $0x1D6;
	v13 =	vsel vm6, $0x1, v3;
	v6 =	vadd.s32 v6, v12;
	s29 =	smul.u32 $0x129F, s29  }
0x79: {  	vm8 =	vgt.u32 v7, $0x366;
	[tilespmem:$0x16E40] =	vst v5;
	v5 =	vadd.s32 v13, v6;
	v6 =	vsel vm7, $0x1, v3  }
0x7a: {  	s30 =	smul.u32 $0x5, s30;
	v7 =	vld [tilespmem:s25+$0xFFFFFF50];
	v5 =	vadd.s32 v6, v5;
	v6 =	vsel vm8, $0x1, v3;
	s29 =	sshrl.u32 s29, $0x12  }
0x7b: {  	v5 =	vadd.s32 v6, v5;
	s31 =	smul.u32 $0x370, s29  }
0x7c: {  	vm9 =	veq.s32 v5, $0x0  }
0x7d: {  	s30 =	sadd.s32 s30, s4;
	vm10 =	veq.s32 v5, $0x2;
	v6 =	vsel vm9, $0xFFFFFFFF, v4;
	s28 =	ssub.s32 s28, s31  }
0x7e: {  	v5 =	vadd.s32 s30, v5;
	v6 =	vsel vm10, $0x18A88, v6;
	s28 =	sand.u32 $0xFFFF, s28  }
0x7f: {  	vm11 =	veq.s32 v7, v6;
	v6 =	vmov s28;
	v7 =	vor.u32 s28, v2;
	s28 =	sor.u32 $0x70, s26  }
0x80: {  	v5 =	vsel vm11, v0, v5;
	vm12 =	vne.s32 v6, v2;
	vm13 =	vgt.u32 v7, $0x32;
	s31 =	sand.u32 $0xFFF0, s28  }
0x81: {  	vm14 =	vgt.u32 v7, $0x46;
	v6 =	vsel vm12, $0x1, v3;
	v14 =	vsel vm13, $0x1, v3;
	s30 =	sshrl.u32 s31, $0x4  }
0x82: {  	vm15 =	vgt.u32 v7, $0x1D6;
	v15 =	vsel vm14, $0x1, v3;
	v6 =	vadd.s32 v6, v14;
	s30 =	smul.u32 $0x129F, s30  }
0x83: {  	vm4 =	vgt.u32 v7, $0x366;
	[tilespmem:$0x16E50] =	vst v5;
	v5 =	vadd.s32 v15, v6;
	v6 =	vsel vm15, $0x1, v3  }
0x84: {  	s29 =	smul.u32 $0x5, s29;
	v7 =	vld [tilespmem:s25+$0xFFFFFF60];
	v5 =	vadd.s32 v6, v5;
	v6 =	vsel vm4, $0x1, v3;
	s30 =	sshrl.u32 s30, $0x12  }
0x85: {  	v5 =	vadd.s32 v6, v5;
	s31 =	smul.u32 $0x370, s30  }
0x86: {  	vm5 =	veq.s32 v5, $0x0  }
0x87: {  	s29 =	sadd.s32 s29, s4;
	vm6 =	veq.s32 v5, $0x2;
	v6 =	vsel vm5, $0xFFFFFFFF, v4;
	s28 =	ssub.s32 s28, s31  }
0x88: {  	v5 =	vadd.s32 s29, v5;
	v6 =	vsel vm6, $0x18A88, v6;
	s28 =	sand.u32 $0xFFFF, s28  }
0x89: {  	vm7 =	veq.s32 v7, v6;
	v6 =	vmov s28;
	v7 =	vor.u32 s28, v2;
	s28 =	sadd.s32 $0x80, s26  }
0x8a: {  	v5 =	vsel vm7, v0, v5;
	vm8 =	vne.s32 v6, v2;
	vm9 =	vgt.u32 v7, $0x32;
	s31 =	sand.u32 $0xFFF0, s28  }
0x8b: {  	vm10 =	vgt.u32 v7, $0x46;
	v6 =	vsel vm8, $0x1, v3;
	v16 =	vsel vm9, $0x1, v3;
	s29 =	sshrl.u32 s31, $0x4  }
0x8c: {  	vm11 =	vgt.u32 v7, $0x1D6;
	v17 =	vsel vm10, $0x1, v3;
	v6 =	vadd.s32 v6, v16;
	s29 =	smul.u32 $0x129F, s29  }
0x8d: {  	vm12 =	vgt.u32 v7, $0x366;
	[tilespmem:$0x16E60] =	vst v5;
	v5 =	vadd.s32 v17, v6;
	v6 =	vsel vm11, $0x1, v3  }
0x8e: {  	s30 =	smul.u32 $0x5, s30;
	v7 =	vld [tilespmem:s25+$0xFFFFFF70];
	v5 =	vadd.s32 v6, v5;
	v6 =	vsel vm12, $0x1, v3;
	s29 =	sshrl.u32 s29, $0x12  }
0x8f: {  	v5 =	vadd.s32 v6, v5;
	s31 =	smul.u32 $0x370, s29  }
0x90: {  	vm13 =	veq.s32 v5, $0x0  }
0x91: {  	s30 =	sadd.s32 s30, s4;
	vm14 =	veq.s32 v5, $0x2;
	v6 =	vsel vm13, $0xFFFFFFFF, v4;
	s28 =	ssub.s32 s28, s31  }
0x92: {  	v5 =	vadd.s32 s30, v5;
	v6 =	vsel vm14, $0x18A88, v6;
	s28 =	sand.u32 $0xFFFF, s28  }
0x93: {  	vm15 =	veq.s32 v7, v6;
	v6 =	vmov s28;
	v7 =	vor.u32 s28, v2;
	s28 =	sor.u32 $0x90, s26  }
0x94: {  	v5 =	vsel vm15, v0, v5;
	vm4 =	vne.s32 v6, v2;
	vm5 =	vgt.u32 v7, $0x32;
	s31 =	sand.u32 $0xFFF0, s28  }
0x95: {  	vm6 =	vgt.u32 v7, $0x46;
	v6 =	vsel vm4, $0x1, v3;
	v18 =	vsel vm5, $0x1, v3;
	s30 =	sshrl.u32 s31, $0x4  }
0x96: {  	vm7 =	vgt.u32 v7, $0x1D6;
	v19 =	vsel vm6, $0x1, v3;
	v6 =	vadd.s32 v6, v18;
	s30 =	smul.u32 $0x129F, s30  }
0x97: {  	vm8 =	vgt.u32 v7, $0x366;
	[tilespmem:$0x16E70] =	vst v5;
	v5 =	vadd.s32 v19, v6;
	v6 =	vsel vm7, $0x1, v3  }
0x98: {  	s29 =	smul.u32 $0x5, s29;
	v7 =	vld [tilespmem:s25+$0xFFFFFF80];
	v5 =	vadd.s32 v6, v5;
	v6 =	vsel vm8, $0x1, v3;
	s30 =	sshrl.u32 s30, $0x12  }
0x99: {  	v5 =	vadd.s32 v6, v5;
	s31 =	smul.u32 $0x370, s30  }
0x9a: {  	vm9 =	veq.s32 v5, $0x0  }
0x9b: {  	s29 =	sadd.s32 s29, s4;
	vm10 =	veq.s32 v5, $0x2;
	v6 =	vsel vm9, $0xFFFFFFFF, v4;
	s28 =	ssub.s32 s28, s31  }
0x9c: {  	v5 =	vadd.s32 s29, v5;
	v6 =	vsel vm10, $0x18A88, v6;
	s28 =	sand.u32 $0xFFFF, s28  }
0x9d: {  	vm11 =	veq.s32 v7, v6;
	v6 =	vmov s28;
	v7 =	vor.u32 s28, v2;
	s28 =	sor.u32 $0xA0, s26  }
0x9e: {  	v5 =	vsel vm11, v0, v5;
	vm12 =	vne.s32 v6, v2;
	vm13 =	vgt.u32 v7, $0x32;
	s31 =	sand.u32 $0xFFF0, s28  }
0x9f: {  	vm14 =	vgt.u32 v7, $0x46;
	v6 =	vsel vm12, $0x1, v3;
	v20 =	vsel vm13, $0x1, v3;
	s29 =	sshrl.u32 s31, $0x4  }
0xa0: {  	vm15 =	vgt.u32 v7, $0x1D6;
	v21 =	vsel vm14, $0x1, v3;
	v6 =	vadd.s32 v6, v20;
	s29 =	smul.u32 $0x129F, s29  }
0xa1: {  	vm4 =	vgt.u32 v7, $0x366;
	[tilespmem:$0x16E80] =	vst v5;
	v5 =	vadd.s32 v21, v6;
	v6 =	vsel vm15, $0x1, v3  }
0xa2: {  	s30 =	smul.u32 $0x5, s30;
	v7 =	vld [tilespmem:s25+$0xFFFFFF90];
	v5 =	vadd.s32 v6, v5;
	v6 =	vsel vm4, $0x1, v3;
	s29 =	sshrl.u32 s29, $0x12  }
0xa3: {  	v5 =	vadd.s32 v6, v5;
	s31 =	smul.u32 $0x370, s29  }
0xa4: {  	vm5 =	veq.s32 v5, $0x0  }
0xa5: {  	s30 =	sadd.s32 s30, s4;
	vm6 =	veq.s32 v5, $0x2;
	v6 =	vsel vm5, $0xFFFFFFFF, v4;
	s28 =	ssub.s32 s28, s31  }
0xa6: {  	v5 =	vadd.s32 s30, v5;
	v6 =	vsel vm6, $0x18A88, v6;
	s28 =	sand.u32 $0xFFFF, s28  }
0xa7: {  	vm7 =	veq.s32 v7, v6;
	v6 =	vmov s28;
	v7 =	vor.u32 s28, v2;
	s28 =	sor.u32 $0xB0, s26  }
0xa8: {  	v5 =	vsel vm7, v0, v5;
	vm8 =	vne.s32 v6, v2;
	vm9 =	vgt.u32 v7, $0x32;
	s31 =	sand.u32 $0xFFF0, s28  }
0xa9: {  	vm10 =	vgt.u32 v7, $0x46;
	v6 =	vsel vm8, $0x1, v3;
	v22 =	vsel vm9, $0x1, v3;
	s30 =	sshrl.u32 s31, $0x4  }
0xaa: {  	vm11 =	vgt.u32 v7, $0x1D6;
	v23 =	vsel vm10, $0x1, v3;
	v6 =	vadd.s32 v6, v22;
	s30 =	smul.u32 $0x129F, s30  }
0xab: {  	vm12 =	vgt.u32 v7, $0x366;
	[tilespmem:$0x16E90] =	vst v5;
	v5 =	vadd.s32 v23, v6;
	v6 =	vsel vm11, $0x1, v3  }
0xac: {  	s29 =	smul.u32 $0x5, s29;
	v7 =	vld [tilespmem:s25+$0xFFFFFFA0];
	v5 =	vadd.s32 v6, v5;
	v6 =	vsel vm12, $0x1, v3;
	s30 =	sshrl.u32 s30, $0x12  }
0xad: {  	v5 =	vadd.s32 v6, v5;
	s31 =	smul.u32 $0x370, s30  }
0xae: {  	vm13 =	veq.s32 v5, $0x0  }
0xaf: {  	s29 =	sadd.s32 s29, s4;
	vm14 =	veq.s32 v5, $0x2;
	v6 =	vsel vm13, $0xFFFFFFFF, v4;
	s28 =	ssub.s32 s28, s31  }
0xb0: {  	v5 =	vadd.s32 s29, v5;
	v6 =	vsel vm14, $0x18A88, v6;
	s28 =	sand.u32 $0xFFFF, s28  }
0xb1: {  	vm15 =	veq.s32 v7, v6;
	v6 =	vmov s28;
	v7 =	vor.u32 s28, v2;
	s28 =	sor.u32 $0xC0, s26  }
0xb2: {  	v5 =	vsel vm15, v0, v5;
	vm4 =	vne.s32 v6, v2;
	vm5 =	vgt.u32 v7, $0x32;
	s31 =	sand.u32 $0xFFF0, s28  }
0xb3: {  	vm6 =	vgt.u32 v7, $0x46;
	v6 =	vsel vm4, $0x1, v3;
	v24 =	vsel vm5, $0x1, v3;
	s29 =	sshrl.u32 s31, $0x4  }
0xb4: {  	vm7 =	vgt.u32 v7, $0x1D6;
	v25 =	vsel vm6, $0x1, v3;
	v6 =	vadd.s32 v6, v24;
	s29 =	smul.u32 $0x129F, s29  }
0xb5: {  	vm8 =	vgt.u32 v7, $0x366;
	[tilespmem:$0x16EA0] =	vst v5;
	v5 =	vadd.s32 v25, v6;
	v6 =	vsel vm7, $0x1, v3  }
0xb6: {  	s30 =	smul.u32 $0x5, s30;
	v7 =	vld [tilespmem:s25+$0xFFFFFFB0];
	v5 =	vadd.s32 v6, v5;
	v6 =	vsel vm8, $0x1, v3;
	s29 =	sshrl.u32 s29, $0x12  }
0xb7: {  	v5 =	vadd.s32 v6, v5;
	s31 =	smul.u32 $0x370, s29  }
0xb8: {  	vm9 =	veq.s32 v5, $0x0  }
0xb9: {  	s30 =	sadd.s32 s30, s4;
	vm10 =	veq.s32 v5, $0x2;
	v6 =	vsel vm9, $0xFFFFFFFF, v4;
	s28 =	ssub.s32 s28, s31  }
0xba: {  	v5 =	vadd.s32 s30, v5;
	v6 =	vsel vm10, $0x18A88, v6;
	s28 =	sand.u32 $0xFFFF, s28  }
0xbb: {  	vm11 =	veq.s32 v7, v6;
	v6 =	vmov s28;
	v7 =	vor.u32 s28, v2;
	s28 =	sor.u32 $0xD0, s26  }
0xbc: {  	v5 =	vsel vm11, v0, v5;
	vm12 =	vne.s32 v6, v2;
	vm13 =	vgt.u32 v7, $0x32;
	s31 =	sand.u32 $0xFFF0, s28  }
0xbd: {  	vm14 =	vgt.u32 v7, $0x46;
	v6 =	vsel vm12, $0x1, v3;
	v26 =	vsel vm13, $0x1, v3;
	s30 =	sshrl.u32 s31, $0x4  }
0xbe: {  	vm15 =	vgt.u32 v7, $0x1D6;
	v27 =	vsel vm14, $0x1, v3;
	v6 =	vadd.s32 v6, v26;
	s30 =	smul.u32 $0x129F, s30  }
0xbf: {  	vm4 =	vgt.u32 v7, $0x366;
	[tilespmem:$0x16EB0] =	vst v5;
	v5 =	vadd.s32 v27, v6;
	v6 =	vsel vm15, $0x1, v3  }
0xc0: {  	s29 =	smul.u32 $0x5, s29;
	v7 =	vld [tilespmem:s25+$0xFFFFFFC0];
	v5 =	vadd.s32 v6, v5;
	v6 =	vsel vm4, $0x1, v3;
	s30 =	sshrl.u32 s30, $0x12  }
0xc1: {  	v5 =	vadd.s32 v6, v5;
	s31 =	smul.u32 $0x370, s30  }
0xc2: {  	vm5 =	veq.s32 v5, $0x0  }
0xc3: {  	s29 =	sadd.s32 s29, s4;
	vm6 =	veq.s32 v5, $0x2;
	v6 =	vsel vm5, $0xFFFFFFFF, v4;
	s28 =	ssub.s32 s28, s31  }
0xc4: {  	v5 =	vadd.s32 s29, v5;
	v6 =	vsel vm6, $0x18A88, v6;
	s28 =	sand.u32 $0xFFFF, s28  }
0xc5: {  	vm7 =	veq.s32 v7, v6;
	v6 =	vmov s28;
	v7 =	vor.u32 s28, v2;
	s28 =	sor.u32 $0xE0, s26  }
0xc6: {  	v5 =	vsel vm7, v0, v5;
	vm8 =	vne.s32 v6, v2;
	vm9 =	vgt.u32 v7, $0x32;
	s31 =	sand.u32 $0xFFF0, s28  }
0xc7: {  	vm10 =	vgt.u32 v7, $0x46;
	v6 =	vsel vm8, $0x1, v3;
	v28 =	vsel vm9, $0x1, v3;
	s29 =	sshrl.u32 s31, $0x4  }
0xc8: {  	vm11 =	vgt.u32 v7, $0x1D6;
	v29 =	vsel vm10, $0x1, v3;
	v6 =	vadd.s32 v6, v28;
	s29 =	smul.u32 $0x129F, s29  }
0xc9: {  	vm12 =	vgt.u32 v7, $0x366;
	[tilespmem:$0x16EC0] =	vst v5;
	v5 =	vadd.s32 v29, v6;
	v6 =	vsel vm11, $0x1, v3  }
0xca: {  	s30 =	smul.u32 $0x5, s30;
	v7 =	vld [tilespmem:s25+$0xFFFFFFD0];
	v5 =	vadd.s32 v6, v5;
	v6 =	vsel vm12, $0x1, v3;
	s29 =	sshrl.u32 s29, $0x12  }
0xcb: {  	v5 =	vadd.s32 v6, v5;
	s31 =	smul.u32 $0x370, s29  }
0xcc: {  	vm13 =	veq.s32 v5, $0x0  }
0xcd: {  	s30 =	sadd.s32 s30, s4;
	vm14 =	veq.s32 v5, $0x2;
	v6 =	vsel vm13, $0xFFFFFFFF, v4;
	s28 =	ssub.s32 s28, s31  }
0xce: {  	v5 =	vadd.s32 s30, v5;
	v6 =	vsel vm14, $0x18A88, v6;
	s28 =	sand.u32 $0xFFFF, s28  }
0xcf: {  	vm15 =	veq.s32 v7, v6;
	v6 =	vmov s28;
	v7 =	vor.u32 s28, v2;
	s28 =	sor.u32 $0xF0, s26  }
0xd0: {  	v5 =	vsel vm15, v0, v5;
	vm4 =	vne.s32 v6, v2;
	vm5 =	vgt.u32 v7, $0x32;
	s31 =	sand.u32 $0xFFF0, s28  }
0xd1: {  	vm6 =	vgt.u32 v7, $0x46;
	v6 =	vsel vm4, $0x1, v3;
	v30 =	vsel vm5, $0x1, v3;
	s30 =	sshrl.u32 s31, $0x4  }
0xd2: {  	vm7 =	vgt.u32 v7, $0x1D6;
	v31 =	vsel vm6, $0x1, v3;
	v6 =	vadd.s32 v6, v30;
	s30 =	smul.u32 $0x129F, s30  }
0xd3: {  	vm8 =	vgt.u32 v7, $0x366;
	[tilespmem:$0x16ED0] =	vst v5;
	v5 =	vadd.s32 v31, v6;
	v6 =	vsel vm7, $0x1, v3  }
0xd4: {  	s29 =	smul.u32 $0x5, s29;
	v7 =	vld [tilespmem:s25+$0xFFFFFFE0];
	v5 =	vadd.s32 v6, v5;
	v6 =	vsel vm8, $0x1, v3;
	s30 =	sshrl.u32 s30, $0x12  }
0xd5: {  	v5 =	vadd.s32 v6, v5;
	s31 =	smul.u32 $0x370, s30  }
0xd6: {  	vm9 =	veq.s32 v5, $0x0  }
0xd7: {  	s29 =	sadd.s32 s29, s4;
	vm10 =	veq.s32 v5, $0x2;
	v6 =	vsel vm9, $0xFFFFFFFF, v4;
	s28 =	ssub.s32 s28, s31  }
0xd8: {  	v5 =	vadd.s32 s29, v5;
	v6 =	vsel vm10, $0x18A88, v6;
	s28 =	sand.u32 $0xFFFF, s28  }
0xd9: {  	vm11 =	veq.s32 v7, v6;
	v6 =	vmov s28;
	v7 =	vor.u32 s28, v2  }
0xda: {  	v5 =	vsel vm11, v0, v5;
	vm12 =	vne.s32 v6, v2;
	vm13 =	vgt.u32 v7, $0x32  }
0xdb: {  	vm14 =	vgt.u32 v7, $0x46;
	v6 =	vsel vm12, $0x1, v3;
	v32 =	vsel vm13, $0x1, v3  }
0xdc: {  	vm15 =	vgt.u32 v7, $0x1D6;
	v33 =	vsel vm14, $0x1, v3;
	v6 =	vadd.s32 v6, v32  }
0xdd: {  	s29 =	smul.u32 $0x5, s30;
	vm4 =	vgt.u32 v7, $0x366;
	[tilespmem:$0x16EE0] =	vst v5;
	v5 =	vadd.s32 v33, v6;
	v6 =	vsel vm15, $0x1, v3  }
0xde: {  	v7 =	vld [tilespmem:s25+$0xFFFFFFF0];
	v5 =	vadd.s32 v6, v5;
	v6 =	vsel vm4, $0x1, v3  }
0xdf: {  	s28 =	sadd.s32 s29, s4;
	v5 =	vadd.s32 v6, v5  }
0xe0: {  	vm5 =	veq.s32 v5, $0x0;
	vm6 =	veq.s32 v5, $0x2;
	v5 =	vadd.s32 s28, v5;
	s28 =	sadd.s32 $0x100, s26  }
0xe1: {  	v6 =	vsel vm5, $0xFFFFFFFF, v4;
	s30 =	sand.u32 $0xFFF0, s28  }
0xe2: {  	v6 =	vsel vm6, $0x18A88, v6;
	s29 =	sshrl.u32 s30, $0x4  }
0xe3: {  	vm7 =	veq.s32 v7, v6;
	s29 =	smul.u32 $0x129F, s29  }
0xe4: {  	v5 =	vsel vm7, v0, v5  }
0xe5: {  	[tilespmem:$0x16EF0] =	vst v5;
	s29 =	sshrl.u32 s29, $0x12  }
0xe6: {  	_ =	swait.ge [sflag:s16], $0x8000;
	s31 =	smul.u32 $0x370, s29  }
0xe7: {  	[sflag:s16] =	ssyncset.done $0x0  }
0xe8: {  	p0 =	seq.s32 s26, $0x0;
	[sflag:s16] =	ssyncadd.s32 $0xFFFF8000;
	s28 =	ssub.s32 s28, s31  }
0xe9: {  	[spmem:s3] =	stream.indirect.scatter.add.f32 [tilespmem:s15], [sflag:$0x3], $0x80, s18, s17, $0xb8;
	[tilespmem:$0x1C400] =	vst v63  }
0xea: {  	s30 =	simm.s32 @!p0 $0x4;
	s28 =	sand.u32 $0xFFFF, s28  }
0xeb: {  	_ =	swait.ge @!p0 [sflag:s30], $0x8000;
	v5 =	vmov s28;
	v6 =	vor.u32 s28, v2;
	s28 =	sor.u32 $0x110, s26  }
0xec: {  	[sflag:s30] =	ssyncset.done @!p0 $0x0;
	vm8 =	vne.s32 v5, v2;
	vm9 =	vgt.u32 v6, $0x32;
	s31 =	sand.u32 $0xFFF0, s28  }
0xed: {  	vm10 =	vgt.u32 v6, $0x46;
	[sflag:s30] =	ssyncadd.s32 @!p0 $0xFFFF8000;
	v5 =	vsel vm8, $0x1, v3;
	v7 =	vsel vm9, $0x1, v3;
	s30 =	sshrl.u32 s31, $0x4  }
0xee: {  	vm11 =	vgt.u32 v6, $0x1D6;
	v5 =	vadd.s32 v5, v7;
	v7 =	vsel vm10, $0x1, v3;
	s30 =	smul.u32 $0x129F, s30  }
0xef: {  	vm12 =	vgt.u32 v6, $0x366;
	[tilespmem:s19], [sflag:$0x2] =	stream.indirect.gather [hbm4b:s2+s17], $0x80, s25, s17, $0xb8;
	v5 =	vadd.s32 v7, v5;
	v7 =	vsel vm11, $0x1, v3;
	[tilespmem:$0x1C400] =	vst v63  }
0xf0: {  	s29 =	smul.u32 $0x5, s29;
	v6 =	vsel vm12, $0x1, v3;
	v5 =	vadd.s32 v7, v5;
	v7 =	vld [tilespmem:s25+$0x0];
	s30 =	sshrl.u32 s30, $0x12  }
0xf1: {  	v5 =	vadd.s32 v6, v5;
	s31 =	smul.u32 $0x370, s30  }
0xf2: {  	vm13 =	veq.s32 v5, $0x0  }
0xf3: {  	s29 =	sadd.s32 s29, s4;
	vm14 =	veq.s32 v5, $0x2;
	v6 =	vsel vm13, $0xFFFFFFFF, v4;
	s28 =	ssub.s32 s28, s31  }
0xf4: {  	v5 =	vadd.s32 s29, v5;
	v6 =	vsel vm14, $0x18A88, v6;
	s28 =	sand.u32 $0xFFFF, s28  }
0xf5: {  	vm15 =	veq.s32 v7, v6;
	v6 =	vmov s28;
	v7 =	vor.u32 s28, v2;
	s28 =	sor.u32 $0x120, s26  }
0xf6: {  	v5 =	vsel vm15, v0, v5;
	vm4 =	vne.s32 v6, v2;
	vm5 =	vgt.u32 v7, $0x32;
	s31 =	sand.u32 $0xFFF0, s28  }
0xf7: {  	vm6 =	vgt.u32 v7, $0x46;
	v6 =	vsel vm4, $0x1, v3;
	v34 =	vsel vm5, $0x1, v3;
	s29 =	sshrl.u32 s31, $0x4  }
0xf8: {  	vm7 =	vgt.u32 v7, $0x1D6;
	v35 =	vsel vm6, $0x1, v3;
	v6 =	vadd.s32 v6, v34;
	s29 =	smul.u32 $0x129F, s29  }
0xf9: {  	vm8 =	vgt.u32 v7, $0x366;
	[tilespmem:$0x16F00] =	vst v5;
	v5 =	vadd.s32 v35, v6;
	v6 =	vsel vm7, $0x1, v3  }
0xfa: {  	s30 =	smul.u32 $0x5, s30;
	v7 =	vld [tilespmem:s25+$0x10];
	v5 =	vadd.s32 v6, v5;
	v6 =	vsel vm8, $0x1, v3;
	s29 =	sshrl.u32 s29, $0x12  }
0xfb: {  	v5 =	vadd.s32 v6, v5;
	s31 =	smul.u32 $0x370, s29  }
0xfc: {  	vm9 =	veq.s32 v5, $0x0  }
0xfd: {  	s30 =	sadd.s32 s30, s4;
	vm10 =	veq.s32 v5, $0x2;
	v6 =	vsel vm9, $0xFFFFFFFF, v4;
	s28 =	ssub.s32 s28, s31  }
0xfe: {  	v5 =	vadd.s32 s30, v5;
	v6 =	vsel vm10, $0x18A88, v6;
	s28 =	sand.u32 $0xFFFF, s28  }
0xff: {  	vm11 =	veq.s32 v7, v6;
	v6 =	vmov s28;
	v7 =	vor.u32 s28, v2;
	s28 =	sor.u32 $0x130, s26  }
0x100: {  	v5 =	vsel vm11, v0, v5;
	vm12 =	vne.s32 v6, v2;
	vm13 =	vgt.u32 v7, $0x32;
	s31 =	sand.u32 $0xFFF0, s28  }
0x101: {  	vm14 =	vgt.u32 v7, $0x46;
	v6 =	vsel vm12, $0x1, v3;
	v36 =	vsel vm13, $0x1, v3;
	s30 =	sshrl.u32 s31, $0x4  }
0x102: {  	vm15 =	vgt.u32 v7, $0x1D6;
	v37 =	vsel vm14, $0x1, v3;
	v6 =	vadd.s32 v6, v36;
	s30 =	smul.u32 $0x129F, s30  }
0x103: {  	vm4 =	vgt.u32 v7, $0x366;
	[tilespmem:$0x16F10] =	vst v5;
	v5 =	vadd.s32 v37, v6;
	v6 =	vsel vm15, $0x1, v3  }
0x104: {  	s29 =	smul.u32 $0x5, s29;
	v7 =	vld [tilespmem:s25+$0x20];
	v5 =	vadd.s32 v6, v5;
	v6 =	vsel vm4, $0x1, v3;
	s30 =	sshrl.u32 s30, $0x12  }
0x105: {  	v5 =	vadd.s32 v6, v5;
	s31 =	smul.u32 $0x370, s30  }
0x106: {  	vm5 =	veq.s32 v5, $0x0  }
0x107: {  	s29 =	sadd.s32 s29, s4;
	vm6 =	veq.s32 v5, $0x2;
	v6 =	vsel vm5, $0xFFFFFFFF, v4;
	s28 =	ssub.s32 s28, s31  }
0x108: {  	v5 =	vadd.s32 s29, v5;
	v6 =	vsel vm6, $0x18A88, v6;
	s28 =	sand.u32 $0xFFFF, s28  }
0x109: {  	vm7 =	veq.s32 v7, v6;
	v6 =	vmov s28;
	v7 =	vor.u32 s28, v2;
	s28 =	sor.u32 $0x140, s26  }
0x10a: {  	v5 =	vsel vm7, v0, v5;
	vm8 =	vne.s32 v6, v2;
	vm9 =	vgt.u32 v7, $0x32;
	s31 =	sand.u32 $0xFFF0, s28  }
0x10b: {  	vm10 =	vgt.u32 v7, $0x46;
	v6 =	vsel vm8, $0x1, v3;
	v38 =	vsel vm9, $0x1, v3;
	s29 =	sshrl.u32 s31, $0x4  }
0x10c: {  	vm11 =	vgt.u32 v7, $0x1D6;
	v39 =	vsel vm10, $0x1, v3;
	v6 =	vadd.s32 v6, v38;
	s29 =	smul.u32 $0x129F, s29  }
0x10d: {  	vm12 =	vgt.u32 v7, $0x366;
	[tilespmem:$0x16F20] =	vst v5;
	v5 =	vadd.s32 v39, v6;
	v6 =	vsel vm11, $0x1, v3  }
0x10e: {  	s30 =	smul.u32 $0x5, s30;
	v7 =	vld [tilespmem:s25+$0x30];
	v5 =	vadd.s32 v6, v5;
	v6 =	vsel vm12, $0x1, v3;
	s29 =	sshrl.u32 s29, $0x12  }
0x10f: {  	v5 =	vadd.s32 v6, v5;
	s31 =	smul.u32 $0x370, s29  }
0x110: {  	vm13 =	veq.s32 v5, $0x0  }
0x111: {  	s30 =	sadd.s32 s30, s4;
	vm14 =	veq.s32 v5, $0x2;
	v6 =	vsel vm13, $0xFFFFFFFF, v4;
	s28 =	ssub.s32 s28, s31  }
0x112: {  	v5 =	vadd.s32 s30, v5;
	v6 =	vsel vm14, $0x18A88, v6;
	s28 =	sand.u32 $0xFFFF, s28  }
0x113: {  	vm15 =	veq.s32 v7, v6;
	v6 =	vmov s28;
	v7 =	vor.u32 s28, v2;
	s28 =	sor.u32 $0x150, s26  }
0x114: {  	v5 =	vsel vm15, v0, v5;
	vm4 =	vne.s32 v6, v2;
	vm5 =	vgt.u32 v7, $0x32;
	s31 =	sand.u32 $0xFFF0, s28  }
0x115: {  	vm6 =	vgt.u32 v7, $0x46;
	v6 =	vsel vm4, $0x1, v3;
	v40 =	vsel vm5, $0x1, v3;
	s30 =	sshrl.u32 s31, $0x4  }
0x116: {  	vm7 =	vgt.u32 v7, $0x1D6;
	v41 =	vsel vm6, $0x1, v3;
	v6 =	vadd.s32 v6, v40;
	s30 =	smul.u32 $0x129F, s30  }
0x117: {  	vm8 =	vgt.u32 v7, $0x366;
	[tilespmem:$0x16F30] =	vst v5;
	v5 =	vadd.s32 v41, v6;
	v6 =	vsel vm7, $0x1, v3  }
0x118: {  	s29 =	smul.u32 $0x5, s29;
	v7 =	vld [tilespmem:s25+$0x40];
	v5 =	vadd.s32 v6, v5;
	v6 =	vsel vm8, $0x1, v3;
	s30 =	sshrl.u32 s30, $0x12  }
0x119: {  	v5 =	vadd.s32 v6, v5;
	s31 =	smul.u32 $0x370, s30  }
0x11a: {  	vm9 =	veq.s32 v5, $0x0  }
0x11b: {  	s29 =	sadd.s32 s29, s4;
	vm10 =	veq.s32 v5, $0x2;
	v6 =	vsel vm9, $0xFFFFFFFF, v4;
	s28 =	ssub.s32 s28, s31  }
0x11c: {  	v5 =	vadd.s32 s29, v5;
	v6 =	vsel vm10, $0x18A88, v6;
	s28 =	sand.u32 $0xFFFF, s28  }
0x11d: {  	vm11 =	veq.s32 v7, v6;
	v6 =	vmov s28;
	v7 =	vor.u32 s28, v2;
	s28 =	sor.u32 $0x160, s26  }
0x11e: {  	v5 =	vsel vm11, v0, v5;
	vm12 =	vne.s32 v6, v2;
	vm13 =	vgt.u32 v7, $0x32;
	s31 =	sand.u32 $0xFFF0, s28  }
0x11f: {  	vm14 =	vgt.u32 v7, $0x46;
	v6 =	vsel vm12, $0x1, v3;
	v42 =	vsel vm13, $0x1, v3;
	s29 =	sshrl.u32 s31, $0x4  }
0x120: {  	vm15 =	vgt.u32 v7, $0x1D6;
	v43 =	vsel vm14, $0x1, v3;
	v6 =	vadd.s32 v6, v42;
	s29 =	smul.u32 $0x129F, s29  }
0x121: {  	vm4 =	vgt.u32 v7, $0x366;
	[tilespmem:$0x16F40] =	vst v5;
	v5 =	vadd.s32 v43, v6;
	v6 =	vsel vm15, $0x1, v3  }
0x122: {  	s30 =	smul.u32 $0x5, s30;
	v7 =	vld [tilespmem:s25+$0x50];
	v5 =	vadd.s32 v6, v5;
	v6 =	vsel vm4, $0x1, v3;
	s29 =	sshrl.u32 s29, $0x12  }
0x123: {  	v5 =	vadd.s32 v6, v5;
	s31 =	smul.u32 $0x370, s29  }
0x124: {  	vm5 =	veq.s32 v5, $0x0  }
0x125: {  	s30 =	sadd.s32 s30, s4;
	vm6 =	veq.s32 v5, $0x2;
	v6 =	vsel vm5, $0xFFFFFFFF, v4;
	s28 =	ssub.s32 s28, s31  }
0x126: {  	v5 =	vadd.s32 s30, v5;
	v6 =	vsel vm6, $0x18A88, v6;
	s28 =	sand.u32 $0xFFFF, s28  }
0x127: {  	vm7 =	veq.s32 v7, v6;
	v6 =	vmov s28;
	v7 =	vor.u32 s28, v2;
	s28 =	sor.u32 $0x170, s26  }
0x128: {  	v5 =	vsel vm7, v0, v5;
	vm8 =	vne.s32 v6, v2;
	vm9 =	vgt.u32 v7, $0x32;
	s31 =	sand.u32 $0xFFF0, s28  }
0x129: {  	vm10 =	vgt.u32 v7, $0x46;
	v6 =	vsel vm8, $0x1, v3;
	v44 =	vsel vm9, $0x1, v3;
	s30 =	sshrl.u32 s31, $0x4  }
0x12a: {  	vm11 =	vgt.u32 v7, $0x1D6;
	v45 =	vsel vm10, $0x1, v3;
	v6 =	vadd.s32 v6, v44;
	s30 =	smul.u32 $0x129F, s30  }
0x12b: {  	vm12 =	vgt.u32 v7, $0x366;
	[tilespmem:$0x16F50] =	vst v5;
	v5 =	vadd.s32 v45, v6;
	v6 =	vsel vm11, $0x1, v3  }
0x12c: {  	s29 =	smul.u32 $0x5, s29;
	v7 =	vld [tilespmem:s25+$0x60];
	v5 =	vadd.s32 v6, v5;
	v6 =	vsel vm12, $0x1, v3;
	s30 =	sshrl.u32 s30, $0x12  }
0x12d: {  	v5 =	vadd.s32 v6, v5;
	s31 =	smul.u32 $0x370, s30  }
0x12e: {  	vm13 =	veq.s32 v5, $0x0  }
0x12f: {  	s29 =	sadd.s32 s29, s4;
	vm14 =	veq.s32 v5, $0x2;
	v6 =	vsel vm13, $0xFFFFFFFF, v4;
	s28 =	ssub.s32 s28, s31  }
0x130: {  	v5 =	vadd.s32 s29, v5;
	v6 =	vsel vm14, $0x18A88, v6;
	s28 =	sand.u32 $0xFFFF, s28  }
0x131: {  	vm15 =	veq.s32 v7, v6;
	v6 =	vmov s28;
	v7 =	vor.u32 s28, v2;
	s28 =	sadd.s32 $0x180, s26  }
0x132: {  	v5 =	vsel vm15, v0, v5;
	vm4 =	vne.s32 v6, v2;
	vm5 =	vgt.u32 v7, $0x32;
	s31 =	sand.u32 $0xFFF0, s28  }
0x133: {  	vm6 =	vgt.u32 v7, $0x46;
	v6 =	vsel vm4, $0x1, v3;
	v46 =	vsel vm5, $0x1, v3;
	s29 =	sshrl.u32 s31, $0x4  }
0x134: {  	vm7 =	vgt.u32 v7, $0x1D6;
	v47 =	vsel vm6, $0x1, v3;
	v6 =	vadd.s32 v6, v46;
	s29 =	smul.u32 $0x129F, s29  }
0x135: {  	vm8 =	vgt.u32 v7, $0x366;
	[tilespmem:$0x16F60] =	vst v5;
	v5 =	vadd.s32 v47, v6;
	v6 =	vsel vm7, $0x1, v3  }
0x136: {  	s30 =	smul.u32 $0x5, s30;
	v7 =	vld [tilespmem:s25+$0x70];
	v5 =	vadd.s32 v6, v5;
	v6 =	vsel vm8, $0x1, v3;
	s29 =	sshrl.u32 s29, $0x12  }
0x137: {  	v5 =	vadd.s32 v6, v5;
	s31 =	smul.u32 $0x370, s29  }
0x138: {  	vm9 =	veq.s32 v5, $0x0  }
0x139: {  	s30 =	sadd.s32 s30, s4;
	vm10 =	veq.s32 v5, $0x2;
	v6 =	vsel vm9, $0xFFFFFFFF, v4;
	s28 =	ssub.s32 s28, s31  }
0x13a: {  	v5 =	vadd.s32 s30, v5;
	v6 =	vsel vm10, $0x18A88, v6;
	s28 =	sand.u32 $0xFFFF, s28  }
0x13b: {  	vm11 =	veq.s32 v7, v6;
	v6 =	vmov s28;
	v7 =	vor.u32 s28, v2;
	s28 =	sor.u32 $0x190, s26  }
0x13c: {  	v5 =	vsel vm11, v0, v5;
	vm12 =	vne.s32 v6, v2;
	vm13 =	vgt.u32 v7, $0x32;
	s31 =	sand.u32 $0xFFF0, s28  }
0x13d: {  	vm14 =	vgt.u32 v7, $0x46;
	v6 =	vsel vm12, $0x1, v3;
	v48 =	vsel vm13, $0x1, v3;
	s30 =	sshrl.u32 s31, $0x4  }
0x13e: {  	vm15 =	vgt.u32 v7, $0x1D6;
	v49 =	vsel vm14, $0x1, v3;
	v6 =	vadd.s32 v6, v48;
	s30 =	smul.u32 $0x129F, s30  }
0x13f: {  	vm4 =	vgt.u32 v7, $0x366;
	[tilespmem:$0x16F70] =	vst v5;
	v5 =	vadd.s32 v49, v6;
	v6 =	vsel vm15, $0x1, v3  }
0x140: {  	s29 =	smul.u32 $0x5, s29;
	v7 =	vld [tilespmem:s25+$0x80];
	v5 =	vadd.s32 v6, v5;
	v6 =	vsel vm4, $0x1, v3;
	s30 =	sshrl.u32 s30, $0x12  }
0x141: {  	v5 =	vadd.s32 v6, v5;
	s31 =	smul.u32 $0x370, s30  }
0x142: {  	vm5 =	veq.s32 v5, $0x0  }
0x143: {  	s29 =	sadd.s32 s29, s4;
	vm6 =	veq.s32 v5, $0x2;
	v6 =	vsel vm5, $0xFFFFFFFF, v4;
	s28 =	ssub.s32 s28, s31  }
0x144: {  	v5 =	vadd.s32 s29, v5;
	v6 =	vsel vm6, $0x18A88, v6;
	s28 =	sand.u32 $0xFFFF, s28  }
0x145: {  	vm7 =	veq.s32 v7, v6;
	v6 =	vmov s28;
	v7 =	vor.u32 s28, v2;
	s28 =	sor.u32 $0x1A0, s26  }
0x146: {  	v5 =	vsel vm7, v0, v5;
	vm8 =	vne.s32 v6, v2;
	vm9 =	vgt.u32 v7, $0x32;
	s31 =	sand.u32 $0xFFF0, s28  }
0x147: {  	vm10 =	vgt.u32 v7, $0x46;
	v6 =	vsel vm8, $0x1, v3;
	v50 =	vsel vm9, $0x1, v3;
	s29 =	sshrl.u32 s31, $0x4  }
0x148: {  	vm11 =	vgt.u32 v7, $0x1D6;
	v51 =	vsel vm10, $0x1, v3;
	v6 =	vadd.s32 v6, v50;
	s29 =	smul.u32 $0x129F, s29  }
0x149: {  	vm12 =	vgt.u32 v7, $0x366;
	[tilespmem:$0x16F80] =	vst v5;
	v5 =	vadd.s32 v51, v6;
	v6 =	vsel vm11, $0x1, v3  }
0x14a: {  	s30 =	smul.u32 $0x5, s30;
	v7 =	vld [tilespmem:s25+$0x90];
	v5 =	vadd.s32 v6, v5;
	v6 =	vsel vm12, $0x1, v3;
	s29 =	sshrl.u32 s29, $0x12  }
0x14b: {  	v5 =	vadd.s32 v6, v5;
	s31 =	smul.u32 $0x370, s29  }
0x14c: {  	vm13 =	veq.s32 v5, $0x0  }
0x14d: {  	s30 =	sadd.s32 s30, s4;
	vm14 =	veq.s32 v5, $0x2;
	v6 =	vsel vm13, $0xFFFFFFFF, v4;
	s28 =	ssub.s32 s28, s31  }
0x14e: {  	v5 =	vadd.s32 s30, v5;
	v6 =	vsel vm14, $0x18A88, v6;
	s28 =	sand.u32 $0xFFFF, s28  }
0x14f: {  	vm15 =	veq.s32 v7, v6;
	v6 =	vmov s28;
	v7 =	vor.u32 s28, v2;
	s28 =	sor.u32 $0x1B0, s26  }
0x150: {  	v5 =	vsel vm15, v0, v5;
	vm4 =	vne.s32 v6, v2;
	vm5 =	vgt.u32 v7, $0x32;
	s31 =	sand.u32 $0xFFF0, s28  }
0x151: {  	vm6 =	vgt.u32 v7, $0x46;
	v6 =	vsel vm4, $0x1, v3;
	v52 =	vsel vm5, $0x1, v3;
	s30 =	sshrl.u32 s31, $0x4  }
0x152: {  	vm7 =	vgt.u32 v7, $0x1D6;
	v53 =	vsel vm6, $0x1, v3;
	v6 =	vadd.s32 v6, v52;
	s30 =	smul.u32 $0x129F, s30  }
0x153: {  	vm8 =	vgt.u32 v7, $0x366;
	[tilespmem:$0x16F90] =	vst v5;
	v5 =	vadd.s32 v53, v6;
	v6 =	vsel vm7, $0x1, v3  }
0x154: {  	s29 =	smul.u32 $0x5, s29;
	v7 =	vld [tilespmem:s25+$0xA0];
	v5 =	vadd.s32 v6, v5;
	v6 =	vsel vm8, $0x1, v3;
	s30 =	sshrl.u32 s30, $0x12  }
0x155: {  	v5 =	vadd.s32 v6, v5;
	s31 =	smul.u32 $0x370, s30  }
0x156: {  	vm9 =	veq.s32 v5, $0x0  }
0x157: {  	s29 =	sadd.s32 s29, s4;
	vm10 =	veq.s32 v5, $0x2;
	v6 =	vsel vm9, $0xFFFFFFFF, v4;
	s28 =	ssub.s32 s28, s31  }
0x158: {  	v5 =	vadd.s32 s29, v5;
	v6 =	vsel vm10, $0x18A88, v6;
	s28 =	sand.u32 $0xFFFF, s28  }
0x159: {  	vm11 =	veq.s32 v7, v6;
	v6 =	vmov s28;
	v7 =	vor.u32 s28, v2;
	s28 =	sor.u32 $0x1C0, s26  }
0x15a: {  	v5 =	vsel vm11, v0, v5;
	vm12 =	vne.s32 v6, v2;
	vm13 =	vgt.u32 v7, $0x32;
	s31 =	sand.u32 $0xFFF0, s28  }
0x15b: {  	vm14 =	vgt.u32 v7, $0x46;
	v6 =	vsel vm12, $0x1, v3;
	v54 =	vsel vm13, $0x1, v3;
	s29 =	sshrl.u32 s31, $0x4  }
0x15c: {  	vm15 =	vgt.u32 v7, $0x1D6;
	v55 =	vsel vm14, $0x1, v3;
	v6 =	vadd.s32 v6, v54;
	s29 =	smul.u32 $0x129F, s29  }
0x15d: {  	vm4 =	vgt.u32 v7, $0x366;
	[tilespmem:$0x16FA0] =	vst v5;
	v5 =	vadd.s32 v55, v6;
	v6 =	vsel vm15, $0x1, v3  }
0x15e: {  	s30 =	smul.u32 $0x5, s30;
	v7 =	vld [tilespmem:s25+$0xB0];
	v5 =	vadd.s32 v6, v5;
	v6 =	vsel vm4, $0x1, v3;
	s29 =	sshrl.u32 s29, $0x12  }
0x15f: {  	v5 =	vadd.s32 v6, v5;
	s31 =	smul.u32 $0x370, s29  }
0x160: {  	vm5 =	veq.s32 v5, $0x0  }
0x161: {  	s30 =	sadd.s32 s30, s4;
	vm6 =	veq.s32 v5, $0x2;
	v6 =	vsel vm5, $0xFFFFFFFF, v4;
	s28 =	ssub.s32 s28, s31  }
0x162: {  	v5 =	vadd.s32 s30, v5;
	v6 =	vsel vm6, $0x18A88, v6;
	s28 =	sand.u32 $0xFFFF, s28  }
0x163: {  	vm7 =	veq.s32 v7, v6;
	v6 =	vmov s28;
	v7 =	vor.u32 s28, v2;
	s28 =	sor.u32 $0x1D0, s26  }
0x164: {  	v5 =	vsel vm7, v0, v5;
	vm8 =	vne.s32 v6, v2;
	vm9 =	vgt.u32 v7, $0x32;
	s31 =	sand.u32 $0xFFF0, s28  }
0x165: {  	vm10 =	vgt.u32 v7, $0x46;
	v6 =	vsel vm8, $0x1, v3;
	v56 =	vsel vm9, $0x1, v3;
	s30 =	sshrl.u32 s31, $0x4  }
0x166: {  	vm11 =	vgt.u32 v7, $0x1D6;
	v57 =	vsel vm10, $0x1, v3;
	v6 =	vadd.s32 v6, v56;
	s30 =	smul.u32 $0x129F, s30  }
0x167: {  	vm12 =	vgt.u32 v7, $0x366;
	[tilespmem:$0x16FB0] =	vst v5;
	v5 =	vadd.s32 v57, v6;
	v6 =	vsel vm11, $0x1, v3  }
0x168: {  	s29 =	smul.u32 $0x5, s29;
	v7 =	vld [tilespmem:s25+$0xC0];
	v5 =	vadd.s32 v6, v5;
	v6 =	vsel vm12, $0x1, v3;
	s30 =	sshrl.u32 s30, $0x12  }
0x169: {  	v5 =	vadd.s32 v6, v5;
	s31 =	smul.u32 $0x370, s30  }
0x16a: {  	vm13 =	veq.s32 v5, $0x0  }
0x16b: {  	s29 =	sadd.s32 s29, s4;
	vm14 =	veq.s32 v5, $0x2;
	v6 =	vsel vm13, $0xFFFFFFFF, v4;
	s28 =	ssub.s32 s28, s31  }
0x16c: {  	v5 =	vadd.s32 s29, v5;
	v6 =	vsel vm14, $0x18A88, v6;
	s28 =	sand.u32 $0xFFFF, s28  }
0x16d: {  	vm15 =	veq.s32 v7, v6;
	v6 =	vmov s28;
	v7 =	vor.u32 s28, v2;
	s28 =	sor.u32 $0x1E0, s26  }
0x16e: {  	v5 =	vsel vm15, v0, v5;
	vm4 =	vne.s32 v6, v2;
	vm5 =	vgt.u32 v7, $0x32;
	s31 =	sand.u32 $0xFFF0, s28  }
0x16f: {  	vm6 =	vgt.u32 v7, $0x46;
	v6 =	vsel vm4, $0x1, v3;
	v58 =	vsel vm5, $0x1, v3;
	s29 =	sshrl.u32 s31, $0x4  }
0x170: {  	vm7 =	vgt.u32 v7, $0x1D6;
	v59 =	vsel vm6, $0x1, v3;
	v6 =	vadd.s32 v6, v58;
	s29 =	smul.u32 $0x129F, s29  }
0x171: {  	vm8 =	vgt.u32 v7, $0x366;
	[tilespmem:$0x16FC0] =	vst v5;
	v5 =	vadd.s32 v59, v6;
	v6 =	vsel vm7, $0x1, v3  }
0x172: {  	s30 =	smul.u32 $0x5, s30;
	v7 =	vld [tilespmem:s25+$0xD0];
	v5 =	vadd.s32 v6, v5;
	v6 =	vsel vm8, $0x1, v3;
	s29 =	sshrl.u32 s29, $0x12  }
0x173: {  	v5 =	vadd.s32 v6, v5;
	s31 =	smul.u32 $0x370, s29  }
0x174: {  	vm9 =	veq.s32 v5, $0x0  }
0x175: {  	s30 =	sadd.s32 s30, s4;
	vm10 =	veq.s32 v5, $0x2;
	v6 =	vsel vm9, $0xFFFFFFFF, v4;
	s28 =	ssub.s32 s28, s31  }
0x176: {  	v5 =	vadd.s32 s30, v5;
	v6 =	vsel vm10, $0x18A88, v6;
	s28 =	sand.u32 $0xFFFF, s28  }
0x177: {  	vm11 =	veq.s32 v7, v6;
	v6 =	vmov s28;
	v7 =	vor.u32 s28, v2;
	s28 =	sor.u32 $0x1F0, s26  }
0x178: {  	v5 =	vsel vm11, v0, v5;
	vm12 =	vne.s32 v6, v2;
	vm13 =	vgt.u32 v7, $0x32;
	s31 =	sand.u32 $0xFFF0, s28  }
0x179: {  	vm14 =	vgt.u32 v7, $0x46;
	v6 =	vsel vm12, $0x1, v3;
	v60 =	vsel vm13, $0x1, v3;
	s30 =	sshrl.u32 s31, $0x4  }
0x17a: {  	vm15 =	vgt.u32 v7, $0x1D6;
	v61 =	vsel vm14, $0x1, v3;
	v6 =	vadd.s32 v6, v60;
	s30 =	smul.u32 $0x129F, s30  }
0x17b: {  	vm4 =	vgt.u32 v7, $0x366;
	[tilespmem:$0x16FD0] =	vst v5;
	v5 =	vadd.s32 v61, v6;
	v6 =	vsel vm15, $0x1, v3  }
0x17c: {  	s29 =	smul.u32 $0x5, s29;
	v7 =	vld [tilespmem:s25+$0xE0];
	v5 =	vadd.s32 v6, v5;
	v6 =	vsel vm4, $0x1, v3;
	s30 =	sshrl.u32 s30, $0x12  }
0x17d: {  	v5 =	vadd.s32 v6, v5;
	s31 =	smul.u32 $0x370, s30  }
0x17e: {  	vm5 =	veq.s32 v5, $0x0  }
0x17f: {  	s29 =	sadd.s32 s29, s4;
	vm6 =	veq.s32 v5, $0x2;
	v6 =	vsel vm5, $0xFFFFFFFF, v4;
	s28 =	ssub.s32 s28, s31  }
0x180: {  	v5 =	vadd.s32 s29, v5;
	v6 =	vsel vm6, $0x18A88, v6;
	s28 =	sand.u32 $0xFFFF, s28  }
0x181: {  	vm7 =	veq.s32 v7, v6;
	v6 =	vmov s28;
	v7 =	vor.u32 s28, v2  }
0x182: {  	v5 =	vsel vm7, v0, v5;
	vm8 =	vne.s32 v6, v2;
	vm9 =	vgt.u32 v7, $0x32  }
0x183: {  	vm10 =	vgt.u32 v7, $0x46;
	v6 =	vsel vm8, $0x1, v3;
	v62 =	vsel vm9, $0x1, v3  }
0x184: {  	vm11 =	vgt.u32 v7, $0x1D6;
	v63 =	vsel vm10, $0x1, v3;
	v6 =	vadd.s32 v6, v62  }
0x185: {  	vm12 =	vgt.u32 v7, $0x366;
	[tilespmem:$0x16FE0] =	vst v5;
	v5 =	vadd.s32 v63, v6;
	v6 =	vsel vm11, $0x1, v3  }
0x186: {  	v7 =	vld [tilespmem:s25+$0xF0];
	v5 =	vadd.s32 v6, v5;
	v6 =	vsel vm12, $0x1, v3  }
0x187: {  	v5 =	vadd.s32 v6, v5  }
0x188: {  	s31 =	smul.u32 $0x5, s30;
	vm13 =	veq.s32 v5, $0x0  }
0x189: {  	vm14 =	veq.s32 v5, $0x2;
	v6 =	vsel vm13, $0xFFFFFFFF, v4  }
0x18a: {  	s28 =	sadd.s32 s31, s4;
	v6 =	vsel vm14, $0x18A88, v6  }
0x18b: {  	v5 =	vadd.s32 s28, v5;
	vm15 =	veq.s32 v7, v6  }
0x18c: {  	v5 =	vsel vm15, v0, v5  }
0x18d: {  	[tilespmem:$0x16FF0] =	vst v5  }
0x18e: {  	_ =	swait.ge [sflag:s20], $0x8000  }
0x18f: {  	p0 =	seq.s32 s26, $0x6C00;
	[sflag:s20] =	ssyncset.done $0x0  }
.Ltmp3:
0x190: {  	[sflag:s20] =	ssyncadd.s32 $0xFFFF8000;
	(pc) =	sbr.rel @p0 .LBB2_6-.Ltmp3, $4  }
0x191: {  	[spmem:s3] =	stream.indirect.scatter.add.f32 [tilespmem:s19], [sflag:$0x4], $0x80, s21, s17, $0xb8;
	[tilespmem:$0x1C400] =	vst v63  }
0x192: {  	_ =	swait.ge [sflag:s22], $0x8000  }
0x193: {  	[sflag:s22] =	ssyncset.done $0x0  }
0x194: {  	[sflag:s22] =	ssyncadd.s32 $0xFFFF8000  }
.Ltmp4:
0x195: {  	(pc) =	sbr.rel .LBB2_4-.Ltmp4, $3  }
0x196: {  	_ =	sdelay $0x1  }
0x197: {  	s28 =	sadd.s32 $0x100, s25;
	s25 =	sadd.s32 $0x200, s25;
	s26 =	sadd.s32 $0x200, s26  }
0x198: {  	[tilespmem:s15], [sflag:$0x1] =	stream.indirect.gather [hbm4b:s2+s17], $0x80, s28, s17, $0xb8;
	[tilespmem:$0x1C400] =	vst v63  }
.LBB2_7:
0x199: {  	_ =	sfence.sel $0x180000  }
0x19a: {  	[bflag:$0x0] =	sbarrier.arrive $0xFFFF  }
0x19b: {  	p0 =	sne.s32 s0, $0x0;
	_ =	strace $0x90000047  }
0x19c: {  	s0 =	sadd.s32 @!p0 $0x100000, s1;
	[bflag:$0x2] =	sbarrier.arrive $0xFFFF  }
0x19d: {  	[sflag:s0] =	ssyncadd.tile.s32 @!p0 $0x1;
	_ =	shalt  }
.Lfunc_end2:
_tile_overlayer_lowered:
.L_overlay_start_2:
0x19e: {  	(tag) =	ssettag $0x2  }
0x19f: {  	s0 =	rddreg [dreg:$0x0];
	s2 =	stileid.u32  }
0x1a0: {  	s1 =	rddreg [dreg:$0x1];
	p0 =	sne.s32 s2, $0x0  }
0x1a1: {  	s3 =	rddreg [dreg:$0x2];
	[bflag:$0x3] =	sbarrier.arrive $0xFFFF;
	s2 =	simm.s32 @!p0 $0x1C05  }
0x1a2: {  	[timem:s3], [sflag:s2] =	dma.local @!p0 [hbm:s0], s1  }
0x1a3: {  	s0 =	simm.s32 @!p0 $0x5  }
0x1a4: {  	_ =	swait.ge @!p0 [sflag:s0], s1  }
0x1a5: {  	s1 =	ssub.s32 @!p0 $0x0, s1;
	[sflag:s0] =	ssyncset.done @!p0 $0x0  }
0x1a6: {  	[sflag:s0] =	ssyncadd.s32 @!p0 s1  }
0x1a7: {  	[bflag:$0x3] =	sbarrier.arrive $0xFFFF  }
0x1a8: {  	_ =	shalt  }

</sc_bundles>
